<compile_context>
chip_gen: v7x
topology: tpu7x:2x2x1
jax: 0.10.2.dev20260603
libtpu: 0.0.44.dev20260713+nightly
codegen_flags: <defaults>
</compile_context>

<pallas_src>
import jax
import jax.numpy as jnp
from jax import lax
from jax.experimental import pallas as pl
from jax.experimental.pallas import tpu as pltpu
from jax.experimental.pallas import tpu_sc as plsc

F = 26
FIELD_DIM = 100000
FIELD_PAD = 100096
B = 16384
NC, NS, L = 2, 16, 16
KC = 2
NFK = F // KC
NFA = 7
NH = 8
HQ = B // NH
RB = B // NS
RQ = 512
NR = RB // RQ


def _mk_sc_body(fb):
    def _sc_body(
        xt_hbm, wk_hbm, part_hbm, sub_v, x_v, val_v, red_v, o_v, acc_sh, sem,
        sem_s, sem_x0, sem_x1
    ):
        sc = lax.axis_index("c")
        sid = lax.axis_index("s")
        j = sc * NFA + sid

        @pl.when(sid < NFA - sc)
        def _gather_phase():
            f = fb + j
            sems = [sem_x0, sem_x1]
            sub_c = pltpu.async_copy(
                wk_hbm.at[pl.ds(j * FIELD_DIM, FIELD_DIM)],
                sub_v.at[pl.ds(0, FIELD_DIM)],
                sem_s,
            )
            cps = [None, None]
            cps[0] = pltpu.async_copy(
                xt_hbm.at[f, pl.ds(0, HQ)], x_v.at[pl.ds(0, HQ)], sems[0]
            )
            sub_c.wait()
            for h in range(NH):
                p = h % 2
                if h + 1 < NH:
                    q = (h + 1) % 2
                    cps[q] = pltpu.async_copy(
                        xt_hbm.at[f, pl.ds((h + 1) * HQ, HQ)],
                        x_v.at[pl.ds(q * HQ, HQ)],
                        sems[q],
                    )
                cps[p].wait()

                @pl.loop(0, HQ, step=L, unroll=4)
                def _g(i):
                    xi = x_v[pl.ds(p * HQ + i, L)]
                    val_v[pl.ds(i, L)] = plsc.load_gather(sub_v, [xi])

                pltpu.sync_copy(val_v, acc_sh.at[pl.ds(sid * B + h * HQ, HQ)])

        @pl.when((sc == 1) & (sid == NFA - 1))
        def _zero_unused_row():
            @pl.loop(0, HQ, step=L)
            def _z(i):
                val_v[pl.ds(i, L)] = jnp.zeros((L,), jnp.float32)

            for h in range(NH):
                pltpu.sync_copy(val_v, acc_sh.at[pl.ds(sid * B + h * HQ, HQ)])

        plsc.subcore_barrier()

        for r in range(NR):
            base = sid * RB + r * RQ
            copies = [
                pltpu.async_copy(
                    acc_sh.at[pl.ds(row * B + base, RQ)],
                    red_v.at[pl.ds(row * RQ, RQ)],
                    sem,
                )
                for row in range(NFA)
            ]
            for c in copies:
                c.wait()

            @pl.loop(0, RQ, step=L, unroll=2)
            def _r(c):
                s = red_v[pl.ds(c, L)]
                for row in range(1, NFA):
                    s = s + red_v[pl.ds(row * RQ + c, L)]
                o_v[pl.ds(r * RQ + c, L)] = s

        pltpu.sync_copy(o_v, part_hbm.at[pl.ds(sc * B + sid * RB, RB)])

    return _sc_body


def _tc_body(p0_ref, p1_ref, b_ref, o_ref):
    o_ref[...] = (
        p0_ref[0] + p0_ref[1] + p1_ref[0] + p1_ref[1] + b_ref[...]
    )


@jax.jit
def _features_linear(xt, w0, w1, bias_row):
    mesh = plsc.VectorSubcoreMesh(
        core_axis_name="c", subcore_axis_name="s", num_cores=NC, num_subcores=NS
    )
    scratch = [
        pltpu.VMEM((FIELD_PAD,), jnp.float32),
        pltpu.VMEM((2 * HQ,), jnp.int32),
        pltpu.VMEM((HQ,), jnp.float32),
        pltpu.VMEM((NFA * RQ,), jnp.float32),
        pltpu.VMEM((RB,), jnp.float32),
        pltpu.VMEM_SHARED((NFA * B,), jnp.float32),
        pltpu.SemaphoreType.DMA,
        pltpu.SemaphoreType.DMA,
        pltpu.SemaphoreType.DMA,
        pltpu.SemaphoreType.DMA,
    ]
    parts = []
    for k, wk in enumerate((w0, w1)):
        parts.append(
            pl.kernel(
                _mk_sc_body(k * NFK),
                out_type=jax.ShapeDtypeStruct((NC * B,), jnp.float32),
                mesh=mesh,
                compiler_params=pltpu.CompilerParams(needs_layout_passes=False),
                scratch_types=scratch,
                name=f"sc_fields_{k}",
            )(xt, wk)
        )
    out = pl.pallas_call(
        _tc_body,
        out_shape=jax.ShapeDtypeStruct((B // 128, 128), jnp.float32),
    )(
        parts[0].reshape(NC, B // 128, 128),
        parts[1].reshape(NC, B // 128, 128),
        bias_row,
    )
    return out


def kernel(x, weight, bias):
    xt = x.T
    w0 = weight[: NFK * FIELD_DIM].reshape(-1)
    w1 = weight[NFK * FIELD_DIM :].reshape(-1)
    bias_row = jnp.broadcast_to(bias.astype(jnp.float32), (1, 128))
    out = _features_linear(xt, w0, w1, bias_row)
    return out.reshape(B, 1)

# --- scband reference (transcript-rebuilt; emitter-appended) ---
"""Pipeline reference for scband-features-linear-80582176408339 (READ-ONLY COPY).

The authoritative reference and input builder live on the scoring server;
editing this copy changes nothing except your own understanding.
"""

import jax, jax.numpy as jnp
import numpy as np

FIELD_DIMS = [100000] * 26
BATCH = 16384
OUTPUT_DIM = 1


def setup_inputs(seed: int = 0) -> dict:
    key = jax.random.key(seed)
    k1, k2, k3 = jax.random.split(key, 3)
    # per-field indices in [0, field_dim); offsets are added inside reference
    x = jax.random.randint(k1, (BATCH, len(FIELD_DIMS)), 0, FIELD_DIMS[0], dtype=jnp.int32)
    # learned params (module inits to zeros; randomize for a non-trivial numeric check)
    weight = jax.random.normal(k2, (int(sum(FIELD_DIMS)), OUTPUT_DIM), dtype=jnp.float32) * 0.01
    bias = jax.random.normal(k3, (OUTPUT_DIM,), dtype=jnp.float32) * 0.01
    return {"x": x, "weight": weight, "bias": bias}


def reference(x, weight, bias):
    # offsets = (0, cumsum(field_dims)[:-1])
    offsets = jnp.asarray(np.concatenate(([0], np.cumsum(FIELD_DIMS)[:-1])), dtype=x.dtype)
    idx = x + offsets[None, :]                      # [B, F]
    emb = jnp.take(weight, idx, axis=0)             # [B, F, output_dim] (gather)
    return jnp.sum(emb, axis=1) + bias              # [B, output_dim]

if __name__ == "__main__":
    import jax
    _d = setup_inputs()
    print(jax.jit(kernel)(*tuple(_d.values())))

</pallas_src>

<mosaic_0001>
#map = affine_map<(d0, d1) -> (0, 0)>
#map1 = affine_map<(d0, d1) -> (0)>
module attributes {stable_mosaic.version = 14 : i64} {
  func.func @sc_fields_0(%arg0: i32, %arg1: i32, %arg2: memref<26x16384xi32, #tpu.memory_space<hbm>>, %arg3: memref<1300000xf32, #tpu.memory_space<hbm>>, %arg4: memref<32768xf32, #tpu.memory_space<hbm>>, %arg5: memref<100096xf32, #tpu.memory_space<vmem>>, %arg6: memref<4096xi32, #tpu.memory_space<vmem>>, %arg7: memref<2048xf32, #tpu.memory_space<vmem>>, %arg8: memref<3584xf32, #tpu.memory_space<vmem>>, %arg9: memref<1024xf32, #tpu.memory_space<vmem>>, %arg10: memref<114688xf32, #tpu.memory_space<vmem_shared>>, %arg11: memref<!tpu.dma_semaphore, #tpu.memory_space<semaphore_mem>>, %arg12: memref<!tpu.dma_semaphore, #tpu.memory_space<semaphore_mem>>, %arg13: memref<!tpu.dma_semaphore, #tpu.memory_space<semaphore_mem>>, %arg14: memref<!tpu.dma_semaphore, #tpu.memory_space<semaphore_mem>>) attributes {dimension_semantics = [#tpu.dimension_semantics<core_parallel>, #tpu.dimension_semantics<subcore_parallel>], iteration_bounds = array<i64: 2, 16>, scalar_prefetch = 0 : i64, scratch_operands = 10 : i64, tpu.core_type = #tpu.core_type<sc_vector_subcore>, window_params = [{transform_indices = #map}, {transform_indices = #map1}, {transform_indices = #map1}]} {
    %mul3A = arith.constant 7 : i32
    %mul3A_0 = arith.muli %arg0, %mul3A : i32
    %add3A = arith.addi %mul3A_0, %arg1 : i32
    %sub3A = arith.constant 7 : i32
    %sub3A_1 = arith.subi %sub3A, %arg0 : i32
    %lt3A = arith.cmpi slt, %arg1, %sub3A_1 : i32
    %convert_element_type3A = arith.extui %lt3A : i1 to i32
    %cond3A = arith.constant 0 : i32
    %cond3A_2 = arith.cmpi ne, %convert_element_type3A, %cond3A : i32
    scf.if %cond3A_2 {
      %add3A_225 = arith.constant 0 : i32
      %add3A_226 = arith.addi %add3A_225, %add3A : i32
      %mul3A_227 = arith.constant 100000 : i32
      %mul3A_228 = arith.muli %add3A, %mul3A_227 : i32
      %dma_start3A_229 = arith.constant 0 : i32
      %dma_start3A_230 = tpu.memref_slice %arg5[%dma_start3A_229] : memref<100096xf32, #tpu.memory_space<vmem>> -> memref<100000xf32, #tpu.memory_space<vmem>>
      %dma_start3A_231 = tpu.memref_slice %arg3[%mul3A_228] : memref<1300000xf32, #tpu.memory_space<hbm>> -> memref<100000xf32, #tpu.memory_space<hbm>>
      %dma_start3A_232 = arith.constant 0 : i32
      %dma_start3A_233 = tpu.memref_slice %arg5[%dma_start3A_232] : memref<100096xf32, #tpu.memory_space<vmem>> -> memref<100000xf32, #tpu.memory_space<vmem>>
      %dma_start3A_234 = tpu.memref_slice %arg3[%mul3A_228] : memref<1300000xf32, #tpu.memory_space<hbm>> -> memref<100000xf32, #tpu.memory_space<hbm>>
      tpu.enqueue_dma source(%dma_start3A_234 : memref<100000xf32, #tpu.memory_space<hbm>>) target(%dma_start3A_233 : memref<100000xf32, #tpu.memory_space<vmem>>) target_semaphore(%arg12 : memref<!tpu.dma_semaphore, #tpu.memory_space<semaphore_mem>>)
      %dma_start3A_235 = arith.constant 0 : i32
      %dma_start3A_236 = tpu.memref_slice %arg6[%dma_start3A_235] : memref<4096xi32, #tpu.memory_space<vmem>> -> memref<2048xi32, #tpu.memory_space<vmem>>
      %dma_start3A_237 = arith.constant 0 : i32
      %dma_start3A_238 = tpu.memref_slice %arg2[%add3A_226, %dma_start3A_237] : memref<26x16384xi32, #tpu.memory_space<hbm>> -> memref<1x2048xi32, #tpu.memory_space<hbm>>
      %dma_start3A_239 = tpu.memref_squeeze %dma_start3A_238 : memref<1x2048xi32, #tpu.memory_space<hbm>> -> memref<2048xi32, #tpu.memory_space<hbm>>
      %dma_start3A_240 = arith.constant 0 : i32
      %dma_start3A_241 = tpu.memref_slice %arg6[%dma_start3A_240] : memref<4096xi32, #tpu.memory_space<vmem>> -> memref<2048xi32, #tpu.memory_space<vmem>>
      %dma_start3A_242 = arith.constant 0 : i32
      %dma_start3A_243 = tpu.memref_slice %arg2[%add3A_226, %dma_start3A_242] : memref<26x16384xi32, #tpu.memory_space<hbm>> -> memref<1x2048xi32, #tpu.memory_space<hbm>>
      %dma_start3A_244 = tpu.memref_squeeze %dma_start3A_243 : memref<1x2048xi32, #tpu.memory_space<hbm>> -> memref<2048xi32, #tpu.memory_space<hbm>>
      tpu.enqueue_dma source(%dma_start3A_244 : memref<2048xi32, #tpu.memory_space<hbm>>) target(%dma_start3A_241 : memref<2048xi32, #tpu.memory_space<vmem>>) target_semaphore(%arg13 : memref<!tpu.dma_semaphore, #tpu.memory_space<semaphore_mem>>)
      %dma_wait3A_245 = arith.constant 0 : i32
      %dma_wait3A_246 = tpu.memref_slice %arg5[%dma_wait3A_245] : memref<100096xf32, #tpu.memory_space<vmem>> -> memref<100000xf32, #tpu.memory_space<vmem>>
      %dma_wait3A_247 = tpu.memref_slice %arg3[%mul3A_228] : memref<1300000xf32, #tpu.memory_space<hbm>> -> memref<100000xf32, #tpu.memory_space<hbm>>
      %dma_wait3A_248 = arith.constant 0 : i32
      %dma_wait3A_249 = tpu.memref_slice %arg5[%dma_wait3A_248] : memref<100096xf32, #tpu.memory_space<vmem>> -> memref<100000xf32, #tpu.memory_space<vmem>>
      %dma_wait3A_250 = tpu.memref_slice %arg3[%mul3A_228] : memref<1300000xf32, #tpu.memory_space<hbm>> -> memref<100000xf32, #tpu.memory_space<hbm>>
      tpu.wait_dma2 semaphore(%arg12 : memref<!tpu.dma_semaphore, #tpu.memory_space<semaphore_mem>>) src(%dma_wait3A_250 : memref<100000xf32, #tpu.memory_space<hbm>>) dst(%dma_wait3A_249 : memref<100000xf32, #tpu.memory_space<vmem>>)
      %dma_start3A_251 = arith.constant 2048 : i32
      %dma_start3A_252 = tpu.memref_slice %arg6[%dma_start3A_251] : memref<4096xi32, #tpu.memory_space<vmem>> -> memref<2048xi32, #tpu.memory_space<vmem>>
      %dma_start3A_253 = arith.constant 2048 : i32
      %dma_start3A_254 = tpu.memref_slice %arg2[%add3A_226, %dma_start3A_253] : memref<26x16384xi32, #tpu.memory_space<hbm>> -> memref<1x2048xi32, #tpu.memory_space<hbm>>
      %dma_start3A_255 = tpu.memref_squeeze %dma_start3A_254 : memref<1x2048xi32, #tpu.memory_space<hbm>> -> memref<2048xi32, #tpu.memory_space<hbm>>
      %dma_start3A_256 = arith.constant 2048 : i32
      %dma_start3A_257 = tpu.memref_slice %arg6[%dma_start3A_256] : memref<4096xi32, #tpu.memory_space<vmem>> -> memref<2048xi32, #tpu.memory_space<vmem>>
      %dma_start3A_258 = arith.constant 2048 : i32
      %dma_start3A_259 = tpu.memref_slice %arg2[%add3A_226, %dma_start3A_258] : memref<26x16384xi32, #tpu.memory_space<hbm>> -> memref<1x2048xi32, #tpu.memory_space<hbm>>
      %dma_start3A_260 = tpu.memref_squeeze %dma_start3A_259 : memref<1x2048xi32, #tpu.memory_space<hbm>> -> memref<2048xi32, #tpu.memory_space<hbm>>
      tpu.enqueue_dma source(%dma_start3A_260 : memref<2048xi32, #tpu.memory_space<hbm>>) target(%dma_start3A_257 : memref<2048xi32, #tpu.memory_space<vmem>>) target_semaphore(%arg14 : memref<!tpu.dma_semaphore, #tpu.memory_space<semaphore_mem>>)
      %dma_wait3A_261 = arith.constant 0 : i32
      %dma_wait3A_262 = tpu.memref_slice %arg6[%dma_wait3A_261] : memref<4096xi32, #tpu.memory_space<vmem>> -> memref<2048xi32, #tpu.memory_space<vmem>>
      %dma_wait3A_263 = arith.constant 0 : i32
      %dma_wait3A_264 = tpu.memref_slice %arg2[%add3A_226, %dma_wait3A_263] : memref<26x16384xi32, #tpu.memory_space<hbm>> -> memref<1x2048xi32, #tpu.memory_space<hbm>>
      %dma_wait3A_265 = tpu.memref_squeeze %dma_wait3A_264 : memref<1x2048xi32, #tpu.memory_space<hbm>> -> memref<2048xi32, #tpu.memory_space<hbm>>
      %dma_wait3A_266 = arith.constant 0 : i32
      %dma_wait3A_267 = tpu.memref_slice %arg6[%dma_wait3A_266] : memref<4096xi32, #tpu.memory_space<vmem>> -> memref<2048xi32, #tpu.memory_space<vmem>>
      %dma_wait3A_268 = arith.constant 0 : i32
      %dma_wait3A_269 = tpu.memref_slice %arg2[%add3A_226, %dma_wait3A_268] : memref<26x16384xi32, #tpu.memory_space<hbm>> -> memref<1x2048xi32, #tpu.memory_space<hbm>>
      %dma_wait3A_270 = tpu.memref_squeeze %dma_wait3A_269 : memref<1x2048xi32, #tpu.memory_space<hbm>> -> memref<2048xi32, #tpu.memory_space<hbm>>
      tpu.wait_dma2 semaphore(%arg13 : memref<!tpu.dma_semaphore, #tpu.memory_space<semaphore_mem>>) src(%dma_wait3A_270 : memref<2048xi32, #tpu.memory_space<hbm>>) dst(%dma_wait3A_267 : memref<2048xi32, #tpu.memory_space<vmem>>)
      %scan3A_271 = arith.constant 0 : i32
      %scan3A_272 = arith.constant 128 : i32
      %scan3A_273 = arith.addi %scan3A_271, %scan3A_272 : i32
      %scan3A_274 = arith.constant 4 : i32
      scf.for %scan3A_473 = %scan3A_271 to %scan3A_273 step %scan3A_274  : i32 {
        %mul3A_474 = arith.constant 16 : i32
        %mul3A_475 = arith.muli %scan3A_473, %mul3A_474 : i32
        %add3A_476 = arith.constant 0 : i32
        %add3A_477 = arith.addi %add3A_476, %mul3A_475 : i32
        %add3A_478 = arith.constant 0 : i32
        %add3A_479 = arith.addi %add3A_478, %add3A_477 : i32
        %get3A = arith.index_cast %add3A_479 : i32 to index
        %get3A_480 = tpu.vector_load %arg6[%get3A] {strides = array<i32>} : memref<4096xi32, #tpu.memory_space<vmem>>, vector<16xi32>,
        %gather3A = tpu.vector_load_idx %arg5[%get3A_480] : memref<100096xf32, #tpu.memory_space<vmem>>[vector<16xi32>], vector<16xf32>,
        %swap3A = arith.index_cast %add3A_477 : i32 to index
        %swap3A_481 = tpu.vector_load %arg7[%swap3A] {strides = array<i32>} : memref<2048xf32, #tpu.memory_space<vmem>>, vector<16xf32>,
        tpu.vector_store %arg7[%swap3A], %gather3A {strides = array<i32>} : memref<2048xf32, #tpu.memory_space<vmem>>, vector<16xf32>,
        %scan3A_482 = arith.constant 1 : i32
        %scan3A_483 = arith.addi %scan3A_473, %scan3A_482 : i32
        %mul3A_484 = arith.constant 16 : i32
        %mul3A_485 = arith.muli %scan3A_483, %mul3A_484 : i32
        %add3A_486 = arith.constant 0 : i32
        %add3A_487 = arith.addi %add3A_486, %mul3A_485 : i32
        %add3A_488 = arith.constant 0 : i32
        %add3A_489 = arith.addi %add3A_488, %add3A_487 : i32
        %get3A_490 = arith.index_cast %add3A_489 : i32 to index
        %get3A_491 = tpu.vector_load %arg6[%get3A_490] {strides = array<i32>} : memref<4096xi32, #tpu.memory_space<vmem>>, vector<16xi32>,
        %gather3A_492 = tpu.vector_load_idx %arg5[%get3A_491] : memref<100096xf32, #tpu.memory_space<vmem>>[vector<16xi32>], vector<16xf32>,
        %swap3A_493 = arith.index_cast %add3A_487 : i32 to index
        %swap3A_494 = tpu.vector_load %arg7[%swap3A_493] {strides = array<i32>} : memref<2048xf32, #tpu.memory_space<vmem>>, vector<16xf32>,
        tpu.vector_store %arg7[%swap3A_493], %gather3A_492 {strides = array<i32>} : memref<2048xf32, #tpu.memory_space<vmem>>, vector<16xf32>,
        %scan3A_495 = arith.constant 2 : i32
        %scan3A_496 = arith.addi %scan3A_473, %scan3A_495 : i32
        %mul3A_497 = arith.constant 16 : i32
        %mul3A_498 = arith.muli %scan3A_496, %mul3A_497 : i32
        %add3A_499 = arith.constant 0 : i32
        %add3A_500 = arith.addi %add3A_499, %mul3A_498 : i32
        %add3A_501 = arith.constant 0 : i32
        %add3A_502 = arith.addi %add3A_501, %add3A_500 : i32
        %get3A_503 = arith.index_cast %add3A_502 : i32 to index
        %get3A_504 = tpu.vector_load %arg6[%get3A_503] {strides = array<i32>} : memref<4096xi32, #tpu.memory_space<vmem>>, vector<16xi32>,
        %gather3A_505 = tpu.vector_load_idx %arg5[%get3A_504] : memref<100096xf32, #tpu.memory_space<vmem>>[vector<16xi32>], vector<16xf32>,
        %swap3A_506 = arith.index_cast %add3A_500 : i32 to index
        %swap3A_507 = tpu.vector_load %arg7[%swap3A_506] {strides = array<i32>} : memref<2048xf32, #tpu.memory_space<vmem>>, vector<16xf32>,
        tpu.vector_store %arg7[%swap3A_506], %gather3A_505 {strides = array<i32>} : memref<2048xf32, #tpu.memory_space<vmem>>, vector<16xf32>,
        %scan3A_508 = arith.constant 3 : i32
        %scan3A_509 = arith.addi %scan3A_473, %scan3A_508 : i32
        %mul3A_510 = arith.constant 16 : i32
        %mul3A_511 = arith.muli %scan3A_509, %mul3A_510 : i32
        %add3A_512 = arith.constant 0 : i32
        %add3A_513 = arith.addi %add3A_512, %mul3A_511 : i32
        %add3A_514 = arith.constant 0 : i32
        %add3A_515 = arith.addi %add3A_514, %add3A_513 : i32
        %get3A_516 = arith.index_cast %add3A_515 : i32 to index
        %get3A_517 = tpu.vector_load %arg6[%get3A_516] {strides = array<i32>} : memref<4096xi32, #tpu.memory_space<vmem>>, vector<16xi32>,
        %gather3A_518 = tpu.vector_load_idx %arg5[%get3A_517] : memref<100096xf32, #tpu.memory_space<vmem>>[vector<16xi32>], vector<16xf32>,
        %swap3A_519 = arith.index_cast %add3A_513 : i32 to index
        %swap3A_520 = tpu.vector_load %arg7[%swap3A_519] {strides = array<i32>} : memref<2048xf32, #tpu.memory_space<vmem>>, vector<16xf32>,
        tpu.vector_store %arg7[%swap3A_519], %gather3A_518 {strides = array<i32>} : memref<2048xf32, #tpu.memory_space<vmem>>, vector<16xf32>,
      }
      %scan3A_275 = arith.constant 128 : i32
      %mul3A_276 = arith.constant 16384 : i32
      %mul3A_277 = arith.muli %arg1, %mul3A_276 : i32
      %add3A_278 = arith.constant 0 : i32
      %add3A_279 = arith.addi %mul3A_277, %add3A_278 : i32
      "tpu.region"() ({
        %run_scoped3A = tpu.sem_alloc : memref<!tpu.dma_semaphore, #tpu.memory_space<semaphore_mem>>
        %dma_start3A_473 = tpu.memref_slice %arg10[%add3A_279] : memref<114688xf32, #tpu.memory_space<vmem_shared>> -> memref<2048xf32, #tpu.memory_space<vmem_shared>>
        %dma_start3A_474 = tpu.memref_slice %arg10[%add3A_279] : memref<114688xf32, #tpu.memory_space<vmem_shared>> -> memref<2048xf32, #tpu.memory_space<vmem_shared>>
        tpu.enqueue_dma source(%arg7 : memref<2048xf32, #tpu.memory_space<vmem>>) target(%dma_start3A_474 : memref<2048xf32, #tpu.memory_space<vmem_shared>>) target_semaphore(%run_scoped3A : memref<!tpu.dma_semaphore, #tpu.memory_space<semaphore_mem>>)
        %dma_wait3A_475 = tpu.memref_slice %arg10[%add3A_279] : memref<114688xf32, #tpu.memory_space<vmem_shared>> -> memref<2048xf32, #tpu.memory_space<vmem_shared>>
        %dma_wait3A_476 = tpu.memref_slice %arg10[%add3A_279] : memref<114688xf32, #tpu.memory_space<vmem_shared>> -> memref<2048xf32, #tpu.memory_space<vmem_shared>>
        tpu.wait_dma2 semaphore(%run_scoped3A : memref<!tpu.dma_semaphore, #tpu.memory_space<semaphore_mem>>) src(%arg7 : memref<2048xf32, #tpu.memory_space<vmem>>) dst(%dma_wait3A_476 : memref<2048xf32, #tpu.memory_space<vmem_shared>>)
        tpu.yield
      }) : () -> ()
      %dma_start3A_280 = arith.constant 0 : i32
      %dma_start3A_281 = tpu.memref_slice %arg6[%dma_start3A_280] : memref<4096xi32, #tpu.memory_space<vmem>> -> memref<2048xi32, #tpu.memory_space<vmem>>
      %dma_start3A_282 = arith.constant 4096 : i32
      %dma_start3A_283 = tpu.memref_slice %arg2[%add3A_226, %dma_start3A_282] : memref<26x16384xi32, #tpu.memory_space<hbm>> -> memref<1x2048xi32, #tpu.memory_space<hbm>>
      %dma_start3A_284 = tpu.memref_squeeze %dma_start3A_283 : memref<1x2048xi32, #tpu.memory_space<hbm>> -> memref<2048xi32, #tpu.memory_space<hbm>>
      %dma_start3A_285 = arith.constant 0 : i32
      %dma_start3A_286 = tpu.memref_slice %arg6[%dma_start3A_285] : memref<4096xi32, #tpu.memory_space<vmem>> -> memref<2048xi32, #tpu.memory_space<vmem>>
      %dma_start3A_287 = arith.constant 4096 : i32
      %dma_start3A_288 = tpu.memref_slice %arg2[%add3A_226, %dma_start3A_287] : memref<26x16384xi32, #tpu.memory_space<hbm>> -> memref<1x2048xi32, #tpu.memory_space<hbm>>
      %dma_start3A_289 = tpu.memref_squeeze %dma_start3A_288 : memref<1x2048xi32, #tpu.memory_space<hbm>> -> memref<2048xi32, #tpu.memory_space<hbm>>
      tpu.enqueue_dma source(%dma_start3A_289 : memref<2048xi32, #tpu.memory_space<hbm>>) target(%dma_start3A_286 : memref<2048xi32, #tpu.memory_space<vmem>>) target_semaphore(%arg13 : memref<!tpu.dma_semaphore, #tpu.memory_space<semaphore_mem>>)
      %dma_wait3A_290 = arith.constant 2048 : i32
      %dma_wait3A_291 = tpu.memref_slice %arg6[%dma_wait3A_290] : memref<4096xi32, #tpu.memory_space<vmem>> -> memref<2048xi32, #tpu.memory_space<vmem>>
      %dma_wait3A_292 = arith.constant 2048 : i32
      %dma_wait3A_293 = tpu.memref_slice %arg2[%add3A_226, %dma_wait3A_292] : memref<26x16384xi32, #tpu.memory_space<hbm>> -> memref<1x2048xi32, #tpu.memory_space<hbm>>
      %dma_wait3A_294 = tpu.memref_squeeze %dma_wait3A_293 : memref<1x2048xi32, #tpu.memory_space<hbm>> -> memref<2048xi32, #tpu.memory_space<hbm>>
      %dma_wait3A_295 = arith.constant 2048 : i32
      %dma_wait3A_296 = tpu.memref_slice %arg6[%dma_wait3A_295] : memref<4096xi32, #tpu.memory_space<vmem>> -> memref<2048xi32, #tpu.memory_space<vmem>>
      %dma_wait3A_297 = arith.constant 2048 : i32
      %dma_wait3A_298 = tpu.memref_slice %arg2[%add3A_226, %dma_wait3A_297] : memref<26x16384xi32, #tpu.memory_space<hbm>> -> memref<1x2048xi32, #tpu.memory_space<hbm>>
      %dma_wait3A_299 = tpu.memref_squeeze %dma_wait3A_298 : memref<1x2048xi32, #tpu.memory_space<hbm>> -> memref<2048xi32, #tpu.memory_space<hbm>>
      tpu.wait_dma2 semaphore(%arg14 : memref<!tpu.dma_semaphore, #tpu.memory_space<semaphore_mem>>) src(%dma_wait3A_299 : memref<2048xi32, #tpu.memory_space<hbm>>) dst(%dma_wait3A_296 : memref<2048xi32, #tpu.memory_space<vmem>>)
      %scan3A_300 = arith.constant 0 : i32
      %scan3A_301 = arith.constant 128 : i32
      %scan3A_302 = arith.addi %scan3A_300, %scan3A_301 : i32
      %scan3A_303 = arith.constant 4 : i32
      scf.for %scan3A_473 = %scan3A_300 to %scan3A_302 step %scan3A_303  : i32 {
        %mul3A_474 = arith.constant 16 : i32
        %mul3A_475 = arith.muli %scan3A_473, %mul3A_474 : i32
        %add3A_476 = arith.constant 0 : i32
        %add3A_477 = arith.addi %add3A_476, %mul3A_475 : i32
        %add3A_478 = arith.constant 2048 : i32
        %add3A_479 = arith.addi %add3A_478, %add3A_477 : i32
        %get3A = arith.index_cast %add3A_479 : i32 to index
        %get3A_480 = tpu.vector_load %arg6[%get3A] {strides = array<i32>} : memref<4096xi32, #tpu.memory_space<vmem>>, vector<16xi32>,
        %gather3A = tpu.vector_load_idx %arg5[%get3A_480] : memref<100096xf32, #tpu.memory_space<vmem>>[vector<16xi32>], vector<16xf32>,
        %swap3A = arith.index_cast %add3A_477 : i32 to index
        %swap3A_481 = tpu.vector_load %arg7[%swap3A] {strides = array<i32>} : memref<2048xf32, #tpu.memory_space<vmem>>, vector<16xf32>,
        tpu.vector_store %arg7[%swap3A], %gather3A {strides = array<i32>} : memref<2048xf32, #tpu.memory_space<vmem>>, vector<16xf32>,
        %scan3A_482 = arith.constant 1 : i32
        %scan3A_483 = arith.addi %scan3A_473, %scan3A_482 : i32
        %mul3A_484 = arith.constant 16 : i32
        %mul3A_485 = arith.muli %scan3A_483, %mul3A_484 : i32
        %add3A_486 = arith.constant 0 : i32
        %add3A_487 = arith.addi %add3A_486, %mul3A_485 : i32
        %add3A_488 = arith.constant 2048 : i32
        %add3A_489 = arith.addi %add3A_488, %add3A_487 : i32
        %get3A_490 = arith.index_cast %add3A_489 : i32 to index
        %get3A_491 = tpu.vector_load %arg6[%get3A_490] {strides = array<i32>} : memref<4096xi32, #tpu.memory_space<vmem>>, vector<16xi32>,
        %gather3A_492 = tpu.vector_load_idx %arg5[%get3A_491] : memref<100096xf32, #tpu.memory_space<vmem>>[vector<16xi32>], vector<16xf32>,
        %swap3A_493 = arith.index_cast %add3A_487 : i32 to index
        %swap3A_494 = tpu.vector_load %arg7[%swap3A_493] {strides = array<i32>} : memref<2048xf32, #tpu.memory_space<vmem>>, vector<16xf32>,
        tpu.vector_store %arg7[%swap3A_493], %gather3A_492 {strides = array<i32>} : memref<2048xf32, #tpu.memory_space<vmem>>, vector<16xf32>,
        %scan3A_495 = arith.constant 2 : i32
        %scan3A_496 = arith.addi %scan3A_473, %scan3A_495 : i32
        %mul3A_497 = arith.constant 16 : i32
        %mul3A_498 = arith.muli %scan3A_496, %mul3A_497 : i32
        %add3A_499 = arith.constant 0 : i32
        %add3A_500 = arith.addi %add3A_499, %mul3A_498 : i32
        %add3A_501 = arith.constant 2048 : i32
        %add3A_502 = arith.addi %add3A_501, %add3A_500 : i32
        %get3A_503 = arith.index_cast %add3A_502 : i32 to index
        %get3A_504 = tpu.vector_load %arg6[%get3A_503] {strides = array<i32>} : memref<4096xi32, #tpu.memory_space<vmem>>, vector<16xi32>,
        %gather3A_505 = tpu.vector_load_idx %arg5[%get3A_504] : memref<100096xf32, #tpu.memory_space<vmem>>[vector<16xi32>], vector<16xf32>,
        %swap3A_506 = arith.index_cast %add3A_500 : i32 to index
        %swap3A_507 = tpu.vector_load %arg7[%swap3A_506] {strides = array<i32>} : memref<2048xf32, #tpu.memory_space<vmem>>, vector<16xf32>,
        tpu.vector_store %arg7[%swap3A_506], %gather3A_505 {strides = array<i32>} : memref<2048xf32, #tpu.memory_space<vmem>>, vector<16xf32>,
        %scan3A_508 = arith.constant 3 : i32
        %scan3A_509 = arith.addi %scan3A_473, %scan3A_508 : i32
        %mul3A_510 = arith.constant 16 : i32
        %mul3A_511 = arith.muli %scan3A_509, %mul3A_510 : i32
        %add3A_512 = arith.constant 0 : i32
        %add3A_513 = arith.addi %add3A_512, %mul3A_511 : i32
        %add3A_514 = arith.constant 2048 : i32
        %add3A_515 = arith.addi %add3A_514, %add3A_513 : i32
        %get3A_516 = arith.index_cast %add3A_515 : i32 to index
        %get3A_517 = tpu.vector_load %arg6[%get3A_516] {strides = array<i32>} : memref<4096xi32, #tpu.memory_space<vmem>>, vector<16xi32>,
        %gather3A_518 = tpu.vector_load_idx %arg5[%get3A_517] : memref<100096xf32, #tpu.memory_space<vmem>>[vector<16xi32>], vector<16xf32>,
        %swap3A_519 = arith.index_cast %add3A_513 : i32 to index
        %swap3A_520 = tpu.vector_load %arg7[%swap3A_519] {strides = array<i32>} : memref<2048xf32, #tpu.memory_space<vmem>>, vector<16xf32>,
        tpu.vector_store %arg7[%swap3A_519], %gather3A_518 {strides = array<i32>} : memref<2048xf32, #tpu.memory_space<vmem>>, vector<16xf32>,
      }
      %scan3A_304 = arith.constant 128 : i32
      %mul3A_305 = arith.constant 16384 : i32
      %mul3A_306 = arith.muli %arg1, %mul3A_305 : i32
      %add3A_307 = arith.constant 2048 : i32
      %add3A_308 = arith.addi %mul3A_306, %add3A_307 : i32
      "tpu.region"() ({
        %run_scoped3A = tpu.sem_alloc : memref<!tpu.dma_semaphore, #tpu.memory_space<semaphore_mem>>
        %dma_start3A_473 = tpu.memref_slice %arg10[%add3A_308] : memref<114688xf32, #tpu.memory_space<vmem_shared>> -> memref<2048xf32, #tpu.memory_space<vmem_shared>>
        %dma_start3A_474 = tpu.memref_slice %arg10[%add3A_308] : memref<114688xf32, #tpu.memory_space<vmem_shared>> -> memref<2048xf32, #tpu.memory_space<vmem_shared>>
        tpu.enqueue_dma source(%arg7 : memref<2048xf32, #tpu.memory_space<vmem>>) target(%dma_start3A_474 : memref<2048xf32, #tpu.memory_space<vmem_shared>>) target_semaphore(%run_scoped3A : memref<!tpu.dma_semaphore, #tpu.memory_space<semaphore_mem>>)
        %dma_wait3A_475 = tpu.memref_slice %arg10[%add3A_308] : memref<114688xf32, #tpu.memory_space<vmem_shared>> -> memref<2048xf32, #tpu.memory_space<vmem_shared>>
        %dma_wait3A_476 = tpu.memref_slice %arg10[%add3A_308] : memref<114688xf32, #tpu.memory_space<vmem_shared>> -> memref<2048xf32, #tpu.memory_space<vmem_shared>>
        tpu.wait_dma2 semaphore(%run_scoped3A : memref<!tpu.dma_semaphore, #tpu.memory_space<semaphore_mem>>) src(%arg7 : memref<2048xf32, #tpu.memory_space<vmem>>) dst(%dma_wait3A_476 : memref<2048xf32, #tpu.memory_space<vmem_shared>>)
        tpu.yield
      }) : () -> ()
      %dma_start3A_309 = arith.constant 2048 : i32
      %dma_start3A_310 = tpu.memref_slice %arg6[%dma_start3A_309] : memref<4096xi32, #tpu.memory_space<vmem>> -> memref<2048xi32, #tpu.memory_space<vmem>>
      %dma_start3A_311 = arith.constant 6144 : i32
      %dma_start3A_312 = tpu.memref_slice %arg2[%add3A_226, %dma_start3A_311] : memref<26x16384xi32, #tpu.memory_space<hbm>> -> memref<1x2048xi32, #tpu.memory_space<hbm>>
      %dma_start3A_313 = tpu.memref_squeeze %dma_start3A_312 : memref<1x2048xi32, #tpu.memory_space<hbm>> -> memref<2048xi32, #tpu.memory_space<hbm>>
      %dma_start3A_314 = arith.constant 2048 : i32
      %dma_start3A_315 = tpu.memref_slice %arg6[%dma_start3A_314] : memref<4096xi32, #tpu.memory_space<vmem>> -> memref<2048xi32, #tpu.memory_space<vmem>>
      %dma_start3A_316 = arith.constant 6144 : i32
      %dma_start3A_317 = tpu.memref_slice %arg2[%add3A_226, %dma_start3A_316] : memref<26x16384xi32, #tpu.memory_space<hbm>> -> memref<1x2048xi32, #tpu.memory_space<hbm>>
      %dma_start3A_318 = tpu.memref_squeeze %dma_start3A_317 : memref<1x2048xi32, #tpu.memory_space<hbm>> -> memref<2048xi32, #tpu.memory_space<hbm>>
      tpu.enqueue_dma source(%dma_start3A_318 : memref<2048xi32, #tpu.memory_space<hbm>>) target(%dma_start3A_315 : memref<2048xi32, #tpu.memory_space<vmem>>) target_semaphore(%arg14 : memref<!tpu.dma_semaphore, #tpu.memory_space<semaphore_mem>>)
      %dma_wait3A_319 = arith.constant 0 : i32
      %dma_wait3A_320 = tpu.memref_slice %arg6[%dma_wait3A_319] : memref<4096xi32, #tpu.memory_space<vmem>> -> memref<2048xi32, #tpu.memory_space<vmem>>
      %dma_wait3A_321 = arith.constant 4096 : i32
      %dma_wait3A_322 = tpu.memref_slice %arg2[%add3A_226, %dma_wait3A_321] : memref<26x16384xi32, #tpu.memory_space<hbm>> -> memref<1x2048xi32, #tpu.memory_space<hbm>>
      %dma_wait3A_323 = tpu.memref_squeeze %dma_wait3A_322 : memref<1x2048xi32, #tpu.memory_space<hbm>> -> memref<2048xi32, #tpu.memory_space<hbm>>
      %dma_wait3A_324 = arith.constant 0 : i32
      %dma_wait3A_325 = tpu.memref_slice %arg6[%dma_wait3A_324] : memref<4096xi32, #tpu.memory_space<vmem>> -> memref<2048xi32, #tpu.memory_space<vmem>>
      %dma_wait3A_326 = arith.constant 4096 : i32
      %dma_wait3A_327 = tpu.memref_slice %arg2[%add3A_226, %dma_wait3A_326] : memref<26x16384xi32, #tpu.memory_space<hbm>> -> memref<1x2048xi32, #tpu.memory_space<hbm>>
      %dma_wait3A_328 = tpu.memref_squeeze %dma_wait3A_327 : memref<1x2048xi32, #tpu.memory_space<hbm>> -> memref<2048xi32, #tpu.memory_space<hbm>>
      tpu.wait_dma2 semaphore(%arg13 : memref<!tpu.dma_semaphore, #tpu.memory_space<semaphore_mem>>) src(%dma_wait3A_328 : memref<2048xi32, #tpu.memory_space<hbm>>) dst(%dma_wait3A_325 : memref<2048xi32, #tpu.memory_space<vmem>>)
      %scan3A_329 = arith.constant 0 : i32
      %scan3A_330 = arith.constant 128 : i32
      %scan3A_331 = arith.addi %scan3A_329, %scan3A_330 : i32
      %scan3A_332 = arith.constant 4 : i32
      scf.for %scan3A_473 = %scan3A_329 to %scan3A_331 step %scan3A_332  : i32 {
        %mul3A_474 = arith.constant 16 : i32
        %mul3A_475 = arith.muli %scan3A_473, %mul3A_474 : i32
        %add3A_476 = arith.constant 0 : i32
        %add3A_477 = arith.addi %add3A_476, %mul3A_475 : i32
        %add3A_478 = arith.constant 0 : i32
        %add3A_479 = arith.addi %add3A_478, %add3A_477 : i32
        %get3A = arith.index_cast %add3A_479 : i32 to index
        %get3A_480 = tpu.vector_load %arg6[%get3A] {strides = array<i32>} : memref<4096xi32, #tpu.memory_space<vmem>>, vector<16xi32>,
        %gather3A = tpu.vector_load_idx %arg5[%get3A_480] : memref<100096xf32, #tpu.memory_space<vmem>>[vector<16xi32>], vector<16xf32>,
        %swap3A = arith.index_cast %add3A_477 : i32 to index
        %swap3A_481 = tpu.vector_load %arg7[%swap3A] {strides = array<i32>} : memref<2048xf32, #tpu.memory_space<vmem>>, vector<16xf32>,
        tpu.vector_store %arg7[%swap3A], %gather3A {strides = array<i32>} : memref<2048xf32, #tpu.memory_space<vmem>>, vector<16xf32>,
        %scan3A_482 = arith.constant 1 : i32
        %scan3A_483 = arith.addi %scan3A_473, %scan3A_482 : i32
        %mul3A_484 = arith.constant 16 : i32
        %mul3A_485 = arith.muli %scan3A_483, %mul3A_484 : i32
        %add3A_486 = arith.constant 0 : i32
        %add3A_487 = arith.addi %add3A_486, %mul3A_485 : i32
        %add3A_488 = arith.constant 0 : i32
        %add3A_489 = arith.addi %add3A_488, %add3A_487 : i32
        %get3A_490 = arith.index_cast %add3A_489 : i32 to index
        %get3A_491 = tpu.vector_load %arg6[%get3A_490] {strides = array<i32>} : memref<4096xi32, #tpu.memory_space<vmem>>, vector<16xi32>,
        %gather3A_492 = tpu.vector_load_idx %arg5[%get3A_491] : memref<100096xf32, #tpu.memory_space<vmem>>[vector<16xi32>], vector<16xf32>,
        %swap3A_493 = arith.index_cast %add3A_487 : i32 to index
        %swap3A_494 = tpu.vector_load %arg7[%swap3A_493] {strides = array<i32>} : memref<2048xf32, #tpu.memory_space<vmem>>, vector<16xf32>,
        tpu.vector_store %arg7[%swap3A_493], %gather3A_492 {strides = array<i32>} : memref<2048xf32, #tpu.memory_space<vmem>>, vector<16xf32>,
        %scan3A_495 = arith.constant 2 : i32
        %scan3A_496 = arith.addi %scan3A_473, %scan3A_495 : i32
        %mul3A_497 = arith.constant 16 : i32
        %mul3A_498 = arith.muli %scan3A_496, %mul3A_497 : i32
        %add3A_499 = arith.constant 0 : i32
        %add3A_500 = arith.addi %add3A_499, %mul3A_498 : i32
        %add3A_501 = arith.constant 0 : i32
        %add3A_502 = arith.addi %add3A_501, %add3A_500 : i32
        %get3A_503 = arith.index_cast %add3A_502 : i32 to index
        %get3A_504 = tpu.vector_load %arg6[%get3A_503] {strides = array<i32>} : memref<4096xi32, #tpu.memory_space<vmem>>, vector<16xi32>,
        %gather3A_505 = tpu.vector_load_idx %arg5[%get3A_504] : memref<100096xf32, #tpu.memory_space<vmem>>[vector<16xi32>], vector<16xf32>,
        %swap3A_506 = arith.index_cast %add3A_500 : i32 to index
        %swap3A_507 = tpu.vector_load %arg7[%swap3A_506] {strides = array<i32>} : memref<2048xf32, #tpu.memory_space<vmem>>, vector<16xf32>,
        tpu.vector_store %arg7[%swap3A_506], %gather3A_505 {strides = array<i32>} : memref<2048xf32, #tpu.memory_space<vmem>>, vector<16xf32>,
        %scan3A_508 = arith.constant 3 : i32
        %scan3A_509 = arith.addi %scan3A_473, %scan3A_508 : i32
        %mul3A_510 = arith.constant 16 : i32
        %mul3A_511 = arith.muli %scan3A_509, %mul3A_510 : i32
        %add3A_512 = arith.constant 0 : i32
        %add3A_513 = arith.addi %add3A_512, %mul3A_511 : i32
        %add3A_514 = arith.constant 0 : i32
        %add3A_515 = arith.addi %add3A_514, %add3A_513 : i32
        %get3A_516 = arith.index_cast %add3A_515 : i32 to index
        %get3A_517 = tpu.vector_load %arg6[%get3A_516] {strides = array<i32>} : memref<4096xi32, #tpu.memory_space<vmem>>, vector<16xi32>,
        %gather3A_518 = tpu.vector_load_idx %arg5[%get3A_517] : memref<100096xf32, #tpu.memory_space<vmem>>[vector<16xi32>], vector<16xf32>,
        %swap3A_519 = arith.index_cast %add3A_513 : i32 to index
        %swap3A_520 = tpu.vector_load %arg7[%swap3A_519] {strides = array<i32>} : memref<2048xf32, #tpu.memory_space<vmem>>, vector<16xf32>,
        tpu.vector_store %arg7[%swap3A_519], %gather3A_518 {strides = array<i32>} : memref<2048xf32, #tpu.memory_space<vmem>>, vector<16xf32>,
      }
      %scan3A_333 = arith.constant 128 : i32
      %mul3A_334 = arith.constant 16384 : i32
      %mul3A_335 = arith.muli %arg1, %mul3A_334 : i32
      %add3A_336 = arith.constant 4096 : i32
      %add3A_337 = arith.addi %mul3A_335, %add3A_336 : i32
      "tpu.region"() ({
        %run_scoped3A = tpu.sem_alloc : memref<!tpu.dma_semaphore, #tpu.memory_space<semaphore_mem>>
        %dma_start3A_473 = tpu.memref_slice %arg10[%add3A_337] : memref<114688xf32, #tpu.memory_space<vmem_shared>> -> memref<2048xf32, #tpu.memory_space<vmem_shared>>
        %dma_start3A_474 = tpu.memref_slice %arg10[%add3A_337] : memref<114688xf32, #tpu.memory_space<vmem_shared>> -> memref<2048xf32, #tpu.memory_space<vmem_shared>>
        tpu.enqueue_dma source(%arg7 : memref<2048xf32, #tpu.memory_space<vmem>>) target(%dma_start3A_474 : memref<2048xf32, #tpu.memory_space<vmem_shared>>) target_semaphore(%run_scoped3A : memref<!tpu.dma_semaphore, #tpu.memory_space<semaphore_mem>>)
        %dma_wait3A_475 = tpu.memref_slice %arg10[%add3A_337] : memref<114688xf32, #tpu.memory_space<vmem_shared>> -> memref<2048xf32, #tpu.memory_space<vmem_shared>>
        %dma_wait3A_476 = tpu.memref_slice %arg10[%add3A_337] : memref<114688xf32, #tpu.memory_space<vmem_shared>> -> memref<2048xf32, #tpu.memory_space<vmem_shared>>
        tpu.wait_dma2 semaphore(%run_scoped3A : memref<!tpu.dma_semaphore, #tpu.memory_space<semaphore_mem>>) src(%arg7 : memref<2048xf32, #tpu.memory_space<vmem>>) dst(%dma_wait3A_476 : memref<2048xf32, #tpu.memory_space<vmem_shared>>)
        tpu.yield
      }) : () -> ()
      %dma_start3A_338 = arith.constant 0 : i32
      %dma_start3A_339 = tpu.memref_slice %arg6[%dma_start3A_338] : memref<4096xi32, #tpu.memory_space<vmem>> -> memref<2048xi32, #tpu.memory_space<vmem>>
      %dma_start3A_340 = arith.constant 8192 : i32
      %dma_start3A_341 = tpu.memref_slice %arg2[%add3A_226, %dma_start3A_340] : memref<26x16384xi32, #tpu.memory_space<hbm>> -> memref<1x2048xi32, #tpu.memory_space<hbm>>
      %dma_start3A_342 = tpu.memref_squeeze %dma_start3A_341 : memref<1x2048xi32, #tpu.memory_space<hbm>> -> memref<2048xi32, #tpu.memory_space<hbm>>
      %dma_start3A_343 = arith.constant 0 : i32
      %dma_start3A_344 = tpu.memref_slice %arg6[%dma_start3A_343] : memref<4096xi32, #tpu.memory_space<vmem>> -> memref<2048xi32, #tpu.memory_space<vmem>>
      %dma_start3A_345 = arith.constant 8192 : i32
      %dma_start3A_346 = tpu.memref_slice %arg2[%add3A_226, %dma_start3A_345] : memref<26x16384xi32, #tpu.memory_space<hbm>> -> memref<1x2048xi32, #tpu.memory_space<hbm>>
      %dma_start3A_347 = tpu.memref_squeeze %dma_start3A_346 : memref<1x2048xi32, #tpu.memory_space<hbm>> -> memref<2048xi32, #tpu.memory_space<hbm>>
      tpu.enqueue_dma source(%dma_start3A_347 : memref<2048xi32, #tpu.memory_space<hbm>>) target(%dma_start3A_344 : memref<2048xi32, #tpu.memory_space<vmem>>) target_semaphore(%arg13 : memref<!tpu.dma_semaphore, #tpu.memory_space<semaphore_mem>>)
      %dma_wait3A_348 = arith.constant 2048 : i32
      %dma_wait3A_349 = tpu.memref_slice %arg6[%dma_wait3A_348] : memref<4096xi32, #tpu.memory_space<vmem>> -> memref<2048xi32, #tpu.memory_space<vmem>>
      %dma_wait3A_350 = arith.constant 6144 : i32
      %dma_wait3A_351 = tpu.memref_slice %arg2[%add3A_226, %dma_wait3A_350] : memref<26x16384xi32, #tpu.memory_space<hbm>> -> memref<1x2048xi32, #tpu.memory_space<hbm>>
      %dma_wait3A_352 = tpu.memref_squeeze %dma_wait3A_351 : memref<1x2048xi32, #tpu.memory_space<hbm>> -> memref<2048xi32, #tpu.memory_space<hbm>>
      %dma_wait3A_353 = arith.constant 2048 : i32
      %dma_wait3A_354 = tpu.memref_slice %arg6[%dma_wait3A_353] : memref<4096xi32, #tpu.memory_space<vmem>> -> memref<2048xi32, #tpu.memory_space<vmem>>
      %dma_wait3A_355 = arith.constant 6144 : i32
      %dma_wait3A_356 = tpu.memref_slice %arg2[%add3A_226, %dma_wait3A_355] : memref<26x16384xi32, #tpu.memory_space<hbm>> -> memref<1x2048xi32, #tpu.memory_space<hbm>>
      %dma_wait3A_357 = tpu.memref_squeeze %dma_wait3A_356 : memref<1x2048xi32, #tpu.memory_space<hbm>> -> memref<2048xi32, #tpu.memory_space<hbm>>
      tpu.wait_dma2 semaphore(%arg14 : memref<!tpu.dma_semaphore, #tpu.memory_space<semaphore_mem>>) src(%dma_wait3A_357 : memref<2048xi32, #tpu.memory_space<hbm>>) dst(%dma_wait3A_354 : memref<2048xi32, #tpu.memory_space<vmem>>)
      %scan3A_358 = arith.constant 0 : i32
      %scan3A_359 = arith.constant 128 : i32
      %scan3A_360 = arith.addi %scan3A_358, %scan3A_359 : i32
      %scan3A_361 = arith.constant 4 : i32
      scf.for %scan3A_473 = %scan3A_358 to %scan3A_360 step %scan3A_361  : i32 {
        %mul3A_474 = arith.constant 16 : i32
        %mul3A_475 = arith.muli %scan3A_473, %mul3A_474 : i32
        %add3A_476 = arith.constant 0 : i32
        %add3A_477 = arith.addi %add3A_476, %mul3A_475 : i32
        %add3A_478 = arith.constant 2048 : i32
        %add3A_479 = arith.addi %add3A_478, %add3A_477 : i32
        %get3A = arith.index_cast %add3A_479 : i32 to index
        %get3A_480 = tpu.vector_load %arg6[%get3A] {strides = array<i32>} : memref<4096xi32, #tpu.memory_space<vmem>>, vector<16xi32>,
        %gather3A = tpu.vector_load_idx %arg5[%get3A_480] : memref<100096xf32, #tpu.memory_space<vmem>>[vector<16xi32>], vector<16xf32>,
        %swap3A = arith.index_cast %add3A_477 : i32 to index
        %swap3A_481 = tpu.vector_load %arg7[%swap3A] {strides = array<i32>} : memref<2048xf32, #tpu.memory_space<vmem>>, vector<16xf32>,
        tpu.vector_store %arg7[%swap3A], %gather3A {strides = array<i32>} : memref<2048xf32, #tpu.memory_space<vmem>>, vector<16xf32>,
        %scan3A_482 = arith.constant 1 : i32
        %scan3A_483 = arith.addi %scan3A_473, %scan3A_482 : i32
        %mul3A_484 = arith.constant 16 : i32
        %mul3A_485 = arith.muli %scan3A_483, %mul3A_484 : i32
        %add3A_486 = arith.constant 0 : i32
        %add3A_487 = arith.addi %add3A_486, %mul3A_485 : i32
        %add3A_488 = arith.constant 2048 : i32
        %add3A_489 = arith.addi %add3A_488, %add3A_487 : i32
        %get3A_490 = arith.index_cast %add3A_489 : i32 to index
        %get3A_491 = tpu.vector_load %arg6[%get3A_490] {strides = array<i32>} : memref<4096xi32, #tpu.memory_space<vmem>>, vector<16xi32>,
        %gather3A_492 = tpu.vector_load_idx %arg5[%get3A_491] : memref<100096xf32, #tpu.memory_space<vmem>>[vector<16xi32>], vector<16xf32>,
        %swap3A_493 = arith.index_cast %add3A_487 : i32 to index
        %swap3A_494 = tpu.vector_load %arg7[%swap3A_493] {strides = array<i32>} : memref<2048xf32, #tpu.memory_space<vmem>>, vector<16xf32>,
        tpu.vector_store %arg7[%swap3A_493], %gather3A_492 {strides = array<i32>} : memref<2048xf32, #tpu.memory_space<vmem>>, vector<16xf32>,
        %scan3A_495 = arith.constant 2 : i32
        %scan3A_496 = arith.addi %scan3A_473, %scan3A_495 : i32
        %mul3A_497 = arith.constant 16 : i32
        %mul3A_498 = arith.muli %scan3A_496, %mul3A_497 : i32
        %add3A_499 = arith.constant 0 : i32
        %add3A_500 = arith.addi %add3A_499, %mul3A_498 : i32
        %add3A_501 = arith.constant 2048 : i32
        %add3A_502 = arith.addi %add3A_501, %add3A_500 : i32
        %get3A_503 = arith.index_cast %add3A_502 : i32 to index
        %get3A_504 = tpu.vector_load %arg6[%get3A_503] {strides = array<i32>} : memref<4096xi32, #tpu.memory_space<vmem>>, vector<16xi32>,
        %gather3A_505 = tpu.vector_load_idx %arg5[%get3A_504] : memref<100096xf32, #tpu.memory_space<vmem>>[vector<16xi32>], vector<16xf32>,
        %swap3A_506 = arith.index_cast %add3A_500 : i32 to index
        %swap3A_507 = tpu.vector_load %arg7[%swap3A_506] {strides = array<i32>} : memref<2048xf32, #tpu.memory_space<vmem>>, vector<16xf32>,
        tpu.vector_store %arg7[%swap3A_506], %gather3A_505 {strides = array<i32>} : memref<2048xf32, #tpu.memory_space<vmem>>, vector<16xf32>,
        %scan3A_508 = arith.constant 3 : i32
        %scan3A_509 = arith.addi %scan3A_473, %scan3A_508 : i32
        %mul3A_510 = arith.constant 16 : i32
        %mul3A_511 = arith.muli %scan3A_509, %mul3A_510 : i32
        %add3A_512 = arith.constant 0 : i32
        %add3A_513 = arith.addi %add3A_512, %mul3A_511 : i32
        %add3A_514 = arith.constant 2048 : i32
        %add3A_515 = arith.addi %add3A_514, %add3A_513 : i32
        %get3A_516 = arith.index_cast %add3A_515 : i32 to index
        %get3A_517 = tpu.vector_load %arg6[%get3A_516] {strides = array<i32>} : memref<4096xi32, #tpu.memory_space<vmem>>, vector<16xi32>,
        %gather3A_518 = tpu.vector_load_idx %arg5[%get3A_517] : memref<100096xf32, #tpu.memory_space<vmem>>[vector<16xi32>], vector<16xf32>,
        %swap3A_519 = arith.index_cast %add3A_513 : i32 to index
        %swap3A_520 = tpu.vector_load %arg7[%swap3A_519] {strides = array<i32>} : memref<2048xf32, #tpu.memory_space<vmem>>, vector<16xf32>,
        tpu.vector_store %arg7[%swap3A_519], %gather3A_518 {strides = array<i32>} : memref<2048xf32, #tpu.memory_space<vmem>>, vector<16xf32>,
      }
      %scan3A_362 = arith.constant 128 : i32
      %mul3A_363 = arith.constant 16384 : i32
      %mul3A_364 = arith.muli %arg1, %mul3A_363 : i32
      %add3A_365 = arith.constant 6144 : i32
      %add3A_366 = arith.addi %mul3A_364, %add3A_365 : i32
      "tpu.region"() ({
        %run_scoped3A = tpu.sem_alloc : memref<!tpu.dma_semaphore, #tpu.memory_space<semaphore_mem>>
        %dma_start3A_473 = tpu.memref_slice %arg10[%add3A_366] : memref<114688xf32, #tpu.memory_space<vmem_shared>> -> memref<2048xf32, #tpu.memory_space<vmem_shared>>
        %dma_start3A_474 = tpu.memref_slice %arg10[%add3A_366] : memref<114688xf32, #tpu.memory_space<vmem_shared>> -> memref<2048xf32, #tpu.memory_space<vmem_shared>>
        tpu.enqueue_dma source(%arg7 : memref<2048xf32, #tpu.memory_space<vmem>>) target(%dma_start3A_474 : memref<2048xf32, #tpu.memory_space<vmem_shared>>) target_semaphore(%run_scoped3A : memref<!tpu.dma_semaphore, #tpu.memory_space<semaphore_mem>>)
        %dma_wait3A_475 = tpu.memref_slice %arg10[%add3A_366] : memref<114688xf32, #tpu.memory_space<vmem_shared>> -> memref<2048xf32, #tpu.memory_space<vmem_shared>>
        %dma_wait3A_476 = tpu.memref_slice %arg10[%add3A_366] : memref<114688xf32, #tpu.memory_space<vmem_shared>> -> memref<2048xf32, #tpu.memory_space<vmem_shared>>
        tpu.wait_dma2 semaphore(%run_scoped3A : memref<!tpu.dma_semaphore, #tpu.memory_space<semaphore_mem>>) src(%arg7 : memref<2048xf32, #tpu.memory_space<vmem>>) dst(%dma_wait3A_476 : memref<2048xf32, #tpu.memory_space<vmem_shared>>)
        tpu.yield
      }) : () -> ()
      %dma_start3A_367 = arith.constant 2048 : i32
      %dma_start3A_368 = tpu.memref_slice %arg6[%dma_start3A_367] : memref<4096xi32, #tpu.memory_space<vmem>> -> memref<2048xi32, #tpu.memory_space<vmem>>
      %dma_start3A_369 = arith.constant 10240 : i32
      %dma_start3A_370 = tpu.memref_slice %arg2[%add3A_226, %dma_start3A_369] : memref<26x16384xi32, #tpu.memory_space<hbm>> -> memref<1x2048xi32, #tpu.memory_space<hbm>>
      %dma_start3A_371 = tpu.memref_squeeze %dma_start3A_370 : memref<1x2048xi32, #tpu.memory_space<hbm>> -> memref<2048xi32, #tpu.memory_space<hbm>>
      %dma_start3A_372 = arith.constant 2048 : i32
      %dma_start3A_373 = tpu.memref_slice %arg6[%dma_start3A_372] : memref<4096xi32, #tpu.memory_space<vmem>> -> memref<2048xi32, #tpu.memory_space<vmem>>
      %dma_start3A_374 = arith.constant 10240 : i32
      %dma_start3A_375 = tpu.memref_slice %arg2[%add3A_226, %dma_start3A_374] : memref<26x16384xi32, #tpu.memory_space<hbm>> -> memref<1x2048xi32, #tpu.memory_space<hbm>>
      %dma_start3A_376 = tpu.memref_squeeze %dma_start3A_375 : memref<1x2048xi32, #tpu.memory_space<hbm>> -> memref<2048xi32, #tpu.memory_space<hbm>>
      tpu.enqueue_dma source(%dma_start3A_376 : memref<2048xi32, #tpu.memory_space<hbm>>) target(%dma_start3A_373 : memref<2048xi32, #tpu.memory_space<vmem>>) target_semaphore(%arg14 : memref<!tpu.dma_semaphore, #tpu.memory_space<semaphore_mem>>)
      %dma_wait3A_377 = arith.constant 0 : i32
      %dma_wait3A_378 = tpu.memref_slice %arg6[%dma_wait3A_377] : memref<4096xi32, #tpu.memory_space<vmem>> -> memref<2048xi32, #tpu.memory_space<vmem>>
      %dma_wait3A_379 = arith.constant 8192 : i32
      %dma_wait3A_380 = tpu.memref_slice %arg2[%add3A_226, %dma_wait3A_379] : memref<26x16384xi32, #tpu.memory_space<hbm>> -> memref<1x2048xi32, #tpu.memory_space<hbm>>
      %dma_wait3A_381 = tpu.memref_squeeze %dma_wait3A_380 : memref<1x2048xi32, #tpu.memory_space<hbm>> -> memref<2048xi32, #tpu.memory_space<hbm>>
      %dma_wait3A_382 = arith.constant 0 : i32
      %dma_wait3A_383 = tpu.memref_slice %arg6[%dma_wait3A_382] : memref<4096xi32, #tpu.memory_space<vmem>> -> memref<2048xi32, #tpu.memory_space<vmem>>
      %dma_wait3A_384 = arith.constant 8192 : i32
      %dma_wait3A_385 = tpu.memref_slice %arg2[%add3A_226, %dma_wait3A_384] : memref<26x16384xi32, #tpu.memory_space<hbm>> -> memref<1x2048xi32, #tpu.memory_space<hbm>>
      %dma_wait3A_386 = tpu.memref_squeeze %dma_wait3A_385 : memref<1x2048xi32, #tpu.memory_space<hbm>> -> memref<2048xi32, #tpu.memory_space<hbm>>
      tpu.wait_dma2 semaphore(%arg13 : memref<!tpu.dma_semaphore, #tpu.memory_space<semaphore_mem>>) src(%dma_wait3A_386 : memref<2048xi32, #tpu.memory_space<hbm>>) dst(%dma_wait3A_383 : memref<2048xi32, #tpu.memory_space<vmem>>)
      %scan3A_387 = arith.constant 0 : i32
      %scan3A_388 = arith.constant 128 : i32
      %scan3A_389 = arith.addi %scan3A_387, %scan3A_388 : i32
      %scan3A_390 = arith.constant 4 : i32
      scf.for %scan3A_473 = %scan3A_387 to %scan3A_389 step %scan3A_390  : i32 {
        %mul3A_474 = arith.constant 16 : i32
        %mul3A_475 = arith.muli %scan3A_473, %mul3A_474 : i32
        %add3A_476 = arith.constant 0 : i32
        %add3A_477 = arith.addi %add3A_476, %mul3A_475 : i32
        %add3A_478 = arith.constant 0 : i32
        %add3A_479 = arith.addi %add3A_478, %add3A_477 : i32
        %get3A = arith.index_cast %add3A_479 : i32 to index
        %get3A_480 = tpu.vector_load %arg6[%get3A] {strides = array<i32>} : memref<4096xi32, #tpu.memory_space<vmem>>, vector<16xi32>,
        %gather3A = tpu.vector_load_idx %arg5[%get3A_480] : memref<100096xf32, #tpu.memory_space<vmem>>[vector<16xi32>], vector<16xf32>,
        %swap3A = arith.index_cast %add3A_477 : i32 to index
        %swap3A_481 = tpu.vector_load %arg7[%swap3A] {strides = array<i32>} : memref<2048xf32, #tpu.memory_space<vmem>>, vector<16xf32>,
        tpu.vector_store %arg7[%swap3A], %gather3A {strides = array<i32>} : memref<2048xf32, #tpu.memory_space<vmem>>, vector<16xf32>,
        %scan3A_482 = arith.constant 1 : i32
        %scan3A_483 = arith.addi %scan3A_473, %scan3A_482 : i32
        %mul3A_484 = arith.constant 16 : i32
        %mul3A_485 = arith.muli %scan3A_483, %mul3A_484 : i32
        %add3A_486 = arith.constant 0 : i32
        %add3A_487 = arith.addi %add3A_486, %mul3A_485 : i32
        %add3A_488 = arith.constant 0 : i32
        %add3A_489 = arith.addi %add3A_488, %add3A_487 : i32
        %get3A_490 = arith.index_cast %add3A_489 : i32 to index
        %get3A_491 = tpu.vector_load %arg6[%get3A_490] {strides = array<i32>} : memref<4096xi32, #tpu.memory_space<vmem>>, vector<16xi32>,
        %gather3A_492 = tpu.vector_load_idx %arg5[%get3A_491] : memref<100096xf32, #tpu.memory_space<vmem>>[vector<16xi32>], vector<16xf32>,
        %swap3A_493 = arith.index_cast %add3A_487 : i32 to index
        %swap3A_494 = tpu.vector_load %arg7[%swap3A_493] {strides = array<i32>} : memref<2048xf32, #tpu.memory_space<vmem>>, vector<16xf32>,
        tpu.vector_store %arg7[%swap3A_493], %gather3A_492 {strides = array<i32>} : memref<2048xf32, #tpu.memory_space<vmem>>, vector<16xf32>,
        %scan3A_495 = arith.constant 2 : i32
        %scan3A_496 = arith.addi %scan3A_473, %scan3A_495 : i32
        %mul3A_497 = arith.constant 16 : i32
        %mul3A_498 = arith.muli %scan3A_496, %mul3A_497 : i32
        %add3A_499 = arith.constant 0 : i32
        %add3A_500 = arith.addi %add3A_499, %mul3A_498 : i32
        %add3A_501 = arith.constant 0 : i32
        %add3A_502 = arith.addi %add3A_501, %add3A_500 : i32
        %get3A_503 = arith.index_cast %add3A_502 : i32 to index
        %get3A_504 = tpu.vector_load %arg6[%get3A_503] {strides = array<i32>} : memref<4096xi32, #tpu.memory_space<vmem>>, vector<16xi32>,
        %gather3A_505 = tpu.vector_load_idx %arg5[%get3A_504] : memref<100096xf32, #tpu.memory_space<vmem>>[vector<16xi32>], vector<16xf32>,
        %swap3A_506 = arith.index_cast %add3A_500 : i32 to index
        %swap3A_507 = tpu.vector_load %arg7[%swap3A_506] {strides = array<i32>} : memref<2048xf32, #tpu.memory_space<vmem>>, vector<16xf32>,
        tpu.vector_store %arg7[%swap3A_506], %gather3A_505 {strides = array<i32>} : memref<2048xf32, #tpu.memory_space<vmem>>, vector<16xf32>,
        %scan3A_508 = arith.constant 3 : i32
        %scan3A_509 = arith.addi %scan3A_473, %scan3A_508 : i32
        %mul3A_510 = arith.constant 16 : i32
        %mul3A_511 = arith.muli %scan3A_509, %mul3A_510 : i32
        %add3A_512 = arith.constant 0 : i32
        %add3A_513 = arith.addi %add3A_512, %mul3A_511 : i32
        %add3A_514 = arith.constant 0 : i32
        %add3A_515 = arith.addi %add3A_514, %add3A_513 : i32
        %get3A_516 = arith.index_cast %add3A_515 : i32 to index
        %get3A_517 = tpu.vector_load %arg6[%get3A_516] {strides = array<i32>} : memref<4096xi32, #tpu.memory_space<vmem>>, vector<16xi32>,
        %gather3A_518 = tpu.vector_load_idx %arg5[%get3A_517] : memref<100096xf32, #tpu.memory_space<vmem>>[vector<16xi32>], vector<16xf32>,
        %swap3A_519 = arith.index_cast %add3A_513 : i32 to index
        %swap3A_520 = tpu.vector_load %arg7[%swap3A_519] {strides = array<i32>} : memref<2048xf32, #tpu.memory_space<vmem>>, vector<16xf32>,
        tpu.vector_store %arg7[%swap3A_519], %gather3A_518 {strides = array<i32>} : memref<2048xf32, #tpu.memory_space<vmem>>, vector<16xf32>,
      }
      %scan3A_391 = arith.constant 128 : i32
      %mul3A_392 = arith.constant 16384 : i32
      %mul3A_393 = arith.muli %arg1, %mul3A_392 : i32
      %add3A_394 = arith.constant 8192 : i32
      %add3A_395 = arith.addi %mul3A_393, %add3A_394 : i32
      "tpu.region"() ({
        %run_scoped3A = tpu.sem_alloc : memref<!tpu.dma_semaphore, #tpu.memory_space<semaphore_mem>>
        %dma_start3A_473 = tpu.memref_slice %arg10[%add3A_395] : memref<114688xf32, #tpu.memory_space<vmem_shared>> -> memref<2048xf32, #tpu.memory_space<vmem_shared>>
        %dma_start3A_474 = tpu.memref_slice %arg10[%add3A_395] : memref<114688xf32, #tpu.memory_space<vmem_shared>> -> memref<2048xf32, #tpu.memory_space<vmem_shared>>
        tpu.enqueue_dma source(%arg7 : memref<2048xf32, #tpu.memory_space<vmem>>) target(%dma_start3A_474 : memref<2048xf32, #tpu.memory_space<vmem_shared>>) target_semaphore(%run_scoped3A : memref<!tpu.dma_semaphore, #tpu.memory_space<semaphore_mem>>)
        %dma_wait3A_475 = tpu.memref_slice %arg10[%add3A_395] : memref<114688xf32, #tpu.memory_space<vmem_shared>> -> memref<2048xf32, #tpu.memory_space<vmem_shared>>
        %dma_wait3A_476 = tpu.memref_slice %arg10[%add3A_395] : memref<114688xf32, #tpu.memory_space<vmem_shared>> -> memref<2048xf32, #tpu.memory_space<vmem_shared>>
        tpu.wait_dma2 semaphore(%run_scoped3A : memref<!tpu.dma_semaphore, #tpu.memory_space<semaphore_mem>>) src(%arg7 : memref<2048xf32, #tpu.memory_space<vmem>>) dst(%dma_wait3A_476 : memref<2048xf32, #tpu.memory_space<vmem_shared>>)
        tpu.yield
      }) : () -> ()
      %dma_start3A_396 = arith.constant 0 : i32
      %dma_start3A_397 = tpu.memref_slice %arg6[%dma_start3A_396] : memref<4096xi32, #tpu.memory_space<vmem>> -> memref<2048xi32, #tpu.memory_space<vmem>>
      %dma_start3A_398 = arith.constant 12288 : i32
      %dma_start3A_399 = tpu.memref_slice %arg2[%add3A_226, %dma_start3A_398] : memref<26x16384xi32, #tpu.memory_space<hbm>> -> memref<1x2048xi32, #tpu.memory_space<hbm>>
      %dma_start3A_400 = tpu.memref_squeeze %dma_start3A_399 : memref<1x2048xi32, #tpu.memory_space<hbm>> -> memref<2048xi32, #tpu.memory_space<hbm>>
      %dma_start3A_401 = arith.constant 0 : i32
      %dma_start3A_402 = tpu.memref_slice %arg6[%dma_start3A_401] : memref<4096xi32, #tpu.memory_space<vmem>> -> memref<2048xi32, #tpu.memory_space<vmem>>
      %dma_start3A_403 = arith.constant 12288 : i32
      %dma_start3A_404 = tpu.memref_slice %arg2[%add3A_226, %dma_start3A_403] : memref<26x16384xi32, #tpu.memory_space<hbm>> -> memref<1x2048xi32, #tpu.memory_space<hbm>>
      %dma_start3A_405 = tpu.memref_squeeze %dma_start3A_404 : memref<1x2048xi32, #tpu.memory_space<hbm>> -> memref<2048xi32, #tpu.memory_space<hbm>>
      tpu.enqueue_dma source(%dma_start3A_405 : memref<2048xi32, #tpu.memory_space<hbm>>) target(%dma_start3A_402 : memref<2048xi32, #tpu.memory_space<vmem>>) target_semaphore(%arg13 : memref<!tpu.dma_semaphore, #tpu.memory_space<semaphore_mem>>)
      %dma_wait3A_406 = arith.constant 2048 : i32
      %dma_wait3A_407 = tpu.memref_slice %arg6[%dma_wait3A_406] : memref<4096xi32, #tpu.memory_space<vmem>> -> memref<2048xi32, #tpu.memory_space<vmem>>
      %dma_wait3A_408 = arith.constant 10240 : i32
      %dma_wait3A_409 = tpu.memref_slice %arg2[%add3A_226, %dma_wait3A_408] : memref<26x16384xi32, #tpu.memory_space<hbm>> -> memref<1x2048xi32, #tpu.memory_space<hbm>>
      %dma_wait3A_410 = tpu.memref_squeeze %dma_wait3A_409 : memref<1x2048xi32, #tpu.memory_space<hbm>> -> memref<2048xi32, #tpu.memory_space<hbm>>
      %dma_wait3A_411 = arith.constant 2048 : i32
      %dma_wait3A_412 = tpu.memref_slice %arg6[%dma_wait3A_411] : memref<4096xi32, #tpu.memory_space<vmem>> -> memref<2048xi32, #tpu.memory_space<vmem>>
      %dma_wait3A_413 = arith.constant 10240 : i32
      %dma_wait3A_414 = tpu.memref_slice %arg2[%add3A_226, %dma_wait3A_413] : memref<26x16384xi32, #tpu.memory_space<hbm>> -> memref<1x2048xi32, #tpu.memory_space<hbm>>
      %dma_wait3A_415 = tpu.memref_squeeze %dma_wait3A_414 : memref<1x2048xi32, #tpu.memory_space<hbm>> -> memref<2048xi32, #tpu.memory_space<hbm>>
      tpu.wait_dma2 semaphore(%arg14 : memref<!tpu.dma_semaphore, #tpu.memory_space<semaphore_mem>>) src(%dma_wait3A_415 : memref<2048xi32, #tpu.memory_space<hbm>>) dst(%dma_wait3A_412 : memref<2048xi32, #tpu.memory_space<vmem>>)
      %scan3A_416 = arith.constant 0 : i32
      %scan3A_417 = arith.constant 128 : i32
      %scan3A_418 = arith.addi %scan3A_416, %scan3A_417 : i32
      %scan3A_419 = arith.constant 4 : i32
      scf.for %scan3A_473 = %scan3A_416 to %scan3A_418 step %scan3A_419  : i32 {
        %mul3A_474 = arith.constant 16 : i32
        %mul3A_475 = arith.muli %scan3A_473, %mul3A_474 : i32
        %add3A_476 = arith.constant 0 : i32
        %add3A_477 = arith.addi %add3A_476, %mul3A_475 : i32
        %add3A_478 = arith.constant 2048 : i32
        %add3A_479 = arith.addi %add3A_478, %add3A_477 : i32
        %get3A = arith.index_cast %add3A_479 : i32 to index
        %get3A_480 = tpu.vector_load %arg6[%get3A] {strides = array<i32>} : memref<4096xi32, #tpu.memory_space<vmem>>, vector<16xi32>,
        %gather3A = tpu.vector_load_idx %arg5[%get3A_480] : memref<100096xf32, #tpu.memory_space<vmem>>[vector<16xi32>], vector<16xf32>,
        %swap3A = arith.index_cast %add3A_477 : i32 to index
        %swap3A_481 = tpu.vector_load %arg7[%swap3A] {strides = array<i32>} : memref<2048xf32, #tpu.memory_space<vmem>>, vector<16xf32>,
        tpu.vector_store %arg7[%swap3A], %gather3A {strides = array<i32>} : memref<2048xf32, #tpu.memory_space<vmem>>, vector<16xf32>,
        %scan3A_482 = arith.constant 1 : i32
        %scan3A_483 = arith.addi %scan3A_473, %scan3A_482 : i32
        %mul3A_484 = arith.constant 16 : i32
        %mul3A_485 = arith.muli %scan3A_483, %mul3A_484 : i32
        %add3A_486 = arith.constant 0 : i32
        %add3A_487 = arith.addi %add3A_486, %mul3A_485 : i32
        %add3A_488 = arith.constant 2048 : i32
        %add3A_489 = arith.addi %add3A_488, %add3A_487 : i32
        %get3A_490 = arith.index_cast %add3A_489 : i32 to index
        %get3A_491 = tpu.vector_load %arg6[%get3A_490] {strides = array<i32>} : memref<4096xi32, #tpu.memory_space<vmem>>, vector<16xi32>,
        %gather3A_492 = tpu.vector_load_idx %arg5[%get3A_491] : memref<100096xf32, #tpu.memory_space<vmem>>[vector<16xi32>], vector<16xf32>,
        %swap3A_493 = arith.index_cast %add3A_487 : i32 to index
        %swap3A_494 = tpu.vector_load %arg7[%swap3A_493] {strides = array<i32>} : memref<2048xf32, #tpu.memory_space<vmem>>, vector<16xf32>,
        tpu.vector_store %arg7[%swap3A_493], %gather3A_492 {strides = array<i32>} : memref<2048xf32, #tpu.memory_space<vmem>>, vector<16xf32>,
        %scan3A_495 = arith.constant 2 : i32
        %scan3A_496 = arith.addi %scan3A_473, %scan3A_495 : i32
        %mul3A_497 = arith.constant 16 : i32
        %mul3A_498 = arith.muli %scan3A_496, %mul3A_497 : i32
        %add3A_499 = arith.constant 0 : i32
        %add3A_500 = arith.addi %add3A_499, %mul3A_498 : i32
        %add3A_501 = arith.constant 2048 : i32
        %add3A_502 = arith.addi %add3A_501, %add3A_500 : i32
        %get3A_503 = arith.index_cast %add3A_502 : i32 to index
        %get3A_504 = tpu.vector_load %arg6[%get3A_503] {strides = array<i32>} : memref<4096xi32, #tpu.memory_space<vmem>>, vector<16xi32>,
        %gather3A_505 = tpu.vector_load_idx %arg5[%get3A_504] : memref<100096xf32, #tpu.memory_space<vmem>>[vector<16xi32>], vector<16xf32>,
        %swap3A_506 = arith.index_cast %add3A_500 : i32 to index
        %swap3A_507 = tpu.vector_load %arg7[%swap3A_506] {strides = array<i32>} : memref<2048xf32, #tpu.memory_space<vmem>>, vector<16xf32>,
        tpu.vector_store %arg7[%swap3A_506], %gather3A_505 {strides = array<i32>} : memref<2048xf32, #tpu.memory_space<vmem>>, vector<16xf32>,
        %scan3A_508 = arith.constant 3 : i32
        %scan3A_509 = arith.addi %scan3A_473, %scan3A_508 : i32
        %mul3A_510 = arith.constant 16 : i32
        %mul3A_511 = arith.muli %scan3A_509, %mul3A_510 : i32
        %add3A_512 = arith.constant 0 : i32
        %add3A_513 = arith.addi %add3A_512, %mul3A_511 : i32
        %add3A_514 = arith.constant 2048 : i32
        %add3A_515 = arith.addi %add3A_514, %add3A_513 : i32
        %get3A_516 = arith.index_cast %add3A_515 : i32 to index
        %get3A_517 = tpu.vector_load %arg6[%get3A_516] {strides = array<i32>} : memref<4096xi32, #tpu.memory_space<vmem>>, vector<16xi32>,
        %gather3A_518 = tpu.vector_load_idx %arg5[%get3A_517] : memref<100096xf32, #tpu.memory_space<vmem>>[vector<16xi32>], vector<16xf32>,
        %swap3A_519 = arith.index_cast %add3A_513 : i32 to index
        %swap3A_520 = tpu.vector_load %arg7[%swap3A_519] {strides = array<i32>} : memref<2048xf32, #tpu.memory_space<vmem>>, vector<16xf32>,
        tpu.vector_store %arg7[%swap3A_519], %gather3A_518 {strides = array<i32>} : memref<2048xf32, #tpu.memory_space<vmem>>, vector<16xf32>,
      }
      %scan3A_420 = arith.constant 128 : i32
      %mul3A_421 = arith.constant 16384 : i32
      %mul3A_422 = arith.muli %arg1, %mul3A_421 : i32
      %add3A_423 = arith.constant 10240 : i32
      %add3A_424 = arith.addi %mul3A_422, %add3A_423 : i32
      "tpu.region"() ({
        %run_scoped3A = tpu.sem_alloc : memref<!tpu.dma_semaphore, #tpu.memory_space<semaphore_mem>>
        %dma_start3A_473 = tpu.memref_slice %arg10[%add3A_424] : memref<114688xf32, #tpu.memory_space<vmem_shared>> -> memref<2048xf32, #tpu.memory_space<vmem_shared>>
        %dma_start3A_474 = tpu.memref_slice %arg10[%add3A_424] : memref<114688xf32, #tpu.memory_space<vmem_shared>> -> memref<2048xf32, #tpu.memory_space<vmem_shared>>
        tpu.enqueue_dma source(%arg7 : memref<2048xf32, #tpu.memory_space<vmem>>) target(%dma_start3A_474 : memref<2048xf32, #tpu.memory_space<vmem_shared>>) target_semaphore(%run_scoped3A : memref<!tpu.dma_semaphore, #tpu.memory_space<semaphore_mem>>)
        %dma_wait3A_475 = tpu.memref_slice %arg10[%add3A_424] : memref<114688xf32, #tpu.memory_space<vmem_shared>> -> memref<2048xf32, #tpu.memory_space<vmem_shared>>
        %dma_wait3A_476 = tpu.memref_slice %arg10[%add3A_424] : memref<114688xf32, #tpu.memory_space<vmem_shared>> -> memref<2048xf32, #tpu.memory_space<vmem_shared>>
        tpu.wait_dma2 semaphore(%run_scoped3A : memref<!tpu.dma_semaphore, #tpu.memory_space<semaphore_mem>>) src(%arg7 : memref<2048xf32, #tpu.memory_space<vmem>>) dst(%dma_wait3A_476 : memref<2048xf32, #tpu.memory_space<vmem_shared>>)
        tpu.yield
      }) : () -> ()
      %dma_start3A_425 = arith.constant 2048 : i32
      %dma_start3A_426 = tpu.memref_slice %arg6[%dma_start3A_425] : memref<4096xi32, #tpu.memory_space<vmem>> -> memref<2048xi32, #tpu.memory_space<vmem>>
      %dma_start3A_427 = arith.constant 14336 : i32
      %dma_start3A_428 = tpu.memref_slice %arg2[%add3A_226, %dma_start3A_427] : memref<26x16384xi32, #tpu.memory_space<hbm>> -> memref<1x2048xi32, #tpu.memory_space<hbm>>
      %dma_start3A_429 = tpu.memref_squeeze %dma_start3A_428 : memref<1x2048xi32, #tpu.memory_space<hbm>> -> memref<2048xi32, #tpu.memory_space<hbm>>
      %dma_start3A_430 = arith.constant 2048 : i32
      %dma_start3A_431 = tpu.memref_slice %arg6[%dma_start3A_430] : memref<4096xi32, #tpu.memory_space<vmem>> -> memref<2048xi32, #tpu.memory_space<vmem>>
      %dma_start3A_432 = arith.constant 14336 : i32
      %dma_start3A_433 = tpu.memref_slice %arg2[%add3A_226, %dma_start3A_432] : memref<26x16384xi32, #tpu.memory_space<hbm>> -> memref<1x2048xi32, #tpu.memory_space<hbm>>
      %dma_start3A_434 = tpu.memref_squeeze %dma_start3A_433 : memref<1x2048xi32, #tpu.memory_space<hbm>> -> memref<2048xi32, #tpu.memory_space<hbm>>
      tpu.enqueue_dma source(%dma_start3A_434 : memref<2048xi32, #tpu.memory_space<hbm>>) target(%dma_start3A_431 : memref<2048xi32, #tpu.memory_space<vmem>>) target_semaphore(%arg14 : memref<!tpu.dma_semaphore, #tpu.memory_space<semaphore_mem>>)
      %dma_wait3A_435 = arith.constant 0 : i32
      %dma_wait3A_436 = tpu.memref_slice %arg6[%dma_wait3A_435] : memref<4096xi32, #tpu.memory_space<vmem>> -> memref<2048xi32, #tpu.memory_space<vmem>>
      %dma_wait3A_437 = arith.constant 12288 : i32
      %dma_wait3A_438 = tpu.memref_slice %arg2[%add3A_226, %dma_wait3A_437] : memref<26x16384xi32, #tpu.memory_space<hbm>> -> memref<1x2048xi32, #tpu.memory_space<hbm>>
      %dma_wait3A_439 = tpu.memref_squeeze %dma_wait3A_438 : memref<1x2048xi32, #tpu.memory_space<hbm>> -> memref<2048xi32, #tpu.memory_space<hbm>>
      %dma_wait3A_440 = arith.constant 0 : i32
      %dma_wait3A_441 = tpu.memref_slice %arg6[%dma_wait3A_440] : memref<4096xi32, #tpu.memory_space<vmem>> -> memref<2048xi32, #tpu.memory_space<vmem>>
      %dma_wait3A_442 = arith.constant 12288 : i32
      %dma_wait3A_443 = tpu.memref_slice %arg2[%add3A_226, %dma_wait3A_442] : memref<26x16384xi32, #tpu.memory_space<hbm>> -> memref<1x2048xi32, #tpu.memory_space<hbm>>
      %dma_wait3A_444 = tpu.memref_squeeze %dma_wait3A_443 : memref<1x2048xi32, #tpu.memory_space<hbm>> -> memref<2048xi32, #tpu.memory_space<hbm>>
      tpu.wait_dma2 semaphore(%arg13 : memref<!tpu.dma_semaphore, #tpu.memory_space<semaphore_mem>>) src(%dma_wait3A_444 : memref<2048xi32, #tpu.memory_space<hbm>>) dst(%dma_wait3A_441 : memref<2048xi32, #tpu.memory_space<vmem>>)
      %scan3A_445 = arith.constant 0 : i32
      %scan3A_446 = arith.constant 128 : i32
      %scan3A_447 = arith.addi %scan3A_445, %scan3A_446 : i32
      %scan3A_448 = arith.constant 4 : i32
      scf.for %scan3A_473 = %scan3A_445 to %scan3A_447 step %scan3A_448  : i32 {
        %mul3A_474 = arith.constant 16 : i32
        %mul3A_475 = arith.muli %scan3A_473, %mul3A_474 : i32
        %add3A_476 = arith.constant 0 : i32
        %add3A_477 = arith.addi %add3A_476, %mul3A_475 : i32
        %add3A_478 = arith.constant 0 : i32
        %add3A_479 = arith.addi %add3A_478, %add3A_477 : i32
        %get3A = arith.index_cast %add3A_479 : i32 to index
        %get3A_480 = tpu.vector_load %arg6[%get3A] {strides = array<i32>} : memref<4096xi32, #tpu.memory_space<vmem>>, vector<16xi32>,
        %gather3A = tpu.vector_load_idx %arg5[%get3A_480] : memref<100096xf32, #tpu.memory_space<vmem>>[vector<16xi32>], vector<16xf32>,
        %swap3A = arith.index_cast %add3A_477 : i32 to index
        %swap3A_481 = tpu.vector_load %arg7[%swap3A] {strides = array<i32>} : memref<2048xf32, #tpu.memory_space<vmem>>, vector<16xf32>,
        tpu.vector_store %arg7[%swap3A], %gather3A {strides = array<i32>} : memref<2048xf32, #tpu.memory_space<vmem>>, vector<16xf32>,
        %scan3A_482 = arith.constant 1 : i32
        %scan3A_483 = arith.addi %scan3A_473, %scan3A_482 : i32
        %mul3A_484 = arith.constant 16 : i32
        %mul3A_485 = arith.muli %scan3A_483, %mul3A_484 : i32
        %add3A_486 = arith.constant 0 : i32
        %add3A_487 = arith.addi %add3A_486, %mul3A_485 : i32
        %add3A_488 = arith.constant 0 : i32
        %add3A_489 = arith.addi %add3A_488, %add3A_487 : i32
        %get3A_490 = arith.index_cast %add3A_489 : i32 to index
        %get3A_491 = tpu.vector_load %arg6[%get3A_490] {strides = array<i32>} : memref<4096xi32, #tpu.memory_space<vmem>>, vector<16xi32>,
        %gather3A_492 = tpu.vector_load_idx %arg5[%get3A_491] : memref<100096xf32, #tpu.memory_space<vmem>>[vector<16xi32>], vector<16xf32>,
        %swap3A_493 = arith.index_cast %add3A_487 : i32 to index
        %swap3A_494 = tpu.vector_load %arg7[%swap3A_493] {strides = array<i32>} : memref<2048xf32, #tpu.memory_space<vmem>>, vector<16xf32>,
        tpu.vector_store %arg7[%swap3A_493], %gather3A_492 {strides = array<i32>} : memref<2048xf32, #tpu.memory_space<vmem>>, vector<16xf32>,
        %scan3A_495 = arith.constant 2 : i32
        %scan3A_496 = arith.addi %scan3A_473, %scan3A_495 : i32
        %mul3A_497 = arith.constant 16 : i32
        %mul3A_498 = arith.muli %scan3A_496, %mul3A_497 : i32
        %add3A_499 = arith.constant 0 : i32
        %add3A_500 = arith.addi %add3A_499, %mul3A_498 : i32
        %add3A_501 = arith.constant 0 : i32
        %add3A_502 = arith.addi %add3A_501, %add3A_500 : i32
        %get3A_503 = arith.index_cast %add3A_502 : i32 to index
        %get3A_504 = tpu.vector_load %arg6[%get3A_503] {strides = array<i32>} : memref<4096xi32, #tpu.memory_space<vmem>>, vector<16xi32>,
        %gather3A_505 = tpu.vector_load_idx %arg5[%get3A_504] : memref<100096xf32, #tpu.memory_space<vmem>>[vector<16xi32>], vector<16xf32>,
        %swap3A_506 = arith.index_cast %add3A_500 : i32 to index
        %swap3A_507 = tpu.vector_load %arg7[%swap3A_506] {strides = array<i32>} : memref<2048xf32, #tpu.memory_space<vmem>>, vector<16xf32>,
        tpu.vector_store %arg7[%swap3A_506], %gather3A_505 {strides = array<i32>} : memref<2048xf32, #tpu.memory_space<vmem>>, vector<16xf32>,
        %scan3A_508 = arith.constant 3 : i32
        %scan3A_509 = arith.addi %scan3A_473, %scan3A_508 : i32
        %mul3A_510 = arith.constant 16 : i32
        %mul3A_511 = arith.muli %scan3A_509, %mul3A_510 : i32
        %add3A_512 = arith.constant 0 : i32
        %add3A_513 = arith.addi %add3A_512, %mul3A_511 : i32
        %add3A_514 = arith.constant 0 : i32
        %add3A_515 = arith.addi %add3A_514, %add3A_513 : i32
        %get3A_516 = arith.index_cast %add3A_515 : i32 to index
        %get3A_517 = tpu.vector_load %arg6[%get3A_516] {strides = array<i32>} : memref<4096xi32, #tpu.memory_space<vmem>>, vector<16xi32>,
        %gather3A_518 = tpu.vector_load_idx %arg5[%get3A_517] : memref<100096xf32, #tpu.memory_space<vmem>>[vector<16xi32>], vector<16xf32>,
        %swap3A_519 = arith.index_cast %add3A_513 : i32 to index
        %swap3A_520 = tpu.vector_load %arg7[%swap3A_519] {strides = array<i32>} : memref<2048xf32, #tpu.memory_space<vmem>>, vector<16xf32>,
        tpu.vector_store %arg7[%swap3A_519], %gather3A_518 {strides = array<i32>} : memref<2048xf32, #tpu.memory_space<vmem>>, vector<16xf32>,
      }
      %scan3A_449 = arith.constant 128 : i32
      %mul3A_450 = arith.constant 16384 : i32
      %mul3A_451 = arith.muli %arg1, %mul3A_450 : i32
      %add3A_452 = arith.constant 12288 : i32
      %add3A_453 = arith.addi %mul3A_451, %add3A_452 : i32
      "tpu.region"() ({
        %run_scoped3A = tpu.sem_alloc : memref<!tpu.dma_semaphore, #tpu.memory_space<semaphore_mem>>
        %dma_start3A_473 = tpu.memref_slice %arg10[%add3A_453] : memref<114688xf32, #tpu.memory_space<vmem_shared>> -> memref<2048xf32, #tpu.memory_space<vmem_shared>>
        %dma_start3A_474 = tpu.memref_slice %arg10[%add3A_453] : memref<114688xf32, #tpu.memory_space<vmem_shared>> -> memref<2048xf32, #tpu.memory_space<vmem_shared>>
        tpu.enqueue_dma source(%arg7 : memref<2048xf32, #tpu.memory_space<vmem>>) target(%dma_start3A_474 : memref<2048xf32, #tpu.memory_space<vmem_shared>>) target_semaphore(%run_scoped3A : memref<!tpu.dma_semaphore, #tpu.memory_space<semaphore_mem>>)
        %dma_wait3A_475 = tpu.memref_slice %arg10[%add3A_453] : memref<114688xf32, #tpu.memory_space<vmem_shared>> -> memref<2048xf32, #tpu.memory_space<vmem_shared>>
        %dma_wait3A_476 = tpu.memref_slice %arg10[%add3A_453] : memref<114688xf32, #tpu.memory_space<vmem_shared>> -> memref<2048xf32, #tpu.memory_space<vmem_shared>>
        tpu.wait_dma2 semaphore(%run_scoped3A : memref<!tpu.dma_semaphore, #tpu.memory_space<semaphore_mem>>) src(%arg7 : memref<2048xf32, #tpu.memory_space<vmem>>) dst(%dma_wait3A_476 : memref<2048xf32, #tpu.memory_space<vmem_shared>>)
        tpu.yield
      }) : () -> ()
      %dma_wait3A_454 = arith.constant 2048 : i32
      %dma_wait3A_455 = tpu.memref_slice %arg6[%dma_wait3A_454] : memref<4096xi32, #tpu.memory_space<vmem>> -> memref<2048xi32, #tpu.memory_space<vmem>>
      %dma_wait3A_456 = arith.constant 14336 : i32
      %dma_wait3A_457 = tpu.memref_slice %arg2[%add3A_226, %dma_wait3A_456] : memref<26x16384xi32, #tpu.memory_space<hbm>> -> memref<1x2048xi32, #tpu.memory_space<hbm>>
      %dma_wait3A_458 = tpu.memref_squeeze %dma_wait3A_457 : memref<1x2048xi32, #tpu.memory_space<hbm>> -> memref<2048xi32, #tpu.memory_space<hbm>>
      %dma_wait3A_459 = arith.constant 2048 : i32
      %dma_wait3A_460 = tpu.memref_slice %arg6[%dma_wait3A_459] : memref<4096xi32, #tpu.memory_space<vmem>> -> memref<2048xi32, #tpu.memory_space<vmem>>
      %dma_wait3A_461 = arith.constant 14336 : i32
      %dma_wait3A_462 = tpu.memref_slice %arg2[%add3A_226, %dma_wait3A_461] : memref<26x16384xi32, #tpu.memory_space<hbm>> -> memref<1x2048xi32, #tpu.memory_space<hbm>>
      %dma_wait3A_463 = tpu.memref_squeeze %dma_wait3A_462 : memref<1x2048xi32, #tpu.memory_space<hbm>> -> memref<2048xi32, #tpu.memory_space<hbm>>
      tpu.wait_dma2 semaphore(%arg14 : memref<!tpu.dma_semaphore, #tpu.memory_space<semaphore_mem>>) src(%dma_wait3A_463 : memref<2048xi32, #tpu.memory_space<hbm>>) dst(%dma_wait3A_460 : memref<2048xi32, #tpu.memory_space<vmem>>)
      %scan3A_464 = arith.constant 0 : i32
      %scan3A_465 = arith.constant 128 : i32
      %scan3A_466 = arith.addi %scan3A_464, %scan3A_465 : i32
      %scan3A_467 = arith.constant 4 : i32
      scf.for %scan3A_473 = %scan3A_464 to %scan3A_466 step %scan3A_467  : i32 {
        %mul3A_474 = arith.constant 16 : i32
        %mul3A_475 = arith.muli %scan3A_473, %mul3A_474 : i32
        %add3A_476 = arith.constant 0 : i32
        %add3A_477 = arith.addi %add3A_476, %mul3A_475 : i32
        %add3A_478 = arith.constant 2048 : i32
        %add3A_479 = arith.addi %add3A_478, %add3A_477 : i32
        %get3A = arith.index_cast %add3A_479 : i32 to index
        %get3A_480 = tpu.vector_load %arg6[%get3A] {strides = array<i32>} : memref<4096xi32, #tpu.memory_space<vmem>>, vector<16xi32>,
        %gather3A = tpu.vector_load_idx %arg5[%get3A_480] : memref<100096xf32, #tpu.memory_space<vmem>>[vector<16xi32>], vector<16xf32>,
        %swap3A = arith.index_cast %add3A_477 : i32 to index
        %swap3A_481 = tpu.vector_load %arg7[%swap3A] {strides = array<i32>} : memref<2048xf32, #tpu.memory_space<vmem>>, vector<16xf32>,
        tpu.vector_store %arg7[%swap3A], %gather3A {strides = array<i32>} : memref<2048xf32, #tpu.memory_space<vmem>>, vector<16xf32>,
        %scan3A_482 = arith.constant 1 : i32
        %scan3A_483 = arith.addi %scan3A_473, %scan3A_482 : i32
        %mul3A_484 = arith.constant 16 : i32
        %mul3A_485 = arith.muli %scan3A_483, %mul3A_484 : i32
        %add3A_486 = arith.constant 0 : i32
        %add3A_487 = arith.addi %add3A_486, %mul3A_485 : i32
        %add3A_488 = arith.constant 2048 : i32
        %add3A_489 = arith.addi %add3A_488, %add3A_487 : i32
        %get3A_490 = arith.index_cast %add3A_489 : i32 to index
        %get3A_491 = tpu.vector_load %arg6[%get3A_490] {strides = array<i32>} : memref<4096xi32, #tpu.memory_space<vmem>>, vector<16xi32>,
        %gather3A_492 = tpu.vector_load_idx %arg5[%get3A_491] : memref<100096xf32, #tpu.memory_space<vmem>>[vector<16xi32>], vector<16xf32>,
        %swap3A_493 = arith.index_cast %add3A_487 : i32 to index
        %swap3A_494 = tpu.vector_load %arg7[%swap3A_493] {strides = array<i32>} : memref<2048xf32, #tpu.memory_space<vmem>>, vector<16xf32>,
        tpu.vector_store %arg7[%swap3A_493], %gather3A_492 {strides = array<i32>} : memref<2048xf32, #tpu.memory_space<vmem>>, vector<16xf32>,
        %scan3A_495 = arith.constant 2 : i32
        %scan3A_496 = arith.addi %scan3A_473, %scan3A_495 : i32
        %mul3A_497 = arith.constant 16 : i32
        %mul3A_498 = arith.muli %scan3A_496, %mul3A_497 : i32
        %add3A_499 = arith.constant 0 : i32
        %add3A_500 = arith.addi %add3A_499, %mul3A_498 : i32
        %add3A_501 = arith.constant 2048 : i32
        %add3A_502 = arith.addi %add3A_501, %add3A_500 : i32
        %get3A_503 = arith.index_cast %add3A_502 : i32 to index
        %get3A_504 = tpu.vector_load %arg6[%get3A_503] {strides = array<i32>} : memref<4096xi32, #tpu.memory_space<vmem>>, vector<16xi32>,
        %gather3A_505 = tpu.vector_load_idx %arg5[%get3A_504] : memref<100096xf32, #tpu.memory_space<vmem>>[vector<16xi32>], vector<16xf32>,
        %swap3A_506 = arith.index_cast %add3A_500 : i32 to index
        %swap3A_507 = tpu.vector_load %arg7[%swap3A_506] {strides = array<i32>} : memref<2048xf32, #tpu.memory_space<vmem>>, vector<16xf32>,
        tpu.vector_store %arg7[%swap3A_506], %gather3A_505 {strides = array<i32>} : memref<2048xf32, #tpu.memory_space<vmem>>, vector<16xf32>,
        %scan3A_508 = arith.constant 3 : i32
        %scan3A_509 = arith.addi %scan3A_473, %scan3A_508 : i32
        %mul3A_510 = arith.constant 16 : i32
        %mul3A_511 = arith.muli %scan3A_509, %mul3A_510 : i32
        %add3A_512 = arith.constant 0 : i32
        %add3A_513 = arith.addi %add3A_512, %mul3A_511 : i32
        %add3A_514 = arith.constant 2048 : i32
        %add3A_515 = arith.addi %add3A_514, %add3A_513 : i32
        %get3A_516 = arith.index_cast %add3A_515 : i32 to index
        %get3A_517 = tpu.vector_load %arg6[%get3A_516] {strides = array<i32>} : memref<4096xi32, #tpu.memory_space<vmem>>, vector<16xi32>,
        %gather3A_518 = tpu.vector_load_idx %arg5[%get3A_517] : memref<100096xf32, #tpu.memory_space<vmem>>[vector<16xi32>], vector<16xf32>,
        %swap3A_519 = arith.index_cast %add3A_513 : i32 to index
        %swap3A_520 = tpu.vector_load %arg7[%swap3A_519] {strides = array<i32>} : memref<2048xf32, #tpu.memory_space<vmem>>, vector<16xf32>,
        tpu.vector_store %arg7[%swap3A_519], %gather3A_518 {strides = array<i32>} : memref<2048xf32, #tpu.memory_space<vmem>>, vector<16xf32>,
      }
      %scan3A_468 = arith.constant 128 : i32
      %mul3A_469 = arith.constant 16384 : i32
      %mul3A_470 = arith.muli %arg1, %mul3A_469 : i32
      %add3A_471 = arith.constant 14336 : i32
      %add3A_472 = arith.addi %mul3A_470, %add3A_471 : i32
      "tpu.region"() ({
        %run_scoped3A = tpu.sem_alloc : memref<!tpu.dma_semaphore, #tpu.memory_space<semaphore_mem>>
        %dma_start3A_473 = tpu.memref_slice %arg10[%add3A_472] : memref<114688xf32, #tpu.memory_space<vmem_shared>> -> memref<2048xf32, #tpu.memory_space<vmem_shared>>
        %dma_start3A_474 = tpu.memref_slice %arg10[%add3A_472] : memref<114688xf32, #tpu.memory_space<vmem_shared>> -> memref<2048xf32, #tpu.memory_space<vmem_shared>>
        tpu.enqueue_dma source(%arg7 : memref<2048xf32, #tpu.memory_space<vmem>>) target(%dma_start3A_474 : memref<2048xf32, #tpu.memory_space<vmem_shared>>) target_semaphore(%run_scoped3A : memref<!tpu.dma_semaphore, #tpu.memory_space<semaphore_mem>>)
        %dma_wait3A_475 = tpu.memref_slice %arg10[%add3A_472] : memref<114688xf32, #tpu.memory_space<vmem_shared>> -> memref<2048xf32, #tpu.memory_space<vmem_shared>>
        %dma_wait3A_476 = tpu.memref_slice %arg10[%add3A_472] : memref<114688xf32, #tpu.memory_space<vmem_shared>> -> memref<2048xf32, #tpu.memory_space<vmem_shared>>
        tpu.wait_dma2 semaphore(%run_scoped3A : memref<!tpu.dma_semaphore, #tpu.memory_space<semaphore_mem>>) src(%arg7 : memref<2048xf32, #tpu.memory_space<vmem>>) dst(%dma_wait3A_476 : memref<2048xf32, #tpu.memory_space<vmem_shared>>)
        tpu.yield
      }) : () -> ()
    } else {
    }
    %eq3A = arith.constant 1 : i32
    %eq3A_3 = arith.cmpi eq, %arg0, %eq3A : i32
    %eq3A_4 = arith.constant 6 : i32
    %eq3A_5 = arith.cmpi eq, %arg1, %eq3A_4 : i32
    %and3A = arith.andi %eq3A_3, %eq3A_5 : i1
    %convert_element_type3A_6 = arith.extui %and3A : i1 to i32
    %cond3A_7 = arith.constant 0 : i32
    %cond3A_8 = arith.cmpi ne, %convert_element_type3A_6, %cond3A_7 : i32
    scf.if %cond3A_8 {
      %scan3A_225 = arith.constant 0 : i32
      %scan3A_226 = arith.constant 128 : i32
      %scan3A_227 = arith.addi %scan3A_225, %scan3A_226 : i32
      %scan3A_228 = arith.constant 1 : i32
      scf.for %scan3A_262 = %scan3A_225 to %scan3A_227 step %scan3A_228  : i32 {
        %mul3A_263 = arith.constant 16 : i32
        %mul3A_264 = arith.muli %scan3A_262, %mul3A_263 : i32
        %add3A_265 = arith.constant 0 : i32
        %add3A_266 = arith.addi %add3A_265, %mul3A_264 : i32
        %broadcast_in_dim3A = arith.constant 0.000000e+00 : f32
        %broadcast_in_dim3A_267 = vector.broadcast %broadcast_in_dim3A : f32 to vector<16xf32>
        %swap3A = arith.index_cast %add3A_266 : i32 to index
        %swap3A_268 = tpu.vector_load %arg7[%swap3A] {strides = array<i32>} : memref<2048xf32, #tpu.memory_space<vmem>>, vector<16xf32>,
        tpu.vector_store %arg7[%swap3A], %broadcast_in_dim3A_267 {strides = array<i32>} : memref<2048xf32, #tpu.memory_space<vmem>>, vector<16xf32>,
      }
      %scan3A_229 = arith.constant 128 : i32
      %mul3A_230 = arith.constant 16384 : i32
      %mul3A_231 = arith.muli %arg1, %mul3A_230 : i32
      %add3A_232 = arith.constant 0 : i32
      %add3A_233 = arith.addi %mul3A_231, %add3A_232 : i32
      "tpu.region"() ({
        %run_scoped3A = tpu.sem_alloc : memref<!tpu.dma_semaphore, #tpu.memory_space<semaphore_mem>>
        %dma_start3A_262 = tpu.memref_slice %arg10[%add3A_233] : memref<114688xf32, #tpu.memory_space<vmem_shared>> -> memref<2048xf32, #tpu.memory_space<vmem_shared>>
        %dma_start3A_263 = tpu.memref_slice %arg10[%add3A_233] : memref<114688xf32, #tpu.memory_space<vmem_shared>> -> memref<2048xf32, #tpu.memory_space<vmem_shared>>
        tpu.enqueue_dma source(%arg7 : memref<2048xf32, #tpu.memory_space<vmem>>) target(%dma_start3A_263 : memref<2048xf32, #tpu.memory_space<vmem_shared>>) target_semaphore(%run_scoped3A : memref<!tpu.dma_semaphore, #tpu.memory_space<semaphore_mem>>)
        %dma_wait3A_264 = tpu.memref_slice %arg10[%add3A_233] : memref<114688xf32, #tpu.memory_space<vmem_shared>> -> memref<2048xf32, #tpu.memory_space<vmem_shared>>
        %dma_wait3A_265 = tpu.memref_slice %arg10[%add3A_233] : memref<114688xf32, #tpu.memory_space<vmem_shared>> -> memref<2048xf32, #tpu.memory_space<vmem_shared>>
        tpu.wait_dma2 semaphore(%run_scoped3A : memref<!tpu.dma_semaphore, #tpu.memory_space<semaphore_mem>>) src(%arg7 : memref<2048xf32, #tpu.memory_space<vmem>>) dst(%dma_wait3A_265 : memref<2048xf32, #tpu.memory_space<vmem_shared>>)
        tpu.yield
      }) : () -> ()
      %mul3A_234 = arith.constant 16384 : i32
      %mul3A_235 = arith.muli %arg1, %mul3A_234 : i32
      %add3A_236 = arith.constant 2048 : i32
      %add3A_237 = arith.addi %mul3A_235, %add3A_236 : i32
      "tpu.region"() ({
        %run_scoped3A = tpu.sem_alloc : memref<!tpu.dma_semaphore, #tpu.memory_space<semaphore_mem>>
        %dma_start3A_262 = tpu.memref_slice %arg10[%add3A_237] : memref<114688xf32, #tpu.memory_space<vmem_shared>> -> memref<2048xf32, #tpu.memory_space<vmem_shared>>
        %dma_start3A_263 = tpu.memref_slice %arg10[%add3A_237] : memref<114688xf32, #tpu.memory_space<vmem_shared>> -> memref<2048xf32, #tpu.memory_space<vmem_shared>>
        tpu.enqueue_dma source(%arg7 : memref<2048xf32, #tpu.memory_space<vmem>>) target(%dma_start3A_263 : memref<2048xf32, #tpu.memory_space<vmem_shared>>) target_semaphore(%run_scoped3A : memref<!tpu.dma_semaphore, #tpu.memory_space<semaphore_mem>>)
        %dma_wait3A_264 = tpu.memref_slice %arg10[%add3A_237] : memref<114688xf32, #tpu.memory_space<vmem_shared>> -> memref<2048xf32, #tpu.memory_space<vmem_shared>>
        %dma_wait3A_265 = tpu.memref_slice %arg10[%add3A_237] : memref<114688xf32, #tpu.memory_space<vmem_shared>> -> memref<2048xf32, #tpu.memory_space<vmem_shared>>
        tpu.wait_dma2 semaphore(%run_scoped3A : memref<!tpu.dma_semaphore, #tpu.memory_space<semaphore_mem>>) src(%arg7 : memref<2048xf32, #tpu.memory_space<vmem>>) dst(%dma_wait3A_265 : memref<2048xf32, #tpu.memory_space<vmem_shared>>)
        tpu.yield
      }) : () -> ()
      %mul3A_238 = arith.constant 16384 : i32
      %mul3A_239 = arith.muli %arg1, %mul3A_238 : i32
      %add3A_240 = arith.constant 4096 : i32
      %add3A_241 = arith.addi %mul3A_239, %add3A_240 : i32
      "tpu.region"() ({
        %run_scoped3A = tpu.sem_alloc : memref<!tpu.dma_semaphore, #tpu.memory_space<semaphore_mem>>
        %dma_start3A_262 = tpu.memref_slice %arg10[%add3A_241] : memref<114688xf32, #tpu.memory_space<vmem_shared>> -> memref<2048xf32, #tpu.memory_space<vmem_shared>>
        %dma_start3A_263 = tpu.memref_slice %arg10[%add3A_241] : memref<114688xf32, #tpu.memory_space<vmem_shared>> -> memref<2048xf32, #tpu.memory_space<vmem_shared>>
        tpu.enqueue_dma source(%arg7 : memref<2048xf32, #tpu.memory_space<vmem>>) target(%dma_start3A_263 : memref<2048xf32, #tpu.memory_space<vmem_shared>>) target_semaphore(%run_scoped3A : memref<!tpu.dma_semaphore, #tpu.memory_space<semaphore_mem>>)
        %dma_wait3A_264 = tpu.memref_slice %arg10[%add3A_241] : memref<114688xf32, #tpu.memory_space<vmem_shared>> -> memref<2048xf32, #tpu.memory_space<vmem_shared>>
        %dma_wait3A_265 = tpu.memref_slice %arg10[%add3A_241] : memref<114688xf32, #tpu.memory_space<vmem_shared>> -> memref<2048xf32, #tpu.memory_space<vmem_shared>>
        tpu.wait_dma2 semaphore(%run_scoped3A : memref<!tpu.dma_semaphore, #tpu.memory_space<semaphore_mem>>) src(%arg7 : memref<2048xf32, #tpu.memory_space<vmem>>) dst(%dma_wait3A_265 : memref<2048xf32, #tpu.memory_space<vmem_shared>>)
        tpu.yield
      }) : () -> ()
      %mul3A_242 = arith.constant 16384 : i32
      %mul3A_243 = arith.muli %arg1, %mul3A_242 : i32
      %add3A_244 = arith.constant 6144 : i32
      %add3A_245 = arith.addi %mul3A_243, %add3A_244 : i32
      "tpu.region"() ({
        %run_scoped3A = tpu.sem_alloc : memref<!tpu.dma_semaphore, #tpu.memory_space<semaphore_mem>>
        %dma_start3A_262 = tpu.memref_slice %arg10[%add3A_245] : memref<114688xf32, #tpu.memory_space<vmem_shared>> -> memref<2048xf32, #tpu.memory_space<vmem_shared>>
        %dma_start3A_263 = tpu.memref_slice %arg10[%add3A_245] : memref<114688xf32, #tpu.memory_space<vmem_shared>> -> memref<2048xf32, #tpu.memory_space<vmem_shared>>
        tpu.enqueue_dma source(%arg7 : memref<2048xf32, #tpu.memory_space<vmem>>) target(%dma_start3A_263 : memref<2048xf32, #tpu.memory_space<vmem_shared>>) target_semaphore(%run_scoped3A : memref<!tpu.dma_semaphore, #tpu.memory_space<semaphore_mem>>)
        %dma_wait3A_264 = tpu.memref_slice %arg10[%add3A_245] : memref<114688xf32, #tpu.memory_space<vmem_shared>> -> memref<2048xf32, #tpu.memory_space<vmem_shared>>
        %dma_wait3A_265 = tpu.memref_slice %arg10[%add3A_245] : memref<114688xf32, #tpu.memory_space<vmem_shared>> -> memref<2048xf32, #tpu.memory_space<vmem_shared>>
        tpu.wait_dma2 semaphore(%run_scoped3A : memref<!tpu.dma_semaphore, #tpu.memory_space<semaphore_mem>>) src(%arg7 : memref<2048xf32, #tpu.memory_space<vmem>>) dst(%dma_wait3A_265 : memref<2048xf32, #tpu.memory_space<vmem_shared>>)
        tpu.yield
      }) : () -> ()
      %mul3A_246 = arith.constant 16384 : i32
      %mul3A_247 = arith.muli %arg1, %mul3A_246 : i32
      %add3A_248 = arith.constant 8192 : i32
      %add3A_249 = arith.addi %mul3A_247, %add3A_248 : i32
      "tpu.region"() ({
        %run_scoped3A = tpu.sem_alloc : memref<!tpu.dma_semaphore, #tpu.memory_space<semaphore_mem>>
        %dma_start3A_262 = tpu.memref_slice %arg10[%add3A_249] : memref<114688xf32, #tpu.memory_space<vmem_shared>> -> memref<2048xf32, #tpu.memory_space<vmem_shared>>
        %dma_start3A_263 = tpu.memref_slice %arg10[%add3A_249] : memref<114688xf32, #tpu.memory_space<vmem_shared>> -> memref<2048xf32, #tpu.memory_space<vmem_shared>>
        tpu.enqueue_dma source(%arg7 : memref<2048xf32, #tpu.memory_space<vmem>>) target(%dma_start3A_263 : memref<2048xf32, #tpu.memory_space<vmem_shared>>) target_semaphore(%run_scoped3A : memref<!tpu.dma_semaphore, #tpu.memory_space<semaphore_mem>>)
        %dma_wait3A_264 = tpu.memref_slice %arg10[%add3A_249] : memref<114688xf32, #tpu.memory_space<vmem_shared>> -> memref<2048xf32, #tpu.memory_space<vmem_shared>>
        %dma_wait3A_265 = tpu.memref_slice %arg10[%add3A_249] : memref<114688xf32, #tpu.memory_space<vmem_shared>> -> memref<2048xf32, #tpu.memory_space<vmem_shared>>
        tpu.wait_dma2 semaphore(%run_scoped3A : memref<!tpu.dma_semaphore, #tpu.memory_space<semaphore_mem>>) src(%arg7 : memref<2048xf32, #tpu.memory_space<vmem>>) dst(%dma_wait3A_265 : memref<2048xf32, #tpu.memory_space<vmem_shared>>)
        tpu.yield
      }) : () -> ()
      %mul3A_250 = arith.constant 16384 : i32
      %mul3A_251 = arith.muli %arg1, %mul3A_250 : i32
      %add3A_252 = arith.constant 10240 : i32
      %add3A_253 = arith.addi %mul3A_251, %add3A_252 : i32
      "tpu.region"() ({
        %run_scoped3A = tpu.sem_alloc : memref<!tpu.dma_semaphore, #tpu.memory_space<semaphore_mem>>
        %dma_start3A_262 = tpu.memref_slice %arg10[%add3A_253] : memref<114688xf32, #tpu.memory_space<vmem_shared>> -> memref<2048xf32, #tpu.memory_space<vmem_shared>>
        %dma_start3A_263 = tpu.memref_slice %arg10[%add3A_253] : memref<114688xf32, #tpu.memory_space<vmem_shared>> -> memref<2048xf32, #tpu.memory_space<vmem_shared>>
        tpu.enqueue_dma source(%arg7 : memref<2048xf32, #tpu.memory_space<vmem>>) target(%dma_start3A_263 : memref<2048xf32, #tpu.memory_space<vmem_shared>>) target_semaphore(%run_scoped3A : memref<!tpu.dma_semaphore, #tpu.memory_space<semaphore_mem>>)
        %dma_wait3A_264 = tpu.memref_slice %arg10[%add3A_253] : memref<114688xf32, #tpu.memory_space<vmem_shared>> -> memref<2048xf32, #tpu.memory_space<vmem_shared>>
        %dma_wait3A_265 = tpu.memref_slice %arg10[%add3A_253] : memref<114688xf32, #tpu.memory_space<vmem_shared>> -> memref<2048xf32, #tpu.memory_space<vmem_shared>>
        tpu.wait_dma2 semaphore(%run_scoped3A : memref<!tpu.dma_semaphore, #tpu.memory_space<semaphore_mem>>) src(%arg7 : memref<2048xf32, #tpu.memory_space<vmem>>) dst(%dma_wait3A_265 : memref<2048xf32, #tpu.memory_space<vmem_shared>>)
        tpu.yield
      }) : () -> ()
      %mul3A_254 = arith.constant 16384 : i32
      %mul3A_255 = arith.muli %arg1, %mul3A_254 : i32
      %add3A_256 = arith.constant 12288 : i32
      %add3A_257 = arith.addi %mul3A_255, %add3A_256 : i32
      "tpu.region"() ({
        %run_scoped3A = tpu.sem_alloc : memref<!tpu.dma_semaphore, #tpu.memory_space<semaphore_mem>>
        %dma_start3A_262 = tpu.memref_slice %arg10[%add3A_257] : memref<114688xf32, #tpu.memory_space<vmem_shared>> -> memref<2048xf32, #tpu.memory_space<vmem_shared>>
        %dma_start3A_263 = tpu.memref_slice %arg10[%add3A_257] : memref<114688xf32, #tpu.memory_space<vmem_shared>> -> memref<2048xf32, #tpu.memory_space<vmem_shared>>
        tpu.enqueue_dma source(%arg7 : memref<2048xf32, #tpu.memory_space<vmem>>) target(%dma_start3A_263 : memref<2048xf32, #tpu.memory_space<vmem_shared>>) target_semaphore(%run_scoped3A : memref<!tpu.dma_semaphore, #tpu.memory_space<semaphore_mem>>)
        %dma_wait3A_264 = tpu.memref_slice %arg10[%add3A_257] : memref<114688xf32, #tpu.memory_space<vmem_shared>> -> memref<2048xf32, #tpu.memory_space<vmem_shared>>
        %dma_wait3A_265 = tpu.memref_slice %arg10[%add3A_257] : memref<114688xf32, #tpu.memory_space<vmem_shared>> -> memref<2048xf32, #tpu.memory_space<vmem_shared>>
        tpu.wait_dma2 semaphore(%run_scoped3A : memref<!tpu.dma_semaphore, #tpu.memory_space<semaphore_mem>>) src(%arg7 : memref<2048xf32, #tpu.memory_space<vmem>>) dst(%dma_wait3A_265 : memref<2048xf32, #tpu.memory_space<vmem_shared>>)
        tpu.yield
      }) : () -> ()
      %mul3A_258 = arith.constant 16384 : i32
      %mul3A_259 = arith.muli %arg1, %mul3A_258 : i32
      %add3A_260 = arith.constant 14336 : i32
      %add3A_261 = arith.addi %mul3A_259, %add3A_260 : i32
      "tpu.region"() ({
        %run_scoped3A = tpu.sem_alloc : memref<!tpu.dma_semaphore, #tpu.memory_space<semaphore_mem>>
        %dma_start3A_262 = tpu.memref_slice %arg10[%add3A_261] : memref<114688xf32, #tpu.memory_space<vmem_shared>> -> memref<2048xf32, #tpu.memory_space<vmem_shared>>
        %dma_start3A_263 = tpu.memref_slice %arg10[%add3A_261] : memref<114688xf32, #tpu.memory_space<vmem_shared>> -> memref<2048xf32, #tpu.memory_space<vmem_shared>>
        tpu.enqueue_dma source(%arg7 : memref<2048xf32, #tpu.memory_space<vmem>>) target(%dma_start3A_263 : memref<2048xf32, #tpu.memory_space<vmem_shared>>) target_semaphore(%run_scoped3A : memref<!tpu.dma_semaphore, #tpu.memory_space<semaphore_mem>>)
        %dma_wait3A_264 = tpu.memref_slice %arg10[%add3A_261] : memref<114688xf32, #tpu.memory_space<vmem_shared>> -> memref<2048xf32, #tpu.memory_space<vmem_shared>>
        %dma_wait3A_265 = tpu.memref_slice %arg10[%add3A_261] : memref<114688xf32, #tpu.memory_space<vmem_shared>> -> memref<2048xf32, #tpu.memory_space<vmem_shared>>
        tpu.wait_dma2 semaphore(%run_scoped3A : memref<!tpu.dma_semaphore, #tpu.memory_space<semaphore_mem>>) src(%arg7 : memref<2048xf32, #tpu.memory_space<vmem>>) dst(%dma_wait3A_265 : memref<2048xf32, #tpu.memory_space<vmem_shared>>)
        tpu.yield
      }) : () -> ()
    } else {
    }
    %barrier3A = arith.constant 0 : index
    tpu.barrier barrier_id(%barrier3A)
    %mul3A_9 = arith.constant 1024 : i32
    %mul3A_10 = arith.muli %arg1, %mul3A_9 : i32
    %add3A_11 = arith.constant 0 : i32
    %add3A_12 = arith.addi %mul3A_10, %add3A_11 : i32
    %add3A_13 = arith.constant 0 : i32
    %add3A_14 = arith.addi %add3A_13, %add3A_12 : i32
    %dma_start3A = arith.constant 0 : i32
    %dma_start3A_15 = tpu.memref_slice %arg8[%dma_start3A] : memref<3584xf32, #tpu.memory_space<vmem>> -> memref<512xf32, #tpu.memory_space<vmem>>
    %dma_start3A_16 = tpu.memref_slice %arg10[%add3A_14] : memref<114688xf32, #tpu.memory_space<vmem_shared>> -> memref<512xf32, #tpu.memory_space<vmem_shared>>
    %dma_start3A_17 = arith.constant 0 : i32
    %dma_start3A_18 = tpu.memref_slice %arg8[%dma_start3A_17] : memref<3584xf32, #tpu.memory_space<vmem>> -> memref<512xf32, #tpu.memory_space<vmem>>
    %dma_start3A_19 = tpu.memref_slice %arg10[%add3A_14] : memref<114688xf32, #tpu.memory_space<vmem_shared>> -> memref<512xf32, #tpu.memory_space<vmem_shared>>
    tpu.enqueue_dma source(%dma_start3A_19 : memref<512xf32, #tpu.memory_space<vmem_shared>>) target(%dma_start3A_18 : memref<512xf32, #tpu.memory_space<vmem>>) target_semaphore(%arg11 : memref<!tpu.dma_semaphore, #tpu.memory_space<semaphore_mem>>)
    %add3A_20 = arith.constant 16384 : i32
    %add3A_21 = arith.addi %add3A_20, %add3A_12 : i32
    %dma_start3A_22 = arith.constant 512 : i32
    %dma_start3A_23 = tpu.memref_slice %arg8[%dma_start3A_22] : memref<3584xf32, #tpu.memory_space<vmem>> -> memref<512xf32, #tpu.memory_space<vmem>>
    %dma_start3A_24 = tpu.memref_slice %arg10[%add3A_21] : memref<114688xf32, #tpu.memory_space<vmem_shared>> -> memref<512xf32, #tpu.memory_space<vmem_shared>>
    %dma_start3A_25 = arith.constant 512 : i32
    %dma_start3A_26 = tpu.memref_slice %arg8[%dma_start3A_25] : memref<3584xf32, #tpu.memory_space<vmem>> -> memref<512xf32, #tpu.memory_space<vmem>>
    %dma_start3A_27 = tpu.memref_slice %arg10[%add3A_21] : memref<114688xf32, #tpu.memory_space<vmem_shared>> -> memref<512xf32, #tpu.memory_space<vmem_shared>>
    tpu.enqueue_dma source(%dma_start3A_27 : memref<512xf32, #tpu.memory_space<vmem_shared>>) target(%dma_start3A_26 : memref<512xf32, #tpu.memory_space<vmem>>) target_semaphore(%arg11 : memref<!tpu.dma_semaphore, #tpu.memory_space<semaphore_mem>>)
    %add3A_28 = arith.constant 32768 : i32
    %add3A_29 = arith.addi %add3A_28, %add3A_12 : i32
    %dma_start3A_30 = arith.constant 1024 : i32
    %dma_start3A_31 = tpu.memref_slice %arg8[%dma_start3A_30] : memref<3584xf32, #tpu.memory_space<vmem>> -> memref<512xf32, #tpu.memory_space<vmem>>
    %dma_start3A_32 = tpu.memref_slice %arg10[%add3A_29] : memref<114688xf32, #tpu.memory_space<vmem_shared>> -> memref<512xf32, #tpu.memory_space<vmem_shared>>
    %dma_start3A_33 = arith.constant 1024 : i32
    %dma_start3A_34 = tpu.memref_slice %arg8[%dma_start3A_33] : memref<3584xf32, #tpu.memory_space<vmem>> -> memref<512xf32, #tpu.memory_space<vmem>>
    %dma_start3A_35 = tpu.memref_slice %arg10[%add3A_29] : memref<114688xf32, #tpu.memory_space<vmem_shared>> -> memref<512xf32, #tpu.memory_space<vmem_shared>>
    tpu.enqueue_dma source(%dma_start3A_35 : memref<512xf32, #tpu.memory_space<vmem_shared>>) target(%dma_start3A_34 : memref<512xf32, #tpu.memory_space<vmem>>) target_semaphore(%arg11 : memref<!tpu.dma_semaphore, #tpu.memory_space<semaphore_mem>>)
    %add3A_36 = arith.constant 49152 : i32
    %add3A_37 = arith.addi %add3A_36, %add3A_12 : i32
    %dma_start3A_38 = arith.constant 1536 : i32
    %dma_start3A_39 = tpu.memref_slice %arg8[%dma_start3A_38] : memref<3584xf32, #tpu.memory_space<vmem>> -> memref<512xf32, #tpu.memory_space<vmem>>
    %dma_start3A_40 = tpu.memref_slice %arg10[%add3A_37] : memref<114688xf32, #tpu.memory_space<vmem_shared>> -> memref<512xf32, #tpu.memory_space<vmem_shared>>
    %dma_start3A_41 = arith.constant 1536 : i32
    %dma_start3A_42 = tpu.memref_slice %arg8[%dma_start3A_41] : memref<3584xf32, #tpu.memory_space<vmem>> -> memref<512xf32, #tpu.memory_space<vmem>>
    %dma_start3A_43 = tpu.memref_slice %arg10[%add3A_37] : memref<114688xf32, #tpu.memory_space<vmem_shared>> -> memref<512xf32, #tpu.memory_space<vmem_shared>>
    tpu.enqueue_dma source(%dma_start3A_43 : memref<512xf32, #tpu.memory_space<vmem_shared>>) target(%dma_start3A_42 : memref<512xf32, #tpu.memory_space<vmem>>) target_semaphore(%arg11 : memref<!tpu.dma_semaphore, #tpu.memory_space<semaphore_mem>>)
    %add3A_44 = arith.constant 65536 : i32
    %add3A_45 = arith.addi %add3A_44, %add3A_12 : i32
    %dma_start3A_46 = arith.constant 2048 : i32
    %dma_start3A_47 = tpu.memref_slice %arg8[%dma_start3A_46] : memref<3584xf32, #tpu.memory_space<vmem>> -> memref<512xf32, #tpu.memory_space<vmem>>
    %dma_start3A_48 = tpu.memref_slice %arg10[%add3A_45] : memref<114688xf32, #tpu.memory_space<vmem_shared>> -> memref<512xf32, #tpu.memory_space<vmem_shared>>
    %dma_start3A_49 = arith.constant 2048 : i32
    %dma_start3A_50 = tpu.memref_slice %arg8[%dma_start3A_49] : memref<3584xf32, #tpu.memory_space<vmem>> -> memref<512xf32, #tpu.memory_space<vmem>>
    %dma_start3A_51 = tpu.memref_slice %arg10[%add3A_45] : memref<114688xf32, #tpu.memory_space<vmem_shared>> -> memref<512xf32, #tpu.memory_space<vmem_shared>>
    tpu.enqueue_dma source(%dma_start3A_51 : memref<512xf32, #tpu.memory_space<vmem_shared>>) target(%dma_start3A_50 : memref<512xf32, #tpu.memory_space<vmem>>) target_semaphore(%arg11 : memref<!tpu.dma_semaphore, #tpu.memory_space<semaphore_mem>>)
    %add3A_52 = arith.constant 81920 : i32
    %add3A_53 = arith.addi %add3A_52, %add3A_12 : i32
    %dma_start3A_54 = arith.constant 2560 : i32
    %dma_start3A_55 = tpu.memref_slice %arg8[%dma_start3A_54] : memref<3584xf32, #tpu.memory_space<vmem>> -> memref<512xf32, #tpu.memory_space<vmem>>
    %dma_start3A_56 = tpu.memref_slice %arg10[%add3A_53] : memref<114688xf32, #tpu.memory_space<vmem_shared>> -> memref<512xf32, #tpu.memory_space<vmem_shared>>
    %dma_start3A_57 = arith.constant 2560 : i32
    %dma_start3A_58 = tpu.memref_slice %arg8[%dma_start3A_57] : memref<3584xf32, #tpu.memory_space<vmem>> -> memref<512xf32, #tpu.memory_space<vmem>>
    %dma_start3A_59 = tpu.memref_slice %arg10[%add3A_53] : memref<114688xf32, #tpu.memory_space<vmem_shared>> -> memref<512xf32, #tpu.memory_space<vmem_shared>>
    tpu.enqueue_dma source(%dma_start3A_59 : memref<512xf32, #tpu.memory_space<vmem_shared>>) target(%dma_start3A_58 : memref<512xf32, #tpu.memory_space<vmem>>) target_semaphore(%arg11 : memref<!tpu.dma_semaphore, #tpu.memory_space<semaphore_mem>>)
    %add3A_60 = arith.constant 98304 : i32
    %add3A_61 = arith.addi %add3A_60, %add3A_12 : i32
    %dma_start3A_62 = arith.constant 3072 : i32
    %dma_start3A_63 = tpu.memref_slice %arg8[%dma_start3A_62] : memref<3584xf32, #tpu.memory_space<vmem>> -> memref<512xf32, #tpu.memory_space<vmem>>
    %dma_start3A_64 = tpu.memref_slice %arg10[%add3A_61] : memref<114688xf32, #tpu.memory_space<vmem_shared>> -> memref<512xf32, #tpu.memory_space<vmem_shared>>
    %dma_start3A_65 = arith.constant 3072 : i32
    %dma_start3A_66 = tpu.memref_slice %arg8[%dma_start3A_65] : memref<3584xf32, #tpu.memory_space<vmem>> -> memref<512xf32, #tpu.memory_space<vmem>>
    %dma_start3A_67 = tpu.memref_slice %arg10[%add3A_61] : memref<114688xf32, #tpu.memory_space<vmem_shared>> -> memref<512xf32, #tpu.memory_space<vmem_shared>>
    tpu.enqueue_dma source(%dma_start3A_67 : memref<512xf32, #tpu.memory_space<vmem_shared>>) target(%dma_start3A_66 : memref<512xf32, #tpu.memory_space<vmem>>) target_semaphore(%arg11 : memref<!tpu.dma_semaphore, #tpu.memory_space<semaphore_mem>>)
    %dma_wait3A = arith.constant 0 : i32
    %dma_wait3A_68 = tpu.memref_slice %arg8[%dma_wait3A] : memref<3584xf32, #tpu.memory_space<vmem>> -> memref<512xf32, #tpu.memory_space<vmem>>
    %dma_wait3A_69 = tpu.memref_slice %arg10[%add3A_14] : memref<114688xf32, #tpu.memory_space<vmem_shared>> -> memref<512xf32, #tpu.memory_space<vmem_shared>>
    %dma_wait3A_70 = arith.constant 0 : i32
    %dma_wait3A_71 = tpu.memref_slice %arg8[%dma_wait3A_70] : memref<3584xf32, #tpu.memory_space<vmem>> -> memref<512xf32, #tpu.memory_space<vmem>>
    %dma_wait3A_72 = tpu.memref_slice %arg10[%add3A_14] : memref<114688xf32, #tpu.memory_space<vmem_shared>> -> memref<512xf32, #tpu.memory_space<vmem_shared>>
    tpu.wait_dma2 semaphore(%arg11 : memref<!tpu.dma_semaphore, #tpu.memory_space<semaphore_mem>>) src(%dma_wait3A_72 : memref<512xf32, #tpu.memory_space<vmem_shared>>) dst(%dma_wait3A_71 : memref<512xf32, #tpu.memory_space<vmem>>)
    %dma_wait3A_73 = arith.constant 512 : i32
    %dma_wait3A_74 = tpu.memref_slice %arg8[%dma_wait3A_73] : memref<3584xf32, #tpu.memory_space<vmem>> -> memref<512xf32, #tpu.memory_space<vmem>>
    %dma_wait3A_75 = tpu.memref_slice %arg10[%add3A_21] : memref<114688xf32, #tpu.memory_space<vmem_shared>> -> memref<512xf32, #tpu.memory_space<vmem_shared>>
    %dma_wait3A_76 = arith.constant 512 : i32
    %dma_wait3A_77 = tpu.memref_slice %arg8[%dma_wait3A_76] : memref<3584xf32, #tpu.memory_space<vmem>> -> memref<512xf32, #tpu.memory_space<vmem>>
    %dma_wait3A_78 = tpu.memref_slice %arg10[%add3A_21] : memref<114688xf32, #tpu.memory_space<vmem_shared>> -> memref<512xf32, #tpu.memory_space<vmem_shared>>
    tpu.wait_dma2 semaphore(%arg11 : memref<!tpu.dma_semaphore, #tpu.memory_space<semaphore_mem>>) src(%dma_wait3A_78 : memref<512xf32, #tpu.memory_space<vmem_shared>>) dst(%dma_wait3A_77 : memref<512xf32, #tpu.memory_space<vmem>>)
    %dma_wait3A_79 = arith.constant 1024 : i32
    %dma_wait3A_80 = tpu.memref_slice %arg8[%dma_wait3A_79] : memref<3584xf32, #tpu.memory_space<vmem>> -> memref<512xf32, #tpu.memory_space<vmem>>
    %dma_wait3A_81 = tpu.memref_slice %arg10[%add3A_29] : memref<114688xf32, #tpu.memory_space<vmem_shared>> -> memref<512xf32, #tpu.memory_space<vmem_shared>>
    %dma_wait3A_82 = arith.constant 1024 : i32
    %dma_wait3A_83 = tpu.memref_slice %arg8[%dma_wait3A_82] : memref<3584xf32, #tpu.memory_space<vmem>> -> memref<512xf32, #tpu.memory_space<vmem>>
    %dma_wait3A_84 = tpu.memref_slice %arg10[%add3A_29] : memref<114688xf32, #tpu.memory_space<vmem_shared>> -> memref<512xf32, #tpu.memory_space<vmem_shared>>
    tpu.wait_dma2 semaphore(%arg11 : memref<!tpu.dma_semaphore, #tpu.memory_space<semaphore_mem>>) src(%dma_wait3A_84 : memref<512xf32, #tpu.memory_space<vmem_shared>>) dst(%dma_wait3A_83 : memref<512xf32, #tpu.memory_space<vmem>>)
    %dma_wait3A_85 = arith.constant 1536 : i32
    %dma_wait3A_86 = tpu.memref_slice %arg8[%dma_wait3A_85] : memref<3584xf32, #tpu.memory_space<vmem>> -> memref<512xf32, #tpu.memory_space<vmem>>
    %dma_wait3A_87 = tpu.memref_slice %arg10[%add3A_37] : memref<114688xf32, #tpu.memory_space<vmem_shared>> -> memref<512xf32, #tpu.memory_space<vmem_shared>>
    %dma_wait3A_88 = arith.constant 1536 : i32
    %dma_wait3A_89 = tpu.memref_slice %arg8[%dma_wait3A_88] : memref<3584xf32, #tpu.memory_space<vmem>> -> memref<512xf32, #tpu.memory_space<vmem>>
    %dma_wait3A_90 = tpu.memref_slice %arg10[%add3A_37] : memref<114688xf32, #tpu.memory_space<vmem_shared>> -> memref<512xf32, #tpu.memory_space<vmem_shared>>
    tpu.wait_dma2 semaphore(%arg11 : memref<!tpu.dma_semaphore, #tpu.memory_space<semaphore_mem>>) src(%dma_wait3A_90 : memref<512xf32, #tpu.memory_space<vmem_shared>>) dst(%dma_wait3A_89 : memref<512xf32, #tpu.memory_space<vmem>>)
    %dma_wait3A_91 = arith.constant 2048 : i32
    %dma_wait3A_92 = tpu.memref_slice %arg8[%dma_wait3A_91] : memref<3584xf32, #tpu.memory_space<vmem>> -> memref<512xf32, #tpu.memory_space<vmem>>
    %dma_wait3A_93 = tpu.memref_slice %arg10[%add3A_45] : memref<114688xf32, #tpu.memory_space<vmem_shared>> -> memref<512xf32, #tpu.memory_space<vmem_shared>>
    %dma_wait3A_94 = arith.constant 2048 : i32
    %dma_wait3A_95 = tpu.memref_slice %arg8[%dma_wait3A_94] : memref<3584xf32, #tpu.memory_space<vmem>> -> memref<512xf32, #tpu.memory_space<vmem>>
    %dma_wait3A_96 = tpu.memref_slice %arg10[%add3A_45] : memref<114688xf32, #tpu.memory_space<vmem_shared>> -> memref<512xf32, #tpu.memory_space<vmem_shared>>
    tpu.wait_dma2 semaphore(%arg11 : memref<!tpu.dma_semaphore, #tpu.memory_space<semaphore_mem>>) src(%dma_wait3A_96 : memref<512xf32, #tpu.memory_space<vmem_shared>>) dst(%dma_wait3A_95 : memref<512xf32, #tpu.memory_space<vmem>>)
    %dma_wait3A_97 = arith.constant 2560 : i32
    %dma_wait3A_98 = tpu.memref_slice %arg8[%dma_wait3A_97] : memref<3584xf32, #tpu.memory_space<vmem>> -> memref<512xf32, #tpu.memory_space<vmem>>
    %dma_wait3A_99 = tpu.memref_slice %arg10[%add3A_53] : memref<114688xf32, #tpu.memory_space<vmem_shared>> -> memref<512xf32, #tpu.memory_space<vmem_shared>>
    %dma_wait3A_100 = arith.constant 2560 : i32
    %dma_wait3A_101 = tpu.memref_slice %arg8[%dma_wait3A_100] : memref<3584xf32, #tpu.memory_space<vmem>> -> memref<512xf32, #tpu.memory_space<vmem>>
    %dma_wait3A_102 = tpu.memref_slice %arg10[%add3A_53] : memref<114688xf32, #tpu.memory_space<vmem_shared>> -> memref<512xf32, #tpu.memory_space<vmem_shared>>
    tpu.wait_dma2 semaphore(%arg11 : memref<!tpu.dma_semaphore, #tpu.memory_space<semaphore_mem>>) src(%dma_wait3A_102 : memref<512xf32, #tpu.memory_space<vmem_shared>>) dst(%dma_wait3A_101 : memref<512xf32, #tpu.memory_space<vmem>>)
    %dma_wait3A_103 = arith.constant 3072 : i32
    %dma_wait3A_104 = tpu.memref_slice %arg8[%dma_wait3A_103] : memref<3584xf32, #tpu.memory_space<vmem>> -> memref<512xf32, #tpu.memory_space<vmem>>
    %dma_wait3A_105 = tpu.memref_slice %arg10[%add3A_61] : memref<114688xf32, #tpu.memory_space<vmem_shared>> -> memref<512xf32, #tpu.memory_space<vmem_shared>>
    %dma_wait3A_106 = arith.constant 3072 : i32
    %dma_wait3A_107 = tpu.memref_slice %arg8[%dma_wait3A_106] : memref<3584xf32, #tpu.memory_space<vmem>> -> memref<512xf32, #tpu.memory_space<vmem>>
    %dma_wait3A_108 = tpu.memref_slice %arg10[%add3A_61] : memref<114688xf32, #tpu.memory_space<vmem_shared>> -> memref<512xf32, #tpu.memory_space<vmem_shared>>
    tpu.wait_dma2 semaphore(%arg11 : memref<!tpu.dma_semaphore, #tpu.memory_space<semaphore_mem>>) src(%dma_wait3A_108 : memref<512xf32, #tpu.memory_space<vmem_shared>>) dst(%dma_wait3A_107 : memref<512xf32, #tpu.memory_space<vmem>>)
    %scan3A = arith.constant 0 : i32
    %scan3A_109 = arith.constant 32 : i32
    %scan3A_110 = arith.addi %scan3A, %scan3A_109 : i32
    %scan3A_111 = arith.constant 2 : i32
    scf.for %scan3A_225 = %scan3A to %scan3A_110 step %scan3A_111  : i32 {
      %mul3A_226 = arith.constant 16 : i32
      %mul3A_227 = arith.muli %scan3A_225, %mul3A_226 : i32
      %add3A_228 = arith.constant 0 : i32
      %add3A_229 = arith.addi %add3A_228, %mul3A_227 : i32
      %get3A = arith.index_cast %add3A_229 : i32 to index
      %get3A_230 = tpu.vector_load %arg8[%get3A] {strides = array<i32>} : memref<3584xf32, #tpu.memory_space<vmem>>, vector<16xf32>,
      %add3A_231 = arith.constant 512 : i32
      %add3A_232 = arith.addi %add3A_231, %add3A_229 : i32
      %get3A_233 = arith.index_cast %add3A_232 : i32 to index
      %get3A_234 = tpu.vector_load %arg8[%get3A_233] {strides = array<i32>} : memref<3584xf32, #tpu.memory_space<vmem>>, vector<16xf32>,
      %add3A_235 = arith.addf %get3A_230, %get3A_234 : vector<16xf32>
      %add3A_236 = arith.constant 1024 : i32
      %add3A_237 = arith.addi %add3A_236, %add3A_229 : i32
      %get3A_238 = arith.index_cast %add3A_237 : i32 to index
      %get3A_239 = tpu.vector_load %arg8[%get3A_238] {strides = array<i32>} : memref<3584xf32, #tpu.memory_space<vmem>>, vector<16xf32>,
      %add3A_240 = arith.addf %add3A_235, %get3A_239 : vector<16xf32>
      %add3A_241 = arith.constant 1536 : i32
      %add3A_242 = arith.addi %add3A_241, %add3A_229 : i32
      %get3A_243 = arith.index_cast %add3A_242 : i32 to index
      %get3A_244 = tpu.vector_load %arg8[%get3A_243] {strides = array<i32>} : memref<3584xf32, #tpu.memory_space<vmem>>, vector<16xf32>,
      %add3A_245 = arith.addf %add3A_240, %get3A_244 : vector<16xf32>
      %add3A_246 = arith.constant 2048 : i32
      %add3A_247 = arith.addi %add3A_246, %add3A_229 : i32
      %get3A_248 = arith.index_cast %add3A_247 : i32 to index
      %get3A_249 = tpu.vector_load %arg8[%get3A_248] {strides = array<i32>} : memref<3584xf32, #tpu.memory_space<vmem>>, vector<16xf32>,
      %add3A_250 = arith.addf %add3A_245, %get3A_249 : vector<16xf32>
      %add3A_251 = arith.constant 2560 : i32
      %add3A_252 = arith.addi %add3A_251, %add3A_229 : i32
      %get3A_253 = arith.index_cast %add3A_252 : i32 to index
      %get3A_254 = tpu.vector_load %arg8[%get3A_253] {strides = array<i32>} : memref<3584xf32, #tpu.memory_space<vmem>>, vector<16xf32>,
      %add3A_255 = arith.addf %add3A_250, %get3A_254 : vector<16xf32>
      %add3A_256 = arith.constant 3072 : i32
      %add3A_257 = arith.addi %add3A_256, %add3A_229 : i32
      %get3A_258 = arith.index_cast %add3A_257 : i32 to index
      %get3A_259 = tpu.vector_load %arg8[%get3A_258] {strides = array<i32>} : memref<3584xf32, #tpu.memory_space<vmem>>, vector<16xf32>,
      %add3A_260 = arith.addf %add3A_255, %get3A_259 : vector<16xf32>
      %add3A_261 = arith.constant 0 : i32
      %add3A_262 = arith.addi %add3A_261, %add3A_229 : i32
      %swap3A = arith.index_cast %add3A_262 : i32 to index
      %swap3A_263 = tpu.vector_load %arg9[%swap3A] {strides = array<i32>} : memref<1024xf32, #tpu.memory_space<vmem>>, vector<16xf32>,
      tpu.vector_store %arg9[%swap3A], %add3A_260 {strides = array<i32>} : memref<1024xf32, #tpu.memory_space<vmem>>, vector<16xf32>,
      %scan3A_264 = arith.constant 1 : i32
      %scan3A_265 = arith.addi %scan3A_225, %scan3A_264 : i32
      %mul3A_266 = arith.constant 16 : i32
      %mul3A_267 = arith.muli %scan3A_265, %mul3A_266 : i32
      %add3A_268 = arith.constant 0 : i32
      %add3A_269 = arith.addi %add3A_268, %mul3A_267 : i32
      %get3A_270 = arith.index_cast %add3A_269 : i32 to index
      %get3A_271 = tpu.vector_load %arg8[%get3A_270] {strides = array<i32>} : memref<3584xf32, #tpu.memory_space<vmem>>, vector<16xf32>,
      %add3A_272 = arith.constant 512 : i32
      %add3A_273 = arith.addi %add3A_272, %add3A_269 : i32
      %get3A_274 = arith.index_cast %add3A_273 : i32 to index
      %get3A_275 = tpu.vector_load %arg8[%get3A_274] {strides = array<i32>} : memref<3584xf32, #tpu.memory_space<vmem>>, vector<16xf32>,
      %add3A_276 = arith.addf %get3A_271, %get3A_275 : vector<16xf32>
      %add3A_277 = arith.constant 1024 : i32
      %add3A_278 = arith.addi %add3A_277, %add3A_269 : i32
      %get3A_279 = arith.index_cast %add3A_278 : i32 to index
      %get3A_280 = tpu.vector_load %arg8[%get3A_279] {strides = array<i32>} : memref<3584xf32, #tpu.memory_space<vmem>>, vector<16xf32>,
      %add3A_281 = arith.addf %add3A_276, %get3A_280 : vector<16xf32>
      %add3A_282 = arith.constant 1536 : i32
      %add3A_283 = arith.addi %add3A_282, %add3A_269 : i32
      %get3A_284 = arith.index_cast %add3A_283 : i32 to index
      %get3A_285 = tpu.vector_load %arg8[%get3A_284] {strides = array<i32>} : memref<3584xf32, #tpu.memory_space<vmem>>, vector<16xf32>,
      %add3A_286 = arith.addf %add3A_281, %get3A_285 : vector<16xf32>
      %add3A_287 = arith.constant 2048 : i32
      %add3A_288 = arith.addi %add3A_287, %add3A_269 : i32
      %get3A_289 = arith.index_cast %add3A_288 : i32 to index
      %get3A_290 = tpu.vector_load %arg8[%get3A_289] {strides = array<i32>} : memref<3584xf32, #tpu.memory_space<vmem>>, vector<16xf32>,
      %add3A_291 = arith.addf %add3A_286, %get3A_290 : vector<16xf32>
      %add3A_292 = arith.constant 2560 : i32
      %add3A_293 = arith.addi %add3A_292, %add3A_269 : i32
      %get3A_294 = arith.index_cast %add3A_293 : i32 to index
      %get3A_295 = tpu.vector_load %arg8[%get3A_294] {strides = array<i32>} : memref<3584xf32, #tpu.memory_space<vmem>>, vector<16xf32>,
      %add3A_296 = arith.addf %add3A_291, %get3A_295 : vector<16xf32>
      %add3A_297 = arith.constant 3072 : i32
      %add3A_298 = arith.addi %add3A_297, %add3A_269 : i32
      %get3A_299 = arith.index_cast %add3A_298 : i32 to index
      %get3A_300 = tpu.vector_load %arg8[%get3A_299] {strides = array<i32>} : memref<3584xf32, #tpu.memory_space<vmem>>, vector<16xf32>,
      %add3A_301 = arith.addf %add3A_296, %get3A_300 : vector<16xf32>
      %add3A_302 = arith.constant 0 : i32
      %add3A_303 = arith.addi %add3A_302, %add3A_269 : i32
      %swap3A_304 = arith.index_cast %add3A_303 : i32 to index
      %swap3A_305 = tpu.vector_load %arg9[%swap3A_304] {strides = array<i32>} : memref<1024xf32, #tpu.memory_space<vmem>>, vector<16xf32>,
      tpu.vector_store %arg9[%swap3A_304], %add3A_301 {strides = array<i32>} : memref<1024xf32, #tpu.memory_space<vmem>>, vector<16xf32>,
    }
    %scan3A_112 = arith.constant 32 : i32
    %mul3A_113 = arith.constant 1024 : i32
    %mul3A_114 = arith.muli %arg1, %mul3A_113 : i32
    %add3A_115 = arith.constant 512 : i32
    %add3A_116 = arith.addi %mul3A_114, %add3A_115 : i32
    %add3A_117 = arith.constant 0 : i32
    %add3A_118 = arith.addi %add3A_117, %add3A_116 : i32
    %dma_start3A_119 = arith.constant 0 : i32
    %dma_start3A_120 = tpu.memref_slice %arg8[%dma_start3A_119] : memref<3584xf32, #tpu.memory_space<vmem>> -> memref<512xf32, #tpu.memory_space<vmem>>
    %dma_start3A_121 = tpu.memref_slice %arg10[%add3A_118] : memref<114688xf32, #tpu.memory_space<vmem_shared>> -> memref<512xf32, #tpu.memory_space<vmem_shared>>
    %dma_start3A_122 = arith.constant 0 : i32
    %dma_start3A_123 = tpu.memref_slice %arg8[%dma_start3A_122] : memref<3584xf32, #tpu.memory_space<vmem>> -> memref<512xf32, #tpu.memory_space<vmem>>
    %dma_start3A_124 = tpu.memref_slice %arg10[%add3A_118] : memref<114688xf32, #tpu.memory_space<vmem_shared>> -> memref<512xf32, #tpu.memory_space<vmem_shared>>
    tpu.enqueue_dma source(%dma_start3A_124 : memref<512xf32, #tpu.memory_space<vmem_shared>>) target(%dma_start3A_123 : memref<512xf32, #tpu.memory_space<vmem>>) target_semaphore(%arg11 : memref<!tpu.dma_semaphore, #tpu.memory_space<semaphore_mem>>)
    %add3A_125 = arith.constant 16384 : i32
    %add3A_126 = arith.addi %add3A_125, %add3A_116 : i32
    %dma_start3A_127 = arith.constant 512 : i32
    %dma_start3A_128 = tpu.memref_slice %arg8[%dma_start3A_127] : memref<3584xf32, #tpu.memory_space<vmem>> -> memref<512xf32, #tpu.memory_space<vmem>>
    %dma_start3A_129 = tpu.memref_slice %arg10[%add3A_126] : memref<114688xf32, #tpu.memory_space<vmem_shared>> -> memref<512xf32, #tpu.memory_space<vmem_shared>>
    %dma_start3A_130 = arith.constant 512 : i32
    %dma_start3A_131 = tpu.memref_slice %arg8[%dma_start3A_130] : memref<3584xf32, #tpu.memory_space<vmem>> -> memref<512xf32, #tpu.memory_space<vmem>>
    %dma_start3A_132 = tpu.memref_slice %arg10[%add3A_126] : memref<114688xf32, #tpu.memory_space<vmem_shared>> -> memref<512xf32, #tpu.memory_space<vmem_shared>>
    tpu.enqueue_dma source(%dma_start3A_132 : memref<512xf32, #tpu.memory_space<vmem_shared>>) target(%dma_start3A_131 : memref<512xf32, #tpu.memory_space<vmem>>) target_semaphore(%arg11 : memref<!tpu.dma_semaphore, #tpu.memory_space<semaphore_mem>>)
    %add3A_133 = arith.constant 32768 : i32
    %add3A_134 = arith.addi %add3A_133, %add3A_116 : i32
    %dma_start3A_135 = arith.constant 1024 : i32
    %dma_start3A_136 = tpu.memref_slice %arg8[%dma_start3A_135] : memref<3584xf32, #tpu.memory_space<vmem>> -> memref<512xf32, #tpu.memory_space<vmem>>
    %dma_start3A_137 = tpu.memref_slice %arg10[%add3A_134] : memref<114688xf32, #tpu.memory_space<vmem_shared>> -> memref<512xf32, #tpu.memory_space<vmem_shared>>
    %dma_start3A_138 = arith.constant 1024 : i32
    %dma_start3A_139 = tpu.memref_slice %arg8[%dma_start3A_138] : memref<3584xf32, #tpu.memory_space<vmem>> -> memref<512xf32, #tpu.memory_space<vmem>>
    %dma_start3A_140 = tpu.memref_slice %arg10[%add3A_134] : memref<114688xf32, #tpu.memory_space<vmem_shared>> -> memref<512xf32, #tpu.memory_space<vmem_shared>>
    tpu.enqueue_dma source(%dma_start3A_140 : memref<512xf32, #tpu.memory_space<vmem_shared>>) target(%dma_start3A_139 : memref<512xf32, #tpu.memory_space<vmem>>) target_semaphore(%arg11 : memref<!tpu.dma_semaphore, #tpu.memory_space<semaphore_mem>>)
    %add3A_141 = arith.constant 49152 : i32
    %add3A_142 = arith.addi %add3A_141, %add3A_116 : i32
    %dma_start3A_143 = arith.constant 1536 : i32
    %dma_start3A_144 = tpu.memref_slice %arg8[%dma_start3A_143] : memref<3584xf32, #tpu.memory_space<vmem>> -> memref<512xf32, #tpu.memory_space<vmem>>
    %dma_start3A_145 = tpu.memref_slice %arg10[%add3A_142] : memref<114688xf32, #tpu.memory_space<vmem_shared>> -> memref<512xf32, #tpu.memory_space<vmem_shared>>
    %dma_start3A_146 = arith.constant 1536 : i32
    %dma_start3A_147 = tpu.memref_slice %arg8[%dma_start3A_146] : memref<3584xf32, #tpu.memory_space<vmem>> -> memref<512xf32, #tpu.memory_space<vmem>>
    %dma_start3A_148 = tpu.memref_slice %arg10[%add3A_142] : memref<114688xf32, #tpu.memory_space<vmem_shared>> -> memref<512xf32, #tpu.memory_space<vmem_shared>>
    tpu.enqueue_dma source(%dma_start3A_148 : memref<512xf32, #tpu.memory_space<vmem_shared>>) target(%dma_start3A_147 : memref<512xf32, #tpu.memory_space<vmem>>) target_semaphore(%arg11 : memref<!tpu.dma_semaphore, #tpu.memory_space<semaphore_mem>>)
    %add3A_149 = arith.constant 65536 : i32
    %add3A_150 = arith.addi %add3A_149, %add3A_116 : i32
    %dma_start3A_151 = arith.constant 2048 : i32
    %dma_start3A_152 = tpu.memref_slice %arg8[%dma_start3A_151] : memref<3584xf32, #tpu.memory_space<vmem>> -> memref<512xf32, #tpu.memory_space<vmem>>
    %dma_start3A_153 = tpu.memref_slice %arg10[%add3A_150] : memref<114688xf32, #tpu.memory_space<vmem_shared>> -> memref<512xf32, #tpu.memory_space<vmem_shared>>
    %dma_start3A_154 = arith.constant 2048 : i32
    %dma_start3A_155 = tpu.memref_slice %arg8[%dma_start3A_154] : memref<3584xf32, #tpu.memory_space<vmem>> -> memref<512xf32, #tpu.memory_space<vmem>>
    %dma_start3A_156 = tpu.memref_slice %arg10[%add3A_150] : memref<114688xf32, #tpu.memory_space<vmem_shared>> -> memref<512xf32, #tpu.memory_space<vmem_shared>>
    tpu.enqueue_dma source(%dma_start3A_156 : memref<512xf32, #tpu.memory_space<vmem_shared>>) target(%dma_start3A_155 : memref<512xf32, #tpu.memory_space<vmem>>) target_semaphore(%arg11 : memref<!tpu.dma_semaphore, #tpu.memory_space<semaphore_mem>>)
    %add3A_157 = arith.constant 81920 : i32
    %add3A_158 = arith.addi %add3A_157, %add3A_116 : i32
    %dma_start3A_159 = arith.constant 2560 : i32
    %dma_start3A_160 = tpu.memref_slice %arg8[%dma_start3A_159] : memref<3584xf32, #tpu.memory_space<vmem>> -> memref<512xf32, #tpu.memory_space<vmem>>
    %dma_start3A_161 = tpu.memref_slice %arg10[%add3A_158] : memref<114688xf32, #tpu.memory_space<vmem_shared>> -> memref<512xf32, #tpu.memory_space<vmem_shared>>
    %dma_start3A_162 = arith.constant 2560 : i32
    %dma_start3A_163 = tpu.memref_slice %arg8[%dma_start3A_162] : memref<3584xf32, #tpu.memory_space<vmem>> -> memref<512xf32, #tpu.memory_space<vmem>>
    %dma_start3A_164 = tpu.memref_slice %arg10[%add3A_158] : memref<114688xf32, #tpu.memory_space<vmem_shared>> -> memref<512xf32, #tpu.memory_space<vmem_shared>>
    tpu.enqueue_dma source(%dma_start3A_164 : memref<512xf32, #tpu.memory_space<vmem_shared>>) target(%dma_start3A_163 : memref<512xf32, #tpu.memory_space<vmem>>) target_semaphore(%arg11 : memref<!tpu.dma_semaphore, #tpu.memory_space<semaphore_mem>>)
    %add3A_165 = arith.constant 98304 : i32
    %add3A_166 = arith.addi %add3A_165, %add3A_116 : i32
    %dma_start3A_167 = arith.constant 3072 : i32
    %dma_start3A_168 = tpu.memref_slice %arg8[%dma_start3A_167] : memref<3584xf32, #tpu.memory_space<vmem>> -> memref<512xf32, #tpu.memory_space<vmem>>
    %dma_start3A_169 = tpu.memref_slice %arg10[%add3A_166] : memref<114688xf32, #tpu.memory_space<vmem_shared>> -> memref<512xf32, #tpu.memory_space<vmem_shared>>
    %dma_start3A_170 = arith.constant 3072 : i32
    %dma_start3A_171 = tpu.memref_slice %arg8[%dma_start3A_170] : memref<3584xf32, #tpu.memory_space<vmem>> -> memref<512xf32, #tpu.memory_space<vmem>>
    %dma_start3A_172 = tpu.memref_slice %arg10[%add3A_166] : memref<114688xf32, #tpu.memory_space<vmem_shared>> -> memref<512xf32, #tpu.memory_space<vmem_shared>>
    tpu.enqueue_dma source(%dma_start3A_172 : memref<512xf32, #tpu.memory_space<vmem_shared>>) target(%dma_start3A_171 : memref<512xf32, #tpu.memory_space<vmem>>) target_semaphore(%arg11 : memref<!tpu.dma_semaphore, #tpu.memory_space<semaphore_mem>>)
    %dma_wait3A_173 = arith.constant 0 : i32
    %dma_wait3A_174 = tpu.memref_slice %arg8[%dma_wait3A_173] : memref<3584xf32, #tpu.memory_space<vmem>> -> memref<512xf32, #tpu.memory_space<vmem>>
    %dma_wait3A_175 = tpu.memref_slice %arg10[%add3A_118] : memref<114688xf32, #tpu.memory_space<vmem_shared>> -> memref<512xf32, #tpu.memory_space<vmem_shared>>
    %dma_wait3A_176 = arith.constant 0 : i32
    %dma_wait3A_177 = tpu.memref_slice %arg8[%dma_wait3A_176] : memref<3584xf32, #tpu.memory_space<vmem>> -> memref<512xf32, #tpu.memory_space<vmem>>
    %dma_wait3A_178 = tpu.memref_slice %arg10[%add3A_118] : memref<114688xf32, #tpu.memory_space<vmem_shared>> -> memref<512xf32, #tpu.memory_space<vmem_shared>>
    tpu.wait_dma2 semaphore(%arg11 : memref<!tpu.dma_semaphore, #tpu.memory_space<semaphore_mem>>) src(%dma_wait3A_178 : memref<512xf32, #tpu.memory_space<vmem_shared>>) dst(%dma_wait3A_177 : memref<512xf32, #tpu.memory_space<vmem>>)
    %dma_wait3A_179 = arith.constant 512 : i32
    %dma_wait3A_180 = tpu.memref_slice %arg8[%dma_wait3A_179] : memref<3584xf32, #tpu.memory_space<vmem>> -> memref<512xf32, #tpu.memory_space<vmem>>
    %dma_wait3A_181 = tpu.memref_slice %arg10[%add3A_126] : memref<114688xf32, #tpu.memory_space<vmem_shared>> -> memref<512xf32, #tpu.memory_space<vmem_shared>>
    %dma_wait3A_182 = arith.constant 512 : i32
    %dma_wait3A_183 = tpu.memref_slice %arg8[%dma_wait3A_182] : memref<3584xf32, #tpu.memory_space<vmem>> -> memref<512xf32, #tpu.memory_space<vmem>>
    %dma_wait3A_184 = tpu.memref_slice %arg10[%add3A_126] : memref<114688xf32, #tpu.memory_space<vmem_shared>> -> memref<512xf32, #tpu.memory_space<vmem_shared>>
    tpu.wait_dma2 semaphore(%arg11 : memref<!tpu.dma_semaphore, #tpu.memory_space<semaphore_mem>>) src(%dma_wait3A_184 : memref<512xf32, #tpu.memory_space<vmem_shared>>) dst(%dma_wait3A_183 : memref<512xf32, #tpu.memory_space<vmem>>)
    %dma_wait3A_185 = arith.constant 1024 : i32
    %dma_wait3A_186 = tpu.memref_slice %arg8[%dma_wait3A_185] : memref<3584xf32, #tpu.memory_space<vmem>> -> memref<512xf32, #tpu.memory_space<vmem>>
    %dma_wait3A_187 = tpu.memref_slice %arg10[%add3A_134] : memref<114688xf32, #tpu.memory_space<vmem_shared>> -> memref<512xf32, #tpu.memory_space<vmem_shared>>
    %dma_wait3A_188 = arith.constant 1024 : i32
    %dma_wait3A_189 = tpu.memref_slice %arg8[%dma_wait3A_188] : memref<3584xf32, #tpu.memory_space<vmem>> -> memref<512xf32, #tpu.memory_space<vmem>>
    %dma_wait3A_190 = tpu.memref_slice %arg10[%add3A_134] : memref<114688xf32, #tpu.memory_space<vmem_shared>> -> memref<512xf32, #tpu.memory_space<vmem_shared>>
    tpu.wait_dma2 semaphore(%arg11 : memref<!tpu.dma_semaphore, #tpu.memory_space<semaphore_mem>>) src(%dma_wait3A_190 : memref<512xf32, #tpu.memory_space<vmem_shared>>) dst(%dma_wait3A_189 : memref<512xf32, #tpu.memory_space<vmem>>)
    %dma_wait3A_191 = arith.constant 1536 : i32
    %dma_wait3A_192 = tpu.memref_slice %arg8[%dma_wait3A_191] : memref<3584xf32, #tpu.memory_space<vmem>> -> memref<512xf32, #tpu.memory_space<vmem>>
    %dma_wait3A_193 = tpu.memref_slice %arg10[%add3A_142] : memref<114688xf32, #tpu.memory_space<vmem_shared>> -> memref<512xf32, #tpu.memory_space<vmem_shared>>
    %dma_wait3A_194 = arith.constant 1536 : i32
    %dma_wait3A_195 = tpu.memref_slice %arg8[%dma_wait3A_194] : memref<3584xf32, #tpu.memory_space<vmem>> -> memref<512xf32, #tpu.memory_space<vmem>>
    %dma_wait3A_196 = tpu.memref_slice %arg10[%add3A_142] : memref<114688xf32, #tpu.memory_space<vmem_shared>> -> memref<512xf32, #tpu.memory_space<vmem_shared>>
    tpu.wait_dma2 semaphore(%arg11 : memref<!tpu.dma_semaphore, #tpu.memory_space<semaphore_mem>>) src(%dma_wait3A_196 : memref<512xf32, #tpu.memory_space<vmem_shared>>) dst(%dma_wait3A_195 : memref<512xf32, #tpu.memory_space<vmem>>)
    %dma_wait3A_197 = arith.constant 2048 : i32
    %dma_wait3A_198 = tpu.memref_slice %arg8[%dma_wait3A_197] : memref<3584xf32, #tpu.memory_space<vmem>> -> memref<512xf32, #tpu.memory_space<vmem>>
    %dma_wait3A_199 = tpu.memref_slice %arg10[%add3A_150] : memref<114688xf32, #tpu.memory_space<vmem_shared>> -> memref<512xf32, #tpu.memory_space<vmem_shared>>
    %dma_wait3A_200 = arith.constant 2048 : i32
    %dma_wait3A_201 = tpu.memref_slice %arg8[%dma_wait3A_200] : memref<3584xf32, #tpu.memory_space<vmem>> -> memref<512xf32, #tpu.memory_space<vmem>>
    %dma_wait3A_202 = tpu.memref_slice %arg10[%add3A_150] : memref<114688xf32, #tpu.memory_space<vmem_shared>> -> memref<512xf32, #tpu.memory_space<vmem_shared>>
    tpu.wait_dma2 semaphore(%arg11 : memref<!tpu.dma_semaphore, #tpu.memory_space<semaphore_mem>>) src(%dma_wait3A_202 : memref<512xf32, #tpu.memory_space<vmem_shared>>) dst(%dma_wait3A_201 : memref<512xf32, #tpu.memory_space<vmem>>)
    %dma_wait3A_203 = arith.constant 2560 : i32
    %dma_wait3A_204 = tpu.memref_slice %arg8[%dma_wait3A_203] : memref<3584xf32, #tpu.memory_space<vmem>> -> memref<512xf32, #tpu.memory_space<vmem>>
    %dma_wait3A_205 = tpu.memref_slice %arg10[%add3A_158] : memref<114688xf32, #tpu.memory_space<vmem_shared>> -> memref<512xf32, #tpu.memory_space<vmem_shared>>
    %dma_wait3A_206 = arith.constant 2560 : i32
    %dma_wait3A_207 = tpu.memref_slice %arg8[%dma_wait3A_206] : memref<3584xf32, #tpu.memory_space<vmem>> -> memref<512xf32, #tpu.memory_space<vmem>>
    %dma_wait3A_208 = tpu.memref_slice %arg10[%add3A_158] : memref<114688xf32, #tpu.memory_space<vmem_shared>> -> memref<512xf32, #tpu.memory_space<vmem_shared>>
    tpu.wait_dma2 semaphore(%arg11 : memref<!tpu.dma_semaphore, #tpu.memory_space<semaphore_mem>>) src(%dma_wait3A_208 : memref<512xf32, #tpu.memory_space<vmem_shared>>) dst(%dma_wait3A_207 : memref<512xf32, #tpu.memory_space<vmem>>)
    %dma_wait3A_209 = arith.constant 3072 : i32
    %dma_wait3A_210 = tpu.memref_slice %arg8[%dma_wait3A_209] : memref<3584xf32, #tpu.memory_space<vmem>> -> memref<512xf32, #tpu.memory_space<vmem>>
    %dma_wait3A_211 = tpu.memref_slice %arg10[%add3A_166] : memref<114688xf32, #tpu.memory_space<vmem_shared>> -> memref<512xf32, #tpu.memory_space<vmem_shared>>
    %dma_wait3A_212 = arith.constant 3072 : i32
    %dma_wait3A_213 = tpu.memref_slice %arg8[%dma_wait3A_212] : memref<3584xf32, #tpu.memory_space<vmem>> -> memref<512xf32, #tpu.memory_space<vmem>>
    %dma_wait3A_214 = tpu.memref_slice %arg10[%add3A_166] : memref<114688xf32, #tpu.memory_space<vmem_shared>> -> memref<512xf32, #tpu.memory_space<vmem_shared>>
    tpu.wait_dma2 semaphore(%arg11 : memref<!tpu.dma_semaphore, #tpu.memory_space<semaphore_mem>>) src(%dma_wait3A_214 : memref<512xf32, #tpu.memory_space<vmem_shared>>) dst(%dma_wait3A_213 : memref<512xf32, #tpu.memory_space<vmem>>)
    %scan3A_215 = arith.constant 0 : i32
    %scan3A_216 = arith.constant 32 : i32
    %scan3A_217 = arith.addi %scan3A_215, %scan3A_216 : i32
    %scan3A_218 = arith.constant 2 : i32
    scf.for %scan3A_225 = %scan3A_215 to %scan3A_217 step %scan3A_218  : i32 {
      %mul3A_226 = arith.constant 16 : i32
      %mul3A_227 = arith.muli %scan3A_225, %mul3A_226 : i32
      %add3A_228 = arith.constant 0 : i32
      %add3A_229 = arith.addi %add3A_228, %mul3A_227 : i32
      %get3A = arith.index_cast %add3A_229 : i32 to index
      %get3A_230 = tpu.vector_load %arg8[%get3A] {strides = array<i32>} : memref<3584xf32, #tpu.memory_space<vmem>>, vector<16xf32>,
      %add3A_231 = arith.constant 512 : i32
      %add3A_232 = arith.addi %add3A_231, %add3A_229 : i32
      %get3A_233 = arith.index_cast %add3A_232 : i32 to index
      %get3A_234 = tpu.vector_load %arg8[%get3A_233] {strides = array<i32>} : memref<3584xf32, #tpu.memory_space<vmem>>, vector<16xf32>,
      %add3A_235 = arith.addf %get3A_230, %get3A_234 : vector<16xf32>
      %add3A_236 = arith.constant 1024 : i32
      %add3A_237 = arith.addi %add3A_236, %add3A_229 : i32
      %get3A_238 = arith.index_cast %add3A_237 : i32 to index
      %get3A_239 = tpu.vector_load %arg8[%get3A_238] {strides = array<i32>} : memref<3584xf32, #tpu.memory_space<vmem>>, vector<16xf32>,
      %add3A_240 = arith.addf %add3A_235, %get3A_239 : vector<16xf32>
      %add3A_241 = arith.constant 1536 : i32
      %add3A_242 = arith.addi %add3A_241, %add3A_229 : i32
      %get3A_243 = arith.index_cast %add3A_242 : i32 to index
      %get3A_244 = tpu.vector_load %arg8[%get3A_243] {strides = array<i32>} : memref<3584xf32, #tpu.memory_space<vmem>>, vector<16xf32>,
      %add3A_245 = arith.addf %add3A_240, %get3A_244 : vector<16xf32>
      %add3A_246 = arith.constant 2048 : i32
      %add3A_247 = arith.addi %add3A_246, %add3A_229 : i32
      %get3A_248 = arith.index_cast %add3A_247 : i32 to index
      %get3A_249 = tpu.vector_load %arg8[%get3A_248] {strides = array<i32>} : memref<3584xf32, #tpu.memory_space<vmem>>, vector<16xf32>,
      %add3A_250 = arith.addf %add3A_245, %get3A_249 : vector<16xf32>
      %add3A_251 = arith.constant 2560 : i32
      %add3A_252 = arith.addi %add3A_251, %add3A_229 : i32
      %get3A_253 = arith.index_cast %add3A_252 : i32 to index
      %get3A_254 = tpu.vector_load %arg8[%get3A_253] {strides = array<i32>} : memref<3584xf32, #tpu.memory_space<vmem>>, vector<16xf32>,
      %add3A_255 = arith.addf %add3A_250, %get3A_254 : vector<16xf32>
      %add3A_256 = arith.constant 3072 : i32
      %add3A_257 = arith.addi %add3A_256, %add3A_229 : i32
      %get3A_258 = arith.index_cast %add3A_257 : i32 to index
      %get3A_259 = tpu.vector_load %arg8[%get3A_258] {strides = array<i32>} : memref<3584xf32, #tpu.memory_space<vmem>>, vector<16xf32>,
      %add3A_260 = arith.addf %add3A_255, %get3A_259 : vector<16xf32>
      %add3A_261 = arith.constant 512 : i32
      %add3A_262 = arith.addi %add3A_261, %add3A_229 : i32
      %swap3A = arith.index_cast %add3A_262 : i32 to index
      %swap3A_263 = tpu.vector_load %arg9[%swap3A] {strides = array<i32>} : memref<1024xf32, #tpu.memory_space<vmem>>, vector<16xf32>,
      tpu.vector_store %arg9[%swap3A], %add3A_260 {strides = array<i32>} : memref<1024xf32, #tpu.memory_space<vmem>>, vector<16xf32>,
      %scan3A_264 = arith.constant 1 : i32
      %scan3A_265 = arith.addi %scan3A_225, %scan3A_264 : i32
      %mul3A_266 = arith.constant 16 : i32
      %mul3A_267 = arith.muli %scan3A_265, %mul3A_266 : i32
      %add3A_268 = arith.constant 0 : i32
      %add3A_269 = arith.addi %add3A_268, %mul3A_267 : i32
      %get3A_270 = arith.index_cast %add3A_269 : i32 to index
      %get3A_271 = tpu.vector_load %arg8[%get3A_270] {strides = array<i32>} : memref<3584xf32, #tpu.memory_space<vmem>>, vector<16xf32>,
      %add3A_272 = arith.constant 512 : i32
      %add3A_273 = arith.addi %add3A_272, %add3A_269 : i32
      %get3A_274 = arith.index_cast %add3A_273 : i32 to index
      %get3A_275 = tpu.vector_load %arg8[%get3A_274] {strides = array<i32>} : memref<3584xf32, #tpu.memory_space<vmem>>, vector<16xf32>,
      %add3A_276 = arith.addf %get3A_271, %get3A_275 : vector<16xf32>
      %add3A_277 = arith.constant 1024 : i32
      %add3A_278 = arith.addi %add3A_277, %add3A_269 : i32
      %get3A_279 = arith.index_cast %add3A_278 : i32 to index
      %get3A_280 = tpu.vector_load %arg8[%get3A_279] {strides = array<i32>} : memref<3584xf32, #tpu.memory_space<vmem>>, vector<16xf32>,
      %add3A_281 = arith.addf %add3A_276, %get3A_280 : vector<16xf32>
      %add3A_282 = arith.constant 1536 : i32
      %add3A_283 = arith.addi %add3A_282, %add3A_269 : i32
      %get3A_284 = arith.index_cast %add3A_283 : i32 to index
      %get3A_285 = tpu.vector_load %arg8[%get3A_284] {strides = array<i32>} : memref<3584xf32, #tpu.memory_space<vmem>>, vector<16xf32>,
      %add3A_286 = arith.addf %add3A_281, %get3A_285 : vector<16xf32>
      %add3A_287 = arith.constant 2048 : i32
      %add3A_288 = arith.addi %add3A_287, %add3A_269 : i32
      %get3A_289 = arith.index_cast %add3A_288 : i32 to index
      %get3A_290 = tpu.vector_load %arg8[%get3A_289] {strides = array<i32>} : memref<3584xf32, #tpu.memory_space<vmem>>, vector<16xf32>,
      %add3A_291 = arith.addf %add3A_286, %get3A_290 : vector<16xf32>
      %add3A_292 = arith.constant 2560 : i32
      %add3A_293 = arith.addi %add3A_292, %add3A_269 : i32
      %get3A_294 = arith.index_cast %add3A_293 : i32 to index
      %get3A_295 = tpu.vector_load %arg8[%get3A_294] {strides = array<i32>} : memref<3584xf32, #tpu.memory_space<vmem>>, vector<16xf32>,
      %add3A_296 = arith.addf %add3A_291, %get3A_295 : vector<16xf32>
      %add3A_297 = arith.constant 3072 : i32
      %add3A_298 = arith.addi %add3A_297, %add3A_269 : i32
      %get3A_299 = arith.index_cast %add3A_298 : i32 to index
      %get3A_300 = tpu.vector_load %arg8[%get3A_299] {strides = array<i32>} : memref<3584xf32, #tpu.memory_space<vmem>>, vector<16xf32>,
      %add3A_301 = arith.addf %add3A_296, %get3A_300 : vector<16xf32>
      %add3A_302 = arith.constant 512 : i32
      %add3A_303 = arith.addi %add3A_302, %add3A_269 : i32
      %swap3A_304 = arith.index_cast %add3A_303 : i32 to index
      %swap3A_305 = tpu.vector_load %arg9[%swap3A_304] {strides = array<i32>} : memref<1024xf32, #tpu.memory_space<vmem>>, vector<16xf32>,
      tpu.vector_store %arg9[%swap3A_304], %add3A_301 {strides = array<i32>} : memref<1024xf32, #tpu.memory_space<vmem>>, vector<16xf32>,
    }
    %scan3A_219 = arith.constant 32 : i32
    %mul3A_220 = arith.constant 16384 : i32
    %mul3A_221 = arith.muli %arg0, %mul3A_220 : i32
    %mul3A_222 = arith.constant 1024 : i32
    %mul3A_223 = arith.muli %arg1, %mul3A_222 : i32
    %add3A_224 = arith.addi %mul3A_221, %mul3A_223 : i32
    "tpu.region"() ({
      %run_scoped3A = tpu.sem_alloc : memref<!tpu.dma_semaphore, #tpu.memory_space<semaphore_mem>>
      %dma_start3A_225 = tpu.memref_slice %arg4[%add3A_224] : memref<32768xf32, #tpu.memory_space<hbm>> -> memref<1024xf32, #tpu.memory_space<hbm>>
      %dma_start3A_226 = tpu.memref_slice %arg4[%add3A_224] : memref<32768xf32, #tpu.memory_space<hbm>> -> memref<1024xf32, #tpu.memory_space<hbm>>
      tpu.enqueue_dma source(%arg9 : memref<1024xf32, #tpu.memory_space<vmem>>) target(%dma_start3A_226 : memref<1024xf32, #tpu.memory_space<hbm>>) target_semaphore(%run_scoped3A : memref<!tpu.dma_semaphore, #tpu.memory_space<semaphore_mem>>)
      %dma_wait3A_227 = tpu.memref_slice %arg4[%add3A_224] : memref<32768xf32, #tpu.memory_space<hbm>> -> memref<1024xf32, #tpu.memory_space<hbm>>
      %dma_wait3A_228 = tpu.memref_slice %arg4[%add3A_224] : memref<32768xf32, #tpu.memory_space<hbm>> -> memref<1024xf32, #tpu.memory_space<hbm>>
      tpu.wait_dma2 semaphore(%run_scoped3A : memref<!tpu.dma_semaphore, #tpu.memory_space<semaphore_mem>>) src(%arg9 : memref<1024xf32, #tpu.memory_space<vmem>>) dst(%dma_wait3A_228 : memref<1024xf32, #tpu.memory_space<hbm>>)
      tpu.yield
    }) : () -> ()
    return
  }
}

#map = affine_map<(d0, d1) -> (0, 0)>
#map1 = affine_map<(d0, d1) -> (0)>
module attributes {stable_mosaic.version = 14 : i64} {
  func.func @sc_fields_1(%arg0: i32, %arg1: i32, %arg2: memref<26x16384xi32, #tpu.memory_space<hbm>>, %arg3: memref<1300000xf32, #tpu.memory_space<hbm>>, %arg4: memref<32768xf32, #tpu.memory_space<hbm>>, %arg5: memref<100096xf32, #tpu.memory_space<vmem>>, %arg6: memref<4096xi32, #tpu.memory_space<vmem>>, %arg7: memref<2048xf32, #tpu.memory_space<vmem>>, %arg8: memref<3584xf32, #tpu.memory_space<vmem>>, %arg9: memref<1024xf32, #tpu.memory_space<vmem>>, %arg10: memref<114688xf32, #tpu.memory_space<vmem_shared>>, %arg11: memref<!tpu.dma_semaphore, #tpu.memory_space<semaphore_mem>>, %arg12: memref<!tpu.dma_semaphore, #tpu.memory_space<semaphore_mem>>, %arg13: memref<!tpu.dma_semaphore, #tpu.memory_space<semaphore_mem>>, %arg14: memref<!tpu.dma_semaphore, #tpu.memory_space<semaphore_mem>>) attributes {dimension_semantics = [#tpu.dimension_semantics<core_parallel>, #tpu.dimension_semantics<subcore_parallel>], iteration_bounds = array<i64: 2, 16>, scalar_prefetch = 0 : i64, scratch_operands = 10 : i64, tpu.core_type = #tpu.core_type<sc_vector_subcore>, window_params = [{transform_indices = #map}, {transform_indices = #map1}, {transform_indices = #map1}]} {
    %mul3A = arith.constant 7 : i32
    %mul3A_0 = arith.muli %arg0, %mul3A : i32
    %add3A = arith.addi %mul3A_0, %arg1 : i32
    %sub3A = arith.constant 7 : i32
    %sub3A_1 = arith.subi %sub3A, %arg0 : i32
    %lt3A = arith.cmpi slt, %arg1, %sub3A_1 : i32
    %convert_element_type3A = arith.extui %lt3A : i1 to i32
    %cond3A = arith.constant 0 : i32
    %cond3A_2 = arith.cmpi ne, %convert_element_type3A, %cond3A : i32
    scf.if %cond3A_2 {
      %add3A_225 = arith.constant 13 : i32
      %add3A_226 = arith.addi %add3A_225, %add3A : i32
      %mul3A_227 = arith.constant 100000 : i32
      %mul3A_228 = arith.muli %add3A, %mul3A_227 : i32
      %dma_start3A_229 = arith.constant 0 : i32
      %dma_start3A_230 = tpu.memref_slice %arg5[%dma_start3A_229] : memref<100096xf32, #tpu.memory_space<vmem>> -> memref<100000xf32, #tpu.memory_space<vmem>>
      %dma_start3A_231 = tpu.memref_slice %arg3[%mul3A_228] : memref<1300000xf32, #tpu.memory_space<hbm>> -> memref<100000xf32, #tpu.memory_space<hbm>>
      %dma_start3A_232 = arith.constant 0 : i32
      %dma_start3A_233 = tpu.memref_slice %arg5[%dma_start3A_232] : memref<100096xf32, #tpu.memory_space<vmem>> -> memref<100000xf32, #tpu.memory_space<vmem>>
      %dma_start3A_234 = tpu.memref_slice %arg3[%mul3A_228] : memref<1300000xf32, #tpu.memory_space<hbm>> -> memref<100000xf32, #tpu.memory_space<hbm>>
      tpu.enqueue_dma source(%dma_start3A_234 : memref<100000xf32, #tpu.memory_space<hbm>>) target(%dma_start3A_233 : memref<100000xf32, #tpu.memory_space<vmem>>) target_semaphore(%arg12 : memref<!tpu.dma_semaphore, #tpu.memory_space<semaphore_mem>>)
      %dma_start3A_235 = arith.constant 0 : i32
      %dma_start3A_236 = tpu.memref_slice %arg6[%dma_start3A_235] : memref<4096xi32, #tpu.memory_space<vmem>> -> memref<2048xi32, #tpu.memory_space<vmem>>
      %dma_start3A_237 = arith.constant 0 : i32
      %dma_start3A_238 = tpu.memref_slice %arg2[%add3A_226, %dma_start3A_237] : memref<26x16384xi32, #tpu.memory_space<hbm>> -> memref<1x2048xi32, #tpu.memory_space<hbm>>
      %dma_start3A_239 = tpu.memref_squeeze %dma_start3A_238 : memref<1x2048xi32, #tpu.memory_space<hbm>> -> memref<2048xi32, #tpu.memory_space<hbm>>
      %dma_start3A_240 = arith.constant 0 : i32
      %dma_start3A_241 = tpu.memref_slice %arg6[%dma_start3A_240] : memref<4096xi32, #tpu.memory_space<vmem>> -> memref<2048xi32, #tpu.memory_space<vmem>>
      %dma_start3A_242 = arith.constant 0 : i32
      %dma_start3A_243 = tpu.memref_slice %arg2[%add3A_226, %dma_start3A_242] : memref<26x16384xi32, #tpu.memory_space<hbm>> -> memref<1x2048xi32, #tpu.memory_space<hbm>>
      %dma_start3A_244 = tpu.memref_squeeze %dma_start3A_243 : memref<1x2048xi32, #tpu.memory_space<hbm>> -> memref<2048xi32, #tpu.memory_space<hbm>>
      tpu.enqueue_dma source(%dma_start3A_244 : memref<2048xi32, #tpu.memory_space<hbm>>) target(%dma_start3A_241 : memref<2048xi32, #tpu.memory_space<vmem>>) target_semaphore(%arg13 : memref<!tpu.dma_semaphore, #tpu.memory_space<semaphore_mem>>)
      %dma_wait3A_245 = arith.constant 0 : i32
      %dma_wait3A_246 = tpu.memref_slice %arg5[%dma_wait3A_245] : memref<100096xf32, #tpu.memory_space<vmem>> -> memref<100000xf32, #tpu.memory_space<vmem>>
      %dma_wait3A_247 = tpu.memref_slice %arg3[%mul3A_228] : memref<1300000xf32, #tpu.memory_space<hbm>> -> memref<100000xf32, #tpu.memory_space<hbm>>
      %dma_wait3A_248 = arith.constant 0 : i32
      %dma_wait3A_249 = tpu.memref_slice %arg5[%dma_wait3A_248] : memref<100096xf32, #tpu.memory_space<vmem>> -> memref<100000xf32, #tpu.memory_space<vmem>>
      %dma_wait3A_250 = tpu.memref_slice %arg3[%mul3A_228] : memref<1300000xf32, #tpu.memory_space<hbm>> -> memref<100000xf32, #tpu.memory_space<hbm>>
      tpu.wait_dma2 semaphore(%arg12 : memref<!tpu.dma_semaphore, #tpu.memory_space<semaphore_mem>>) src(%dma_wait3A_250 : memref<100000xf32, #tpu.memory_space<hbm>>) dst(%dma_wait3A_249 : memref<100000xf32, #tpu.memory_space<vmem>>)
      %dma_start3A_251 = arith.constant 2048 : i32
      %dma_start3A_252 = tpu.memref_slice %arg6[%dma_start3A_251] : memref<4096xi32, #tpu.memory_space<vmem>> -> memref<2048xi32, #tpu.memory_space<vmem>>
      %dma_start3A_253 = arith.constant 2048 : i32
      %dma_start3A_254 = tpu.memref_slice %arg2[%add3A_226, %dma_start3A_253] : memref<26x16384xi32, #tpu.memory_space<hbm>> -> memref<1x2048xi32, #tpu.memory_space<hbm>>
      %dma_start3A_255 = tpu.memref_squeeze %dma_start3A_254 : memref<1x2048xi32, #tpu.memory_space<hbm>> -> memref<2048xi32, #tpu.memory_space<hbm>>
      %dma_start3A_256 = arith.constant 2048 : i32
      %dma_start3A_257 = tpu.memref_slice %arg6[%dma_start3A_256] : memref<4096xi32, #tpu.memory_space<vmem>> -> memref<2048xi32, #tpu.memory_space<vmem>>
      %dma_start3A_258 = arith.constant 2048 : i32
      %dma_start3A_259 = tpu.memref_slice %arg2[%add3A_226, %dma_start3A_258] : memref<26x16384xi32, #tpu.memory_space<hbm>> -> memref<1x2048xi32, #tpu.memory_space<hbm>>
      %dma_start3A_260 = tpu.memref_squeeze %dma_start3A_259 : memref<1x2048xi32, #tpu.memory_space<hbm>> -> memref<2048xi32, #tpu.memory_space<hbm>>
      tpu.enqueue_dma source(%dma_start3A_260 : memref<2048xi32, #tpu.memory_space<hbm>>) target(%dma_start3A_257 : memref<2048xi32, #tpu.memory_space<vmem>>) target_semaphore(%arg14 : memref<!tpu.dma_semaphore, #tpu.memory_space<semaphore_mem>>)
      %dma_wait3A_261 = arith.constant 0 : i32
      %dma_wait3A_262 = tpu.memref_slice %arg6[%dma_wait3A_261] : memref<4096xi32, #tpu.memory_space<vmem>> -> memref<2048xi32, #tpu.memory_space<vmem>>
      %dma_wait3A_263 = arith.constant 0 : i32
      %dma_wait3A_264 = tpu.memref_slice %arg2[%add3A_226, %dma_wait3A_263] : memref<26x16384xi32, #tpu.memory_space<hbm>> -> memref<1x2048xi32, #tpu.memory_space<hbm>>
      %dma_wait3A_265 = tpu.memref_squeeze %dma_wait3A_264 : memref<1x2048xi32, #tpu.memory_space<hbm>> -> memref<2048xi32, #tpu.memory_space<hbm>>
      %dma_wait3A_266 = arith.constant 0 : i32
      %dma_wait3A_267 = tpu.memref_slice %arg6[%dma_wait3A_266] : memref<4096xi32, #tpu.memory_space<vmem>> -> memref<2048xi32, #tpu.memory_space<vmem>>
      %dma_wait3A_268 = arith.constant 0 : i32
      %dma_wait3A_269 = tpu.memref_slice %arg2[%add3A_226, %dma_wait3A_268] : memref<26x16384xi32, #tpu.memory_space<hbm>> -> memref<1x2048xi32, #tpu.memory_space<hbm>>
      %dma_wait3A_270 = tpu.memref_squeeze %dma_wait3A_269 : memref<1x2048xi32, #tpu.memory_space<hbm>> -> memref<2048xi32, #tpu.memory_space<hbm>>
      tpu.wait_dma2 semaphore(%arg13 : memref<!tpu.dma_semaphore, #tpu.memory_space<semaphore_mem>>) src(%dma_wait3A_270 : memref<2048xi32, #tpu.memory_space<hbm>>) dst(%dma_wait3A_267 : memref<2048xi32, #tpu.memory_space<vmem>>)
      %scan3A_271 = arith.constant 0 : i32
      %scan3A_272 = arith.constant 128 : i32
      %scan3A_273 = arith.addi %scan3A_271, %scan3A_272 : i32
      %scan3A_274 = arith.constant 4 : i32
      scf.for %scan3A_473 = %scan3A_271 to %scan3A_273 step %scan3A_274  : i32 {
        %mul3A_474 = arith.constant 16 : i32
        %mul3A_475 = arith.muli %scan3A_473, %mul3A_474 : i32
        %add3A_476 = arith.constant 0 : i32
        %add3A_477 = arith.addi %add3A_476, %mul3A_475 : i32
        %add3A_478 = arith.constant 0 : i32
        %add3A_479 = arith.addi %add3A_478, %add3A_477 : i32
        %get3A = arith.index_cast %add3A_479 : i32 to index
        %get3A_480 = tpu.vector_load %arg6[%get3A] {strides = array<i32>} : memref<4096xi32, #tpu.memory_space<vmem>>, vector<16xi32>,
        %gather3A = tpu.vector_load_idx %arg5[%get3A_480] : memref<100096xf32, #tpu.memory_space<vmem>>[vector<16xi32>], vector<16xf32>,
        %swap3A = arith.index_cast %add3A_477 : i32 to index
        %swap3A_481 = tpu.vector_load %arg7[%swap3A] {strides = array<i32>} : memref<2048xf32, #tpu.memory_space<vmem>>, vector<16xf32>,
        tpu.vector_store %arg7[%swap3A], %gather3A {strides = array<i32>} : memref<2048xf32, #tpu.memory_space<vmem>>, vector<16xf32>,
        %scan3A_482 = arith.constant 1 : i32
        %scan3A_483 = arith.addi %scan3A_473, %scan3A_482 : i32
        %mul3A_484 = arith.constant 16 : i32
        %mul3A_485 = arith.muli %scan3A_483, %mul3A_484 : i32
        %add3A_486 = arith.constant 0 : i32
        %add3A_487 = arith.addi %add3A_486, %mul3A_485 : i32
        %add3A_488 = arith.constant 0 : i32
        %add3A_489 = arith.addi %add3A_488, %add3A_487 : i32
        %get3A_490 = arith.index_cast %add3A_489 : i32 to index
        %get3A_491 = tpu.vector_load %arg6[%get3A_490] {strides = array<i32>} : memref<4096xi32, #tpu.memory_space<vmem>>, vector<16xi32>,
        %gather3A_492 = tpu.vector_load_idx %arg5[%get3A_491] : memref<100096xf32, #tpu.memory_space<vmem>>[vector<16xi32>], vector<16xf32>,
        %swap3A_493 = arith.index_cast %add3A_487 : i32 to index
        %swap3A_494 = tpu.vector_load %arg7[%swap3A_493] {strides = array<i32>} : memref<2048xf32, #tpu.memory_space<vmem>>, vector<16xf32>,
        tpu.vector_store %arg7[%swap3A_493], %gather3A_492 {strides = array<i32>} : memref<2048xf32, #tpu.memory_space<vmem>>, vector<16xf32>,
        %scan3A_495 = arith.constant 2 : i32
        %scan3A_496 = arith.addi %scan3A_473, %scan3A_495 : i32
        %mul3A_497 = arith.constant 16 : i32
        %mul3A_498 = arith.muli %scan3A_496, %mul3A_497 : i32
        %add3A_499 = arith.constant 0 : i32
        %add3A_500 = arith.addi %add3A_499, %mul3A_498 : i32
        %add3A_501 = arith.constant 0 : i32
        %add3A_502 = arith.addi %add3A_501, %add3A_500 : i32
        %get3A_503 = arith.index_cast %add3A_502 : i32 to index
        %get3A_504 = tpu.vector_load %arg6[%get3A_503] {strides = array<i32>} : memref<4096xi32, #tpu.memory_space<vmem>>, vector<16xi32>,
        %gather3A_505 = tpu.vector_load_idx %arg5[%get3A_504] : memref<100096xf32, #tpu.memory_space<vmem>>[vector<16xi32>], vector<16xf32>,
        %swap3A_506 = arith.index_cast %add3A_500 : i32 to index
        %swap3A_507 = tpu.vector_load %arg7[%swap3A_506] {strides = array<i32>} : memref<2048xf32, #tpu.memory_space<vmem>>, vector<16xf32>,
        tpu.vector_store %arg7[%swap3A_506], %gather3A_505 {strides = array<i32>} : memref<2048xf32, #tpu.memory_space<vmem>>, vector<16xf32>,
        %scan3A_508 = arith.constant 3 : i32
        %scan3A_509 = arith.addi %scan3A_473, %scan3A_508 : i32
        %mul3A_510 = arith.constant 16 : i32
        %mul3A_511 = arith.muli %scan3A_509, %mul3A_510 : i32
        %add3A_512 = arith.constant 0 : i32
        %add3A_513 = arith.addi %add3A_512, %mul3A_511 : i32
        %add3A_514 = arith.constant 0 : i32
        %add3A_515 = arith.addi %add3A_514, %add3A_513 : i32
        %get3A_516 = arith.index_cast %add3A_515 : i32 to index
        %get3A_517 = tpu.vector_load %arg6[%get3A_516] {strides = array<i32>} : memref<4096xi32, #tpu.memory_space<vmem>>, vector<16xi32>,
        %gather3A_518 = tpu.vector_load_idx %arg5[%get3A_517] : memref<100096xf32, #tpu.memory_space<vmem>>[vector<16xi32>], vector<16xf32>,
        %swap3A_519 = arith.index_cast %add3A_513 : i32 to index
        %swap3A_520 = tpu.vector_load %arg7[%swap3A_519] {strides = array<i32>} : memref<2048xf32, #tpu.memory_space<vmem>>, vector<16xf32>,
        tpu.vector_store %arg7[%swap3A_519], %gather3A_518 {strides = array<i32>} : memref<2048xf32, #tpu.memory_space<vmem>>, vector<16xf32>,
      }
      %scan3A_275 = arith.constant 128 : i32
      %mul3A_276 = arith.constant 16384 : i32
      %mul3A_277 = arith.muli %arg1, %mul3A_276 : i32
      %add3A_278 = arith.constant 0 : i32
      %add3A_279 = arith.addi %mul3A_277, %add3A_278 : i32
      "tpu.region"() ({
        %run_scoped3A = tpu.sem_alloc : memref<!tpu.dma_semaphore, #tpu.memory_space<semaphore_mem>>
        %dma_start3A_473 = tpu.memref_slice %arg10[%add3A_279] : memref<114688xf32, #tpu.memory_space<vmem_shared>> -> memref<2048xf32, #tpu.memory_space<vmem_shared>>
        %dma_start3A_474 = tpu.memref_slice %arg10[%add3A_279] : memref<114688xf32, #tpu.memory_space<vmem_shared>> -> memref<2048xf32, #tpu.memory_space<vmem_shared>>
        tpu.enqueue_dma source(%arg7 : memref<2048xf32, #tpu.memory_space<vmem>>) target(%dma_start3A_474 : memref<2048xf32, #tpu.memory_space<vmem_shared>>) target_semaphore(%run_scoped3A : memref<!tpu.dma_semaphore, #tpu.memory_space<semaphore_mem>>)
        %dma_wait3A_475 = tpu.memref_slice %arg10[%add3A_279] : memref<114688xf32, #tpu.memory_space<vmem_shared>> -> memref<2048xf32, #tpu.memory_space<vmem_shared>>
        %dma_wait3A_476 = tpu.memref_slice %arg10[%add3A_279] : memref<114688xf32, #tpu.memory_space<vmem_shared>> -> memref<2048xf32, #tpu.memory_space<vmem_shared>>
        tpu.wait_dma2 semaphore(%run_scoped3A : memref<!tpu.dma_semaphore, #tpu.memory_space<semaphore_mem>>) src(%arg7 : memref<2048xf32, #tpu.memory_space<vmem>>) dst(%dma_wait3A_476 : memref<2048xf32, #tpu.memory_space<vmem_shared>>)
        tpu.yield
      }) : () -> ()
      %dma_start3A_280 = arith.constant 0 : i32
      %dma_start3A_281 = tpu.memref_slice %arg6[%dma_start3A_280] : memref<4096xi32, #tpu.memory_space<vmem>> -> memref<2048xi32, #tpu.memory_space<vmem>>
      %dma_start3A_282 = arith.constant 4096 : i32
      %dma_start3A_283 = tpu.memref_slice %arg2[%add3A_226, %dma_start3A_282] : memref<26x16384xi32, #tpu.memory_space<hbm>> -> memref<1x2048xi32, #tpu.memory_space<hbm>>
      %dma_start3A_284 = tpu.memref_squeeze %dma_start3A_283 : memref<1x2048xi32, #tpu.memory_space<hbm>> -> memref<2048xi32, #tpu.memory_space<hbm>>
      %dma_start3A_285 = arith.constant 0 : i32
      %dma_start3A_286 = tpu.memref_slice %arg6[%dma_start3A_285] : memref<4096xi32, #tpu.memory_space<vmem>> -> memref<2048xi32, #tpu.memory_space<vmem>>
      %dma_start3A_287 = arith.constant 4096 : i32
      %dma_start3A_288 = tpu.memref_slice %arg2[%add3A_226, %dma_start3A_287] : memref<26x16384xi32, #tpu.memory_space<hbm>> -> memref<1x2048xi32, #tpu.memory_space<hbm>>
      %dma_start3A_289 = tpu.memref_squeeze %dma_start3A_288 : memref<1x2048xi32, #tpu.memory_space<hbm>> -> memref<2048xi32, #tpu.memory_space<hbm>>
      tpu.enqueue_dma source(%dma_start3A_289 : memref<2048xi32, #tpu.memory_space<hbm>>) target(%dma_start3A_286 : memref<2048xi32, #tpu.memory_space<vmem>>) target_semaphore(%arg13 : memref<!tpu.dma_semaphore, #tpu.memory_space<semaphore_mem>>)
      %dma_wait3A_290 = arith.constant 2048 : i32
      %dma_wait3A_291 = tpu.memref_slice %arg6[%dma_wait3A_290] : memref<4096xi32, #tpu.memory_space<vmem>> -> memref<2048xi32, #tpu.memory_space<vmem>>
      %dma_wait3A_292 = arith.constant 2048 : i32
      %dma_wait3A_293 = tpu.memref_slice %arg2[%add3A_226, %dma_wait3A_292] : memref<26x16384xi32, #tpu.memory_space<hbm>> -> memref<1x2048xi32, #tpu.memory_space<hbm>>
      %dma_wait3A_294 = tpu.memref_squeeze %dma_wait3A_293 : memref<1x2048xi32, #tpu.memory_space<hbm>> -> memref<2048xi32, #tpu.memory_space<hbm>>
      %dma_wait3A_295 = arith.constant 2048 : i32
      %dma_wait3A_296 = tpu.memref_slice %arg6[%dma_wait3A_295] : memref<4096xi32, #tpu.memory_space<vmem>> -> memref<2048xi32, #tpu.memory_space<vmem>>
      %dma_wait3A_297 = arith.constant 2048 : i32
      %dma_wait3A_298 = tpu.memref_slice %arg2[%add3A_226, %dma_wait3A_297] : memref<26x16384xi32, #tpu.memory_space<hbm>> -> memref<1x2048xi32, #tpu.memory_space<hbm>>
      %dma_wait3A_299 = tpu.memref_squeeze %dma_wait3A_298 : memref<1x2048xi32, #tpu.memory_space<hbm>> -> memref<2048xi32, #tpu.memory_space<hbm>>
      tpu.wait_dma2 semaphore(%arg14 : memref<!tpu.dma_semaphore, #tpu.memory_space<semaphore_mem>>) src(%dma_wait3A_299 : memref<2048xi32, #tpu.memory_space<hbm>>) dst(%dma_wait3A_296 : memref<2048xi32, #tpu.memory_space<vmem>>)
      %scan3A_300 = arith.constant 0 : i32
      %scan3A_301 = arith.constant 128 : i32
      %scan3A_302 = arith.addi %scan3A_300, %scan3A_301 : i32
      %scan3A_303 = arith.constant 4 : i32
      scf.for %scan3A_473 = %scan3A_300 to %scan3A_302 step %scan3A_303  : i32 {
        %mul3A_474 = arith.constant 16 : i32
        %mul3A_475 = arith.muli %scan3A_473, %mul3A_474 : i32
        %add3A_476 = arith.constant 0 : i32
        %add3A_477 = arith.addi %add3A_476, %mul3A_475 : i32
        %add3A_478 = arith.constant 2048 : i32
        %add3A_479 = arith.addi %add3A_478, %add3A_477 : i32
        %get3A = arith.index_cast %add3A_479 : i32 to index
        %get3A_480 = tpu.vector_load %arg6[%get3A] {strides = array<i32>} : memref<4096xi32, #tpu.memory_space<vmem>>, vector<16xi32>,
        %gather3A = tpu.vector_load_idx %arg5[%get3A_480] : memref<100096xf32, #tpu.memory_space<vmem>>[vector<16xi32>], vector<16xf32>,
        %swap3A = arith.index_cast %add3A_477 : i32 to index
        %swap3A_481 = tpu.vector_load %arg7[%swap3A] {strides = array<i32>} : memref<2048xf32, #tpu.memory_space<vmem>>, vector<16xf32>,
        tpu.vector_store %arg7[%swap3A], %gather3A {strides = array<i32>} : memref<2048xf32, #tpu.memory_space<vmem>>, vector<16xf32>,
        %scan3A_482 = arith.constant 1 : i32
        %scan3A_483 = arith.addi %scan3A_473, %scan3A_482 : i32
        %mul3A_484 = arith.constant 16 : i32
        %mul3A_485 = arith.muli %scan3A_483, %mul3A_484 : i32
        %add3A_486 = arith.constant 0 : i32
        %add3A_487 = arith.addi %add3A_486, %mul3A_485 : i32
        %add3A_488 = arith.constant 2048 : i32
        %add3A_489 = arith.addi %add3A_488, %add3A_487 : i32
        %get3A_490 = arith.index_cast %add3A_489 : i32 to index
        %get3A_491 = tpu.vector_load %arg6[%get3A_490] {strides = array<i32>} : memref<4096xi32, #tpu.memory_space<vmem>>, vector<16xi32>,
        %gather3A_492 = tpu.vector_load_idx %arg5[%get3A_491] : memref<100096xf32, #tpu.memory_space<vmem>>[vector<16xi32>], vector<16xf32>,
        %swap3A_493 = arith.index_cast %add3A_487 : i32 to index
        %swap3A_494 = tpu.vector_load %arg7[%swap3A_493] {strides = array<i32>} : memref<2048xf32, #tpu.memory_space<vmem>>, vector<16xf32>,
        tpu.vector_store %arg7[%swap3A_493], %gather3A_492 {strides = array<i32>} : memref<2048xf32, #tpu.memory_space<vmem>>, vector<16xf32>,
        %scan3A_495 = arith.constant 2 : i32
        %scan3A_496 = arith.addi %scan3A_473, %scan3A_495 : i32
        %mul3A_497 = arith.constant 16 : i32
        %mul3A_498 = arith.muli %scan3A_496, %mul3A_497 : i32
        %add3A_499 = arith.constant 0 : i32
        %add3A_500 = arith.addi %add3A_499, %mul3A_498 : i32
        %add3A_501 = arith.constant 2048 : i32
        %add3A_502 = arith.addi %add3A_501, %add3A_500 : i32
        %get3A_503 = arith.index_cast %add3A_502 : i32 to index
        %get3A_504 = tpu.vector_load %arg6[%get3A_503] {strides = array<i32>} : memref<4096xi32, #tpu.memory_space<vmem>>, vector<16xi32>,
        %gather3A_505 = tpu.vector_load_idx %arg5[%get3A_504] : memref<100096xf32, #tpu.memory_space<vmem>>[vector<16xi32>], vector<16xf32>,
        %swap3A_506 = arith.index_cast %add3A_500 : i32 to index
        %swap3A_507 = tpu.vector_load %arg7[%swap3A_506] {strides = array<i32>} : memref<2048xf32, #tpu.memory_space<vmem>>, vector<16xf32>,
        tpu.vector_store %arg7[%swap3A_506], %gather3A_505 {strides = array<i32>} : memref<2048xf32, #tpu.memory_space<vmem>>, vector<16xf32>,
        %scan3A_508 = arith.constant 3 : i32
        %scan3A_509 = arith.addi %scan3A_473, %scan3A_508 : i32
        %mul3A_510 = arith.constant 16 : i32
        %mul3A_511 = arith.muli %scan3A_509, %mul3A_510 : i32
        %add3A_512 = arith.constant 0 : i32
        %add3A_513 = arith.addi %add3A_512, %mul3A_511 : i32
        %add3A_514 = arith.constant 2048 : i32
        %add3A_515 = arith.addi %add3A_514, %add3A_513 : i32
        %get3A_516 = arith.index_cast %add3A_515 : i32 to index
        %get3A_517 = tpu.vector_load %arg6[%get3A_516] {strides = array<i32>} : memref<4096xi32, #tpu.memory_space<vmem>>, vector<16xi32>,
        %gather3A_518 = tpu.vector_load_idx %arg5[%get3A_517] : memref<100096xf32, #tpu.memory_space<vmem>>[vector<16xi32>], vector<16xf32>,
        %swap3A_519 = arith.index_cast %add3A_513 : i32 to index
        %swap3A_520 = tpu.vector_load %arg7[%swap3A_519] {strides = array<i32>} : memref<2048xf32, #tpu.memory_space<vmem>>, vector<16xf32>,
        tpu.vector_store %arg7[%swap3A_519], %gather3A_518 {strides = array<i32>} : memref<2048xf32, #tpu.memory_space<vmem>>, vector<16xf32>,
      }
      %scan3A_304 = arith.constant 128 : i32
      %mul3A_305 = arith.constant 16384 : i32
      %mul3A_306 = arith.muli %arg1, %mul3A_305 : i32
      %add3A_307 = arith.constant 2048 : i32
      %add3A_308 = arith.addi %mul3A_306, %add3A_307 : i32
      "tpu.region"() ({
        %run_scoped3A = tpu.sem_alloc : memref<!tpu.dma_semaphore, #tpu.memory_space<semaphore_mem>>
        %dma_start3A_473 = tpu.memref_slice %arg10[%add3A_308] : memref<114688xf32, #tpu.memory_space<vmem_shared>> -> memref<2048xf32, #tpu.memory_space<vmem_shared>>
        %dma_start3A_474 = tpu.memref_slice %arg10[%add3A_308] : memref<114688xf32, #tpu.memory_space<vmem_shared>> -> memref<2048xf32, #tpu.memory_space<vmem_shared>>
        tpu.enqueue_dma source(%arg7 : memref<2048xf32, #tpu.memory_space<vmem>>) target(%dma_start3A_474 : memref<2048xf32, #tpu.memory_space<vmem_shared>>) target_semaphore(%run_scoped3A : memref<!tpu.dma_semaphore, #tpu.memory_space<semaphore_mem>>)
        %dma_wait3A_475 = tpu.memref_slice %arg10[%add3A_308] : memref<114688xf32, #tpu.memory_space<vmem_shared>> -> memref<2048xf32, #tpu.memory_space<vmem_shared>>
        %dma_wait3A_476 = tpu.memref_slice %arg10[%add3A_308] : memref<114688xf32, #tpu.memory_space<vmem_shared>> -> memref<2048xf32, #tpu.memory_space<vmem_shared>>
        tpu.wait_dma2 semaphore(%run_scoped3A : memref<!tpu.dma_semaphore, #tpu.memory_space<semaphore_mem>>) src(%arg7 : memref<2048xf32, #tpu.memory_space<vmem>>) dst(%dma_wait3A_476 : memref<2048xf32, #tpu.memory_space<vmem_shared>>)
        tpu.yield
      }) : () -> ()
      %dma_start3A_309 = arith.constant 2048 : i32
      %dma_start3A_310 = tpu.memref_slice %arg6[%dma_start3A_309] : memref<4096xi32, #tpu.memory_space<vmem>> -> memref<2048xi32, #tpu.memory_space<vmem>>
      %dma_start3A_311 = arith.constant 6144 : i32
      %dma_start3A_312 = tpu.memref_slice %arg2[%add3A_226, %dma_start3A_311] : memref<26x16384xi32, #tpu.memory_space<hbm>> -> memref<1x2048xi32, #tpu.memory_space<hbm>>
      %dma_start3A_313 = tpu.memref_squeeze %dma_start3A_312 : memref<1x2048xi32, #tpu.memory_space<hbm>> -> memref<2048xi32, #tpu.memory_space<hbm>>
      %dma_start3A_314 = arith.constant 2048 : i32
      %dma_start3A_315 = tpu.memref_slice %arg6[%dma_start3A_314] : memref<4096xi32, #tpu.memory_space<vmem>> -> memref<2048xi32, #tpu.memory_space<vmem>>
      %dma_start3A_316 = arith.constant 6144 : i32
      %dma_start3A_317 = tpu.memref_slice %arg2[%add3A_226, %dma_start3A_316] : memref<26x16384xi32, #tpu.memory_space<hbm>> -> memref<1x2048xi32, #tpu.memory_space<hbm>>
      %dma_start3A_318 = tpu.memref_squeeze %dma_start3A_317 : memref<1x2048xi32, #tpu.memory_space<hbm>> -> memref<2048xi32, #tpu.memory_space<hbm>>
      tpu.enqueue_dma source(%dma_start3A_318 : memref<2048xi32, #tpu.memory_space<hbm>>) target(%dma_start3A_315 : memref<2048xi32, #tpu.memory_space<vmem>>) target_semaphore(%arg14 : memref<!tpu.dma_semaphore, #tpu.memory_space<semaphore_mem>>)
      %dma_wait3A_319 = arith.constant 0 : i32
      %dma_wait3A_320 = tpu.memref_slice %arg6[%dma_wait3A_319] : memref<4096xi32, #tpu.memory_space<vmem>> -> memref<2048xi32, #tpu.memory_space<vmem>>
      %dma_wait3A_321 = arith.constant 4096 : i32
      %dma_wait3A_322 = tpu.memref_slice %arg2[%add3A_226, %dma_wait3A_321] : memref<26x16384xi32, #tpu.memory_space<hbm>> -> memref<1x2048xi32, #tpu.memory_space<hbm>>
      %dma_wait3A_323 = tpu.memref_squeeze %dma_wait3A_322 : memref<1x2048xi32, #tpu.memory_space<hbm>> -> memref<2048xi32, #tpu.memory_space<hbm>>
      %dma_wait3A_324 = arith.constant 0 : i32
      %dma_wait3A_325 = tpu.memref_slice %arg6[%dma_wait3A_324] : memref<4096xi32, #tpu.memory_space<vmem>> -> memref<2048xi32, #tpu.memory_space<vmem>>
      %dma_wait3A_326 = arith.constant 4096 : i32
      %dma_wait3A_327 = tpu.memref_slice %arg2[%add3A_226, %dma_wait3A_326] : memref<26x16384xi32, #tpu.memory_space<hbm>> -> memref<1x2048xi32, #tpu.memory_space<hbm>>
      %dma_wait3A_328 = tpu.memref_squeeze %dma_wait3A_327 : memref<1x2048xi32, #tpu.memory_space<hbm>> -> memref<2048xi32, #tpu.memory_space<hbm>>
      tpu.wait_dma2 semaphore(%arg13 : memref<!tpu.dma_semaphore, #tpu.memory_space<semaphore_mem>>) src(%dma_wait3A_328 : memref<2048xi32, #tpu.memory_space<hbm>>) dst(%dma_wait3A_325 : memref<2048xi32, #tpu.memory_space<vmem>>)
      %scan3A_329 = arith.constant 0 : i32
      %scan3A_330 = arith.constant 128 : i32
      %scan3A_331 = arith.addi %scan3A_329, %scan3A_330 : i32
      %scan3A_332 = arith.constant 4 : i32
      scf.for %scan3A_473 = %scan3A_329 to %scan3A_331 step %scan3A_332  : i32 {
        %mul3A_474 = arith.constant 16 : i32
        %mul3A_475 = arith.muli %scan3A_473, %mul3A_474 : i32
        %add3A_476 = arith.constant 0 : i32
        %add3A_477 = arith.addi %add3A_476, %mul3A_475 : i32
        %add3A_478 = arith.constant 0 : i32
        %add3A_479 = arith.addi %add3A_478, %add3A_477 : i32
        %get3A = arith.index_cast %add3A_479 : i32 to index
        %get3A_480 = tpu.vector_load %arg6[%get3A] {strides = array<i32>} : memref<4096xi32, #tpu.memory_space<vmem>>, vector<16xi32>,
        %gather3A = tpu.vector_load_idx %arg5[%get3A_480] : memref<100096xf32, #tpu.memory_space<vmem>>[vector<16xi32>], vector<16xf32>,
        %swap3A = arith.index_cast %add3A_477 : i32 to index
        %swap3A_481 = tpu.vector_load %arg7[%swap3A] {strides = array<i32>} : memref<2048xf32, #tpu.memory_space<vmem>>, vector<16xf32>,
        tpu.vector_store %arg7[%swap3A], %gather3A {strides = array<i32>} : memref<2048xf32, #tpu.memory_space<vmem>>, vector<16xf32>,
        %scan3A_482 = arith.constant 1 : i32
        %scan3A_483 = arith.addi %scan3A_473, %scan3A_482 : i32
        %mul3A_484 = arith.constant 16 : i32
        %mul3A_485 = arith.muli %scan3A_483, %mul3A_484 : i32
        %add3A_486 = arith.constant 0 : i32
        %add3A_487 = arith.addi %add3A_486, %mul3A_485 : i32
        %add3A_488 = arith.constant 0 : i32
        %add3A_489 = arith.addi %add3A_488, %add3A_487 : i32
        %get3A_490 = arith.index_cast %add3A_489 : i32 to index
        %get3A_491 = tpu.vector_load %arg6[%get3A_490] {strides = array<i32>} : memref<4096xi32, #tpu.memory_space<vmem>>, vector<16xi32>,
        %gather3A_492 = tpu.vector_load_idx %arg5[%get3A_491] : memref<100096xf32, #tpu.memory_space<vmem>>[vector<16xi32>], vector<16xf32>,
        %swap3A_493 = arith.index_cast %add3A_487 : i32 to index
        %swap3A_494 = tpu.vector_load %arg7[%swap3A_493] {strides = array<i32>} : memref<2048xf32, #tpu.memory_space<vmem>>, vector<16xf32>,
        tpu.vector_store %arg7[%swap3A_493], %gather3A_492 {strides = array<i32>} : memref<2048xf32, #tpu.memory_space<vmem>>, vector<16xf32>,
        %scan3A_495 = arith.constant 2 : i32
        %scan3A_496 = arith.addi %scan3A_473, %scan3A_495 : i32
        %mul3A_497 = arith.constant 16 : i32
        %mul3A_498 = arith.muli %scan3A_496, %mul3A_497 : i32
        %add3A_499 = arith.constant 0 : i32
        %add3A_500 = arith.addi %add3A_499, %mul3A_498 : i32
        %add3A_501 = arith.constant 0 : i32
        %add3A_502 = arith.addi %add3A_501, %add3A_500 : i32
        %get3A_503 = arith.index_cast %add3A_502 : i32 to index
        %get3A_504 = tpu.vector_load %arg6[%get3A_503] {strides = array<i32>} : memref<4096xi32, #tpu.memory_space<vmem>>, vector<16xi32>,
        %gather3A_505 = tpu.vector_load_idx %arg5[%get3A_504] : memref<100096xf32, #tpu.memory_space<vmem>>[vector<16xi32>], vector<16xf32>,
        %swap3A_506 = arith.index_cast %add3A_500 : i32 to index
        %swap3A_507 = tpu.vector_load %arg7[%swap3A_506] {strides = array<i32>} : memref<2048xf32, #tpu.memory_space<vmem>>, vector<16xf32>,
        tpu.vector_store %arg7[%swap3A_506], %gather3A_505 {strides = array<i32>} : memref<2048xf32, #tpu.memory_space<vmem>>, vector<16xf32>,
        %scan3A_508 = arith.constant 3 : i32
        %scan3A_509 = arith.addi %scan3A_473, %scan3A_508 : i32
        %mul3A_510 = arith.constant 16 : i32
        %mul3A_511 = arith.muli %scan3A_509, %mul3A_510 : i32
        %add3A_512 = arith.constant 0 : i32
        %add3A_513 = arith.addi %add3A_512, %mul3A_511 : i32
        %add3A_514 = arith.constant 0 : i32
        %add3A_515 = arith.addi %add3A_514, %add3A_513 : i32
        %get3A_516 = arith.index_cast %add3A_515 : i32 to index
        %get3A_517 = tpu.vector_load %arg6[%get3A_516] {strides = array<i32>} : memref<4096xi32, #tpu.memory_space<vmem>>, vector<16xi32>,
        %gather3A_518 = tpu.vector_load_idx %arg5[%get3A_517] : memref<100096xf32, #tpu.memory_space<vmem>>[vector<16xi32>], vector<16xf32>,
        %swap3A_519 = arith.index_cast %add3A_513 : i32 to index
        %swap3A_520 = tpu.vector_load %arg7[%swap3A_519] {strides = array<i32>} : memref<2048xf32, #tpu.memory_space<vmem>>, vector<16xf32>,
        tpu.vector_store %arg7[%swap3A_519], %gather3A_518 {strides = array<i32>} : memref<2048xf32, #tpu.memory_space<vmem>>, vector<16xf32>,
      }
      %scan3A_333 = arith.constant 128 : i32
      %mul3A_334 = arith.constant 16384 : i32
      %mul3A_335 = arith.muli %arg1, %mul3A_334 : i32
      %add3A_336 = arith.constant 4096 : i32
      %add3A_337 = arith.addi %mul3A_335, %add3A_336 : i32
      "tpu.region"() ({
        %run_scoped3A = tpu.sem_alloc : memref<!tpu.dma_semaphore, #tpu.memory_space<semaphore_mem>>
        %dma_start3A_473 = tpu.memref_slice %arg10[%add3A_337] : memref<114688xf32, #tpu.memory_space<vmem_shared>> -> memref<2048xf32, #tpu.memory_space<vmem_shared>>
        %dma_start3A_474 = tpu.memref_slice %arg10[%add3A_337] : memref<114688xf32, #tpu.memory_space<vmem_shared>> -> memref<2048xf32, #tpu.memory_space<vmem_shared>>
        tpu.enqueue_dma source(%arg7 : memref<2048xf32, #tpu.memory_space<vmem>>) target(%dma_start3A_474 : memref<2048xf32, #tpu.memory_space<vmem_shared>>) target_semaphore(%run_scoped3A : memref<!tpu.dma_semaphore, #tpu.memory_space<semaphore_mem>>)
        %dma_wait3A_475 = tpu.memref_slice %arg10[%add3A_337] : memref<114688xf32, #tpu.memory_space<vmem_shared>> -> memref<2048xf32, #tpu.memory_space<vmem_shared>>
        %dma_wait3A_476 = tpu.memref_slice %arg10[%add3A_337] : memref<114688xf32, #tpu.memory_space<vmem_shared>> -> memref<2048xf32, #tpu.memory_space<vmem_shared>>
        tpu.wait_dma2 semaphore(%run_scoped3A : memref<!tpu.dma_semaphore, #tpu.memory_space<semaphore_mem>>) src(%arg7 : memref<2048xf32, #tpu.memory_space<vmem>>) dst(%dma_wait3A_476 : memref<2048xf32, #tpu.memory_space<vmem_shared>>)
        tpu.yield
      }) : () -> ()
      %dma_start3A_338 = arith.constant 0 : i32
      %dma_start3A_339 = tpu.memref_slice %arg6[%dma_start3A_338] : memref<4096xi32, #tpu.memory_space<vmem>> -> memref<2048xi32, #tpu.memory_space<vmem>>
      %dma_start3A_340 = arith.constant 8192 : i32
      %dma_start3A_341 = tpu.memref_slice %arg2[%add3A_226, %dma_start3A_340] : memref<26x16384xi32, #tpu.memory_space<hbm>> -> memref<1x2048xi32, #tpu.memory_space<hbm>>
      %dma_start3A_342 = tpu.memref_squeeze %dma_start3A_341 : memref<1x2048xi32, #tpu.memory_space<hbm>> -> memref<2048xi32, #tpu.memory_space<hbm>>
      %dma_start3A_343 = arith.constant 0 : i32
      %dma_start3A_344 = tpu.memref_slice %arg6[%dma_start3A_343] : memref<4096xi32, #tpu.memory_space<vmem>> -> memref<2048xi32, #tpu.memory_space<vmem>>
      %dma_start3A_345 = arith.constant 8192 : i32
      %dma_start3A_346 = tpu.memref_slice %arg2[%add3A_226, %dma_start3A_345] : memref<26x16384xi32, #tpu.memory_space<hbm>> -> memref<1x2048xi32, #tpu.memory_space<hbm>>
      %dma_start3A_347 = tpu.memref_squeeze %dma_start3A_346 : memref<1x2048xi32, #tpu.memory_space<hbm>> -> memref<2048xi32, #tpu.memory_space<hbm>>
      tpu.enqueue_dma source(%dma_start3A_347 : memref<2048xi32, #tpu.memory_space<hbm>>) target(%dma_start3A_344 : memref<2048xi32, #tpu.memory_space<vmem>>) target_semaphore(%arg13 : memref<!tpu.dma_semaphore, #tpu.memory_space<semaphore_mem>>)
      %dma_wait3A_348 = arith.constant 2048 : i32
      %dma_wait3A_349 = tpu.memref_slice %arg6[%dma_wait3A_348] : memref<4096xi32, #tpu.memory_space<vmem>> -> memref<2048xi32, #tpu.memory_space<vmem>>
      %dma_wait3A_350 = arith.constant 6144 : i32
      %dma_wait3A_351 = tpu.memref_slice %arg2[%add3A_226, %dma_wait3A_350] : memref<26x16384xi32, #tpu.memory_space<hbm>> -> memref<1x2048xi32, #tpu.memory_space<hbm>>
      %dma_wait3A_352 = tpu.memref_squeeze %dma_wait3A_351 : memref<1x2048xi32, #tpu.memory_space<hbm>> -> memref<2048xi32, #tpu.memory_space<hbm>>
      %dma_wait3A_353 = arith.constant 2048 : i32
      %dma_wait3A_354 = tpu.memref_slice %arg6[%dma_wait3A_353] : memref<4096xi32, #tpu.memory_space<vmem>> -> memref<2048xi32, #tpu.memory_space<vmem>>
      %dma_wait3A_355 = arith.constant 6144 : i32
      %dma_wait3A_356 = tpu.memref_slice %arg2[%add3A_226, %dma_wait3A_355] : memref<26x16384xi32, #tpu.memory_space<hbm>> -> memref<1x2048xi32, #tpu.memory_space<hbm>>
      %dma_wait3A_357 = tpu.memref_squeeze %dma_wait3A_356 : memref<1x2048xi32, #tpu.memory_space<hbm>> -> memref<2048xi32, #tpu.memory_space<hbm>>
      tpu.wait_dma2 semaphore(%arg14 : memref<!tpu.dma_semaphore, #tpu.memory_space<semaphore_mem>>) src(%dma_wait3A_357 : memref<2048xi32, #tpu.memory_space<hbm>>) dst(%dma_wait3A_354 : memref<2048xi32, #tpu.memory_space<vmem>>)
      %scan3A_358 = arith.constant 0 : i32
      %scan3A_359 = arith.constant 128 : i32
      %scan3A_360 = arith.addi %scan3A_358, %scan3A_359 : i32
      %scan3A_361 = arith.constant 4 : i32
      scf.for %scan3A_473 = %scan3A_358 to %scan3A_360 step %scan3A_361  : i32 {
        %mul3A_474 = arith.constant 16 : i32
        %mul3A_475 = arith.muli %scan3A_473, %mul3A_474 : i32
        %add3A_476 = arith.constant 0 : i32
        %add3A_477 = arith.addi %add3A_476, %mul3A_475 : i32
        %add3A_478 = arith.constant 2048 : i32
        %add3A_479 = arith.addi %add3A_478, %add3A_477 : i32
        %get3A = arith.index_cast %add3A_479 : i32 to index
        %get3A_480 = tpu.vector_load %arg6[%get3A] {strides = array<i32>} : memref<4096xi32, #tpu.memory_space<vmem>>, vector<16xi32>,
        %gather3A = tpu.vector_load_idx %arg5[%get3A_480] : memref<100096xf32, #tpu.memory_space<vmem>>[vector<16xi32>], vector<16xf32>,
        %swap3A = arith.index_cast %add3A_477 : i32 to index
        %swap3A_481 = tpu.vector_load %arg7[%swap3A] {strides = array<i32>} : memref<2048xf32, #tpu.memory_space<vmem>>, vector<16xf32>,
        tpu.vector_store %arg7[%swap3A], %gather3A {strides = array<i32>} : memref<2048xf32, #tpu.memory_space<vmem>>, vector<16xf32>,
        %scan3A_482 = arith.constant 1 : i32
        %scan3A_483 = arith.addi %scan3A_473, %scan3A_482 : i32
        %mul3A_484 = arith.constant 16 : i32
        %mul3A_485 = arith.muli %scan3A_483, %mul3A_484 : i32
        %add3A_486 = arith.constant 0 : i32
        %add3A_487 = arith.addi %add3A_486, %mul3A_485 : i32
        %add3A_488 = arith.constant 2048 : i32
        %add3A_489 = arith.addi %add3A_488, %add3A_487 : i32
        %get3A_490 = arith.index_cast %add3A_489 : i32 to index
        %get3A_491 = tpu.vector_load %arg6[%get3A_490] {strides = array<i32>} : memref<4096xi32, #tpu.memory_space<vmem>>, vector<16xi32>,
        %gather3A_492 = tpu.vector_load_idx %arg5[%get3A_491] : memref<100096xf32, #tpu.memory_space<vmem>>[vector<16xi32>], vector<16xf32>,
        %swap3A_493 = arith.index_cast %add3A_487 : i32 to index
        %swap3A_494 = tpu.vector_load %arg7[%swap3A_493] {strides = array<i32>} : memref<2048xf32, #tpu.memory_space<vmem>>, vector<16xf32>,
        tpu.vector_store %arg7[%swap3A_493], %gather3A_492 {strides = array<i32>} : memref<2048xf32, #tpu.memory_space<vmem>>, vector<16xf32>,
        %scan3A_495 = arith.constant 2 : i32
        %scan3A_496 = arith.addi %scan3A_473, %scan3A_495 : i32
        %mul3A_497 = arith.constant 16 : i32
        %mul3A_498 = arith.muli %scan3A_496, %mul3A_497 : i32
        %add3A_499 = arith.constant 0 : i32
        %add3A_500 = arith.addi %add3A_499, %mul3A_498 : i32
        %add3A_501 = arith.constant 2048 : i32
        %add3A_502 = arith.addi %add3A_501, %add3A_500 : i32
        %get3A_503 = arith.index_cast %add3A_502 : i32 to index
        %get3A_504 = tpu.vector_load %arg6[%get3A_503] {strides = array<i32>} : memref<4096xi32, #tpu.memory_space<vmem>>, vector<16xi32>,
        %gather3A_505 = tpu.vector_load_idx %arg5[%get3A_504] : memref<100096xf32, #tpu.memory_space<vmem>>[vector<16xi32>], vector<16xf32>,
        %swap3A_506 = arith.index_cast %add3A_500 : i32 to index
        %swap3A_507 = tpu.vector_load %arg7[%swap3A_506] {strides = array<i32>} : memref<2048xf32, #tpu.memory_space<vmem>>, vector<16xf32>,
        tpu.vector_store %arg7[%swap3A_506], %gather3A_505 {strides = array<i32>} : memref<2048xf32, #tpu.memory_space<vmem>>, vector<16xf32>,
        %scan3A_508 = arith.constant 3 : i32
        %scan3A_509 = arith.addi %scan3A_473, %scan3A_508 : i32
        %mul3A_510 = arith.constant 16 : i32
        %mul3A_511 = arith.muli %scan3A_509, %mul3A_510 : i32
        %add3A_512 = arith.constant 0 : i32
        %add3A_513 = arith.addi %add3A_512, %mul3A_511 : i32
        %add3A_514 = arith.constant 2048 : i32
        %add3A_515 = arith.addi %add3A_514, %add3A_513 : i32
        %get3A_516 = arith.index_cast %add3A_515 : i32 to index
        %get3A_517 = tpu.vector_load %arg6[%get3A_516] {strides = array<i32>} : memref<4096xi32, #tpu.memory_space<vmem>>, vector<16xi32>,
        %gather3A_518 = tpu.vector_load_idx %arg5[%get3A_517] : memref<100096xf32, #tpu.memory_space<vmem>>[vector<16xi32>], vector<16xf32>,
        %swap3A_519 = arith.index_cast %add3A_513 : i32 to index
        %swap3A_520 = tpu.vector_load %arg7[%swap3A_519] {strides = array<i32>} : memref<2048xf32, #tpu.memory_space<vmem>>, vector<16xf32>,
        tpu.vector_store %arg7[%swap3A_519], %gather3A_518 {strides = array<i32>} : memref<2048xf32, #tpu.memory_space<vmem>>, vector<16xf32>,
      }
      %scan3A_362 = arith.constant 128 : i32
      %mul3A_363 = arith.constant 16384 : i32
      %mul3A_364 = arith.muli %arg1, %mul3A_363 : i32
      %add3A_365 = arith.constant 6144 : i32
      %add3A_366 = arith.addi %mul3A_364, %add3A_365 : i32
      "tpu.region"() ({
        %run_scoped3A = tpu.sem_alloc : memref<!tpu.dma_semaphore, #tpu.memory_space<semaphore_mem>>
        %dma_start3A_473 = tpu.memref_slice %arg10[%add3A_366] : memref<114688xf32, #tpu.memory_space<vmem_shared>> -> memref<2048xf32, #tpu.memory_space<vmem_shared>>
        %dma_start3A_474 = tpu.memref_slice %arg10[%add3A_366] : memref<114688xf32, #tpu.memory_space<vmem_shared>> -> memref<2048xf32, #tpu.memory_space<vmem_shared>>
        tpu.enqueue_dma source(%arg7 : memref<2048xf32, #tpu.memory_space<vmem>>) target(%dma_start3A_474 : memref<2048xf32, #tpu.memory_space<vmem_shared>>) target_semaphore(%run_scoped3A : memref<!tpu.dma_semaphore, #tpu.memory_space<semaphore_mem>>)
        %dma_wait3A_475 = tpu.memref_slice %arg10[%add3A_366] : memref<114688xf32, #tpu.memory_space<vmem_shared>> -> memref<2048xf32, #tpu.memory_space<vmem_shared>>
        %dma_wait3A_476 = tpu.memref_slice %arg10[%add3A_366] : memref<114688xf32, #tpu.memory_space<vmem_shared>> -> memref<2048xf32, #tpu.memory_space<vmem_shared>>
        tpu.wait_dma2 semaphore(%run_scoped3A : memref<!tpu.dma_semaphore, #tpu.memory_space<semaphore_mem>>) src(%arg7 : memref<2048xf32, #tpu.memory_space<vmem>>) dst(%dma_wait3A_476 : memref<2048xf32, #tpu.memory_space<vmem_shared>>)
        tpu.yield
      }) : () -> ()
      %dma_start3A_367 = arith.constant 2048 : i32
      %dma_start3A_368 = tpu.memref_slice %arg6[%dma_start3A_367] : memref<4096xi32, #tpu.memory_space<vmem>> -> memref<2048xi32, #tpu.memory_space<vmem>>
      %dma_start3A_369 = arith.constant 10240 : i32
      %dma_start3A_370 = tpu.memref_slice %arg2[%add3A_226, %dma_start3A_369] : memref<26x16384xi32, #tpu.memory_space<hbm>> -> memref<1x2048xi32, #tpu.memory_space<hbm>>
      %dma_start3A_371 = tpu.memref_squeeze %dma_start3A_370 : memref<1x2048xi32, #tpu.memory_space<hbm>> -> memref<2048xi32, #tpu.memory_space<hbm>>
      %dma_start3A_372 = arith.constant 2048 : i32
      %dma_start3A_373 = tpu.memref_slice %arg6[%dma_start3A_372] : memref<4096xi32, #tpu.memory_space<vmem>> -> memref<2048xi32, #tpu.memory_space<vmem>>
      %dma_start3A_374 = arith.constant 10240 : i32
      %dma_start3A_375 = tpu.memref_slice %arg2[%add3A_226, %dma_start3A_374] : memref<26x16384xi32, #tpu.memory_space<hbm>> -> memref<1x2048xi32, #tpu.memory_space<hbm>>
      %dma_start3A_376 = tpu.memref_squeeze %dma_start3A_375 : memref<1x2048xi32, #tpu.memory_space<hbm>> -> memref<2048xi32, #tpu.memory_space<hbm>>
      tpu.enqueue_dma source(%dma_start3A_376 : memref<2048xi32, #tpu.memory_space<hbm>>) target(%dma_start3A_373 : memref<2048xi32, #tpu.memory_space<vmem>>) target_semaphore(%arg14 : memref<!tpu.dma_semaphore, #tpu.memory_space<semaphore_mem>>)
      %dma_wait3A_377 = arith.constant 0 : i32
      %dma_wait3A_378 = tpu.memref_slice %arg6[%dma_wait3A_377] : memref<4096xi32, #tpu.memory_space<vmem>> -> memref<2048xi32, #tpu.memory_space<vmem>>
      %dma_wait3A_379 = arith.constant 8192 : i32
      %dma_wait3A_380 = tpu.memref_slice %arg2[%add3A_226, %dma_wait3A_379] : memref<26x16384xi32, #tpu.memory_space<hbm>> -> memref<1x2048xi32, #tpu.memory_space<hbm>>
      %dma_wait3A_381 = tpu.memref_squeeze %dma_wait3A_380 : memref<1x2048xi32, #tpu.memory_space<hbm>> -> memref<2048xi32, #tpu.memory_space<hbm>>
      %dma_wait3A_382 = arith.constant 0 : i32
      %dma_wait3A_383 = tpu.memref_slice %arg6[%dma_wait3A_382] : memref<4096xi32, #tpu.memory_space<vmem>> -> memref<2048xi32, #tpu.memory_space<vmem>>
      %dma_wait3A_384 = arith.constant 8192 : i32
      %dma_wait3A_385 = tpu.memref_slice %arg2[%add3A_226, %dma_wait3A_384] : memref<26x16384xi32, #tpu.memory_space<hbm>> -> memref<1x2048xi32, #tpu.memory_space<hbm>>
      %dma_wait3A_386 = tpu.memref_squeeze %dma_wait3A_385 : memref<1x2048xi32, #tpu.memory_space<hbm>> -> memref<2048xi32, #tpu.memory_space<hbm>>
      tpu.wait_dma2 semaphore(%arg13 : memref<!tpu.dma_semaphore, #tpu.memory_space<semaphore_mem>>) src(%dma_wait3A_386 : memref<2048xi32, #tpu.memory_space<hbm>>) dst(%dma_wait3A_383 : memref<2048xi32, #tpu.memory_space<vmem>>)
      %scan3A_387 = arith.constant 0 : i32
      %scan3A_388 = arith.constant 128 : i32
      %scan3A_389 = arith.addi %scan3A_387, %scan3A_388 : i32
      %scan3A_390 = arith.constant 4 : i32
      scf.for %scan3A_473 = %scan3A_387 to %scan3A_389 step %scan3A_390  : i32 {
        %mul3A_474 = arith.constant 16 : i32
        %mul3A_475 = arith.muli %scan3A_473, %mul3A_474 : i32
        %add3A_476 = arith.constant 0 : i32
        %add3A_477 = arith.addi %add3A_476, %mul3A_475 : i32
        %add3A_478 = arith.constant 0 : i32
        %add3A_479 = arith.addi %add3A_478, %add3A_477 : i32
        %get3A = arith.index_cast %add3A_479 : i32 to index
        %get3A_480 = tpu.vector_load %arg6[%get3A] {strides = array<i32>} : memref<4096xi32, #tpu.memory_space<vmem>>, vector<16xi32>,
        %gather3A = tpu.vector_load_idx %arg5[%get3A_480] : memref<100096xf32, #tpu.memory_space<vmem>>[vector<16xi32>], vector<16xf32>,
        %swap3A = arith.index_cast %add3A_477 : i32 to index
        %swap3A_481 = tpu.vector_load %arg7[%swap3A] {strides = array<i32>} : memref<2048xf32, #tpu.memory_space<vmem>>, vector<16xf32>,
        tpu.vector_store %arg7[%swap3A], %gather3A {strides = array<i32>} : memref<2048xf32, #tpu.memory_space<vmem>>, vector<16xf32>,
        %scan3A_482 = arith.constant 1 : i32
        %scan3A_483 = arith.addi %scan3A_473, %scan3A_482 : i32
        %mul3A_484 = arith.constant 16 : i32
        %mul3A_485 = arith.muli %scan3A_483, %mul3A_484 : i32
        %add3A_486 = arith.constant 0 : i32
        %add3A_487 = arith.addi %add3A_486, %mul3A_485 : i32
        %add3A_488 = arith.constant 0 : i32
        %add3A_489 = arith.addi %add3A_488, %add3A_487 : i32
        %get3A_490 = arith.index_cast %add3A_489 : i32 to index
        %get3A_491 = tpu.vector_load %arg6[%get3A_490] {strides = array<i32>} : memref<4096xi32, #tpu.memory_space<vmem>>, vector<16xi32>,
        %gather3A_492 = tpu.vector_load_idx %arg5[%get3A_491] : memref<100096xf32, #tpu.memory_space<vmem>>[vector<16xi32>], vector<16xf32>,
        %swap3A_493 = arith.index_cast %add3A_487 : i32 to index
        %swap3A_494 = tpu.vector_load %arg7[%swap3A_493] {strides = array<i32>} : memref<2048xf32, #tpu.memory_space<vmem>>, vector<16xf32>,
        tpu.vector_store %arg7[%swap3A_493], %gather3A_492 {strides = array<i32>} : memref<2048xf32, #tpu.memory_space<vmem>>, vector<16xf32>,
        %scan3A_495 = arith.constant 2 : i32
        %scan3A_496 = arith.addi %scan3A_473, %scan3A_495 : i32
        %mul3A_497 = arith.constant 16 : i32
        %mul3A_498 = arith.muli %scan3A_496, %mul3A_497 : i32
        %add3A_499 = arith.constant 0 : i32
        %add3A_500 = arith.addi %add3A_499, %mul3A_498 : i32
        %add3A_501 = arith.constant 0 : i32
        %add3A_502 = arith.addi %add3A_501, %add3A_500 : i32
        %get3A_503 = arith.index_cast %add3A_502 : i32 to index
        %get3A_504 = tpu.vector_load %arg6[%get3A_503] {strides = array<i32>} : memref<4096xi32, #tpu.memory_space<vmem>>, vector<16xi32>,
        %gather3A_505 = tpu.vector_load_idx %arg5[%get3A_504] : memref<100096xf32, #tpu.memory_space<vmem>>[vector<16xi32>], vector<16xf32>,
        %swap3A_506 = arith.index_cast %add3A_500 : i32 to index
        %swap3A_507 = tpu.vector_load %arg7[%swap3A_506] {strides = array<i32>} : memref<2048xf32, #tpu.memory_space<vmem>>, vector<16xf32>,
        tpu.vector_store %arg7[%swap3A_506], %gather3A_505 {strides = array<i32>} : memref<2048xf32, #tpu.memory_space<vmem>>, vector<16xf32>,
        %scan3A_508 = arith.constant 3 : i32
        %scan3A_509 = arith.addi %scan3A_473, %scan3A_508 : i32
        %mul3A_510 = arith.constant 16 : i32
        %mul3A_511 = arith.muli %scan3A_509, %mul3A_510 : i32
        %add3A_512 = arith.constant 0 : i32
        %add3A_513 = arith.addi %add3A_512, %mul3A_511 : i32
        %add3A_514 = arith.constant 0 : i32
        %add3A_515 = arith.addi %add3A_514, %add3A_513 : i32
        %get3A_516 = arith.index_cast %add3A_515 : i32 to index
        %get3A_517 = tpu.vector_load %arg6[%get3A_516] {strides = array<i32>} : memref<4096xi32, #tpu.memory_space<vmem>>, vector<16xi32>,
        %gather3A_518 = tpu.vector_load_idx %arg5[%get3A_517] : memref<100096xf32, #tpu.memory_space<vmem>>[vector<16xi32>], vector<16xf32>,
        %swap3A_519 = arith.index_cast %add3A_513 : i32 to index
        %swap3A_520 = tpu.vector_load %arg7[%swap3A_519] {strides = array<i32>} : memref<2048xf32, #tpu.memory_space<vmem>>, vector<16xf32>,
        tpu.vector_store %arg7[%swap3A_519], %gather3A_518 {strides = array<i32>} : memref<2048xf32, #tpu.memory_space<vmem>>, vector<16xf32>,
      }
      %scan3A_391 = arith.constant 128 : i32
      %mul3A_392 = arith.constant 16384 : i32
      %mul3A_393 = arith.muli %arg1, %mul3A_392 : i32
      %add3A_394 = arith.constant 8192 : i32
      %add3A_395 = arith.addi %mul3A_393, %add3A_394 : i32
      "tpu.region"() ({
        %run_scoped3A = tpu.sem_alloc : memref<!tpu.dma_semaphore, #tpu.memory_space<semaphore_mem>>
        %dma_start3A_473 = tpu.memref_slice %arg10[%add3A_395] : memref<114688xf32, #tpu.memory_space<vmem_shared>> -> memref<2048xf32, #tpu.memory_space<vmem_shared>>
        %dma_start3A_474 = tpu.memref_slice %arg10[%add3A_395] : memref<114688xf32, #tpu.memory_space<vmem_shared>> -> memref<2048xf32, #tpu.memory_space<vmem_shared>>
        tpu.enqueue_dma source(%arg7 : memref<2048xf32, #tpu.memory_space<vmem>>) target(%dma_start3A_474 : memref<2048xf32, #tpu.memory_space<vmem_shared>>) target_semaphore(%run_scoped3A : memref<!tpu.dma_semaphore, #tpu.memory_space<semaphore_mem>>)
        %dma_wait3A_475 = tpu.memref_slice %arg10[%add3A_395] : memref<114688xf32, #tpu.memory_space<vmem_shared>> -> memref<2048xf32, #tpu.memory_space<vmem_shared>>
        %dma_wait3A_476 = tpu.memref_slice %arg10[%add3A_395] : memref<114688xf32, #tpu.memory_space<vmem_shared>> -> memref<2048xf32, #tpu.memory_space<vmem_shared>>
        tpu.wait_dma2 semaphore(%run_scoped3A : memref<!tpu.dma_semaphore, #tpu.memory_space<semaphore_mem>>) src(%arg7 : memref<2048xf32, #tpu.memory_space<vmem>>) dst(%dma_wait3A_476 : memref<2048xf32, #tpu.memory_space<vmem_shared>>)
        tpu.yield
      }) : () -> ()
      %dma_start3A_396 = arith.constant 0 : i32
      %dma_start3A_397 = tpu.memref_slice %arg6[%dma_start3A_396] : memref<4096xi32, #tpu.memory_space<vmem>> -> memref<2048xi32, #tpu.memory_space<vmem>>
      %dma_start3A_398 = arith.constant 12288 : i32
      %dma_start3A_399 = tpu.memref_slice %arg2[%add3A_226, %dma_start3A_398] : memref<26x16384xi32, #tpu.memory_space<hbm>> -> memref<1x2048xi32, #tpu.memory_space<hbm>>
      %dma_start3A_400 = tpu.memref_squeeze %dma_start3A_399 : memref<1x2048xi32, #tpu.memory_space<hbm>> -> memref<2048xi32, #tpu.memory_space<hbm>>
      %dma_start3A_401 = arith.constant 0 : i32
      %dma_start3A_402 = tpu.memref_slice %arg6[%dma_start3A_401] : memref<4096xi32, #tpu.memory_space<vmem>> -> memref<2048xi32, #tpu.memory_space<vmem>>
      %dma_start3A_403 = arith.constant 12288 : i32
      %dma_start3A_404 = tpu.memref_slice %arg2[%add3A_226, %dma_start3A_403] : memref<26x16384xi32, #tpu.memory_space<hbm>> -> memref<1x2048xi32, #tpu.memory_space<hbm>>
      %dma_start3A_405 = tpu.memref_squeeze %dma_start3A_404 : memref<1x2048xi32, #tpu.memory_space<hbm>> -> memref<2048xi32, #tpu.memory_space<hbm>>
      tpu.enqueue_dma source(%dma_start3A_405 : memref<2048xi32, #tpu.memory_space<hbm>>) target(%dma_start3A_402 : memref<2048xi32, #tpu.memory_space<vmem>>) target_semaphore(%arg13 : memref<!tpu.dma_semaphore, #tpu.memory_space<semaphore_mem>>)
      %dma_wait3A_406 = arith.constant 2048 : i32
      %dma_wait3A_407 = tpu.memref_slice %arg6[%dma_wait3A_406] : memref<4096xi32, #tpu.memory_space<vmem>> -> memref<2048xi32, #tpu.memory_space<vmem>>
      %dma_wait3A_408 = arith.constant 10240 : i32
      %dma_wait3A_409 = tpu.memref_slice %arg2[%add3A_226, %dma_wait3A_408] : memref<26x16384xi32, #tpu.memory_space<hbm>> -> memref<1x2048xi32, #tpu.memory_space<hbm>>
      %dma_wait3A_410 = tpu.memref_squeeze %dma_wait3A_409 : memref<1x2048xi32, #tpu.memory_space<hbm>> -> memref<2048xi32, #tpu.memory_space<hbm>>
      %dma_wait3A_411 = arith.constant 2048 : i32
      %dma_wait3A_412 = tpu.memref_slice %arg6[%dma_wait3A_411] : memref<4096xi32, #tpu.memory_space<vmem>> -> memref<2048xi32, #tpu.memory_space<vmem>>
      %dma_wait3A_413 = arith.constant 10240 : i32
      %dma_wait3A_414 = tpu.memref_slice %arg2[%add3A_226, %dma_wait3A_413] : memref<26x16384xi32, #tpu.memory_space<hbm>> -> memref<1x2048xi32, #tpu.memory_space<hbm>>
      %dma_wait3A_415 = tpu.memref_squeeze %dma_wait3A_414 : memref<1x2048xi32, #tpu.memory_space<hbm>> -> memref<2048xi32, #tpu.memory_space<hbm>>
      tpu.wait_dma2 semaphore(%arg14 : memref<!tpu.dma_semaphore, #tpu.memory_space<semaphore_mem>>) src(%dma_wait3A_415 : memref<2048xi32, #tpu.memory_space<hbm>>) dst(%dma_wait3A_412 : memref<2048xi32, #tpu.memory_space<vmem>>)
      %scan3A_416 = arith.constant 0 : i32
      %scan3A_417 = arith.constant 128 : i32
      %scan3A_418 = arith.addi %scan3A_416, %scan3A_417 : i32
      %scan3A_419 = arith.constant 4 : i32
      scf.for %scan3A_473 = %scan3A_416 to %scan3A_418 step %scan3A_419  : i32 {
        %mul3A_474 = arith.constant 16 : i32
        %mul3A_475 = arith.muli %scan3A_473, %mul3A_474 : i32
        %add3A_476 = arith.constant 0 : i32
        %add3A_477 = arith.addi %add3A_476, %mul3A_475 : i32
        %add3A_478 = arith.constant 2048 : i32
        %add3A_479 = arith.addi %add3A_478, %add3A_477 : i32
        %get3A = arith.index_cast %add3A_479 : i32 to index
        %get3A_480 = tpu.vector_load %arg6[%get3A] {strides = array<i32>} : memref<4096xi32, #tpu.memory_space<vmem>>, vector<16xi32>,
        %gather3A = tpu.vector_load_idx %arg5[%get3A_480] : memref<100096xf32, #tpu.memory_space<vmem>>[vector<16xi32>], vector<16xf32>,
        %swap3A = arith.index_cast %add3A_477 : i32 to index
        %swap3A_481 = tpu.vector_load %arg7[%swap3A] {strides = array<i32>} : memref<2048xf32, #tpu.memory_space<vmem>>, vector<16xf32>,
        tpu.vector_store %arg7[%swap3A], %gather3A {strides = array<i32>} : memref<2048xf32, #tpu.memory_space<vmem>>, vector<16xf32>,
        %scan3A_482 = arith.constant 1 : i32
        %scan3A_483 = arith.addi %scan3A_473, %scan3A_482 : i32
        %mul3A_484 = arith.constant 16 : i32
        %mul3A_485 = arith.muli %scan3A_483, %mul3A_484 : i32
        %add3A_486 = arith.constant 0 : i32
        %add3A_487 = arith.addi %add3A_486, %mul3A_485 : i32
        %add3A_488 = arith.constant 2048 : i32
        %add3A_489 = arith.addi %add3A_488, %add3A_487 : i32
        %get3A_490 = arith.index_cast %add3A_489 : i32 to index
        %get3A_491 = tpu.vector_load %arg6[%get3A_490] {strides = array<i32>} : memref<4096xi32, #tpu.memory_space<vmem>>, vector<16xi32>,
        %gather3A_492 = tpu.vector_load_idx %arg5[%get3A_491] : memref<100096xf32, #tpu.memory_space<vmem>>[vector<16xi32>], vector<16xf32>,
        %swap3A_493 = arith.index_cast %add3A_487 : i32 to index
        %swap3A_494 = tpu.vector_load %arg7[%swap3A_493] {strides = array<i32>} : memref<2048xf32, #tpu.memory_space<vmem>>, vector<16xf32>,
        tpu.vector_store %arg7[%swap3A_493], %gather3A_492 {strides = array<i32>} : memref<2048xf32, #tpu.memory_space<vmem>>, vector<16xf32>,
        %scan3A_495 = arith.constant 2 : i32
        %scan3A_496 = arith.addi %scan3A_473, %scan3A_495 : i32
        %mul3A_497 = arith.constant 16 : i32
        %mul3A_498 = arith.muli %scan3A_496, %mul3A_497 : i32
        %add3A_499 = arith.constant 0 : i32
        %add3A_500 = arith.addi %add3A_499, %mul3A_498 : i32
        %add3A_501 = arith.constant 2048 : i32
        %add3A_502 = arith.addi %add3A_501, %add3A_500 : i32
        %get3A_503 = arith.index_cast %add3A_502 : i32 to index
        %get3A_504 = tpu.vector_load %arg6[%get3A_503] {strides = array<i32>} : memref<4096xi32, #tpu.memory_space<vmem>>, vector<16xi32>,
        %gather3A_505 = tpu.vector_load_idx %arg5[%get3A_504] : memref<100096xf32, #tpu.memory_space<vmem>>[vector<16xi32>], vector<16xf32>,
        %swap3A_506 = arith.index_cast %add3A_500 : i32 to index
        %swap3A_507 = tpu.vector_load %arg7[%swap3A_506] {strides = array<i32>} : memref<2048xf32, #tpu.memory_space<vmem>>, vector<16xf32>,
        tpu.vector_store %arg7[%swap3A_506], %gather3A_505 {strides = array<i32>} : memref<2048xf32, #tpu.memory_space<vmem>>, vector<16xf32>,
        %scan3A_508 = arith.constant 3 : i32
        %scan3A_509 = arith.addi %scan3A_473, %scan3A_508 : i32
        %mul3A_510 = arith.constant 16 : i32
        %mul3A_511 = arith.muli %scan3A_509, %mul3A_510 : i32
        %add3A_512 = arith.constant 0 : i32
        %add3A_513 = arith.addi %add3A_512, %mul3A_511 : i32
        %add3A_514 = arith.constant 2048 : i32
        %add3A_515 = arith.addi %add3A_514, %add3A_513 : i32
        %get3A_516 = arith.index_cast %add3A_515 : i32 to index
        %get3A_517 = tpu.vector_load %arg6[%get3A_516] {strides = array<i32>} : memref<4096xi32, #tpu.memory_space<vmem>>, vector<16xi32>,
        %gather3A_518 = tpu.vector_load_idx %arg5[%get3A_517] : memref<100096xf32, #tpu.memory_space<vmem>>[vector<16xi32>], vector<16xf32>,
        %swap3A_519 = arith.index_cast %add3A_513 : i32 to index
        %swap3A_520 = tpu.vector_load %arg7[%swap3A_519] {strides = array<i32>} : memref<2048xf32, #tpu.memory_space<vmem>>, vector<16xf32>,
        tpu.vector_store %arg7[%swap3A_519], %gather3A_518 {strides = array<i32>} : memref<2048xf32, #tpu.memory_space<vmem>>, vector<16xf32>,
      }
      %scan3A_420 = arith.constant 128 : i32
      %mul3A_421 = arith.constant 16384 : i32
      %mul3A_422 = arith.muli %arg1, %mul3A_421 : i32
      %add3A_423 = arith.constant 10240 : i32
      %add3A_424 = arith.addi %mul3A_422, %add3A_423 : i32
      "tpu.region"() ({
        %run_scoped3A = tpu.sem_alloc : memref<!tpu.dma_semaphore, #tpu.memory_space<semaphore_mem>>
        %dma_start3A_473 = tpu.memref_slice %arg10[%add3A_424] : memref<114688xf32, #tpu.memory_space<vmem_shared>> -> memref<2048xf32, #tpu.memory_space<vmem_shared>>
        %dma_start3A_474 = tpu.memref_slice %arg10[%add3A_424] : memref<114688xf32, #tpu.memory_space<vmem_shared>> -> memref<2048xf32, #tpu.memory_space<vmem_shared>>
        tpu.enqueue_dma source(%arg7 : memref<2048xf32, #tpu.memory_space<vmem>>) target(%dma_start3A_474 : memref<2048xf32, #tpu.memory_space<vmem_shared>>) target_semaphore(%run_scoped3A : memref<!tpu.dma_semaphore, #tpu.memory_space<semaphore_mem>>)
        %dma_wait3A_475 = tpu.memref_slice %arg10[%add3A_424] : memref<114688xf32, #tpu.memory_space<vmem_shared>> -> memref<2048xf32, #tpu.memory_space<vmem_shared>>
        %dma_wait3A_476 = tpu.memref_slice %arg10[%add3A_424] : memref<114688xf32, #tpu.memory_space<vmem_shared>> -> memref<2048xf32, #tpu.memory_space<vmem_shared>>
        tpu.wait_dma2 semaphore(%run_scoped3A : memref<!tpu.dma_semaphore, #tpu.memory_space<semaphore_mem>>) src(%arg7 : memref<2048xf32, #tpu.memory_space<vmem>>) dst(%dma_wait3A_476 : memref<2048xf32, #tpu.memory_space<vmem_shared>>)
        tpu.yield
      }) : () -> ()
      %dma_start3A_425 = arith.constant 2048 : i32
      %dma_start3A_426 = tpu.memref_slice %arg6[%dma_start3A_425] : memref<4096xi32, #tpu.memory_space<vmem>> -> memref<2048xi32, #tpu.memory_space<vmem>>
      %dma_start3A_427 = arith.constant 14336 : i32
      %dma_start3A_428 = tpu.memref_slice %arg2[%add3A_226, %dma_start3A_427] : memref<26x16384xi32, #tpu.memory_space<hbm>> -> memref<1x2048xi32, #tpu.memory_space<hbm>>
      %dma_start3A_429 = tpu.memref_squeeze %dma_start3A_428 : memref<1x2048xi32, #tpu.memory_space<hbm>> -> memref<2048xi32, #tpu.memory_space<hbm>>
      %dma_start3A_430 = arith.constant 2048 : i32
      %dma_start3A_431 = tpu.memref_slice %arg6[%dma_start3A_430] : memref<4096xi32, #tpu.memory_space<vmem>> -> memref<2048xi32, #tpu.memory_space<vmem>>
      %dma_start3A_432 = arith.constant 14336 : i32
      %dma_start3A_433 = tpu.memref_slice %arg2[%add3A_226, %dma_start3A_432] : memref<26x16384xi32, #tpu.memory_space<hbm>> -> memref<1x2048xi32, #tpu.memory_space<hbm>>
      %dma_start3A_434 = tpu.memref_squeeze %dma_start3A_433 : memref<1x2048xi32, #tpu.memory_space<hbm>> -> memref<2048xi32, #tpu.memory_space<hbm>>
      tpu.enqueue_dma source(%dma_start3A_434 : memref<2048xi32, #tpu.memory_space<hbm>>) target(%dma_start3A_431 : memref<2048xi32, #tpu.memory_space<vmem>>) target_semaphore(%arg14 : memref<!tpu.dma_semaphore, #tpu.memory_space<semaphore_mem>>)
      %dma_wait3A_435 = arith.constant 0 : i32
      %dma_wait3A_436 = tpu.memref_slice %arg6[%dma_wait3A_435] : memref<4096xi32, #tpu.memory_space<vmem>> -> memref<2048xi32, #tpu.memory_space<vmem>>
      %dma_wait3A_437 = arith.constant 12288 : i32
      %dma_wait3A_438 = tpu.memref_slice %arg2[%add3A_226, %dma_wait3A_437] : memref<26x16384xi32, #tpu.memory_space<hbm>> -> memref<1x2048xi32, #tpu.memory_space<hbm>>
      %dma_wait3A_439 = tpu.memref_squeeze %dma_wait3A_438 : memref<1x2048xi32, #tpu.memory_space<hbm>> -> memref<2048xi32, #tpu.memory_space<hbm>>
      %dma_wait3A_440 = arith.constant 0 : i32
      %dma_wait3A_441 = tpu.memref_slice %arg6[%dma_wait3A_440] : memref<4096xi32, #tpu.memory_space<vmem>> -> memref<2048xi32, #tpu.memory_space<vmem>>
      %dma_wait3A_442 = arith.constant 12288 : i32
      %dma_wait3A_443 = tpu.memref_slice %arg2[%add3A_226, %dma_wait3A_442] : memref<26x16384xi32, #tpu.memory_space<hbm>> -> memref<1x2048xi32, #tpu.memory_space<hbm>>
      %dma_wait3A_444 = tpu.memref_squeeze %dma_wait3A_443 : memref<1x2048xi32, #tpu.memory_space<hbm>> -> memref<2048xi32, #tpu.memory_space<hbm>>
      tpu.wait_dma2 semaphore(%arg13 : memref<!tpu.dma_semaphore, #tpu.memory_space<semaphore_mem>>) src(%dma_wait3A_444 : memref<2048xi32, #tpu.memory_space<hbm>>) dst(%dma_wait3A_441 : memref<2048xi32, #tpu.memory_space<vmem>>)
      %scan3A_445 = arith.constant 0 : i32
      %scan3A_446 = arith.constant 128 : i32
      %scan3A_447 = arith.addi %scan3A_445, %scan3A_446 : i32
      %scan3A_448 = arith.constant 4 : i32
      scf.for %scan3A_473 = %scan3A_445 to %scan3A_447 step %scan3A_448  : i32 {
        %mul3A_474 = arith.constant 16 : i32
        %mul3A_475 = arith.muli %scan3A_473, %mul3A_474 : i32
        %add3A_476 = arith.constant 0 : i32
        %add3A_477 = arith.addi %add3A_476, %mul3A_475 : i32
        %add3A_478 = arith.constant 0 : i32
        %add3A_479 = arith.addi %add3A_478, %add3A_477 : i32
        %get3A = arith.index_cast %add3A_479 : i32 to index
        %get3A_480 = tpu.vector_load %arg6[%get3A] {strides = array<i32>} : memref<4096xi32, #tpu.memory_space<vmem>>, vector<16xi32>,
        %gather3A = tpu.vector_load_idx %arg5[%get3A_480] : memref<100096xf32, #tpu.memory_space<vmem>>[vector<16xi32>], vector<16xf32>,
        %swap3A = arith.index_cast %add3A_477 : i32 to index
        %swap3A_481 = tpu.vector_load %arg7[%swap3A] {strides = array<i32>} : memref<2048xf32, #tpu.memory_space<vmem>>, vector<16xf32>,
        tpu.vector_store %arg7[%swap3A], %gather3A {strides = array<i32>} : memref<2048xf32, #tpu.memory_space<vmem>>, vector<16xf32>,
        %scan3A_482 = arith.constant 1 : i32
        %scan3A_483 = arith.addi %scan3A_473, %scan3A_482 : i32
        %mul3A_484 = arith.constant 16 : i32
        %mul3A_485 = arith.muli %scan3A_483, %mul3A_484 : i32
        %add3A_486 = arith.constant 0 : i32
        %add3A_487 = arith.addi %add3A_486, %mul3A_485 : i32
        %add3A_488 = arith.constant 0 : i32
        %add3A_489 = arith.addi %add3A_488, %add3A_487 : i32
        %get3A_490 = arith.index_cast %add3A_489 : i32 to index
        %get3A_491 = tpu.vector_load %arg6[%get3A_490] {strides = array<i32>} : memref<4096xi32, #tpu.memory_space<vmem>>, vector<16xi32>,
        %gather3A_492 = tpu.vector_load_idx %arg5[%get3A_491] : memref<100096xf32, #tpu.memory_space<vmem>>[vector<16xi32>], vector<16xf32>,
        %swap3A_493 = arith.index_cast %add3A_487 : i32 to index
        %swap3A_494 = tpu.vector_load %arg7[%swap3A_493] {strides = array<i32>} : memref<2048xf32, #tpu.memory_space<vmem>>, vector<16xf32>,
        tpu.vector_store %arg7[%swap3A_493], %gather3A_492 {strides = array<i32>} : memref<2048xf32, #tpu.memory_space<vmem>>, vector<16xf32>,
        %scan3A_495 = arith.constant 2 : i32
        %scan3A_496 = arith.addi %scan3A_473, %scan3A_495 : i32
        %mul3A_497 = arith.constant 16 : i32
        %mul3A_498 = arith.muli %scan3A_496, %mul3A_497 : i32
        %add3A_499 = arith.constant 0 : i32
        %add3A_500 = arith.addi %add3A_499, %mul3A_498 : i32
        %add3A_501 = arith.constant 0 : i32
        %add3A_502 = arith.addi %add3A_501, %add3A_500 : i32
        %get3A_503 = arith.index_cast %add3A_502 : i32 to index
        %get3A_504 = tpu.vector_load %arg6[%get3A_503] {strides = array<i32>} : memref<4096xi32, #tpu.memory_space<vmem>>, vector<16xi32>,
        %gather3A_505 = tpu.vector_load_idx %arg5[%get3A_504] : memref<100096xf32, #tpu.memory_space<vmem>>[vector<16xi32>], vector<16xf32>,
        %swap3A_506 = arith.index_cast %add3A_500 : i32 to index
        %swap3A_507 = tpu.vector_load %arg7[%swap3A_506] {strides = array<i32>} : memref<2048xf32, #tpu.memory_space<vmem>>, vector<16xf32>,
        tpu.vector_store %arg7[%swap3A_506], %gather3A_505 {strides = array<i32>} : memref<2048xf32, #tpu.memory_space<vmem>>, vector<16xf32>,
        %scan3A_508 = arith.constant 3 : i32
        %scan3A_509 = arith.addi %scan3A_473, %scan3A_508 : i32
        %mul3A_510 = arith.constant 16 : i32
        %mul3A_511 = arith.muli %scan3A_509, %mul3A_510 : i32
        %add3A_512 = arith.constant 0 : i32
        %add3A_513 = arith.addi %add3A_512, %mul3A_511 : i32
        %add3A_514 = arith.constant 0 : i32
        %add3A_515 = arith.addi %add3A_514, %add3A_513 : i32
        %get3A_516 = arith.index_cast %add3A_515 : i32 to index
        %get3A_517 = tpu.vector_load %arg6[%get3A_516] {strides = array<i32>} : memref<4096xi32, #tpu.memory_space<vmem>>, vector<16xi32>,
        %gather3A_518 = tpu.vector_load_idx %arg5[%get3A_517] : memref<100096xf32, #tpu.memory_space<vmem>>[vector<16xi32>], vector<16xf32>,
        %swap3A_519 = arith.index_cast %add3A_513 : i32 to index
        %swap3A_520 = tpu.vector_load %arg7[%swap3A_519] {strides = array<i32>} : memref<2048xf32, #tpu.memory_space<vmem>>, vector<16xf32>,
        tpu.vector_store %arg7[%swap3A_519], %gather3A_518 {strides = array<i32>} : memref<2048xf32, #tpu.memory_space<vmem>>, vector<16xf32>,
      }
      %scan3A_449 = arith.constant 128 : i32
      %mul3A_450 = arith.constant 16384 : i32
      %mul3A_451 = arith.muli %arg1, %mul3A_450 : i32
      %add3A_452 = arith.constant 12288 : i32
      %add3A_453 = arith.addi %mul3A_451, %add3A_452 : i32
      "tpu.region"() ({
        %run_scoped3A = tpu.sem_alloc : memref<!tpu.dma_semaphore, #tpu.memory_space<semaphore_mem>>
        %dma_start3A_473 = tpu.memref_slice %arg10[%add3A_453] : memref<114688xf32, #tpu.memory_space<vmem_shared>> -> memref<2048xf32, #tpu.memory_space<vmem_shared>>
        %dma_start3A_474 = tpu.memref_slice %arg10[%add3A_453] : memref<114688xf32, #tpu.memory_space<vmem_shared>> -> memref<2048xf32, #tpu.memory_space<vmem_shared>>
        tpu.enqueue_dma source(%arg7 : memref<2048xf32, #tpu.memory_space<vmem>>) target(%dma_start3A_474 : memref<2048xf32, #tpu.memory_space<vmem_shared>>) target_semaphore(%run_scoped3A : memref<!tpu.dma_semaphore, #tpu.memory_space<semaphore_mem>>)
        %dma_wait3A_475 = tpu.memref_slice %arg10[%add3A_453] : memref<114688xf32, #tpu.memory_space<vmem_shared>> -> memref<2048xf32, #tpu.memory_space<vmem_shared>>
        %dma_wait3A_476 = tpu.memref_slice %arg10[%add3A_453] : memref<114688xf32, #tpu.memory_space<vmem_shared>> -> memref<2048xf32, #tpu.memory_space<vmem_shared>>
        tpu.wait_dma2 semaphore(%run_scoped3A : memref<!tpu.dma_semaphore, #tpu.memory_space<semaphore_mem>>) src(%arg7 : memref<2048xf32, #tpu.memory_space<vmem>>) dst(%dma_wait3A_476 : memref<2048xf32, #tpu.memory_space<vmem_shared>>)
        tpu.yield
      }) : () -> ()
      %dma_wait3A_454 = arith.constant 2048 : i32
      %dma_wait3A_455 = tpu.memref_slice %arg6[%dma_wait3A_454] : memref<4096xi32, #tpu.memory_space<vmem>> -> memref<2048xi32, #tpu.memory_space<vmem>>
      %dma_wait3A_456 = arith.constant 14336 : i32
      %dma_wait3A_457 = tpu.memref_slice %arg2[%add3A_226, %dma_wait3A_456] : memref<26x16384xi32, #tpu.memory_space<hbm>> -> memref<1x2048xi32, #tpu.memory_space<hbm>>
      %dma_wait3A_458 = tpu.memref_squeeze %dma_wait3A_457 : memref<1x2048xi32, #tpu.memory_space<hbm>> -> memref<2048xi32, #tpu.memory_space<hbm>>
      %dma_wait3A_459 = arith.constant 2048 : i32
      %dma_wait3A_460 = tpu.memref_slice %arg6[%dma_wait3A_459] : memref<4096xi32, #tpu.memory_space<vmem>> -> memref<2048xi32, #tpu.memory_space<vmem>>
      %dma_wait3A_461 = arith.constant 14336 : i32
      %dma_wait3A_462 = tpu.memref_slice %arg2[%add3A_226, %dma_wait3A_461] : memref<26x16384xi32, #tpu.memory_space<hbm>> -> memref<1x2048xi32, #tpu.memory_space<hbm>>
      %dma_wait3A_463 = tpu.memref_squeeze %dma_wait3A_462 : memref<1x2048xi32, #tpu.memory_space<hbm>> -> memref<2048xi32, #tpu.memory_space<hbm>>
      tpu.wait_dma2 semaphore(%arg14 : memref<!tpu.dma_semaphore, #tpu.memory_space<semaphore_mem>>) src(%dma_wait3A_463 : memref<2048xi32, #tpu.memory_space<hbm>>) dst(%dma_wait3A_460 : memref<2048xi32, #tpu.memory_space<vmem>>)
      %scan3A_464 = arith.constant 0 : i32
      %scan3A_465 = arith.constant 128 : i32
      %scan3A_466 = arith.addi %scan3A_464, %scan3A_465 : i32
      %scan3A_467 = arith.constant 4 : i32
      scf.for %scan3A_473 = %scan3A_464 to %scan3A_466 step %scan3A_467  : i32 {
        %mul3A_474 = arith.constant 16 : i32
        %mul3A_475 = arith.muli %scan3A_473, %mul3A_474 : i32
        %add3A_476 = arith.constant 0 : i32
        %add3A_477 = arith.addi %add3A_476, %mul3A_475 : i32
        %add3A_478 = arith.constant 2048 : i32
        %add3A_479 = arith.addi %add3A_478, %add3A_477 : i32
        %get3A = arith.index_cast %add3A_479 : i32 to index
        %get3A_480 = tpu.vector_load %arg6[%get3A] {strides = array<i32>} : memref<4096xi32, #tpu.memory_space<vmem>>, vector<16xi32>,
        %gather3A = tpu.vector_load_idx %arg5[%get3A_480] : memref<100096xf32, #tpu.memory_space<vmem>>[vector<16xi32>], vector<16xf32>,
        %swap3A = arith.index_cast %add3A_477 : i32 to index
        %swap3A_481 = tpu.vector_load %arg7[%swap3A] {strides = array<i32>} : memref<2048xf32, #tpu.memory_space<vmem>>, vector<16xf32>,
        tpu.vector_store %arg7[%swap3A], %gather3A {strides = array<i32>} : memref<2048xf32, #tpu.memory_space<vmem>>, vector<16xf32>,
        %scan3A_482 = arith.constant 1 : i32
        %scan3A_483 = arith.addi %scan3A_473, %scan3A_482 : i32
        %mul3A_484 = arith.constant 16 : i32
        %mul3A_485 = arith.muli %scan3A_483, %mul3A_484 : i32
        %add3A_486 = arith.constant 0 : i32
        %add3A_487 = arith.addi %add3A_486, %mul3A_485 : i32
        %add3A_488 = arith.constant 2048 : i32
        %add3A_489 = arith.addi %add3A_488, %add3A_487 : i32
        %get3A_490 = arith.index_cast %add3A_489 : i32 to index
        %get3A_491 = tpu.vector_load %arg6[%get3A_490] {strides = array<i32>} : memref<4096xi32, #tpu.memory_space<vmem>>, vector<16xi32>,
        %gather3A_492 = tpu.vector_load_idx %arg5[%get3A_491] : memref<100096xf32, #tpu.memory_space<vmem>>[vector<16xi32>], vector<16xf32>,
        %swap3A_493 = arith.index_cast %add3A_487 : i32 to index
        %swap3A_494 = tpu.vector_load %arg7[%swap3A_493] {strides = array<i32>} : memref<2048xf32, #tpu.memory_space<vmem>>, vector<16xf32>,
        tpu.vector_store %arg7[%swap3A_493], %gather3A_492 {strides = array<i32>} : memref<2048xf32, #tpu.memory_space<vmem>>, vector<16xf32>,
        %scan3A_495 = arith.constant 2 : i32
        %scan3A_496 = arith.addi %scan3A_473, %scan3A_495 : i32
        %mul3A_497 = arith.constant 16 : i32
        %mul3A_498 = arith.muli %scan3A_496, %mul3A_497 : i32
        %add3A_499 = arith.constant 0 : i32
        %add3A_500 = arith.addi %add3A_499, %mul3A_498 : i32
        %add3A_501 = arith.constant 2048 : i32
        %add3A_502 = arith.addi %add3A_501, %add3A_500 : i32
        %get3A_503 = arith.index_cast %add3A_502 : i32 to index
        %get3A_504 = tpu.vector_load %arg6[%get3A_503] {strides = array<i32>} : memref<4096xi32, #tpu.memory_space<vmem>>, vector<16xi32>,
        %gather3A_505 = tpu.vector_load_idx %arg5[%get3A_504] : memref<100096xf32, #tpu.memory_space<vmem>>[vector<16xi32>], vector<16xf32>,
        %swap3A_506 = arith.index_cast %add3A_500 : i32 to index
        %swap3A_507 = tpu.vector_load %arg7[%swap3A_506] {strides = array<i32>} : memref<2048xf32, #tpu.memory_space<vmem>>, vector<16xf32>,
        tpu.vector_store %arg7[%swap3A_506], %gather3A_505 {strides = array<i32>} : memref<2048xf32, #tpu.memory_space<vmem>>, vector<16xf32>,
        %scan3A_508 = arith.constant 3 : i32
        %scan3A_509 = arith.addi %scan3A_473, %scan3A_508 : i32
        %mul3A_510 = arith.constant 16 : i32
        %mul3A_511 = arith.muli %scan3A_509, %mul3A_510 : i32
        %add3A_512 = arith.constant 0 : i32
        %add3A_513 = arith.addi %add3A_512, %mul3A_511 : i32
        %add3A_514 = arith.constant 2048 : i32
        %add3A_515 = arith.addi %add3A_514, %add3A_513 : i32
        %get3A_516 = arith.index_cast %add3A_515 : i32 to index
        %get3A_517 = tpu.vector_load %arg6[%get3A_516] {strides = array<i32>} : memref<4096xi32, #tpu.memory_space<vmem>>, vector<16xi32>,
        %gather3A_518 = tpu.vector_load_idx %arg5[%get3A_517] : memref<100096xf32, #tpu.memory_space<vmem>>[vector<16xi32>], vector<16xf32>,
        %swap3A_519 = arith.index_cast %add3A_513 : i32 to index
        %swap3A_520 = tpu.vector_load %arg7[%swap3A_519] {strides = array<i32>} : memref<2048xf32, #tpu.memory_space<vmem>>, vector<16xf32>,
        tpu.vector_store %arg7[%swap3A_519], %gather3A_518 {strides = array<i32>} : memref<2048xf32, #tpu.memory_space<vmem>>, vector<16xf32>,
      }
      %scan3A_468 = arith.constant 128 : i32
      %mul3A_469 = arith.constant 16384 : i32
      %mul3A_470 = arith.muli %arg1, %mul3A_469 : i32
      %add3A_471 = arith.constant 14336 : i32
      %add3A_472 = arith.addi %mul3A_470, %add3A_471 : i32
      "tpu.region"() ({
        %run_scoped3A = tpu.sem_alloc : memref<!tpu.dma_semaphore, #tpu.memory_space<semaphore_mem>>
        %dma_start3A_473 = tpu.memref_slice %arg10[%add3A_472] : memref<114688xf32, #tpu.memory_space<vmem_shared>> -> memref<2048xf32, #tpu.memory_space<vmem_shared>>
        %dma_start3A_474 = tpu.memref_slice %arg10[%add3A_472] : memref<114688xf32, #tpu.memory_space<vmem_shared>> -> memref<2048xf32, #tpu.memory_space<vmem_shared>>
        tpu.enqueue_dma source(%arg7 : memref<2048xf32, #tpu.memory_space<vmem>>) target(%dma_start3A_474 : memref<2048xf32, #tpu.memory_space<vmem_shared>>) target_semaphore(%run_scoped3A : memref<!tpu.dma_semaphore, #tpu.memory_space<semaphore_mem>>)
        %dma_wait3A_475 = tpu.memref_slice %arg10[%add3A_472] : memref<114688xf32, #tpu.memory_space<vmem_shared>> -> memref<2048xf32, #tpu.memory_space<vmem_shared>>
        %dma_wait3A_476 = tpu.memref_slice %arg10[%add3A_472] : memref<114688xf32, #tpu.memory_space<vmem_shared>> -> memref<2048xf32, #tpu.memory_space<vmem_shared>>
        tpu.wait_dma2 semaphore(%run_scoped3A : memref<!tpu.dma_semaphore, #tpu.memory_space<semaphore_mem>>) src(%arg7 : memref<2048xf32, #tpu.memory_space<vmem>>) dst(%dma_wait3A_476 : memref<2048xf32, #tpu.memory_space<vmem_shared>>)
        tpu.yield
      }) : () -> ()
    } else {
    }
    %eq3A = arith.constant 1 : i32
    %eq3A_3 = arith.cmpi eq, %arg0, %eq3A : i32
    %eq3A_4 = arith.constant 6 : i32
    %eq3A_5 = arith.cmpi eq, %arg1, %eq3A_4 : i32
    %and3A = arith.andi %eq3A_3, %eq3A_5 : i1
    %convert_element_type3A_6 = arith.extui %and3A : i1 to i32
    %cond3A_7 = arith.constant 0 : i32
    %cond3A_8 = arith.cmpi ne, %convert_element_type3A_6, %cond3A_7 : i32
    scf.if %cond3A_8 {
      %scan3A_225 = arith.constant 0 : i32
      %scan3A_226 = arith.constant 128 : i32
      %scan3A_227 = arith.addi %scan3A_225, %scan3A_226 : i32
      %scan3A_228 = arith.constant 1 : i32
      scf.for %scan3A_262 = %scan3A_225 to %scan3A_227 step %scan3A_228  : i32 {
        %mul3A_263 = arith.constant 16 : i32
        %mul3A_264 = arith.muli %scan3A_262, %mul3A_263 : i32
        %add3A_265 = arith.constant 0 : i32
        %add3A_266 = arith.addi %add3A_265, %mul3A_264 : i32
        %broadcast_in_dim3A = arith.constant 0.000000e+00 : f32
        %broadcast_in_dim3A_267 = vector.broadcast %broadcast_in_dim3A : f32 to vector<16xf32>
        %swap3A = arith.index_cast %add3A_266 : i32 to index
        %swap3A_268 = tpu.vector_load %arg7[%swap3A] {strides = array<i32>} : memref<2048xf32, #tpu.memory_space<vmem>>, vector<16xf32>,
        tpu.vector_store %arg7[%swap3A], %broadcast_in_dim3A_267 {strides = array<i32>} : memref<2048xf32, #tpu.memory_space<vmem>>, vector<16xf32>,
      }
      %scan3A_229 = arith.constant 128 : i32
      %mul3A_230 = arith.constant 16384 : i32
      %mul3A_231 = arith.muli %arg1, %mul3A_230 : i32
      %add3A_232 = arith.constant 0 : i32
      %add3A_233 = arith.addi %mul3A_231, %add3A_232 : i32
      "tpu.region"() ({
        %run_scoped3A = tpu.sem_alloc : memref<!tpu.dma_semaphore, #tpu.memory_space<semaphore_mem>>
        %dma_start3A_262 = tpu.memref_slice %arg10[%add3A_233] : memref<114688xf32, #tpu.memory_space<vmem_shared>> -> memref<2048xf32, #tpu.memory_space<vmem_shared>>
        %dma_start3A_263 = tpu.memref_slice %arg10[%add3A_233] : memref<114688xf32, #tpu.memory_space<vmem_shared>> -> memref<2048xf32, #tpu.memory_space<vmem_shared>>
        tpu.enqueue_dma source(%arg7 : memref<2048xf32, #tpu.memory_space<vmem>>) target(%dma_start3A_263 : memref<2048xf32, #tpu.memory_space<vmem_shared>>) target_semaphore(%run_scoped3A : memref<!tpu.dma_semaphore, #tpu.memory_space<semaphore_mem>>)
        %dma_wait3A_264 = tpu.memref_slice %arg10[%add3A_233] : memref<114688xf32, #tpu.memory_space<vmem_shared>> -> memref<2048xf32, #tpu.memory_space<vmem_shared>>
        %dma_wait3A_265 = tpu.memref_slice %arg10[%add3A_233] : memref<114688xf32, #tpu.memory_space<vmem_shared>> -> memref<2048xf32, #tpu.memory_space<vmem_shared>>
        tpu.wait_dma2 semaphore(%run_scoped3A : memref<!tpu.dma_semaphore, #tpu.memory_space<semaphore_mem>>) src(%arg7 : memref<2048xf32, #tpu.memory_space<vmem>>) dst(%dma_wait3A_265 : memref<2048xf32, #tpu.memory_space<vmem_shared>>)
        tpu.yield
      }) : () -> ()
      %mul3A_234 = arith.constant 16384 : i32
      %mul3A_235 = arith.muli %arg1, %mul3A_234 : i32
      %add3A_236 = arith.constant 2048 : i32
      %add3A_237 = arith.addi %mul3A_235, %add3A_236 : i32
      "tpu.region"() ({
        %run_scoped3A = tpu.sem_alloc : memref<!tpu.dma_semaphore, #tpu.memory_space<semaphore_mem>>
        %dma_start3A_262 = tpu.memref_slice %arg10[%add3A_237] : memref<114688xf32, #tpu.memory_space<vmem_shared>> -> memref<2048xf32, #tpu.memory_space<vmem_shared>>
        %dma_start3A_263 = tpu.memref_slice %arg10[%add3A_237] : memref<114688xf32, #tpu.memory_space<vmem_shared>> -> memref<2048xf32, #tpu.memory_space<vmem_shared>>
        tpu.enqueue_dma source(%arg7 : memref<2048xf32, #tpu.memory_space<vmem>>) target(%dma_start3A_263 : memref<2048xf32, #tpu.memory_space<vmem_shared>>) target_semaphore(%run_scoped3A : memref<!tpu.dma_semaphore, #tpu.memory_space<semaphore_mem>>)
        %dma_wait3A_264 = tpu.memref_slice %arg10[%add3A_237] : memref<114688xf32, #tpu.memory_space<vmem_shared>> -> memref<2048xf32, #tpu.memory_space<vmem_shared>>
        %dma_wait3A_265 = tpu.memref_slice %arg10[%add3A_237] : memref<114688xf32, #tpu.memory_space<vmem_shared>> -> memref<2048xf32, #tpu.memory_space<vmem_shared>>
        tpu.wait_dma2 semaphore(%run_scoped3A : memref<!tpu.dma_semaphore, #tpu.memory_space<semaphore_mem>>) src(%arg7 : memref<2048xf32, #tpu.memory_space<vmem>>) dst(%dma_wait3A_265 : memref<2048xf32, #tpu.memory_space<vmem_shared>>)
        tpu.yield
      }) : () -> ()
      %mul3A_238 = arith.constant 16384 : i32
      %mul3A_239 = arith.muli %arg1, %mul3A_238 : i32
      %add3A_240 = arith.constant 4096 : i32
      %add3A_241 = arith.addi %mul3A_239, %add3A_240 : i32
      "tpu.region"() ({
        %run_scoped3A = tpu.sem_alloc : memref<!tpu.dma_semaphore, #tpu.memory_space<semaphore_mem>>
        %dma_start3A_262 = tpu.memref_slice %arg10[%add3A_241] : memref<114688xf32, #tpu.memory_space<vmem_shared>> -> memref<2048xf32, #tpu.memory_space<vmem_shared>>
        %dma_start3A_263 = tpu.memref_slice %arg10[%add3A_241] : memref<114688xf32, #tpu.memory_space<vmem_shared>> -> memref<2048xf32, #tpu.memory_space<vmem_shared>>
        tpu.enqueue_dma source(%arg7 : memref<2048xf32, #tpu.memory_space<vmem>>) target(%dma_start3A_263 : memref<2048xf32, #tpu.memory_space<vmem_shared>>) target_semaphore(%run_scoped3A : memref<!tpu.dma_semaphore, #tpu.memory_space<semaphore_mem>>)
        %dma_wait3A_264 = tpu.memref_slice %arg10[%add3A_241] : memref<114688xf32, #tpu.memory_space<vmem_shared>> -> memref<2048xf32, #tpu.memory_space<vmem_shared>>
        %dma_wait3A_265 = tpu.memref_slice %arg10[%add3A_241] : memref<114688xf32, #tpu.memory_space<vmem_shared>> -> memref<2048xf32, #tpu.memory_space<vmem_shared>>
        tpu.wait_dma2 semaphore(%run_scoped3A : memref<!tpu.dma_semaphore, #tpu.memory_space<semaphore_mem>>) src(%arg7 : memref<2048xf32, #tpu.memory_space<vmem>>) dst(%dma_wait3A_265 : memref<2048xf32, #tpu.memory_space<vmem_shared>>)
        tpu.yield
      }) : () -> ()
      %mul3A_242 = arith.constant 16384 : i32
      %mul3A_243 = arith.muli %arg1, %mul3A_242 : i32
      %add3A_244 = arith.constant 6144 : i32
      %add3A_245 = arith.addi %mul3A_243, %add3A_244 : i32
      "tpu.region"() ({
        %run_scoped3A = tpu.sem_alloc : memref<!tpu.dma_semaphore, #tpu.memory_space<semaphore_mem>>
        %dma_start3A_262 = tpu.memref_slice %arg10[%add3A_245] : memref<114688xf32, #tpu.memory_space<vmem_shared>> -> memref<2048xf32, #tpu.memory_space<vmem_shared>>
        %dma_start3A_263 = tpu.memref_slice %arg10[%add3A_245] : memref<114688xf32, #tpu.memory_space<vmem_shared>> -> memref<2048xf32, #tpu.memory_space<vmem_shared>>
        tpu.enqueue_dma source(%arg7 : memref<2048xf32, #tpu.memory_space<vmem>>) target(%dma_start3A_263 : memref<2048xf32, #tpu.memory_space<vmem_shared>>) target_semaphore(%run_scoped3A : memref<!tpu.dma_semaphore, #tpu.memory_space<semaphore_mem>>)
        %dma_wait3A_264 = tpu.memref_slice %arg10[%add3A_245] : memref<114688xf32, #tpu.memory_space<vmem_shared>> -> memref<2048xf32, #tpu.memory_space<vmem_shared>>
        %dma_wait3A_265 = tpu.memref_slice %arg10[%add3A_245] : memref<114688xf32, #tpu.memory_space<vmem_shared>> -> memref<2048xf32, #tpu.memory_space<vmem_shared>>
        tpu.wait_dma2 semaphore(%run_scoped3A : memref<!tpu.dma_semaphore, #tpu.memory_space<semaphore_mem>>) src(%arg7 : memref<2048xf32, #tpu.memory_space<vmem>>) dst(%dma_wait3A_265 : memref<2048xf32, #tpu.memory_space<vmem_shared>>)
        tpu.yield
      }) : () -> ()
      %mul3A_246 = arith.constant 16384 : i32
      %mul3A_247 = arith.muli %arg1, %mul3A_246 : i32
      %add3A_248 = arith.constant 8192 : i32
      %add3A_249 = arith.addi %mul3A_247, %add3A_248 : i32
      "tpu.region"() ({
        %run_scoped3A = tpu.sem_alloc : memref<!tpu.dma_semaphore, #tpu.memory_space<semaphore_mem>>
        %dma_start3A_262 = tpu.memref_slice %arg10[%add3A_249] : memref<114688xf32, #tpu.memory_space<vmem_shared>> -> memref<2048xf32, #tpu.memory_space<vmem_shared>>
        %dma_start3A_263 = tpu.memref_slice %arg10[%add3A_249] : memref<114688xf32, #tpu.memory_space<vmem_shared>> -> memref<2048xf32, #tpu.memory_space<vmem_shared>>
        tpu.enqueue_dma source(%arg7 : memref<2048xf32, #tpu.memory_space<vmem>>) target(%dma_start3A_263 : memref<2048xf32, #tpu.memory_space<vmem_shared>>) target_semaphore(%run_scoped3A : memref<!tpu.dma_semaphore, #tpu.memory_space<semaphore_mem>>)
        %dma_wait3A_264 = tpu.memref_slice %arg10[%add3A_249] : memref<114688xf32, #tpu.memory_space<vmem_shared>> -> memref<2048xf32, #tpu.memory_space<vmem_shared>>
        %dma_wait3A_265 = tpu.memref_slice %arg10[%add3A_249] : memref<114688xf32, #tpu.memory_space<vmem_shared>> -> memref<2048xf32, #tpu.memory_space<vmem_shared>>
        tpu.wait_dma2 semaphore(%run_scoped3A : memref<!tpu.dma_semaphore, #tpu.memory_space<semaphore_mem>>) src(%arg7 : memref<2048xf32, #tpu.memory_space<vmem>>) dst(%dma_wait3A_265 : memref<2048xf32, #tpu.memory_space<vmem_shared>>)
        tpu.yield
      }) : () -> ()
      %mul3A_250 = arith.constant 16384 : i32
      %mul3A_251 = arith.muli %arg1, %mul3A_250 : i32
      %add3A_252 = arith.constant 10240 : i32
      %add3A_253 = arith.addi %mul3A_251, %add3A_252 : i32
      "tpu.region"() ({
        %run_scoped3A = tpu.sem_alloc : memref<!tpu.dma_semaphore, #tpu.memory_space<semaphore_mem>>
        %dma_start3A_262 = tpu.memref_slice %arg10[%add3A_253] : memref<114688xf32, #tpu.memory_space<vmem_shared>> -> memref<2048xf32, #tpu.memory_space<vmem_shared>>
        %dma_start3A_263 = tpu.memref_slice %arg10[%add3A_253] : memref<114688xf32, #tpu.memory_space<vmem_shared>> -> memref<2048xf32, #tpu.memory_space<vmem_shared>>
        tpu.enqueue_dma source(%arg7 : memref<2048xf32, #tpu.memory_space<vmem>>) target(%dma_start3A_263 : memref<2048xf32, #tpu.memory_space<vmem_shared>>) target_semaphore(%run_scoped3A : memref<!tpu.dma_semaphore, #tpu.memory_space<semaphore_mem>>)
        %dma_wait3A_264 = tpu.memref_slice %arg10[%add3A_253] : memref<114688xf32, #tpu.memory_space<vmem_shared>> -> memref<2048xf32, #tpu.memory_space<vmem_shared>>
        %dma_wait3A_265 = tpu.memref_slice %arg10[%add3A_253] : memref<114688xf32, #tpu.memory_space<vmem_shared>> -> memref<2048xf32, #tpu.memory_space<vmem_shared>>
        tpu.wait_dma2 semaphore(%run_scoped3A : memref<!tpu.dma_semaphore, #tpu.memory_space<semaphore_mem>>) src(%arg7 : memref<2048xf32, #tpu.memory_space<vmem>>) dst(%dma_wait3A_265 : memref<2048xf32, #tpu.memory_space<vmem_shared>>)
        tpu.yield
      }) : () -> ()
      %mul3A_254 = arith.constant 16384 : i32
      %mul3A_255 = arith.muli %arg1, %mul3A_254 : i32
      %add3A_256 = arith.constant 12288 : i32
      %add3A_257 = arith.addi %mul3A_255, %add3A_256 : i32
      "tpu.region"() ({
        %run_scoped3A = tpu.sem_alloc : memref<!tpu.dma_semaphore, #tpu.memory_space<semaphore_mem>>
        %dma_start3A_262 = tpu.memref_slice %arg10[%add3A_257] : memref<114688xf32, #tpu.memory_space<vmem_shared>> -> memref<2048xf32, #tpu.memory_space<vmem_shared>>
        %dma_start3A_263 = tpu.memref_slice %arg10[%add3A_257] : memref<114688xf32, #tpu.memory_space<vmem_shared>> -> memref<2048xf32, #tpu.memory_space<vmem_shared>>
        tpu.enqueue_dma source(%arg7 : memref<2048xf32, #tpu.memory_space<vmem>>) target(%dma_start3A_263 : memref<2048xf32, #tpu.memory_space<vmem_shared>>) target_semaphore(%run_scoped3A : memref<!tpu.dma_semaphore, #tpu.memory_space<semaphore_mem>>)
        %dma_wait3A_264 = tpu.memref_slice %arg10[%add3A_257] : memref<114688xf32, #tpu.memory_space<vmem_shared>> -> memref<2048xf32, #tpu.memory_space<vmem_shared>>
        %dma_wait3A_265 = tpu.memref_slice %arg10[%add3A_257] : memref<114688xf32, #tpu.memory_space<vmem_shared>> -> memref<2048xf32, #tpu.memory_space<vmem_shared>>
        tpu.wait_dma2 semaphore(%run_scoped3A : memref<!tpu.dma_semaphore, #tpu.memory_space<semaphore_mem>>) src(%arg7 : memref<2048xf32, #tpu.memory_space<vmem>>) dst(%dma_wait3A_265 : memref<2048xf32, #tpu.memory_space<vmem_shared>>)
        tpu.yield
      }) : () -> ()
      %mul3A_258 = arith.constant 16384 : i32
      %mul3A_259 = arith.muli %arg1, %mul3A_258 : i32
      %add3A_260 = arith.constant 14336 : i32
      %add3A_261 = arith.addi %mul3A_259, %add3A_260 : i32
      "tpu.region"() ({
        %run_scoped3A = tpu.sem_alloc : memref<!tpu.dma_semaphore, #tpu.memory_space<semaphore_mem>>
        %dma_start3A_262 = tpu.memref_slice %arg10[%add3A_261] : memref<114688xf32, #tpu.memory_space<vmem_shared>> -> memref<2048xf32, #tpu.memory_space<vmem_shared>>
        %dma_start3A_263 = tpu.memref_slice %arg10[%add3A_261] : memref<114688xf32, #tpu.memory_space<vmem_shared>> -> memref<2048xf32, #tpu.memory_space<vmem_shared>>
        tpu.enqueue_dma source(%arg7 : memref<2048xf32, #tpu.memory_space<vmem>>) target(%dma_start3A_263 : memref<2048xf32, #tpu.memory_space<vmem_shared>>) target_semaphore(%run_scoped3A : memref<!tpu.dma_semaphore, #tpu.memory_space<semaphore_mem>>)
        %dma_wait3A_264 = tpu.memref_slice %arg10[%add3A_261] : memref<114688xf32, #tpu.memory_space<vmem_shared>> -> memref<2048xf32, #tpu.memory_space<vmem_shared>>
        %dma_wait3A_265 = tpu.memref_slice %arg10[%add3A_261] : memref<114688xf32, #tpu.memory_space<vmem_shared>> -> memref<2048xf32, #tpu.memory_space<vmem_shared>>
        tpu.wait_dma2 semaphore(%run_scoped3A : memref<!tpu.dma_semaphore, #tpu.memory_space<semaphore_mem>>) src(%arg7 : memref<2048xf32, #tpu.memory_space<vmem>>) dst(%dma_wait3A_265 : memref<2048xf32, #tpu.memory_space<vmem_shared>>)
        tpu.yield
      }) : () -> ()
    } else {
    }
    %barrier3A = arith.constant 0 : index
    tpu.barrier barrier_id(%barrier3A)
    %mul3A_9 = arith.constant 1024 : i32
    %mul3A_10 = arith.muli %arg1, %mul3A_9 : i32
    %add3A_11 = arith.constant 0 : i32
    %add3A_12 = arith.addi %mul3A_10, %add3A_11 : i32
    %add3A_13 = arith.constant 0 : i32
    %add3A_14 = arith.addi %add3A_13, %add3A_12 : i32
    %dma_start3A = arith.constant 0 : i32
    %dma_start3A_15 = tpu.memref_slice %arg8[%dma_start3A] : memref<3584xf32, #tpu.memory_space<vmem>> -> memref<512xf32, #tpu.memory_space<vmem>>
    %dma_start3A_16 = tpu.memref_slice %arg10[%add3A_14] : memref<114688xf32, #tpu.memory_space<vmem_shared>> -> memref<512xf32, #tpu.memory_space<vmem_shared>>
    %dma_start3A_17 = arith.constant 0 : i32
    %dma_start3A_18 = tpu.memref_slice %arg8[%dma_start3A_17] : memref<3584xf32, #tpu.memory_space<vmem>> -> memref<512xf32, #tpu.memory_space<vmem>>
    %dma_start3A_19 = tpu.memref_slice %arg10[%add3A_14] : memref<114688xf32, #tpu.memory_space<vmem_shared>> -> memref<512xf32, #tpu.memory_space<vmem_shared>>
    tpu.enqueue_dma source(%dma_start3A_19 : memref<512xf32, #tpu.memory_space<vmem_shared>>) target(%dma_start3A_18 : memref<512xf32, #tpu.memory_space<vmem>>) target_semaphore(%arg11 : memref<!tpu.dma_semaphore, #tpu.memory_space<semaphore_mem>>)
    %add3A_20 = arith.constant 16384 : i32
    %add3A_21 = arith.addi %add3A_20, %add3A_12 : i32
    %dma_start3A_22 = arith.constant 512 : i32
    %dma_start3A_23 = tpu.memref_slice %arg8[%dma_start3A_22] : memref<3584xf32, #tpu.memory_space<vmem>> -> memref<512xf32, #tpu.memory_space<vmem>>
    %dma_start3A_24 = tpu.memref_slice %arg10[%add3A_21] : memref<114688xf32, #tpu.memory_space<vmem_shared>> -> memref<512xf32, #tpu.memory_space<vmem_shared>>
    %dma_start3A_25 = arith.constant 512 : i32
    %dma_start3A_26 = tpu.memref_slice %arg8[%dma_start3A_25] : memref<3584xf32, #tpu.memory_space<vmem>> -> memref<512xf32, #tpu.memory_space<vmem>>
    %dma_start3A_27 = tpu.memref_slice %arg10[%add3A_21] : memref<114688xf32, #tpu.memory_space<vmem_shared>> -> memref<512xf32, #tpu.memory_space<vmem_shared>>
    tpu.enqueue_dma source(%dma_start3A_27 : memref<512xf32, #tpu.memory_space<vmem_shared>>) target(%dma_start3A_26 : memref<512xf32, #tpu.memory_space<vmem>>) target_semaphore(%arg11 : memref<!tpu.dma_semaphore, #tpu.memory_space<semaphore_mem>>)
    %add3A_28 = arith.constant 32768 : i32
    %add3A_29 = arith.addi %add3A_28, %add3A_12 : i32
    %dma_start3A_30 = arith.constant 1024 : i32
    %dma_start3A_31 = tpu.memref_slice %arg8[%dma_start3A_30] : memref<3584xf32, #tpu.memory_space<vmem>> -> memref<512xf32, #tpu.memory_space<vmem>>
    %dma_start3A_32 = tpu.memref_slice %arg10[%add3A_29] : memref<114688xf32, #tpu.memory_space<vmem_shared>> -> memref<512xf32, #tpu.memory_space<vmem_shared>>
    %dma_start3A_33 = arith.constant 1024 : i32
    %dma_start3A_34 = tpu.memref_slice %arg8[%dma_start3A_33] : memref<3584xf32, #tpu.memory_space<vmem>> -> memref<512xf32, #tpu.memory_space<vmem>>
    %dma_start3A_35 = tpu.memref_slice %arg10[%add3A_29] : memref<114688xf32, #tpu.memory_space<vmem_shared>> -> memref<512xf32, #tpu.memory_space<vmem_shared>>
    tpu.enqueue_dma source(%dma_start3A_35 : memref<512xf32, #tpu.memory_space<vmem_shared>>) target(%dma_start3A_34 : memref<512xf32, #tpu.memory_space<vmem>>) target_semaphore(%arg11 : memref<!tpu.dma_semaphore, #tpu.memory_space<semaphore_mem>>)
    %add3A_36 = arith.constant 49152 : i32
    %add3A_37 = arith.addi %add3A_36, %add3A_12 : i32
    %dma_start3A_38 = arith.constant 1536 : i32
    %dma_start3A_39 = tpu.memref_slice %arg8[%dma_start3A_38] : memref<3584xf32, #tpu.memory_space<vmem>> -> memref<512xf32, #tpu.memory_space<vmem>>
    %dma_start3A_40 = tpu.memref_slice %arg10[%add3A_37] : memref<114688xf32, #tpu.memory_space<vmem_shared>> -> memref<512xf32, #tpu.memory_space<vmem_shared>>
    %dma_start3A_41 = arith.constant 1536 : i32
    %dma_start3A_42 = tpu.memref_slice %arg8[%dma_start3A_41] : memref<3584xf32, #tpu.memory_space<vmem>> -> memref<512xf32, #tpu.memory_space<vmem>>
    %dma_start3A_43 = tpu.memref_slice %arg10[%add3A_37] : memref<114688xf32, #tpu.memory_space<vmem_shared>> -> memref<512xf32, #tpu.memory_space<vmem_shared>>
    tpu.enqueue_dma source(%dma_start3A_43 : memref<512xf32, #tpu.memory_space<vmem_shared>>) target(%dma_start3A_42 : memref<512xf32, #tpu.memory_space<vmem>>) target_semaphore(%arg11 : memref<!tpu.dma_semaphore, #tpu.memory_space<semaphore_mem>>)
    %add3A_44 = arith.constant 65536 : i32
    %add3A_45 = arith.addi %add3A_44, %add3A_12 : i32
    %dma_start3A_46 = arith.constant 2048 : i32
    %dma_start3A_47 = tpu.memref_slice %arg8[%dma_start3A_46] : memref<3584xf32, #tpu.memory_space<vmem>> -> memref<512xf32, #tpu.memory_space<vmem>>
    %dma_start3A_48 = tpu.memref_slice %arg10[%add3A_45] : memref<114688xf32, #tpu.memory_space<vmem_shared>> -> memref<512xf32, #tpu.memory_space<vmem_shared>>
    %dma_start3A_49 = arith.constant 2048 : i32
    %dma_start3A_50 = tpu.memref_slice %arg8[%dma_start3A_49] : memref<3584xf32, #tpu.memory_space<vmem>> -> memref<512xf32, #tpu.memory_space<vmem>>
    %dma_start3A_51 = tpu.memref_slice %arg10[%add3A_45] : memref<114688xf32, #tpu.memory_space<vmem_shared>> -> memref<512xf32, #tpu.memory_space<vmem_shared>>
    tpu.enqueue_dma source(%dma_start3A_51 : memref<512xf32, #tpu.memory_space<vmem_shared>>) target(%dma_start3A_50 : memref<512xf32, #tpu.memory_space<vmem>>) target_semaphore(%arg11 : memref<!tpu.dma_semaphore, #tpu.memory_space<semaphore_mem>>)
    %add3A_52 = arith.constant 81920 : i32
    %add3A_53 = arith.addi %add3A_52, %add3A_12 : i32
    %dma_start3A_54 = arith.constant 2560 : i32
    %dma_start3A_55 = tpu.memref_slice %arg8[%dma_start3A_54] : memref<3584xf32, #tpu.memory_space<vmem>> -> memref<512xf32, #tpu.memory_space<vmem>>
    %dma_start3A_56 = tpu.memref_slice %arg10[%add3A_53] : memref<114688xf32, #tpu.memory_space<vmem_shared>> -> memref<512xf32, #tpu.memory_space<vmem_shared>>
    %dma_start3A_57 = arith.constant 2560 : i32
    %dma_start3A_58 = tpu.memref_slice %arg8[%dma_start3A_57] : memref<3584xf32, #tpu.memory_space<vmem>> -> memref<512xf32, #tpu.memory_space<vmem>>
    %dma_start3A_59 = tpu.memref_slice %arg10[%add3A_53] : memref<114688xf32, #tpu.memory_space<vmem_shared>> -> memref<512xf32, #tpu.memory_space<vmem_shared>>
    tpu.enqueue_dma source(%dma_start3A_59 : memref<512xf32, #tpu.memory_space<vmem_shared>>) target(%dma_start3A_58 : memref<512xf32, #tpu.memory_space<vmem>>) target_semaphore(%arg11 : memref<!tpu.dma_semaphore, #tpu.memory_space<semaphore_mem>>)
    %add3A_60 = arith.constant 98304 : i32
    %add3A_61 = arith.addi %add3A_60, %add3A_12 : i32
    %dma_start3A_62 = arith.constant 3072 : i32
    %dma_start3A_63 = tpu.memref_slice %arg8[%dma_start3A_62] : memref<3584xf32, #tpu.memory_space<vmem>> -> memref<512xf32, #tpu.memory_space<vmem>>
    %dma_start3A_64 = tpu.memref_slice %arg10[%add3A_61] : memref<114688xf32, #tpu.memory_space<vmem_shared>> -> memref<512xf32, #tpu.memory_space<vmem_shared>>
    %dma_start3A_65 = arith.constant 3072 : i32
    %dma_start3A_66 = tpu.memref_slice %arg8[%dma_start3A_65] : memref<3584xf32, #tpu.memory_space<vmem>> -> memref<512xf32, #tpu.memory_space<vmem>>
    %dma_start3A_67 = tpu.memref_slice %arg10[%add3A_61] : memref<114688xf32, #tpu.memory_space<vmem_shared>> -> memref<512xf32, #tpu.memory_space<vmem_shared>>
    tpu.enqueue_dma source(%dma_start3A_67 : memref<512xf32, #tpu.memory_space<vmem_shared>>) target(%dma_start3A_66 : memref<512xf32, #tpu.memory_space<vmem>>) target_semaphore(%arg11 : memref<!tpu.dma_semaphore, #tpu.memory_space<semaphore_mem>>)
    %dma_wait3A = arith.constant 0 : i32
    %dma_wait3A_68 = tpu.memref_slice %arg8[%dma_wait3A] : memref<3584xf32, #tpu.memory_space<vmem>> -> memref<512xf32, #tpu.memory_space<vmem>>
    %dma_wait3A_69 = tpu.memref_slice %arg10[%add3A_14] : memref<114688xf32, #tpu.memory_space<vmem_shared>> -> memref<512xf32, #tpu.memory_space<vmem_shared>>
    %dma_wait3A_70 = arith.constant 0 : i32
    %dma_wait3A_71 = tpu.memref_slice %arg8[%dma_wait3A_70] : memref<3584xf32, #tpu.memory_space<vmem>> -> memref<512xf32, #tpu.memory_space<vmem>>
    %dma_wait3A_72 = tpu.memref_slice %arg10[%add3A_14] : memref<114688xf32, #tpu.memory_space<vmem_shared>> -> memref<512xf32, #tpu.memory_space<vmem_shared>>
    tpu.wait_dma2 semaphore(%arg11 : memref<!tpu.dma_semaphore, #tpu.memory_space<semaphore_mem>>) src(%dma_wait3A_72 : memref<512xf32, #tpu.memory_space<vmem_shared>>) dst(%dma_wait3A_71 : memref<512xf32, #tpu.memory_space<vmem>>)
    %dma_wait3A_73 = arith.constant 512 : i32
    %dma_wait3A_74 = tpu.memref_slice %arg8[%dma_wait3A_73] : memref<3584xf32, #tpu.memory_space<vmem>> -> memref<512xf32, #tpu.memory_space<vmem>>
    %dma_wait3A_75 = tpu.memref_slice %arg10[%add3A_21] : memref<114688xf32, #tpu.memory_space<vmem_shared>> -> memref<512xf32, #tpu.memory_space<vmem_shared>>
    %dma_wait3A_76 = arith.constant 512 : i32
    %dma_wait3A_77 = tpu.memref_slice %arg8[%dma_wait3A_76] : memref<3584xf32, #tpu.memory_space<vmem>> -> memref<512xf32, #tpu.memory_space<vmem>>
    %dma_wait3A_78 = tpu.memref_slice %arg10[%add3A_21] : memref<114688xf32, #tpu.memory_space<vmem_shared>> -> memref<512xf32, #tpu.memory_space<vmem_shared>>
    tpu.wait_dma2 semaphore(%arg11 : memref<!tpu.dma_semaphore, #tpu.memory_space<semaphore_mem>>) src(%dma_wait3A_78 : memref<512xf32, #tpu.memory_space<vmem_shared>>) dst(%dma_wait3A_77 : memref<512xf32, #tpu.memory_space<vmem>>)
    %dma_wait3A_79 = arith.constant 1024 : i32
    %dma_wait3A_80 = tpu.memref_slice %arg8[%dma_wait3A_79] : memref<3584xf32, #tpu.memory_space<vmem>> -> memref<512xf32, #tpu.memory_space<vmem>>
    %dma_wait3A_81 = tpu.memref_slice %arg10[%add3A_29] : memref<114688xf32, #tpu.memory_space<vmem_shared>> -> memref<512xf32, #tpu.memory_space<vmem_shared>>
    %dma_wait3A_82 = arith.constant 1024 : i32
    %dma_wait3A_83 = tpu.memref_slice %arg8[%dma_wait3A_82] : memref<3584xf32, #tpu.memory_space<vmem>> -> memref<512xf32, #tpu.memory_space<vmem>>
    %dma_wait3A_84 = tpu.memref_slice %arg10[%add3A_29] : memref<114688xf32, #tpu.memory_space<vmem_shared>> -> memref<512xf32, #tpu.memory_space<vmem_shared>>
    tpu.wait_dma2 semaphore(%arg11 : memref<!tpu.dma_semaphore, #tpu.memory_space<semaphore_mem>>) src(%dma_wait3A_84 : memref<512xf32, #tpu.memory_space<vmem_shared>>) dst(%dma_wait3A_83 : memref<512xf32, #tpu.memory_space<vmem>>)
    %dma_wait3A_85 = arith.constant 1536 : i32
    %dma_wait3A_86 = tpu.memref_slice %arg8[%dma_wait3A_85] : memref<3584xf32, #tpu.memory_space<vmem>> -> memref<512xf32, #tpu.memory_space<vmem>>
    %dma_wait3A_87 = tpu.memref_slice %arg10[%add3A_37] : memref<114688xf32, #tpu.memory_space<vmem_shared>> -> memref<512xf32, #tpu.memory_space<vmem_shared>>
    %dma_wait3A_88 = arith.constant 1536 : i32
    %dma_wait3A_89 = tpu.memref_slice %arg8[%dma_wait3A_88] : memref<3584xf32, #tpu.memory_space<vmem>> -> memref<512xf32, #tpu.memory_space<vmem>>
    %dma_wait3A_90 = tpu.memref_slice %arg10[%add3A_37] : memref<114688xf32, #tpu.memory_space<vmem_shared>> -> memref<512xf32, #tpu.memory_space<vmem_shared>>
    tpu.wait_dma2 semaphore(%arg11 : memref<!tpu.dma_semaphore, #tpu.memory_space<semaphore_mem>>) src(%dma_wait3A_90 : memref<512xf32, #tpu.memory_space<vmem_shared>>) dst(%dma_wait3A_89 : memref<512xf32, #tpu.memory_space<vmem>>)
    %dma_wait3A_91 = arith.constant 2048 : i32
    %dma_wait3A_92 = tpu.memref_slice %arg8[%dma_wait3A_91] : memref<3584xf32, #tpu.memory_space<vmem>> -> memref<512xf32, #tpu.memory_space<vmem>>
    %dma_wait3A_93 = tpu.memref_slice %arg10[%add3A_45] : memref<114688xf32, #tpu.memory_space<vmem_shared>> -> memref<512xf32, #tpu.memory_space<vmem_shared>>
    %dma_wait3A_94 = arith.constant 2048 : i32
    %dma_wait3A_95 = tpu.memref_slice %arg8[%dma_wait3A_94] : memref<3584xf32, #tpu.memory_space<vmem>> -> memref<512xf32, #tpu.memory_space<vmem>>
    %dma_wait3A_96 = tpu.memref_slice %arg10[%add3A_45] : memref<114688xf32, #tpu.memory_space<vmem_shared>> -> memref<512xf32, #tpu.memory_space<vmem_shared>>
    tpu.wait_dma2 semaphore(%arg11 : memref<!tpu.dma_semaphore, #tpu.memory_space<semaphore_mem>>) src(%dma_wait3A_96 : memref<512xf32, #tpu.memory_space<vmem_shared>>) dst(%dma_wait3A_95 : memref<512xf32, #tpu.memory_space<vmem>>)
    %dma_wait3A_97 = arith.constant 2560 : i32
    %dma_wait3A_98 = tpu.memref_slice %arg8[%dma_wait3A_97] : memref<3584xf32, #tpu.memory_space<vmem>> -> memref<512xf32, #tpu.memory_space<vmem>>
    %dma_wait3A_99 = tpu.memref_slice %arg10[%add3A_53] : memref<114688xf32, #tpu.memory_space<vmem_shared>> -> memref<512xf32, #tpu.memory_space<vmem_shared>>
    %dma_wait3A_100 = arith.constant 2560 : i32
    %dma_wait3A_101 = tpu.memref_slice %arg8[%dma_wait3A_100] : memref<3584xf32, #tpu.memory_space<vmem>> -> memref<512xf32, #tpu.memory_space<vmem>>
    %dma_wait3A_102 = tpu.memref_slice %arg10[%add3A_53] : memref<114688xf32, #tpu.memory_space<vmem_shared>> -> memref<512xf32, #tpu.memory_space<vmem_shared>>
    tpu.wait_dma2 semaphore(%arg11 : memref<!tpu.dma_semaphore, #tpu.memory_space<semaphore_mem>>) src(%dma_wait3A_102 : memref<512xf32, #tpu.memory_space<vmem_shared>>) dst(%dma_wait3A_101 : memref<512xf32, #tpu.memory_space<vmem>>)
    %dma_wait3A_103 = arith.constant 3072 : i32
    %dma_wait3A_104 = tpu.memref_slice %arg8[%dma_wait3A_103] : memref<3584xf32, #tpu.memory_space<vmem>> -> memref<512xf32, #tpu.memory_space<vmem>>
    %dma_wait3A_105 = tpu.memref_slice %arg10[%add3A_61] : memref<114688xf32, #tpu.memory_space<vmem_shared>> -> memref<512xf32, #tpu.memory_space<vmem_shared>>
    %dma_wait3A_106 = arith.constant 3072 : i32
    %dma_wait3A_107 = tpu.memref_slice %arg8[%dma_wait3A_106] : memref<3584xf32, #tpu.memory_space<vmem>> -> memref<512xf32, #tpu.memory_space<vmem>>
    %dma_wait3A_108 = tpu.memref_slice %arg10[%add3A_61] : memref<114688xf32, #tpu.memory_space<vmem_shared>> -> memref<512xf32, #tpu.memory_space<vmem_shared>>
    tpu.wait_dma2 semaphore(%arg11 : memref<!tpu.dma_semaphore, #tpu.memory_space<semaphore_mem>>) src(%dma_wait3A_108 : memref<512xf32, #tpu.memory_space<vmem_shared>>) dst(%dma_wait3A_107 : memref<512xf32, #tpu.memory_space<vmem>>)
    %scan3A = arith.constant 0 : i32
    %scan3A_109 = arith.constant 32 : i32
    %scan3A_110 = arith.addi %scan3A, %scan3A_109 : i32
    %scan3A_111 = arith.constant 2 : i32
    scf.for %scan3A_225 = %scan3A to %scan3A_110 step %scan3A_111  : i32 {
      %mul3A_226 = arith.constant 16 : i32
      %mul3A_227 = arith.muli %scan3A_225, %mul3A_226 : i32
      %add3A_228 = arith.constant 0 : i32
      %add3A_229 = arith.addi %add3A_228, %mul3A_227 : i32
      %get3A = arith.index_cast %add3A_229 : i32 to index
      %get3A_230 = tpu.vector_load %arg8[%get3A] {strides = array<i32>} : memref<3584xf32, #tpu.memory_space<vmem>>, vector<16xf32>,
      %add3A_231 = arith.constant 512 : i32
      %add3A_232 = arith.addi %add3A_231, %add3A_229 : i32
      %get3A_233 = arith.index_cast %add3A_232 : i32 to index
      %get3A_234 = tpu.vector_load %arg8[%get3A_233] {strides = array<i32>} : memref<3584xf32, #tpu.memory_space<vmem>>, vector<16xf32>,
      %add3A_235 = arith.addf %get3A_230, %get3A_234 : vector<16xf32>
      %add3A_236 = arith.constant 1024 : i32
      %add3A_237 = arith.addi %add3A_236, %add3A_229 : i32
      %get3A_238 = arith.index_cast %add3A_237 : i32 to index
      %get3A_239 = tpu.vector_load %arg8[%get3A_238] {strides = array<i32>} : memref<3584xf32, #tpu.memory_space<vmem>>, vector<16xf32>,
      %add3A_240 = arith.addf %add3A_235, %get3A_239 : vector<16xf32>
      %add3A_241 = arith.constant 1536 : i32
      %add3A_242 = arith.addi %add3A_241, %add3A_229 : i32
      %get3A_243 = arith.index_cast %add3A_242 : i32 to index
      %get3A_244 = tpu.vector_load %arg8[%get3A_243] {strides = array<i32>} : memref<3584xf32, #tpu.memory_space<vmem>>, vector<16xf32>,
      %add3A_245 = arith.addf %add3A_240, %get3A_244 : vector<16xf32>
      %add3A_246 = arith.constant 2048 : i32
      %add3A_247 = arith.addi %add3A_246, %add3A_229 : i32
      %get3A_248 = arith.index_cast %add3A_247 : i32 to index
      %get3A_249 = tpu.vector_load %arg8[%get3A_248] {strides = array<i32>} : memref<3584xf32, #tpu.memory_space<vmem>>, vector<16xf32>,
      %add3A_250 = arith.addf %add3A_245, %get3A_249 : vector<16xf32>
      %add3A_251 = arith.constant 2560 : i32
      %add3A_252 = arith.addi %add3A_251, %add3A_229 : i32
      %get3A_253 = arith.index_cast %add3A_252 : i32 to index
      %get3A_254 = tpu.vector_load %arg8[%get3A_253] {strides = array<i32>} : memref<3584xf32, #tpu.memory_space<vmem>>, vector<16xf32>,
      %add3A_255 = arith.addf %add3A_250, %get3A_254 : vector<16xf32>
      %add3A_256 = arith.constant 3072 : i32
      %add3A_257 = arith.addi %add3A_256, %add3A_229 : i32
      %get3A_258 = arith.index_cast %add3A_257 : i32 to index
      %get3A_259 = tpu.vector_load %arg8[%get3A_258] {strides = array<i32>} : memref<3584xf32, #tpu.memory_space<vmem>>, vector<16xf32>,
      %add3A_260 = arith.addf %add3A_255, %get3A_259 : vector<16xf32>
      %add3A_261 = arith.constant 0 : i32
      %add3A_262 = arith.addi %add3A_261, %add3A_229 : i32
      %swap3A = arith.index_cast %add3A_262 : i32 to index
      %swap3A_263 = tpu.vector_load %arg9[%swap3A] {strides = array<i32>} : memref<1024xf32, #tpu.memory_space<vmem>>, vector<16xf32>,
      tpu.vector_store %arg9[%swap3A], %add3A_260 {strides = array<i32>} : memref<1024xf32, #tpu.memory_space<vmem>>, vector<16xf32>,
      %scan3A_264 = arith.constant 1 : i32
      %scan3A_265 = arith.addi %scan3A_225, %scan3A_264 : i32
      %mul3A_266 = arith.constant 16 : i32
      %mul3A_267 = arith.muli %scan3A_265, %mul3A_266 : i32
      %add3A_268 = arith.constant 0 : i32
      %add3A_269 = arith.addi %add3A_268, %mul3A_267 : i32
      %get3A_270 = arith.index_cast %add3A_269 : i32 to index
      %get3A_271 = tpu.vector_load %arg8[%get3A_270] {strides = array<i32>} : memref<3584xf32, #tpu.memory_space<vmem>>, vector<16xf32>,
      %add3A_272 = arith.constant 512 : i32
      %add3A_273 = arith.addi %add3A_272, %add3A_269 : i32
      %get3A_274 = arith.index_cast %add3A_273 : i32 to index
      %get3A_275 = tpu.vector_load %arg8[%get3A_274] {strides = array<i32>} : memref<3584xf32, #tpu.memory_space<vmem>>, vector<16xf32>,
      %add3A_276 = arith.addf %get3A_271, %get3A_275 : vector<16xf32>
      %add3A_277 = arith.constant 1024 : i32
      %add3A_278 = arith.addi %add3A_277, %add3A_269 : i32
      %get3A_279 = arith.index_cast %add3A_278 : i32 to index
      %get3A_280 = tpu.vector_load %arg8[%get3A_279] {strides = array<i32>} : memref<3584xf32, #tpu.memory_space<vmem>>, vector<16xf32>,
      %add3A_281 = arith.addf %add3A_276, %get3A_280 : vector<16xf32>
      %add3A_282 = arith.constant 1536 : i32
      %add3A_283 = arith.addi %add3A_282, %add3A_269 : i32
      %get3A_284 = arith.index_cast %add3A_283 : i32 to index
      %get3A_285 = tpu.vector_load %arg8[%get3A_284] {strides = array<i32>} : memref<3584xf32, #tpu.memory_space<vmem>>, vector<16xf32>,
      %add3A_286 = arith.addf %add3A_281, %get3A_285 : vector<16xf32>
      %add3A_287 = arith.constant 2048 : i32
      %add3A_288 = arith.addi %add3A_287, %add3A_269 : i32
      %get3A_289 = arith.index_cast %add3A_288 : i32 to index
      %get3A_290 = tpu.vector_load %arg8[%get3A_289] {strides = array<i32>} : memref<3584xf32, #tpu.memory_space<vmem>>, vector<16xf32>,
      %add3A_291 = arith.addf %add3A_286, %get3A_290 : vector<16xf32>
      %add3A_292 = arith.constant 2560 : i32
      %add3A_293 = arith.addi %add3A_292, %add3A_269 : i32
      %get3A_294 = arith.index_cast %add3A_293 : i32 to index
      %get3A_295 = tpu.vector_load %arg8[%get3A_294] {strides = array<i32>} : memref<3584xf32, #tpu.memory_space<vmem>>, vector<16xf32>,
      %add3A_296 = arith.addf %add3A_291, %get3A_295 : vector<16xf32>
      %add3A_297 = arith.constant 3072 : i32
      %add3A_298 = arith.addi %add3A_297, %add3A_269 : i32
      %get3A_299 = arith.index_cast %add3A_298 : i32 to index
      %get3A_300 = tpu.vector_load %arg8[%get3A_299] {strides = array<i32>} : memref<3584xf32, #tpu.memory_space<vmem>>, vector<16xf32>,
      %add3A_301 = arith.addf %add3A_296, %get3A_300 : vector<16xf32>
      %add3A_302 = arith.constant 0 : i32
      %add3A_303 = arith.addi %add3A_302, %add3A_269 : i32
      %swap3A_304 = arith.index_cast %add3A_303 : i32 to index
      %swap3A_305 = tpu.vector_load %arg9[%swap3A_304] {strides = array<i32>} : memref<1024xf32, #tpu.memory_space<vmem>>, vector<16xf32>,
      tpu.vector_store %arg9[%swap3A_304], %add3A_301 {strides = array<i32>} : memref<1024xf32, #tpu.memory_space<vmem>>, vector<16xf32>,
    }
    %scan3A_112 = arith.constant 32 : i32
    %mul3A_113 = arith.constant 1024 : i32
    %mul3A_114 = arith.muli %arg1, %mul3A_113 : i32
    %add3A_115 = arith.constant 512 : i32
    %add3A_116 = arith.addi %mul3A_114, %add3A_115 : i32
    %add3A_117 = arith.constant 0 : i32
    %add3A_118 = arith.addi %add3A_117, %add3A_116 : i32
    %dma_start3A_119 = arith.constant 0 : i32
    %dma_start3A_120 = tpu.memref_slice %arg8[%dma_start3A_119] : memref<3584xf32, #tpu.memory_space<vmem>> -> memref<512xf32, #tpu.memory_space<vmem>>
    %dma_start3A_121 = tpu.memref_slice %arg10[%add3A_118] : memref<114688xf32, #tpu.memory_space<vmem_shared>> -> memref<512xf32, #tpu.memory_space<vmem_shared>>
    %dma_start3A_122 = arith.constant 0 : i32
    %dma_start3A_123 = tpu.memref_slice %arg8[%dma_start3A_122] : memref<3584xf32, #tpu.memory_space<vmem>> -> memref<512xf32, #tpu.memory_space<vmem>>
    %dma_start3A_124 = tpu.memref_slice %arg10[%add3A_118] : memref<114688xf32, #tpu.memory_space<vmem_shared>> -> memref<512xf32, #tpu.memory_space<vmem_shared>>
    tpu.enqueue_dma source(%dma_start3A_124 : memref<512xf32, #tpu.memory_space<vmem_shared>>) target(%dma_start3A_123 : memref<512xf32, #tpu.memory_space<vmem>>) target_semaphore(%arg11 : memref<!tpu.dma_semaphore, #tpu.memory_space<semaphore_mem>>)
    %add3A_125 = arith.constant 16384 : i32
    %add3A_126 = arith.addi %add3A_125, %add3A_116 : i32
    %dma_start3A_127 = arith.constant 512 : i32
    %dma_start3A_128 = tpu.memref_slice %arg8[%dma_start3A_127] : memref<3584xf32, #tpu.memory_space<vmem>> -> memref<512xf32, #tpu.memory_space<vmem>>
    %dma_start3A_129 = tpu.memref_slice %arg10[%add3A_126] : memref<114688xf32, #tpu.memory_space<vmem_shared>> -> memref<512xf32, #tpu.memory_space<vmem_shared>>
    %dma_start3A_130 = arith.constant 512 : i32
    %dma_start3A_131 = tpu.memref_slice %arg8[%dma_start3A_130] : memref<3584xf32, #tpu.memory_space<vmem>> -> memref<512xf32, #tpu.memory_space<vmem>>
    %dma_start3A_132 = tpu.memref_slice %arg10[%add3A_126] : memref<114688xf32, #tpu.memory_space<vmem_shared>> -> memref<512xf32, #tpu.memory_space<vmem_shared>>
    tpu.enqueue_dma source(%dma_start3A_132 : memref<512xf32, #tpu.memory_space<vmem_shared>>) target(%dma_start3A_131 : memref<512xf32, #tpu.memory_space<vmem>>) target_semaphore(%arg11 : memref<!tpu.dma_semaphore, #tpu.memory_space<semaphore_mem>>)
    %add3A_133 = arith.constant 32768 : i32
    %add3A_134 = arith.addi %add3A_133, %add3A_116 : i32
    %dma_start3A_135 = arith.constant 1024 : i32
    %dma_start3A_136 = tpu.memref_slice %arg8[%dma_start3A_135] : memref<3584xf32, #tpu.memory_space<vmem>> -> memref<512xf32, #tpu.memory_space<vmem>>
    %dma_start3A_137 = tpu.memref_slice %arg10[%add3A_134] : memref<114688xf32, #tpu.memory_space<vmem_shared>> -> memref<512xf32, #tpu.memory_space<vmem_shared>>
    %dma_start3A_138 = arith.constant 1024 : i32
    %dma_start3A_139 = tpu.memref_slice %arg8[%dma_start3A_138] : memref<3584xf32, #tpu.memory_space<vmem>> -> memref<512xf32, #tpu.memory_space<vmem>>
    %dma_start3A_140 = tpu.memref_slice %arg10[%add3A_134] : memref<114688xf32, #tpu.memory_space<vmem_shared>> -> memref<512xf32, #tpu.memory_space<vmem_shared>>
    tpu.enqueue_dma source(%dma_start3A_140 : memref<512xf32, #tpu.memory_space<vmem_shared>>) target(%dma_start3A_139 : memref<512xf32, #tpu.memory_space<vmem>>) target_semaphore(%arg11 : memref<!tpu.dma_semaphore, #tpu.memory_space<semaphore_mem>>)
    %add3A_141 = arith.constant 49152 : i32
    %add3A_142 = arith.addi %add3A_141, %add3A_116 : i32
    %dma_start3A_143 = arith.constant 1536 : i32
    %dma_start3A_144 = tpu.memref_slice %arg8[%dma_start3A_143] : memref<3584xf32, #tpu.memory_space<vmem>> -> memref<512xf32, #tpu.memory_space<vmem>>
    %dma_start3A_145 = tpu.memref_slice %arg10[%add3A_142] : memref<114688xf32, #tpu.memory_space<vmem_shared>> -> memref<512xf32, #tpu.memory_space<vmem_shared>>
    %dma_start3A_146 = arith.constant 1536 : i32
    %dma_start3A_147 = tpu.memref_slice %arg8[%dma_start3A_146] : memref<3584xf32, #tpu.memory_space<vmem>> -> memref<512xf32, #tpu.memory_space<vmem>>
    %dma_start3A_148 = tpu.memref_slice %arg10[%add3A_142] : memref<114688xf32, #tpu.memory_space<vmem_shared>> -> memref<512xf32, #tpu.memory_space<vmem_shared>>
    tpu.enqueue_dma source(%dma_start3A_148 : memref<512xf32, #tpu.memory_space<vmem_shared>>) target(%dma_start3A_147 : memref<512xf32, #tpu.memory_space<vmem>>) target_semaphore(%arg11 : memref<!tpu.dma_semaphore, #tpu.memory_space<semaphore_mem>>)
    %add3A_149 = arith.constant 65536 : i32
    %add3A_150 = arith.addi %add3A_149, %add3A_116 : i32
    %dma_start3A_151 = arith.constant 2048 : i32
    %dma_start3A_152 = tpu.memref_slice %arg8[%dma_start3A_151] : memref<3584xf32, #tpu.memory_space<vmem>> -> memref<512xf32, #tpu.memory_space<vmem>>
    %dma_start3A_153 = tpu.memref_slice %arg10[%add3A_150] : memref<114688xf32, #tpu.memory_space<vmem_shared>> -> memref<512xf32, #tpu.memory_space<vmem_shared>>
    %dma_start3A_154 = arith.constant 2048 : i32
    %dma_start3A_155 = tpu.memref_slice %arg8[%dma_start3A_154] : memref<3584xf32, #tpu.memory_space<vmem>> -> memref<512xf32, #tpu.memory_space<vmem>>
    %dma_start3A_156 = tpu.memref_slice %arg10[%add3A_150] : memref<114688xf32, #tpu.memory_space<vmem_shared>> -> memref<512xf32, #tpu.memory_space<vmem_shared>>
    tpu.enqueue_dma source(%dma_start3A_156 : memref<512xf32, #tpu.memory_space<vmem_shared>>) target(%dma_start3A_155 : memref<512xf32, #tpu.memory_space<vmem>>) target_semaphore(%arg11 : memref<!tpu.dma_semaphore, #tpu.memory_space<semaphore_mem>>)
    %add3A_157 = arith.constant 81920 : i32
    %add3A_158 = arith.addi %add3A_157, %add3A_116 : i32
    %dma_start3A_159 = arith.constant 2560 : i32
    %dma_start3A_160 = tpu.memref_slice %arg8[%dma_start3A_159] : memref<3584xf32, #tpu.memory_space<vmem>> -> memref<512xf32, #tpu.memory_space<vmem>>
    %dma_start3A_161 = tpu.memref_slice %arg10[%add3A_158] : memref<114688xf32, #tpu.memory_space<vmem_shared>> -> memref<512xf32, #tpu.memory_space<vmem_shared>>
    %dma_start3A_162 = arith.constant 2560 : i32
    %dma_start3A_163 = tpu.memref_slice %arg8[%dma_start3A_162] : memref<3584xf32, #tpu.memory_space<vmem>> -> memref<512xf32, #tpu.memory_space<vmem>>
    %dma_start3A_164 = tpu.memref_slice %arg10[%add3A_158] : memref<114688xf32, #tpu.memory_space<vmem_shared>> -> memref<512xf32, #tpu.memory_space<vmem_shared>>
    tpu.enqueue_dma source(%dma_start3A_164 : memref<512xf32, #tpu.memory_space<vmem_shared>>) target(%dma_start3A_163 : memref<512xf32, #tpu.memory_space<vmem>>) target_semaphore(%arg11 : memref<!tpu.dma_semaphore, #tpu.memory_space<semaphore_mem>>)
    %add3A_165 = arith.constant 98304 : i32
    %add3A_166 = arith.addi %add3A_165, %add3A_116 : i32
    %dma_start3A_167 = arith.constant 3072 : i32
    %dma_start3A_168 = tpu.memref_slice %arg8[%dma_start3A_167] : memref<3584xf32, #tpu.memory_space<vmem>> -> memref<512xf32, #tpu.memory_space<vmem>>
    %dma_start3A_169 = tpu.memref_slice %arg10[%add3A_166] : memref<114688xf32, #tpu.memory_space<vmem_shared>> -> memref<512xf32, #tpu.memory_space<vmem_shared>>
    %dma_start3A_170 = arith.constant 3072 : i32
    %dma_start3A_171 = tpu.memref_slice %arg8[%dma_start3A_170] : memref<3584xf32, #tpu.memory_space<vmem>> -> memref<512xf32, #tpu.memory_space<vmem>>
    %dma_start3A_172 = tpu.memref_slice %arg10[%add3A_166] : memref<114688xf32, #tpu.memory_space<vmem_shared>> -> memref<512xf32, #tpu.memory_space<vmem_shared>>
    tpu.enqueue_dma source(%dma_start3A_172 : memref<512xf32, #tpu.memory_space<vmem_shared>>) target(%dma_start3A_171 : memref<512xf32, #tpu.memory_space<vmem>>) target_semaphore(%arg11 : memref<!tpu.dma_semaphore, #tpu.memory_space<semaphore_mem>>)
    %dma_wait3A_173 = arith.constant 0 : i32
    %dma_wait3A_174 = tpu.memref_slice %arg8[%dma_wait3A_173] : memref<3584xf32, #tpu.memory_space<vmem>> -> memref<512xf32, #tpu.memory_space<vmem>>
    %dma_wait3A_175 = tpu.memref_slice %arg10[%add3A_118] : memref<114688xf32, #tpu.memory_space<vmem_shared>> -> memref<512xf32, #tpu.memory_space<vmem_shared>>
    %dma_wait3A_176 = arith.constant 0 : i32
    %dma_wait3A_177 = tpu.memref_slice %arg8[%dma_wait3A_176] : memref<3584xf32, #tpu.memory_space<vmem>> -> memref<512xf32, #tpu.memory_space<vmem>>
    %dma_wait3A_178 = tpu.memref_slice %arg10[%add3A_118] : memref<114688xf32, #tpu.memory_space<vmem_shared>> -> memref<512xf32, #tpu.memory_space<vmem_shared>>
    tpu.wait_dma2 semaphore(%arg11 : memref<!tpu.dma_semaphore, #tpu.memory_space<semaphore_mem>>) src(%dma_wait3A_178 : memref<512xf32, #tpu.memory_space<vmem_shared>>) dst(%dma_wait3A_177 : memref<512xf32, #tpu.memory_space<vmem>>)
    %dma_wait3A_179 = arith.constant 512 : i32
    %dma_wait3A_180 = tpu.memref_slice %arg8[%dma_wait3A_179] : memref<3584xf32, #tpu.memory_space<vmem>> -> memref<512xf32, #tpu.memory_space<vmem>>
    %dma_wait3A_181 = tpu.memref_slice %arg10[%add3A_126] : memref<114688xf32, #tpu.memory_space<vmem_shared>> -> memref<512xf32, #tpu.memory_space<vmem_shared>>
    %dma_wait3A_182 = arith.constant 512 : i32
    %dma_wait3A_183 = tpu.memref_slice %arg8[%dma_wait3A_182] : memref<3584xf32, #tpu.memory_space<vmem>> -> memref<512xf32, #tpu.memory_space<vmem>>
    %dma_wait3A_184 = tpu.memref_slice %arg10[%add3A_126] : memref<114688xf32, #tpu.memory_space<vmem_shared>> -> memref<512xf32, #tpu.memory_space<vmem_shared>>
    tpu.wait_dma2 semaphore(%arg11 : memref<!tpu.dma_semaphore, #tpu.memory_space<semaphore_mem>>) src(%dma_wait3A_184 : memref<512xf32, #tpu.memory_space<vmem_shared>>) dst(%dma_wait3A_183 : memref<512xf32, #tpu.memory_space<vmem>>)
    %dma_wait3A_185 = arith.constant 1024 : i32
    %dma_wait3A_186 = tpu.memref_slice %arg8[%dma_wait3A_185] : memref<3584xf32, #tpu.memory_space<vmem>> -> memref<512xf32, #tpu.memory_space<vmem>>
    %dma_wait3A_187 = tpu.memref_slice %arg10[%add3A_134] : memref<114688xf32, #tpu.memory_space<vmem_shared>> -> memref<512xf32, #tpu.memory_space<vmem_shared>>
    %dma_wait3A_188 = arith.constant 1024 : i32
    %dma_wait3A_189 = tpu.memref_slice %arg8[%dma_wait3A_188] : memref<3584xf32, #tpu.memory_space<vmem>> -> memref<512xf32, #tpu.memory_space<vmem>>
    %dma_wait3A_190 = tpu.memref_slice %arg10[%add3A_134] : memref<114688xf32, #tpu.memory_space<vmem_shared>> -> memref<512xf32, #tpu.memory_space<vmem_shared>>
    tpu.wait_dma2 semaphore(%arg11 : memref<!tpu.dma_semaphore, #tpu.memory_space<semaphore_mem>>) src(%dma_wait3A_190 : memref<512xf32, #tpu.memory_space<vmem_shared>>) dst(%dma_wait3A_189 : memref<512xf32, #tpu.memory_space<vmem>>)
    %dma_wait3A_191 = arith.constant 1536 : i32
    %dma_wait3A_192 = tpu.memref_slice %arg8[%dma_wait3A_191] : memref<3584xf32, #tpu.memory_space<vmem>> -> memref<512xf32, #tpu.memory_space<vmem>>
    %dma_wait3A_193 = tpu.memref_slice %arg10[%add3A_142] : memref<114688xf32, #tpu.memory_space<vmem_shared>> -> memref<512xf32, #tpu.memory_space<vmem_shared>>
    %dma_wait3A_194 = arith.constant 1536 : i32
    %dma_wait3A_195 = tpu.memref_slice %arg8[%dma_wait3A_194] : memref<3584xf32, #tpu.memory_space<vmem>> -> memref<512xf32, #tpu.memory_space<vmem>>
    %dma_wait3A_196 = tpu.memref_slice %arg10[%add3A_142] : memref<114688xf32, #tpu.memory_space<vmem_shared>> -> memref<512xf32, #tpu.memory_space<vmem_shared>>
    tpu.wait_dma2 semaphore(%arg11 : memref<!tpu.dma_semaphore, #tpu.memory_space<semaphore_mem>>) src(%dma_wait3A_196 : memref<512xf32, #tpu.memory_space<vmem_shared>>) dst(%dma_wait3A_195 : memref<512xf32, #tpu.memory_space<vmem>>)
    %dma_wait3A_197 = arith.constant 2048 : i32
    %dma_wait3A_198 = tpu.memref_slice %arg8[%dma_wait3A_197] : memref<3584xf32, #tpu.memory_space<vmem>> -> memref<512xf32, #tpu.memory_space<vmem>>
    %dma_wait3A_199 = tpu.memref_slice %arg10[%add3A_150] : memref<114688xf32, #tpu.memory_space<vmem_shared>> -> memref<512xf32, #tpu.memory_space<vmem_shared>>
    %dma_wait3A_200 = arith.constant 2048 : i32
    %dma_wait3A_201 = tpu.memref_slice %arg8[%dma_wait3A_200] : memref<3584xf32, #tpu.memory_space<vmem>> -> memref<512xf32, #tpu.memory_space<vmem>>
    %dma_wait3A_202 = tpu.memref_slice %arg10[%add3A_150] : memref<114688xf32, #tpu.memory_space<vmem_shared>> -> memref<512xf32, #tpu.memory_space<vmem_shared>>
    tpu.wait_dma2 semaphore(%arg11 : memref<!tpu.dma_semaphore, #tpu.memory_space<semaphore_mem>>) src(%dma_wait3A_202 : memref<512xf32, #tpu.memory_space<vmem_shared>>) dst(%dma_wait3A_201 : memref<512xf32, #tpu.memory_space<vmem>>)
    %dma_wait3A_203 = arith.constant 2560 : i32
    %dma_wait3A_204 = tpu.memref_slice %arg8[%dma_wait3A_203] : memref<3584xf32, #tpu.memory_space<vmem>> -> memref<512xf32, #tpu.memory_space<vmem>>
    %dma_wait3A_205 = tpu.memref_slice %arg10[%add3A_158] : memref<114688xf32, #tpu.memory_space<vmem_shared>> -> memref<512xf32, #tpu.memory_space<vmem_shared>>
    %dma_wait3A_206 = arith.constant 2560 : i32
    %dma_wait3A_207 = tpu.memref_slice %arg8[%dma_wait3A_206] : memref<3584xf32, #tpu.memory_space<vmem>> -> memref<512xf32, #tpu.memory_space<vmem>>
    %dma_wait3A_208 = tpu.memref_slice %arg10[%add3A_158] : memref<114688xf32, #tpu.memory_space<vmem_shared>> -> memref<512xf32, #tpu.memory_space<vmem_shared>>
    tpu.wait_dma2 semaphore(%arg11 : memref<!tpu.dma_semaphore, #tpu.memory_space<semaphore_mem>>) src(%dma_wait3A_208 : memref<512xf32, #tpu.memory_space<vmem_shared>>) dst(%dma_wait3A_207 : memref<512xf32, #tpu.memory_space<vmem>>)
    %dma_wait3A_209 = arith.constant 3072 : i32
    %dma_wait3A_210 = tpu.memref_slice %arg8[%dma_wait3A_209] : memref<3584xf32, #tpu.memory_space<vmem>> -> memref<512xf32, #tpu.memory_space<vmem>>
    %dma_wait3A_211 = tpu.memref_slice %arg10[%add3A_166] : memref<114688xf32, #tpu.memory_space<vmem_shared>> -> memref<512xf32, #tpu.memory_space<vmem_shared>>
    %dma_wait3A_212 = arith.constant 3072 : i32
    %dma_wait3A_213 = tpu.memref_slice %arg8[%dma_wait3A_212] : memref<3584xf32, #tpu.memory_space<vmem>> -> memref<512xf32, #tpu.memory_space<vmem>>
    %dma_wait3A_214 = tpu.memref_slice %arg10[%add3A_166] : memref<114688xf32, #tpu.memory_space<vmem_shared>> -> memref<512xf32, #tpu.memory_space<vmem_shared>>
    tpu.wait_dma2 semaphore(%arg11 : memref<!tpu.dma_semaphore, #tpu.memory_space<semaphore_mem>>) src(%dma_wait3A_214 : memref<512xf32, #tpu.memory_space<vmem_shared>>) dst(%dma_wait3A_213 : memref<512xf32, #tpu.memory_space<vmem>>)
    %scan3A_215 = arith.constant 0 : i32
    %scan3A_216 = arith.constant 32 : i32
    %scan3A_217 = arith.addi %scan3A_215, %scan3A_216 : i32
    %scan3A_218 = arith.constant 2 : i32
    scf.for %scan3A_225 = %scan3A_215 to %scan3A_217 step %scan3A_218  : i32 {
      %mul3A_226 = arith.constant 16 : i32
      %mul3A_227 = arith.muli %scan3A_225, %mul3A_226 : i32
      %add3A_228 = arith.constant 0 : i32
      %add3A_229 = arith.addi %add3A_228, %mul3A_227 : i32
      %get3A = arith.index_cast %add3A_229 : i32 to index
      %get3A_230 = tpu.vector_load %arg8[%get3A] {strides = array<i32>} : memref<3584xf32, #tpu.memory_space<vmem>>, vector<16xf32>,
      %add3A_231 = arith.constant 512 : i32
      %add3A_232 = arith.addi %add3A_231, %add3A_229 : i32
      %get3A_233 = arith.index_cast %add3A_232 : i32 to index
      %get3A_234 = tpu.vector_load %arg8[%get3A_233] {strides = array<i32>} : memref<3584xf32, #tpu.memory_space<vmem>>, vector<16xf32>,
      %add3A_235 = arith.addf %get3A_230, %get3A_234 : vector<16xf32>
      %add3A_236 = arith.constant 1024 : i32
      %add3A_237 = arith.addi %add3A_236, %add3A_229 : i32
      %get3A_238 = arith.index_cast %add3A_237 : i32 to index
      %get3A_239 = tpu.vector_load %arg8[%get3A_238] {strides = array<i32>} : memref<3584xf32, #tpu.memory_space<vmem>>, vector<16xf32>,
      %add3A_240 = arith.addf %add3A_235, %get3A_239 : vector<16xf32>
      %add3A_241 = arith.constant 1536 : i32
      %add3A_242 = arith.addi %add3A_241, %add3A_229 : i32
      %get3A_243 = arith.index_cast %add3A_242 : i32 to index
      %get3A_244 = tpu.vector_load %arg8[%get3A_243] {strides = array<i32>} : memref<3584xf32, #tpu.memory_space<vmem>>, vector<16xf32>,
      %add3A_245 = arith.addf %add3A_240, %get3A_244 : vector<16xf32>
      %add3A_246 = arith.constant 2048 : i32
      %add3A_247 = arith.addi %add3A_246, %add3A_229 : i32
      %get3A_248 = arith.index_cast %add3A_247 : i32 to index
      %get3A_249 = tpu.vector_load %arg8[%get3A_248] {strides = array<i32>} : memref<3584xf32, #tpu.memory_space<vmem>>, vector<16xf32>,
      %add3A_250 = arith.addf %add3A_245, %get3A_249 : vector<16xf32>
      %add3A_251 = arith.constant 2560 : i32
      %add3A_252 = arith.addi %add3A_251, %add3A_229 : i32
      %get3A_253 = arith.index_cast %add3A_252 : i32 to index
      %get3A_254 = tpu.vector_load %arg8[%get3A_253] {strides = array<i32>} : memref<3584xf32, #tpu.memory_space<vmem>>, vector<16xf32>,
      %add3A_255 = arith.addf %add3A_250, %get3A_254 : vector<16xf32>
      %add3A_256 = arith.constant 3072 : i32
      %add3A_257 = arith.addi %add3A_256, %add3A_229 : i32
      %get3A_258 = arith.index_cast %add3A_257 : i32 to index
      %get3A_259 = tpu.vector_load %arg8[%get3A_258] {strides = array<i32>} : memref<3584xf32, #tpu.memory_space<vmem>>, vector<16xf32>,
      %add3A_260 = arith.addf %add3A_255, %get3A_259 : vector<16xf32>
      %add3A_261 = arith.constant 512 : i32
      %add3A_262 = arith.addi %add3A_261, %add3A_229 : i32
      %swap3A = arith.index_cast %add3A_262 : i32 to index
      %swap3A_263 = tpu.vector_load %arg9[%swap3A] {strides = array<i32>} : memref<1024xf32, #tpu.memory_space<vmem>>, vector<16xf32>,
      tpu.vector_store %arg9[%swap3A], %add3A_260 {strides = array<i32>} : memref<1024xf32, #tpu.memory_space<vmem>>, vector<16xf32>,
      %scan3A_264 = arith.constant 1 : i32
      %scan3A_265 = arith.addi %scan3A_225, %scan3A_264 : i32
      %mul3A_266 = arith.constant 16 : i32
      %mul3A_267 = arith.muli %scan3A_265, %mul3A_266 : i32
      %add3A_268 = arith.constant 0 : i32
      %add3A_269 = arith.addi %add3A_268, %mul3A_267 : i32
      %get3A_270 = arith.index_cast %add3A_269 : i32 to index
      %get3A_271 = tpu.vector_load %arg8[%get3A_270] {strides = array<i32>} : memref<3584xf32, #tpu.memory_space<vmem>>, vector<16xf32>,
      %add3A_272 = arith.constant 512 : i32
      %add3A_273 = arith.addi %add3A_272, %add3A_269 : i32
      %get3A_274 = arith.index_cast %add3A_273 : i32 to index
      %get3A_275 = tpu.vector_load %arg8[%get3A_274] {strides = array<i32>} : memref<3584xf32, #tpu.memory_space<vmem>>, vector<16xf32>,
      %add3A_276 = arith.addf %get3A_271, %get3A_275 : vector<16xf32>
      %add3A_277 = arith.constant 1024 : i32
      %add3A_278 = arith.addi %add3A_277, %add3A_269 : i32
      %get3A_279 = arith.index_cast %add3A_278 : i32 to index
      %get3A_280 = tpu.vector_load %arg8[%get3A_279] {strides = array<i32>} : memref<3584xf32, #tpu.memory_space<vmem>>, vector<16xf32>,
      %add3A_281 = arith.addf %add3A_276, %get3A_280 : vector<16xf32>
      %add3A_282 = arith.constant 1536 : i32
      %add3A_283 = arith.addi %add3A_282, %add3A_269 : i32
      %get3A_284 = arith.index_cast %add3A_283 : i32 to index
      %get3A_285 = tpu.vector_load %arg8[%get3A_284] {strides = array<i32>} : memref<3584xf32, #tpu.memory_space<vmem>>, vector<16xf32>,
      %add3A_286 = arith.addf %add3A_281, %get3A_285 : vector<16xf32>
      %add3A_287 = arith.constant 2048 : i32
      %add3A_288 = arith.addi %add3A_287, %add3A_269 : i32
      %get3A_289 = arith.index_cast %add3A_288 : i32 to index
      %get3A_290 = tpu.vector_load %arg8[%get3A_289] {strides = array<i32>} : memref<3584xf32, #tpu.memory_space<vmem>>, vector<16xf32>,
      %add3A_291 = arith.addf %add3A_286, %get3A_290 : vector<16xf32>
      %add3A_292 = arith.constant 2560 : i32
      %add3A_293 = arith.addi %add3A_292, %add3A_269 : i32
      %get3A_294 = arith.index_cast %add3A_293 : i32 to index
      %get3A_295 = tpu.vector_load %arg8[%get3A_294] {strides = array<i32>} : memref<3584xf32, #tpu.memory_space<vmem>>, vector<16xf32>,
      %add3A_296 = arith.addf %add3A_291, %get3A_295 : vector<16xf32>
      %add3A_297 = arith.constant 3072 : i32
      %add3A_298 = arith.addi %add3A_297, %add3A_269 : i32
      %get3A_299 = arith.index_cast %add3A_298 : i32 to index
      %get3A_300 = tpu.vector_load %arg8[%get3A_299] {strides = array<i32>} : memref<3584xf32, #tpu.memory_space<vmem>>, vector<16xf32>,
      %add3A_301 = arith.addf %add3A_296, %get3A_300 : vector<16xf32>
      %add3A_302 = arith.constant 512 : i32
      %add3A_303 = arith.addi %add3A_302, %add3A_269 : i32
      %swap3A_304 = arith.index_cast %add3A_303 : i32 to index
      %swap3A_305 = tpu.vector_load %arg9[%swap3A_304] {strides = array<i32>} : memref<1024xf32, #tpu.memory_space<vmem>>, vector<16xf32>,
      tpu.vector_store %arg9[%swap3A_304], %add3A_301 {strides = array<i32>} : memref<1024xf32, #tpu.memory_space<vmem>>, vector<16xf32>,
    }
    %scan3A_219 = arith.constant 32 : i32
    %mul3A_220 = arith.constant 16384 : i32
    %mul3A_221 = arith.muli %arg0, %mul3A_220 : i32
    %mul3A_222 = arith.constant 1024 : i32
    %mul3A_223 = arith.muli %arg1, %mul3A_222 : i32
    %add3A_224 = arith.addi %mul3A_221, %mul3A_223 : i32
    "tpu.region"() ({
      %run_scoped3A = tpu.sem_alloc : memref<!tpu.dma_semaphore, #tpu.memory_space<semaphore_mem>>
      %dma_start3A_225 = tpu.memref_slice %arg4[%add3A_224] : memref<32768xf32, #tpu.memory_space<hbm>> -> memref<1024xf32, #tpu.memory_space<hbm>>
      %dma_start3A_226 = tpu.memref_slice %arg4[%add3A_224] : memref<32768xf32, #tpu.memory_space<hbm>> -> memref<1024xf32, #tpu.memory_space<hbm>>
      tpu.enqueue_dma source(%arg9 : memref<1024xf32, #tpu.memory_space<vmem>>) target(%dma_start3A_226 : memref<1024xf32, #tpu.memory_space<hbm>>) target_semaphore(%run_scoped3A : memref<!tpu.dma_semaphore, #tpu.memory_space<semaphore_mem>>)
      %dma_wait3A_227 = tpu.memref_slice %arg4[%add3A_224] : memref<32768xf32, #tpu.memory_space<hbm>> -> memref<1024xf32, #tpu.memory_space<hbm>>
      %dma_wait3A_228 = tpu.memref_slice %arg4[%add3A_224] : memref<32768xf32, #tpu.memory_space<hbm>> -> memref<1024xf32, #tpu.memory_space<hbm>>
      tpu.wait_dma2 semaphore(%run_scoped3A : memref<!tpu.dma_semaphore, #tpu.memory_space<semaphore_mem>>) src(%arg9 : memref<1024xf32, #tpu.memory_space<vmem>>) dst(%dma_wait3A_228 : memref<1024xf32, #tpu.memory_space<hbm>>)
      tpu.yield
    }) : () -> ()
    return
  }
}

module attributes {stable_mosaic.version = 14 : i64} {
  func.func @_tc_body(%arg0: memref<2x128x128xf32, #tpu.memory_space<vmem>>, %arg1: memref<2x128x128xf32, #tpu.memory_space<vmem>>, %arg2: memref<1x128xf32, #tpu.memory_space<vmem>>, %arg3: memref<128x128xf32, #tpu.memory_space<vmem>>) attributes {dimension_semantics = [], scalar_prefetch = 0 : i64, scratch_operands = 0 : i64, tpu.core_type = #tpu.core_type<tc>} {
    %get3A = arith.constant 0 : index
    %get3A_0 = arith.constant 0 : index
    %get3A_1 = arith.constant 0 : index
    %get3A_2 = vector.load %arg0[%get3A, %get3A_0, %get3A_1] : memref<2x128x128xf32, #tpu.memory_space<vmem>>, vector<1x128x128xf32>
    %get3A_3 = vector.shape_cast %get3A_2 : vector<1x128x128xf32> to vector<128x128xf32>
    %get3A_4 = arith.constant 1 : index
    %get3A_5 = arith.constant 0 : index
    %get3A_6 = arith.constant 0 : index
    %get3A_7 = vector.load %arg0[%get3A_4, %get3A_5, %get3A_6] : memref<2x128x128xf32, #tpu.memory_space<vmem>>, vector<1x128x128xf32>
    %get3A_8 = vector.shape_cast %get3A_7 : vector<1x128x128xf32> to vector<128x128xf32>
    %add3A = arith.addf %get3A_3, %get3A_8 : vector<128x128xf32>
    %get3A_9 = arith.constant 0 : index
    %get3A_10 = arith.constant 0 : index
    %get3A_11 = arith.constant 0 : index
    %get3A_12 = vector.load %arg1[%get3A_9, %get3A_10, %get3A_11] : memref<2x128x128xf32, #tpu.memory_space<vmem>>, vector<1x128x128xf32>
    %get3A_13 = vector.shape_cast %get3A_12 : vector<1x128x128xf32> to vector<128x128xf32>
    %add3A_14 = arith.addf %add3A, %get3A_13 : vector<128x128xf32>
    %get3A_15 = arith.constant 1 : index
    %get3A_16 = arith.constant 0 : index
    %get3A_17 = arith.constant 0 : index
    %get3A_18 = vector.load %arg1[%get3A_15, %get3A_16, %get3A_17] : memref<2x128x128xf32, #tpu.memory_space<vmem>>, vector<1x128x128xf32>
    %get3A_19 = vector.shape_cast %get3A_18 : vector<1x128x128xf32> to vector<128x128xf32>
    %add3A_20 = arith.addf %add3A_14, %get3A_19 : vector<128x128xf32>
    %get3A_21 = arith.constant 0 : index
    %get3A_22 = arith.constant 0 : index
    %get3A_23 = vector.load %arg2[%get3A_21, %get3A_22] : memref<1x128xf32, #tpu.memory_space<vmem>>, vector<1x128xf32>
    %add3A_24 = vector.broadcast %get3A_23 : vector<1x128xf32> to vector<128x128xf32>
    %add3A_25 = arith.addf %add3A_20, %add3A_24 : vector<128x128xf32>
    %swap3A = arith.constant 0 : index
    %swap3A_26 = arith.constant 0 : index
    %swap3A_27 = vector.load %arg3[%swap3A, %swap3A_26] : memref<128x128xf32, #tpu.memory_space<vmem>>, vector<128x128xf32>
    tpu.vector_store %arg3[%swap3A, %swap3A_26], %add3A_25 {strides = array<i32>} : memref<128x128xf32, #tpu.memory_space<vmem>>, vector<128x128xf32>,
    return
  }
}

</mosaic_0001>

<sc_bundles>
// kernel: sc_fields_0.3.cloned.1.call-start
scs
__scs_entry_jumppad:
0x0: {  	(pc) =	sbr.rel $0x88, $3  }
0x1: {  	(tag) =	ssettag $0x0;
	lr =	simm.s32 $0x1  }
0x2: {  	[smem:$0x3F9D] =	sst lr;
	_ =	strace $0xD0000000  }
0x3: {  	_ = 	snop  }
0x4: {  	_ = 	snop  }
0x5: {  	_ = 	snop  }
0x6: {  	_ = 	snop  }
0x7: {  	_ = 	snop  }
__scs_overlays_trampoline_lowered:
0x8: {  	[smem:$0x3FAC] =	sst s0  }
0x9: {  	[smem:$0x3FAD] =	sst s1  }
0xa: {  	[smem:$0x3FAE] =	sst s2  }
0xb: {  	[smem:$0x3FAF] =	sst s3  }
0xc: {  	[smem:$0x3FB0] =	sst s4  }
0xd: {  	[smem:$0x3FB1] =	sst s5  }
0xe: {  	[smem:$0x3FB2] =	sst s6  }
0xf: {  	[smem:$0x3FB3] =	sst s7  }
0x10: {  	[smem:$0x3FB4] =	sst s8  }
0x11: {  	[smem:$0x3FB5] =	sst s9;
	s0 =	simm.s32 @!p0 $0x0  }
0x12: {  	s1 =	sld [smem:$0x3F9B];
	s0 =	simm.s32 @p0 $0x1  }
0x13: {  	[smem:$0x3FB6] =	sst s0;
	s0 =	simm.s32 @!p1 $0x0  }
0x14: {  	s2 =	sld [smem:$0x3F9A];
	s0 =	simm.s32 @p1 $0x1  }
0x15: {  	[smem:$0x3FB7] =	sst s0;
	s0 =	simm.s32 @!p2 $0x0  }
0x16: {  	s3 =	sld [smem:$0x3FDB];
	s0 =	simm.s32 @p2 $0x1  }
0x17: {  	s4 =	simm.s32 $0x1BF5;
	[smem:$0x3FB9] =	sst s0  }
0x18: {  	s0 =	sld [smem:$0x3F9C];
	_ =	swait.ge [sflag:s4], $0x0  }
0x19: {  	s7 =	sld [smem:$0x3F9D]  }
0x1a: {  	s8 =	sadd.s32 $0xFFFFE003, lr  }
0x1b: {  	s9 =	sadd.s32 $0xFFFFFEF7, lr;
	s5 =	simm.s32 $0xFFFFFFFF;
	p2 =	slt.u32 s8, $0xFFFFF086  }
0x1c: {  	p1 =	slt.u32 s9, $0xF7A;
	s5 =	simm.s32 @!p2 $0x0  }
0x1d: {  	s5 =	simm.s32 @p1 $0x1;
	p0 =	seq.s32 s7, s2  }
0x1e: {  	s7 =	smul.u32 @!p0 $0xF7A, s2;
	p2 =	seq.s32 @!p0 s5, $0x0  }
0x1f: {  	s9 =	smul.u32 $0xF7A, s1;
	s8 =	simm.s32 @!p0 $0x1BF5;
	p2 =	por !p2, p0  }
0x20: {  	[sflag:s8] =	ssyncset.s32 @!p0 $0xFFFFF086;
	s6 =	sadd.s32 @!p0 s3, s7;
	s7 =	simm.s32 @!p0 $0x108  }
0x21: {  	s3 =	sadd.s32 s3, s9;
	s6 =	sadd.s32 @!p0 $0x88, s6;
	s7 =	simm.s32 @p2 $0x1082  }
0x22: {  	[simem:s7], [sflag:s8] =	dma.local @!p0 [hbm:s6], $0xF7A  }
0x23: {  	s9 =	sor.u32 $0xD0000000, s2;
	s6 =	simm.s32 $0x108;
	_ =	swait.ge @!p0 [sflag:s8], $0x0  }
0x24: {  	s3 =	sadd.s32 $0x88, s3;
	s6 =	simm.s32 @!p1 $0x1082;
	[sflag:s4] =	ssyncset.s32 $0xFFFFF086  }
0x25: {  	[simem:s6], [sflag:s4] =	dma.local [hbm:s3], $0xF7A  }
0x26: {  	[smem:$0x3F9D] =	sst s1;
	(tag) =	ssettag s2;
	_ =	strace s9  }
0x27: {  	s1 =	sld [smem:$0x3FAD]  }
0x28: {  	s2 =	sld [smem:$0x3FAE]  }
0x29: {  	s4 =	sld [smem:$0x3FB0]  }
0x2a: {  	p0 =	seq.s32 s5, $0x0;
	s5 =	sld [smem:$0x3FB1]  }
0x2b: {  	s6 =	sld [smem:$0x3FB2]  }
0x2c: {  	s7 =	sld [smem:$0x3FB3]  }
0x2d: {  	s3 =	simm.s32 $0x108;
	s8 =	sld [smem:$0x3FB4]  }
0x2e: {  	s3 =	simm.s32 @!p0 $0x1082;
	s9 =	sld [smem:$0x3FB5]  }
0x2f: {  	lr =	sadd.s32 s0, s3;
	s0 =	sld [smem:$0x3FAC]  }
0x30: {  	s3 =	sld [smem:$0x3FAF]  }
0x31: {  	[smem:$0x3FB8] =	sst s10  }
0x32: {  	s10 =	sld [smem:$0x3FB6];
	_ =	sdelay $0x3  }
0x33: {  	p0 =	seq.s32 s10, $0x1;
	s10 =	sld [smem:$0x3FB8];
	_ =	sdelay $0x3  }
0x34: {  	[smem:$0x3FB8] =	sst s10  }
0x35: {  	s10 =	sld [smem:$0x3FB7];
	_ =	sdelay $0x3  }
0x36: {  	p1 =	seq.s32 s10, $0x1;
	s10 =	sld [smem:$0x3FB8];
	_ =	sdelay $0x3  }
0x37: {  	[smem:$0x3FB8] =	sst s10  }
0x38: {  	s10 =	sld [smem:$0x3FB9]  }
0x39: {  	_ = 	snop;
	(pc) =	sbr.ind lr, $3  }
0x3a: {  	_ = 	snop  }
0x3b: {  	_ = 	snop  }
0x3c: {  	p2 =	seq.s32 s10, $0x1;
	s10 =	sld [smem:$0x3FB8]  }
0x3d: {  	_ =	shalt  }
0x3e: {  	_ =	shalt  }
0x3f: {  	_ =	shalt  }
0x40: {  	_ =	shalt  }
0x41: {  	_ =	shalt  }
0x42: {  	_ =	shalt  }
0x43: {  	_ =	shalt  }
0x44: {  	_ =	shalt  }
0x45: {  	_ =	shalt  }
0x46: {  	_ =	shalt  }
0x47: {  	_ =	shalt  }
0x48: {  	_ =	shalt  }
0x49: {  	_ =	shalt  }
0x4a: {  	_ =	shalt  }
0x4b: {  	_ =	shalt  }
0x4c: {  	_ =	shalt  }
0x4d: {  	_ =	shalt  }
0x4e: {  	_ =	shalt  }
0x4f: {  	_ =	shalt  }
0x50: {  	_ =	shalt  }
0x51: {  	_ =	shalt  }
0x52: {  	_ =	shalt  }
0x53: {  	_ =	shalt  }
0x54: {  	_ =	shalt  }
0x55: {  	_ =	shalt  }
0x56: {  	_ =	shalt  }
0x57: {  	_ =	shalt  }
0x58: {  	_ =	shalt  }
0x59: {  	_ =	shalt  }
0x5a: {  	_ =	shalt  }
0x5b: {  	_ =	shalt  }
0x5c: {  	_ =	shalt  }
0x5d: {  	_ =	shalt  }
0x5e: {  	_ =	shalt  }
0x5f: {  	_ =	shalt  }
0x60: {  	_ =	shalt  }
0x61: {  	_ =	shalt  }
0x62: {  	_ =	shalt  }
0x63: {  	_ =	shalt  }
0x64: {  	_ =	shalt  }
0x65: {  	_ =	shalt  }
0x66: {  	_ =	shalt  }
0x67: {  	_ =	shalt  }
0x68: {  	_ =	shalt  }
0x69: {  	_ =	shalt  }
0x6a: {  	_ =	shalt  }
0x6b: {  	_ =	shalt  }
0x6c: {  	_ =	shalt  }
0x6d: {  	_ =	shalt  }
0x6e: {  	_ =	shalt  }
0x6f: {  	_ =	shalt  }
0x70: {  	_ =	shalt  }
0x71: {  	_ =	shalt  }
0x72: {  	_ =	shalt  }
0x73: {  	_ =	shalt  }
0x74: {  	_ =	shalt  }
0x75: {  	_ =	shalt  }
0x76: {  	_ =	shalt  }
0x77: {  	_ =	shalt  }
0x78: {  	_ =	shalt  }
0x79: {  	_ =	shalt  }
0x7a: {  	_ =	shalt  }
0x7b: {  	_ =	shalt  }
0x7c: {  	_ =	shalt  }
0x7d: {  	_ =	shalt  }
0x7e: {  	_ =	shalt  }
0x7f: {  	_ =	shalt  }
0x80: {  	_ =	shalt  }
0x81: {  	_ =	shalt  }
0x82: {  	_ =	shalt  }
0x83: {  	_ =	shalt  }
0x84: {  	_ =	shalt  }
0x85: {  	_ =	shalt  }
0x86: {  	_ =	shalt  }
0x87: {  	_ =	shalt  }
.Lfunc_end0:
.L_simem_size_0:
called_computation_lowered:
.L_overlay_start_0:
0x88: {  	s2 =	sld [smem:$0x3FD9]  }
0x89: {  	s3 =	sld [smem:$0x3FFE];
	_ =	sdelay $0x1  }
0x8a: {  	s1 =	srdreg.scid  }
0x8b: {  	s0 =	sand.u32 $0x1, s1  }
0x8c: {  	s17 =	sshll.u32 s0, $0xA;
	s2 =	sadd.s32 s3, s2  }
0x8d: {  	s2 =	sadd.s32 s2, s17  }
0x8e: {  	[smem:$0x3FC4] =	sst s2  }
0x8f: {  	_ = 	snop  }
0x90: {  	s2 =	sld [smem:$0x3FC9]  }
0x91: {  	s18 =	sld [smem:$0x3FC8];
	(tm) =	ssettm $0x1  }
0x92: {  	s4 =	sld [smem:$0x3FFB];
	_ =	sdelay $0x3  }
0x93: {  	_ =	strace s4  }
0x94: {  	s4 =	sld [smem:$0x3FFC];
	_ =	sdelay $0x3  }
0x95: {  	_ =	strace s4  }
0x96: {  	s4 =	sld [smem:$0x3FFD];
	_ =	sdelay $0x3  }
0x97: {  	_ =	strace s4  }
0x98: {  	_ =	strace $0x8FFFFFFF  }
0x99: {  	s19 =	sld [smem:$0x3FDB];
	_ =	sdelay $0x1  }
0x9a: {  	s5 =	simm.s32 $_scs_section_size  }
0x9b: {  	s6 =	simm.s32 $_size__tile_overlayer_lowered;
	s7 =	simm.s32 $_tile_overlayer_lowered  }
0x9c: {  	s22 =	simm.s32 $0x1BFF;
	s21 =	sshll.u32 s7, $0x1;
	s4 =	sadd.s32 s5, s19  }
0x9d: {  	s8 =	simm.s32 $0x0;
	s20 =	sshll.u32 s6, $0x1;
	s6 =	sadd.s32 s21, s4  }
0x9e: {  	[timem:s8], [sflag:s22] =	dma.local [hbm:s6], s20  }
0x9f: {  	_ =	swait.ge [sflag:s22], s20  }
0xa0: {  	s5 =	ssub.s32 $0x0, s20;
	[sflag:s22] =	ssyncset.done $0x0  }
0xa1: {  	[sflag:s22] =	ssyncadd.s32 s5;
	_ =	sdelay $0x1  }
0xa2: {  	s23 =	simm.s32 $0x1B8B  }
0xa3: {  	_ =	swait.ge [sflag:s23], $0x1  }
0xa4: {  	[sflag:s23] =	ssyncset.done $0x0  }
0xa5: {  	s25 =	simm.s32 $0x1B8E;
	s24 =	sld [smem:$0x3FFE];
	[sflag:s23] =	ssyncadd.s32 $0xFFFFFFFF  }
0xa6: {  	s26 =	simm.s32 $execute0_lowered;
	[smem:$0x3FD2] =	sst s25  }
0xa7: {  	s6 =	sshll.u32 s26, $0x1;
	_ =	strace $0x80000046;
	[dreg:$0x1] =	wrdreg $0xFFFFFFFF  }
0xa8: {  	s28 =	simm.s32 $_size_execute0_lowered;
	s4 =	sadd.s32 s4, s6;
	[dreg:$0x0] =	wrdreg $0x0  }
0xa9: {  	s6 =	sshll.u32 s28, $0x1;
	[dreg:$0x2] =	wrdreg s4  }
0xaa: {  	[dreg:$0x3] =	wrdreg s6  }
0xab: {  	[dreg:$0x4] =	wrdreg $0xC0  }
0xac: {  	_ =	task [dreg:s8], $0x5FFFF  }
0xad: {  	[dreg:$0x1] =	wrdreg $0xFFFFFFFF  }
0xae: {  	[dreg:$0x0] =	wrdreg $0x60  }
0xaf: {  	[dreg:$0x2] =	wrdreg s2  }
0xb0: {  	[dreg:$0x3] =	wrdreg s18  }
0xb1: {  	[dreg:$0x4] =	wrdreg s24  }
0xb2: {  	[dreg:$0x5] =	wrdreg $0x1B1000  }
0xb3: {  	[dreg:$0x6] =	wrdreg $0x9  }
0xb4: {  	_ =	task.clear_ibuf [dreg:s8], $0x7FFFF;
	_ =	strace $0x90000046  }
0xb5: {  	s29 =	simm.s32 $0x9;
	_ =	strace $0x80000048  }
0xb6: {  	_ =	swait.ge [sflag:s29], $0x1  }
0xb7: {  	[sflag:s29] =	ssyncadd.s32 $0xFFFFFFFF  }
0xb8: {  	_ =	strace $0x90000048  }
0xb9: {  	_ =	sfence  }
0xba: {  	s30 =	sld [smem:$0x0];
	_ =	sdelay $0x2  }
0xbb: {  	s31 =	sshll.u32 s1, $0xD;
	s1 =	sshrl.u32 s1, $0x2  }
0xbc: {  	s3 =	sand.u32 $0x4000, s31;
	s1 =	sadd.s32 s1, s30  }
0xbd: {  	s0 =	sor.u32 s3, s0;
	s1 =	sshll.u32 s1, $0x11  }
0xbe: {  	s0 =	sor.u32 s1, s0  }
0xbf: {  	s0 =	sadd.s32 $0x8F2B, s0  }
0xc0: {  	[sflag:s0] =	ssyncadd.remote.s32 $0x1  }
0xc1: {  	_ =	sfence.sel $0xFFFF  }
0xc2: {  	[dreg:$0x0] =	wrdreg $0xFFFFFFFF;
	(pc) =	sbr.abs _section_cstart, $3  }
0xc3: {  	[dreg:$0x1] =	wrdreg $0xFFFFFFFF  }
0xc4: {  	_ =	task.clear_ibuf [dreg:s8], $0x2FFFF;
	_ =	strace $0x9FFFFFFF  }
0xc5: {  	(tm) =	ssettm $0x7FFFFFFF  }
tec
execute0_lowered:
.L_overlay_start_1:
0x0: {  	(tag) =	ssettag $0x1  }
0x1: {  	s0 =	rddreg [dreg:$0x0]  }
0x2: {  	s1 =	rddreg [dreg:$0x1]  }
0x3: {  	s3 =	rddreg [dreg:$0x2];
	s2 =	srdreg.scid  }
0x4: {  	s4 =	rddreg [dreg:$0x3];
	s13 =	stileid.u32;
	s5 =	sand.u32 $0x1, s2  }
0x5: {  	s2 =	simm.s32 $0x0;
	s7 =	sshll.u32 s13, $0xA;
	s14 =	sshll.u32 s13, $0xE  }
0x6: {  	p1 =	seq.s32 s13, $0x6;
	s25 =	sadd.s32 $0x18000, s4;
	s6 =	smul.u32 $0x7, s5  }
0x7: {  	[smem:$0x7FF] =	sst s2;
	s8 =	sshll.u32 s5, $0xE;
	s26 =	ssub.s32 $0x2, s5  }
0x8: {  	p0 =	seq.s32 s5, $0x1;
	_ =	strace $0x80000047;
	s8 =	sor.u32 s7, s8  }
0x9: {  	s12 =	sshrl.u32 s26, $0x1;
	p0 =	por !p1, !p0;
	s6 =	sadd.s32 s13, s6  }
0xa: {  	[dreg:$0x11] =	wrdreg s25;
	s8 =	sshrl.u32 s8, $0x3;
	s9 =	sshll.u32 s6, $0xE  }
0xb: {  	s10 =	sshll.u32 s6, $0x7;
	s3 =	sadd.s32 s8, s3;
	s6 =	smul.u32 $0x30D4, s6  }
0xc: {  	s8 =	ssub.s32 s26, s12;
	s12 =	sxor.u32 $0x7, s5;
	s26 =	sadd.s32 $0x18800, s4  }
0xd: {  	s5 =	sadd.s32 $0x19800, s4;
	s11 =	sor.u32 s10, s9;
	[dreg:$0x12] =	wrdreg s26  }
0xe: {  	[dreg:$0x14] =	wrdreg s5;
	p1 =	sge.u32 s13, s12;
	s12 =	sadd.s32 $0x1B000, s4  }
0xf: {  	s15 =	sand.u32 $0x380, s10;
	s13 =	sadd.s32 $0x1B800, s4;
	[dreg:$0x17] =	wrdreg s12  }
0x10: {  	s10 =	sadd.s32 s14, s4;
	s14 =	sadd.s32 $0xE00, s3;
	[dreg:$0x18] =	wrdreg s13  }
0x11: {  	s28 =	simm.s32 $0x4;
	[dreg:$0x19] =	wrdreg s14  }
0x12: {  	s29 =	simm.s32 $0x1A100;
	s1 =	sadd.s32 s1, s6;
	[dreg:$0x8] =	wrdreg s10  }
0x13: {  	s30 =	simm.s32 $0x1A300;
	s18 =	sadd.s32 $0x800, s10;
	[dreg:$0x5] =	wrdreg s1  }
0x14: {  	s31 =	simm.s32 $0x1A500;
	s20 =	sadd.s32 $0x1000, s10;
	[dreg:$0xa] =	wrdreg s18  }
0x15: {  	p0 =	por !p0, !p0;
	s23 =	sadd.s32 $0x1800, s10;
	[dreg:$0xc] =	wrdreg s20  }
0x16: {  	s11 =	sand.u32 $0x60380, s11;
	s6 =	sadd.s32 $0x1A000, s4;
	[dreg:$0xe] =	wrdreg s23  }
0x17: {  	s22 =	sor.u32 s9, s15;
	s9 =	sadd.s32 $0x1A800, s4;
	[dreg:$0x15] =	wrdreg s6  }
0x18: {  	s15 =	smax.u32 s8, $0x1;
	s11 =	sshrl.u32 s11, $0x3;
	[dreg:$0x16] =	wrdreg s9  }
0x19: {  	s1 =	sshrl.u32 s22, $0x3;
	[dreg:$0x1a] =	wrdreg s15;
	s18 =	sadd.s32 $0x2800, s10  }
0x1a: {  	s22 =	sadd.s32 s7, s4;
	s20 =	sadd.s32 $0x3800, s10;
	[dreg:$0x1d] =	wrdreg s18  }
0x1b: {  	s6 =	simm.s32 $0x1A900;
	s11 =	sadd.s32 s0, s11;
	[dreg:$0x1f] =	wrdreg s20  }
0x1c: {  	s1 =	sor.u32 $0x3800, s1;
	s23 =	sadd.s32 $0x8000, s22;
	[dreg:$0x6] =	wrdreg s11  }
0x1d: {  	s25 =	sadd.s32 $0x10000, s22;
	s26 =	sadd.s32 $0x14000, s22;
	[smem:$0x7FA] =	sst s23  }
0x1e: {  	s8 =	sadd.s32 $0x18000, s22;
	s9 =	sadd.s32 $0x200, s22;
	[smem:$0x7FC] =	sst s25  }
0x1f: {  	s12 =	sadd.s32 $0xC200, s22;
	s16 =	sadd.s32 $0x800, s11;
	[smem:$0x7FD] =	sst s26  }
0x20: {  	s13 =	sadd.s32 $0x10200, s22;
	s17 =	sadd.s32 $0x1000, s11;
	[dreg:$0x7] =	wrdreg s16  }
0x21: {  	s14 =	sadd.s32 $0x14200, s22;
	s19 =	sadd.s32 $0x1800, s11;
	[dreg:$0x9] =	wrdreg s17  }
0x22: {  	s15 =	sadd.s32 $0x18200, s22;
	s21 =	sadd.s32 $0x2000, s11;
	[dreg:$0xb] =	wrdreg s19  }
0x23: {  	s18 =	simm.s32 $0x18700;
	s24 =	sadd.s32 $0x2800, s11;
	[dreg:$0xd] =	wrdreg s21  }
0x24: {  	s20 =	simm.s32 $0x18F00;
	s0 =	sadd.s32 s0, s1;
	[dreg:$0xf] =	wrdreg s24  }
0x25: {  	s1 =	sadd.s32 $0x19000, s4;
	s23 =	simm.s32 $0x19700;
	[dreg:$0x10] =	wrdreg s0  }
0x26: {  	s26 =	simm.s32 $0x5;
	[dreg:$0x13] =	wrdreg s1;
	s16 =	sadd.s32 $0x2000, s10  }
0x27: {  	s4 =	simm.s32 $0x1A700;
	s17 =	sadd.s32 $0x3000, s11;
	[dreg:$0x1b] =	wrdreg s16  }
0x28: {  	s25 =	simm.s32 $0x0;
	s19 =	sadd.s32 $0x3000, s10;
	[dreg:$0x1c] =	wrdreg s17  }
0x29: {  	s21 =	sadd.s32 $0x4000, s22;
	s24 =	sadd.s32 $0xC000, s22;
	[dreg:$0x1e] =	wrdreg s19  }
0x2a: {  	s10 =	sadd.s32 $0x4200, s22;
	s11 =	sadd.s32 $0x8200, s22;
	[smem:$0x7F9] =	sst s21  }
0x2b: {  	[smem:$0x7FB] =	sst s24;
	s16 =	simm.s32 $0x80;
	s17 =	simm.s32 $0x400  }
0x2c: {  	v0 =	vimm.f32 $0.0e+00;
	s21 =	simm.s32 $0x3;
	s19 =	simm.s32 $0x1AB00;
	s24 =	simm.s32 $0x1  }
.LBB2_1:
.Ltmp0:
0x2d: {  	(pc) =	sbr.rel @p1 .LBB2_19-.Ltmp0, $1  }
0x2e: {  	_ =	sdelay $0x3  }
0x2f: {  	s0 =	rddreg [dreg:$0x5]  }
0x30: {  	[tilespmem:s2], [sflag:$0x2] =	stream.linear.gather [hbm4b:s0+s2], $0x186A0, $0x38;
	[tilespmem:$0x1CD00] =	vst v63  }
0x31: {  	s3 =	rddreg [dreg:$0x6];
	s5 =	simm.s32 $0x2  }
0x32: {  	[tilespmem:s18], [sflag:$0x3] =	stream.strided.gather [hbm4b:s3+s16], $0x800, s17, s16, $0x38;
	[tilespmem:$0x1CD00] =	vst v63  }
0x33: {  	_ =	swait.ge [sflag:s5], $0x186A0  }
0x34: {  	[sflag:s5] =	ssyncset.done $0x0  }
0x35: {  	s7 =	rddreg [dreg:$0x7];
	[sflag:s5] =	ssyncadd.s32 $0xFFFE7960  }
0x36: {  	[tilespmem:s20], [sflag:$0x4] =	stream.strided.gather [hbm4b:s7+s16], $0x800, s17, s16, $0x38;
	[tilespmem:$0x1CD00] =	vst v63  }
0x37: {  	_ =	swait.ge [sflag:s21], $0x800  }
0x38: {  	s1 =	simm.s32 $0x19720;
	[sflag:s21] =	ssyncset.done $0x0  }
0x39: {  	s0 =	simm.s32 $0xFFFFFFFC;
	s3 =	simm.s32 $0x18720;
	[sflag:s21] =	ssyncadd.s32 $0xFFFFF800  }
.LBB2_3:
0x3a: {  	v1 =	vld [tilespmem:s3+$0xFFFFFFE0];
	_ =	sdelay $0x7  }
0x3b: {  	v1 =	vld.idx.msk [tilespmem:v1+s2+$0x0], $0xffff;
	_ =	sdelay $0x4  }
0x3c: {  	[tilespmem:s1+$0xFFFFFFE0] =	vst v1  }
0x3d: {  	v1 =	vld [tilespmem:s3+$0xFFFFFFF0];
	_ =	sdelay $0x7  }
0x3e: {  	v1 =	vld.idx.msk [tilespmem:v1+s2+$0x0], $0xffff;
	_ =	sdelay $0x4  }
0x3f: {  	[tilespmem:s1+$0xFFFFFFF0] =	vst v1  }
0x40: {  	v1 =	vld [tilespmem:s3+$0x0];
	_ =	sdelay $0x7  }
0x41: {  	v1 =	vld.idx.msk [tilespmem:v1+s2+$0x0], $0xffff;
	_ =	sdelay $0x4  }
0x42: {  	[tilespmem:s1+$0x0] =	vst v1  }
0x43: {  	v1 =	vld [tilespmem:s3+$0x10];
	_ =	sdelay $0x6  }
0x44: {  	s0 =	sadd.s32 $0x4, s0  }
0x45: {  	p2 =	slt.u32 s0, $0x7C;
	v1 =	vld.idx.msk [tilespmem:v1+s2+$0x0], $0xffff  }
.Ltmp1:
0x46: {  	_ = 	snop;
	(pc) =	sbr.rel @p2 .LBB2_3-.Ltmp1, $2  }
0x47: {  	_ =	sdelay $0x2  }
0x48: {  	s3 =	sadd.s32 $0x40, s3;
	[tilespmem:s1+$0x10] =	vst v1;
	s1 =	sadd.s32 $0x40, s1  }
0x49: {  	s0 =	rddreg [dreg:$0x8]  }
0x4a: {  	[spmem:s0] =	stream.linear.scatter [tilespmem:s23], [sflag:$0x5], $0x800, $0x38;
	[tilespmem:$0x1CD00] =	vst v63  }
0x4b: {  	_ =	swait.ge [sflag:s26], $0x800  }
0x4c: {  	[sflag:s26] =	ssyncset.done $0x0  }
0x4d: {  	s7 =	rddreg [dreg:$0x9];
	[sflag:s26] =	ssyncadd.s32 $0xFFFFF800  }
0x4e: {  	[tilespmem:s18], [sflag:$0x3] =	stream.strided.gather [hbm4b:s7+s16], $0x800, s17, s16, $0x38;
	[tilespmem:$0x1CD00] =	vst v63  }
0x4f: {  	_ =	swait.ge [sflag:s28], $0x800  }
0x50: {  	s1 =	simm.s32 $0x0;
	s3 =	simm.s32 $0x19720;
	[sflag:s28] =	ssyncset.done $0x0  }
0x51: {  	s5 =	simm.s32 $0x18F30;
	s0 =	simm.s32 $0xFFFFFFFC;
	[sflag:s28] =	ssyncadd.s32 $0xFFFFF800  }
.LBB2_5:
0x52: {  	s7 =	sand.u32 $0x7C0, s1  }
0x53: {  	v1 =	vld [tilespmem:s7+$0x18F00];
	_ =	sdelay $0x7  }
0x54: {  	v1 =	vld.idx.msk [tilespmem:v1+s2+$0x0], $0xffff;
	_ =	sdelay $0x4  }
0x55: {  	[tilespmem:s3+$0xFFFFFFE0] =	vst v1  }
0x56: {  	v1 =	vld [tilespmem:s5+$0xFFFFFFE0];
	_ =	sdelay $0x7  }
0x57: {  	v1 =	vld.idx.msk [tilespmem:v1+s2+$0x0], $0xffff;
	_ =	sdelay $0x4  }
0x58: {  	[tilespmem:s3+$0xFFFFFFF0] =	vst v1  }
0x59: {  	v1 =	vld [tilespmem:s5+$0xFFFFFFF0];
	_ =	sdelay $0x7  }
0x5a: {  	v1 =	vld.idx.msk [tilespmem:v1+s2+$0x0], $0xffff;
	_ =	sdelay $0x4  }
0x5b: {  	[tilespmem:s3+$0x0] =	vst v1  }
0x5c: {  	v1 =	vld [tilespmem:s5+$0x0];
	_ =	sdelay $0x6  }
0x5d: {  	s0 =	sadd.s32 $0x4, s0  }
0x5e: {  	p2 =	slt.u32 s0, $0x7C;
	v1 =	vld.idx.msk [tilespmem:v1+s2+$0x0], $0xffff  }
.Ltmp2:
0x5f: {  	_ = 	snop;
	(pc) =	sbr.rel @p2 .LBB2_5-.Ltmp2, $2  }
0x60: {  	_ =	sdelay $0x2  }
0x61: {  	s1 =	sadd.s32 $0x40, s1;
	s5 =	sadd.s32 $0x40, s5;
	[tilespmem:s3+$0x10] =	vst v1;
	s3 =	sadd.s32 $0x40, s3  }
0x62: {  	s0 =	rddreg [dreg:$0xa]  }
0x63: {  	[spmem:s0] =	stream.linear.scatter [tilespmem:s23], [sflag:$0x5], $0x800, $0x38;
	[tilespmem:$0x1CD00] =	vst v63  }
0x64: {  	_ =	swait.ge [sflag:s26], $0x800  }
0x65: {  	[sflag:s26] =	ssyncset.done $0x0  }
0x66: {  	s7 =	rddreg [dreg:$0xb];
	[sflag:s26] =	ssyncadd.s32 $0xFFFFF800  }
0x67: {  	[tilespmem:s20], [sflag:$0x4] =	stream.strided.gather [hbm4b:s7+s16], $0x800, s17, s16, $0x38;
	[tilespmem:$0x1CD00] =	vst v63  }
0x68: {  	_ =	swait.ge [sflag:s21], $0x800  }
0x69: {  	s1 =	simm.s32 $0x19720;
	[sflag:s21] =	ssyncset.done $0x0  }
0x6a: {  	s3 =	simm.s32 $0x18720;
	s0 =	simm.s32 $0xFFFFFFFC;
	[sflag:s21] =	ssyncadd.s32 $0xFFFFF800  }
.LBB2_7:
0x6b: {  	v1 =	vld [tilespmem:s3+$0xFFFFFFE0];
	_ =	sdelay $0x7  }
0x6c: {  	v1 =	vld.idx.msk [tilespmem:v1+s2+$0x0], $0xffff;
	_ =	sdelay $0x4  }
0x6d: {  	[tilespmem:s1+$0xFFFFFFE0] =	vst v1  }
0x6e: {  	v1 =	vld [tilespmem:s3+$0xFFFFFFF0];
	_ =	sdelay $0x7  }
0x6f: {  	v1 =	vld.idx.msk [tilespmem:v1+s2+$0x0], $0xffff;
	_ =	sdelay $0x4  }
0x70: {  	[tilespmem:s1+$0xFFFFFFF0] =	vst v1  }
0x71: {  	v1 =	vld [tilespmem:s3+$0x0];
	_ =	sdelay $0x7  }
0x72: {  	v1 =	vld.idx.msk [tilespmem:v1+s2+$0x0], $0xffff;
	_ =	sdelay $0x4  }
0x73: {  	[tilespmem:s1+$0x0] =	vst v1  }
0x74: {  	v1 =	vld [tilespmem:s3+$0x10];
	_ =	sdelay $0x6  }
0x75: {  	s0 =	sadd.s32 $0x4, s0  }
0x76: {  	p2 =	slt.u32 s0, $0x7C;
	v1 =	vld.idx.msk [tilespmem:v1+s2+$0x0], $0xffff  }
.Ltmp3:
0x77: {  	_ = 	snop;
	(pc) =	sbr.rel @p2 .LBB2_7-.Ltmp3, $2  }
0x78: {  	_ =	sdelay $0x2  }
0x79: {  	s3 =	sadd.s32 $0x40, s3;
	[tilespmem:s1+$0x10] =	vst v1;
	s1 =	sadd.s32 $0x40, s1  }
0x7a: {  	s0 =	rddreg [dreg:$0xc]  }
0x7b: {  	[spmem:s0] =	stream.linear.scatter [tilespmem:s23], [sflag:$0x5], $0x800, $0x38;
	[tilespmem:$0x1CD00] =	vst v63  }
0x7c: {  	_ =	swait.ge [sflag:s26], $0x800  }
0x7d: {  	[sflag:s26] =	ssyncset.done $0x0  }
0x7e: {  	s7 =	rddreg [dreg:$0xd];
	[sflag:s26] =	ssyncadd.s32 $0xFFFFF800  }
0x7f: {  	[tilespmem:s18], [sflag:$0x3] =	stream.strided.gather [hbm4b:s7+s16], $0x800, s17, s16, $0x38;
	[tilespmem:$0x1CD00] =	vst v63  }
0x80: {  	_ =	swait.ge [sflag:s28], $0x800  }
0x81: {  	s1 =	simm.s32 $0x0;
	s3 =	simm.s32 $0x19720;
	[sflag:s28] =	ssyncset.done $0x0  }
0x82: {  	s5 =	simm.s32 $0x18F30;
	s0 =	simm.s32 $0xFFFFFFFC;
	[sflag:s28] =	ssyncadd.s32 $0xFFFFF800  }
.LBB2_9:
0x83: {  	s7 =	sand.u32 $0x7C0, s1  }
0x84: {  	v1 =	vld [tilespmem:s7+$0x18F00];
	_ =	sdelay $0x7  }
0x85: {  	v1 =	vld.idx.msk [tilespmem:v1+s2+$0x0], $0xffff;
	_ =	sdelay $0x4  }
0x86: {  	[tilespmem:s3+$0xFFFFFFE0] =	vst v1  }
0x87: {  	v1 =	vld [tilespmem:s5+$0xFFFFFFE0];
	_ =	sdelay $0x7  }
0x88: {  	v1 =	vld.idx.msk [tilespmem:v1+s2+$0x0], $0xffff;
	_ =	sdelay $0x4  }
0x89: {  	[tilespmem:s3+$0xFFFFFFF0] =	vst v1  }
0x8a: {  	v1 =	vld [tilespmem:s5+$0xFFFFFFF0];
	_ =	sdelay $0x7  }
0x8b: {  	v1 =	vld.idx.msk [tilespmem:v1+s2+$0x0], $0xffff;
	_ =	sdelay $0x4  }
0x8c: {  	[tilespmem:s3+$0x0] =	vst v1  }
0x8d: {  	v1 =	vld [tilespmem:s5+$0x0];
	_ =	sdelay $0x6  }
0x8e: {  	s0 =	sadd.s32 $0x4, s0  }
0x8f: {  	p2 =	slt.u32 s0, $0x7C;
	v1 =	vld.idx.msk [tilespmem:v1+s2+$0x0], $0xffff  }
.Ltmp4:
0x90: {  	_ = 	snop;
	(pc) =	sbr.rel @p2 .LBB2_9-.Ltmp4, $2  }
0x91: {  	_ =	sdelay $0x2  }
0x92: {  	s1 =	sadd.s32 $0x40, s1;
	s5 =	sadd.s32 $0x40, s5;
	[tilespmem:s3+$0x10] =	vst v1;
	s3 =	sadd.s32 $0x40, s3  }
0x93: {  	s0 =	rddreg [dreg:$0xe]  }
0x94: {  	[spmem:s0] =	stream.linear.scatter [tilespmem:s23], [sflag:$0x5], $0x800, $0x38;
	[tilespmem:$0x1CD00] =	vst v63  }
0x95: {  	_ =	swait.ge [sflag:s26], $0x800  }
0x96: {  	[sflag:s26] =	ssyncset.done $0x0  }
0x97: {  	s7 =	rddreg [dreg:$0xf];
	[sflag:s26] =	ssyncadd.s32 $0xFFFFF800  }
0x98: {  	[tilespmem:s20], [sflag:$0x4] =	stream.strided.gather [hbm4b:s7+s16], $0x800, s17, s16, $0x38;
	[tilespmem:$0x1CD00] =	vst v63  }
0x99: {  	_ =	swait.ge [sflag:s21], $0x800  }
0x9a: {  	s1 =	simm.s32 $0x19720;
	[sflag:s21] =	ssyncset.done $0x0  }
0x9b: {  	s3 =	simm.s32 $0x18720;
	s0 =	simm.s32 $0xFFFFFFFC;
	[sflag:s21] =	ssyncadd.s32 $0xFFFFF800  }
.LBB2_11:
0x9c: {  	v1 =	vld [tilespmem:s3+$0xFFFFFFE0];
	_ =	sdelay $0x7  }
0x9d: {  	v1 =	vld.idx.msk [tilespmem:v1+s2+$0x0], $0xffff;
	_ =	sdelay $0x4  }
0x9e: {  	[tilespmem:s1+$0xFFFFFFE0] =	vst v1  }
0x9f: {  	v1 =	vld [tilespmem:s3+$0xFFFFFFF0];
	_ =	sdelay $0x7  }
0xa0: {  	v1 =	vld.idx.msk [tilespmem:v1+s2+$0x0], $0xffff;
	_ =	sdelay $0x4  }
0xa1: {  	[tilespmem:s1+$0xFFFFFFF0] =	vst v1  }
0xa2: {  	v1 =	vld [tilespmem:s3+$0x0];
	_ =	sdelay $0x7  }
0xa3: {  	v1 =	vld.idx.msk [tilespmem:v1+s2+$0x0], $0xffff;
	_ =	sdelay $0x4  }
0xa4: {  	[tilespmem:s1+$0x0] =	vst v1  }
0xa5: {  	v1 =	vld [tilespmem:s3+$0x10];
	_ =	sdelay $0x6  }
0xa6: {  	s0 =	sadd.s32 $0x4, s0  }
0xa7: {  	p2 =	slt.u32 s0, $0x7C;
	v1 =	vld.idx.msk [tilespmem:v1+s2+$0x0], $0xffff  }
.Ltmp5:
0xa8: {  	_ = 	snop;
	(pc) =	sbr.rel @p2 .LBB2_11-.Ltmp5, $2  }
0xa9: {  	_ =	sdelay $0x2  }
0xaa: {  	s3 =	sadd.s32 $0x40, s3;
	[tilespmem:s1+$0x10] =	vst v1;
	s1 =	sadd.s32 $0x40, s1  }
0xab: {  	s0 =	rddreg [dreg:$0x1b]  }
0xac: {  	[spmem:s0] =	stream.linear.scatter [tilespmem:s23], [sflag:$0x5], $0x800, $0x38;
	[tilespmem:$0x1CD00] =	vst v63  }
0xad: {  	_ =	swait.ge [sflag:s26], $0x800  }
0xae: {  	[sflag:s26] =	ssyncset.done $0x0  }
0xaf: {  	s7 =	rddreg [dreg:$0x1c];
	[sflag:s26] =	ssyncadd.s32 $0xFFFFF800  }
0xb0: {  	[tilespmem:s18], [sflag:$0x3] =	stream.strided.gather [hbm4b:s7+s16], $0x800, s17, s16, $0x38;
	[tilespmem:$0x1CD00] =	vst v63  }
0xb1: {  	_ =	swait.ge [sflag:s28], $0x800  }
0xb2: {  	s1 =	simm.s32 $0x0;
	s3 =	simm.s32 $0x19720;
	[sflag:s28] =	ssyncset.done $0x0  }
0xb3: {  	s5 =	simm.s32 $0x18F30;
	s0 =	simm.s32 $0xFFFFFFFC;
	[sflag:s28] =	ssyncadd.s32 $0xFFFFF800  }
.LBB2_13:
0xb4: {  	s7 =	sand.u32 $0x7C0, s1  }
0xb5: {  	v1 =	vld [tilespmem:s7+$0x18F00];
	_ =	sdelay $0x7  }
0xb6: {  	v1 =	vld.idx.msk [tilespmem:v1+s2+$0x0], $0xffff;
	_ =	sdelay $0x4  }
0xb7: {  	[tilespmem:s3+$0xFFFFFFE0] =	vst v1  }
0xb8: {  	v1 =	vld [tilespmem:s5+$0xFFFFFFE0];
	_ =	sdelay $0x7  }
0xb9: {  	v1 =	vld.idx.msk [tilespmem:v1+s2+$0x0], $0xffff;
	_ =	sdelay $0x4  }
0xba: {  	[tilespmem:s3+$0xFFFFFFF0] =	vst v1  }
0xbb: {  	v1 =	vld [tilespmem:s5+$0xFFFFFFF0];
	_ =	sdelay $0x7  }
0xbc: {  	v1 =	vld.idx.msk [tilespmem:v1+s2+$0x0], $0xffff;
	_ =	sdelay $0x4  }
0xbd: {  	[tilespmem:s3+$0x0] =	vst v1  }
0xbe: {  	v1 =	vld [tilespmem:s5+$0x0];
	_ =	sdelay $0x6  }
0xbf: {  	s0 =	sadd.s32 $0x4, s0  }
0xc0: {  	p2 =	slt.u32 s0, $0x7C;
	v1 =	vld.idx.msk [tilespmem:v1+s2+$0x0], $0xffff  }
.Ltmp6:
0xc1: {  	_ = 	snop;
	(pc) =	sbr.rel @p2 .LBB2_13-.Ltmp6, $2  }
0xc2: {  	_ =	sdelay $0x2  }
0xc3: {  	s1 =	sadd.s32 $0x40, s1;
	s5 =	sadd.s32 $0x40, s5;
	[tilespmem:s3+$0x10] =	vst v1;
	s3 =	sadd.s32 $0x40, s3  }
0xc4: {  	s0 =	rddreg [dreg:$0x1d]  }
0xc5: {  	[spmem:s0] =	stream.linear.scatter [tilespmem:s23], [sflag:$0x5], $0x800, $0x38;
	[tilespmem:$0x1CD00] =	vst v63  }
0xc6: {  	_ =	swait.ge [sflag:s26], $0x800  }
0xc7: {  	[sflag:s26] =	ssyncset.done $0x0  }
0xc8: {  	s18 =	rddreg [dreg:$0x10];
	[sflag:s26] =	ssyncadd.s32 $0xFFFFF800  }
0xc9: {  	[tilespmem:s20], [sflag:$0x4] =	stream.strided.gather [hbm4b:s18+s16], $0x800, s17, s16, $0x38;
	[tilespmem:$0x1CD00] =	vst v63  }
0xca: {  	_ =	swait.ge [sflag:s21], $0x800  }
0xcb: {  	s1 =	simm.s32 $0x19720;
	[sflag:s21] =	ssyncset.done $0x0  }
0xcc: {  	s3 =	simm.s32 $0x18720;
	s0 =	simm.s32 $0xFFFFFFFC;
	[sflag:s21] =	ssyncadd.s32 $0xFFFFF800  }
.LBB2_15:
0xcd: {  	v1 =	vld [tilespmem:s3+$0xFFFFFFE0];
	_ =	sdelay $0x7  }
0xce: {  	v1 =	vld.idx.msk [tilespmem:v1+s2+$0x0], $0xffff;
	_ =	sdelay $0x4  }
0xcf: {  	[tilespmem:s1+$0xFFFFFFE0] =	vst v1  }
0xd0: {  	v1 =	vld [tilespmem:s3+$0xFFFFFFF0];
	_ =	sdelay $0x7  }
0xd1: {  	v1 =	vld.idx.msk [tilespmem:v1+s2+$0x0], $0xffff;
	_ =	sdelay $0x4  }
0xd2: {  	[tilespmem:s1+$0xFFFFFFF0] =	vst v1  }
0xd3: {  	v1 =	vld [tilespmem:s3+$0x0];
	_ =	sdelay $0x7  }
0xd4: {  	v1 =	vld.idx.msk [tilespmem:v1+s2+$0x0], $0xffff;
	_ =	sdelay $0x4  }
0xd5: {  	[tilespmem:s1+$0x0] =	vst v1  }
0xd6: {  	v1 =	vld [tilespmem:s3+$0x10];
	_ =	sdelay $0x6  }
0xd7: {  	s0 =	sadd.s32 $0x4, s0  }
0xd8: {  	p2 =	slt.u32 s0, $0x7C;
	v1 =	vld.idx.msk [tilespmem:v1+s2+$0x0], $0xffff  }
.Ltmp7:
0xd9: {  	_ = 	snop;
	(pc) =	sbr.rel @p2 .LBB2_15-.Ltmp7, $2  }
0xda: {  	_ =	sdelay $0x2  }
0xdb: {  	s3 =	sadd.s32 $0x40, s3;
	[tilespmem:s1+$0x10] =	vst v1;
	s1 =	sadd.s32 $0x40, s1  }
0xdc: {  	s0 =	rddreg [dreg:$0x1e]  }
0xdd: {  	[spmem:s0] =	stream.linear.scatter [tilespmem:s23], [sflag:$0x5], $0x800, $0x38;
	[tilespmem:$0x1CD00] =	vst v63  }
0xde: {  	_ =	swait.ge [sflag:s26], $0x800  }
0xdf: {  	[sflag:s26] =	ssyncset.done $0x0  }
0xe0: {  	[sflag:s26] =	ssyncadd.s32 $0xFFFFF800  }
0xe1: {  	_ =	swait.ge [sflag:s28], $0x800  }
0xe2: {  	s1 =	simm.s32 $0x0;
	s3 =	simm.s32 $0x19720;
	[sflag:s28] =	ssyncset.done $0x0  }
0xe3: {  	s5 =	simm.s32 $0x18F30;
	s0 =	simm.s32 $0xFFFFFFFC;
	[sflag:s28] =	ssyncadd.s32 $0xFFFFF800  }
.LBB2_17:
0xe4: {  	s7 =	sand.u32 $0x7C0, s1  }
0xe5: {  	v1 =	vld [tilespmem:s7+$0x18F00];
	_ =	sdelay $0x7  }
0xe6: {  	v1 =	vld.idx.msk [tilespmem:v1+s2+$0x0], $0xffff;
	_ =	sdelay $0x4  }
0xe7: {  	[tilespmem:s3+$0xFFFFFFE0] =	vst v1  }
0xe8: {  	v1 =	vld [tilespmem:s5+$0xFFFFFFE0];
	_ =	sdelay $0x7  }
0xe9: {  	v1 =	vld.idx.msk [tilespmem:v1+s2+$0x0], $0xffff;
	_ =	sdelay $0x4  }
0xea: {  	[tilespmem:s3+$0xFFFFFFF0] =	vst v1  }
0xeb: {  	v1 =	vld [tilespmem:s5+$0xFFFFFFF0];
	_ =	sdelay $0x7  }
0xec: {  	v1 =	vld.idx.msk [tilespmem:v1+s2+$0x0], $0xffff;
	_ =	sdelay $0x4  }
0xed: {  	[tilespmem:s3+$0x0] =	vst v1  }
0xee: {  	v1 =	vld [tilespmem:s5+$0x0];
	_ =	sdelay $0x6  }
0xef: {  	s0 =	sadd.s32 $0x4, s0  }
0xf0: {  	p2 =	slt.u32 s0, $0x7C;
	v1 =	vld.idx.msk [tilespmem:v1+s2+$0x0], $0xffff  }
.Ltmp8:
0xf1: {  	_ = 	snop;
	(pc) =	sbr.rel @p2 .LBB2_17-.Ltmp8, $2  }
0xf2: {  	_ =	sdelay $0x2  }
0xf3: {  	s1 =	sadd.s32 $0x40, s1;
	s5 =	sadd.s32 $0x40, s5;
	[tilespmem:s3+$0x10] =	vst v1;
	s3 =	sadd.s32 $0x40, s3  }
0xf4: {  	s0 =	rddreg [dreg:$0x1f]  }
0xf5: {  	[spmem:s0] =	stream.linear.scatter [tilespmem:s23], [sflag:$0x5], $0x800, $0x38;
	[tilespmem:$0x1CD00] =	vst v63  }
0xf6: {  	_ =	swait.ge [sflag:s26], $0x800  }
0xf7: {  	[sflag:s26] =	ssyncset.done $0x0  }
0xf8: {  	[sflag:s26] =	ssyncadd.s32 $0xFFFFF800  }
.LBB2_19:
.Ltmp9:
0xf9: {  	(pc) =	sbr.rel @!p0 .LBB2_23-.Ltmp9, $2  }
0xfa: {  	_ =	sdelay $0x2  }
0xfb: {  	s1 =	simm.s32 $0x0  }
0xfc: {  	s0 =	simm.s32 $0x40;
	s3 =	simm.s32 $0x0  }
.LBB2_21:
0xfd: {  	p2 =	sne.s32 s0, $0x1FC0;
	[tilespmem:s3+$0x19700] =	vst v0;
	s3 =	smov.u32 s0;
	s0 =	sadd.s32 $0x40, s0  }
.Ltmp10:
0xfe: {  	(pc) =	sbr.rel @p2 .LBB2_21-.Ltmp10, $2  }
0xff: {  	_ =	sdelay $0x2  }
0x100: {  	s3 =	sshra.s32 s3, $0x2  }
0x101: {  	[tilespmem:s3+$0x19700] =	vst v0;
	s0 =	rddreg [dreg:$0x11]  }
0x102: {  	[spmem:s0] =	stream.linear.scatter [tilespmem:s23], [sflag:$0x5], $0x800, $0x38;
	[tilespmem:$0x1CD00] =	vst v63  }
0x103: {  	_ =	swait.ge [sflag:s26], $0x800  }
0x104: {  	[sflag:s26] =	ssyncset.done $0x0  }
0x105: {  	s5 =	rddreg [dreg:$0x12];
	[sflag:s26] =	ssyncadd.s32 $0xFFFFF800  }
0x106: {  	[spmem:s5] =	stream.linear.scatter [tilespmem:s23], [sflag:$0x5], $0x800, $0x38;
	[tilespmem:$0x1CD00] =	vst v63  }
0x107: {  	_ =	swait.ge [sflag:s26], $0x800  }
0x108: {  	[sflag:s26] =	ssyncset.done $0x0  }
0x109: {  	s7 =	rddreg [dreg:$0x13];
	[sflag:s26] =	ssyncadd.s32 $0xFFFFF800  }
0x10a: {  	[spmem:s7] =	stream.linear.scatter [tilespmem:s23], [sflag:$0x5], $0x800, $0x38;
	[tilespmem:$0x1CD00] =	vst v63  }
0x10b: {  	_ =	swait.ge [sflag:s26], $0x800  }
0x10c: {  	[sflag:s26] =	ssyncset.done $0x0  }
0x10d: {  	s18 =	rddreg [dreg:$0x14];
	[sflag:s26] =	ssyncadd.s32 $0xFFFFF800  }
0x10e: {  	[spmem:s18] =	stream.linear.scatter [tilespmem:s23], [sflag:$0x5], $0x800, $0x38;
	[tilespmem:$0x1CD00] =	vst v63  }
0x10f: {  	_ =	swait.ge [sflag:s26], $0x800  }
0x110: {  	[sflag:s26] =	ssyncset.done $0x0  }
0x111: {  	s3 =	rddreg [dreg:$0x15];
	[sflag:s26] =	ssyncadd.s32 $0xFFFFF800  }
0x112: {  	[spmem:s3] =	stream.linear.scatter [tilespmem:s23], [sflag:$0x5], $0x800, $0x38;
	[tilespmem:$0x1CD00] =	vst v63  }
0x113: {  	_ =	swait.ge [sflag:s26], $0x800  }
0x114: {  	[sflag:s26] =	ssyncset.done $0x0  }
0x115: {  	s5 =	rddreg [dreg:$0x16];
	[sflag:s26] =	ssyncadd.s32 $0xFFFFF800  }
0x116: {  	[spmem:s5] =	stream.linear.scatter [tilespmem:s23], [sflag:$0x5], $0x800, $0x38;
	[tilespmem:$0x1CD00] =	vst v63  }
0x117: {  	_ =	swait.ge [sflag:s26], $0x800  }
0x118: {  	[sflag:s26] =	ssyncset.done $0x0  }
0x119: {  	s7 =	rddreg [dreg:$0x17];
	[sflag:s26] =	ssyncadd.s32 $0xFFFFF800  }
0x11a: {  	[spmem:s7] =	stream.linear.scatter [tilespmem:s23], [sflag:$0x5], $0x800, $0x38;
	[tilespmem:$0x1CD00] =	vst v63  }
0x11b: {  	_ =	swait.ge [sflag:s26], $0x800  }
0x11c: {  	[sflag:s26] =	ssyncset.done $0x0  }
0x11d: {  	s18 =	rddreg [dreg:$0x18];
	[sflag:s26] =	ssyncadd.s32 $0xFFFFF800  }
0x11e: {  	[spmem:s18] =	stream.linear.scatter [tilespmem:s23], [sflag:$0x5], $0x800, $0x38;
	[tilespmem:$0x1CD00] =	vst v63  }
0x11f: {  	_ =	swait.ge [sflag:s26], $0x800  }
0x120: {  	[sflag:s26] =	ssyncset.done $0x0  }
0x121: {  	[sflag:s26] =	ssyncadd.s32 $0xFFFFF800  }
.LBB2_23:
0x122: {  	[bflag:$0x0] =	sbarrier.arrive $0xFFFF  }
0x123: {  	s0 =	simm.s32 $0x19F00;
	s3 =	sld [smem:$0x7F9]  }
0x124: {  	[tilespmem:s0], [sflag:$0x1] =	stream.linear.gather [spmem:s22], $0x200, $0x38;
	[tilespmem:$0x1CD00] =	vst v63  }
0x125: {  	s18 =	sld [smem:$0x7FA]  }
0x126: {  	[tilespmem:s29], [sflag:$0x1] =	stream.linear.gather [spmem:s3], $0x200, $0x38;
	[tilespmem:$0x1CD00] =	vst v63  }
0x127: {  	s5 =	sld [smem:$0x7FB]  }
0x128: {  	[tilespmem:s30], [sflag:$0x1] =	stream.linear.gather [spmem:s18], $0x200, $0x38;
	[tilespmem:$0x1CD00] =	vst v63  }
0x129: {  	s7 =	sld [smem:$0x7FC]  }
0x12a: {  	[tilespmem:s31], [sflag:$0x1] =	stream.linear.gather [spmem:s5], $0x200, $0x38;
	[tilespmem:$0x1CD00] =	vst v63  }
0x12b: {  	s18 =	sld [smem:$0x7FD]  }
0x12c: {  	[tilespmem:s4], [sflag:$0x1] =	stream.linear.gather [spmem:s7], $0x200, $0x38;
	[tilespmem:$0x1CD00] =	vst v63  }
0x12d: {  	_ = 	snop  }
0x12e: {  	[tilespmem:s6], [sflag:$0x1] =	stream.linear.gather [spmem:s18], $0x200, $0x38;
	[tilespmem:$0x1CD00] =	vst v63  }
0x12f: {  	_ = 	snop  }
0x130: {  	[tilespmem:s19], [sflag:$0x1] =	stream.linear.gather [spmem:s8], $0x200, $0x38;
	[tilespmem:$0x1CD00] =	vst v63  }
0x131: {  	_ =	swait.ge [sflag:s24], $0x200  }
0x132: {  	[sflag:s24] =	ssyncset.done $0x0  }
0x133: {  	[sflag:s24] =	ssyncadd.s32 $0xFFFFFE00  }
0x134: {  	_ =	swait.ge [sflag:s24], $0x200  }
0x135: {  	[sflag:s24] =	ssyncset.done $0x0  }
0x136: {  	[sflag:s24] =	ssyncadd.s32 $0xFFFFFE00  }
0x137: {  	_ =	swait.ge [sflag:s24], $0x200  }
0x138: {  	[sflag:s24] =	ssyncset.done $0x0  }
0x139: {  	[sflag:s24] =	ssyncadd.s32 $0xFFFFFE00  }
0x13a: {  	_ =	swait.ge [sflag:s24], $0x200  }
0x13b: {  	[sflag:s24] =	ssyncset.done $0x0  }
0x13c: {  	[sflag:s24] =	ssyncadd.s32 $0xFFFFFE00  }
0x13d: {  	_ =	swait.ge [sflag:s24], $0x200  }
0x13e: {  	[sflag:s24] =	ssyncset.done $0x0  }
0x13f: {  	[sflag:s24] =	ssyncadd.s32 $0xFFFFFE00  }
0x140: {  	_ =	swait.ge [sflag:s24], $0x200  }
0x141: {  	[sflag:s24] =	ssyncset.done $0x0  }
0x142: {  	[sflag:s24] =	ssyncadd.s32 $0xFFFFFE00  }
0x143: {  	_ =	swait.ge [sflag:s24], $0x200  }
0x144: {  	[sflag:s24] =	ssyncset.done $0x0  }
0x145: {  	[sflag:s24] =	ssyncadd.s32 $0xFFFFFE00  }
0x146: {  	s1 =	sand.u32 $0x1E0, s1;
	v1 =	vld [tilespmem:s0+$0x0]  }
0x147: {  	v2 =	vld [tilespmem:s1+$0x1A100];
	_ =	sdelay $0x1  }
0x148: {  	v3 =	vld [tilespmem:s1+$0x1A300];
	_ =	sdelay $0x1  }
0x149: {  	v4 =	vld [tilespmem:s1+$0x1A500]  }
0x14a: {  	v1 =	vadd.f32 v2, v1  }
0x14b: {  	v2 =	vld [tilespmem:s1+$0x1A700]  }
0x14c: {  	v1 =	vadd.f32 v3, v1  }
0x14d: {  	v3 =	vld [tilespmem:s1+$0x1A900]  }
0x14e: {  	v1 =	vadd.f32 v4, v1  }
0x14f: {  	v61 =	vld [tilespmem:s1+$0x1AB00]  }
0x150: {  	v1 =	vadd.f32 v2, v1;
	_ =	sdelay $0x1  }
0x151: {  	v1 =	vadd.f32 v3, v1;
	_ =	sdelay $0x1  }
0x152: {  	v1 =	vadd.f32 v61, v1  }
0x153: {  	s1 =	simm.s32 $0x1AD10  }
0x154: {  	[tilespmem:s1+$0xFFFFFFF0] =	vst v1  }
0x155: {  	v1 =	vld [tilespmem:s0+$0x10]  }
0x156: {  	v2 =	vld [tilespmem:s0+$0x210];
	_ =	sdelay $0x1  }
0x157: {  	v3 =	vld [tilespmem:s0+$0x410];
	_ =	sdelay $0x1  }
0x158: {  	v62 =	vld [tilespmem:s0+$0x610]  }
0x159: {  	v1 =	vadd.f32 v2, v1  }
0x15a: {  	v2 =	vld [tilespmem:s0+$0x810]  }
0x15b: {  	v1 =	vadd.f32 v3, v1  }
0x15c: {  	v3 =	vld [tilespmem:s0+$0xA10]  }
0x15d: {  	v1 =	vadd.f32 v62, v1  }
0x15e: {  	v63 =	vld [tilespmem:s0+$0xC10]  }
0x15f: {  	v1 =	vadd.f32 v2, v1;
	_ =	sdelay $0x1  }
0x160: {  	v1 =	vadd.f32 v3, v1;
	_ =	sdelay $0x1  }
0x161: {  	s3 =	simm.s32 $0x0;
	s5 =	simm.s32 $0x20;
	s7 =	simm.s32 $0x1AD10;
	v1 =	vadd.f32 v63, v1  }
.LBB2_24:
0x162: {  	s3 =	sadd.s32 $0x2, s3;
	s0 =	sadd.s32 $0x20, s0;
	s1 =	sadd.s32 $0x20, s1  }
0x163: {  	p2 =	slt.u32 s3, $0x1E;
	[tilespmem:s7+$0x0] =	vst v1;
	s7 =	smov.u32 s1  }
0x164: {  	s18 =	sand.u32 $0x1E0, s5;
	v1 =	vld [tilespmem:s0+$0x0]  }
0x165: {  	v2 =	vld [tilespmem:s18+$0x1A100];
	_ =	sdelay $0x1  }
0x166: {  	v3 =	vld [tilespmem:s18+$0x1A300];
	_ =	sdelay $0x1  }
0x167: {  	v4 =	vld [tilespmem:s18+$0x1A500]  }
0x168: {  	v1 =	vadd.f32 v2, v1  }
0x169: {  	v2 =	vld [tilespmem:s18+$0x1A700]  }
0x16a: {  	v1 =	vadd.f32 v3, v1  }
0x16b: {  	v3 =	vld [tilespmem:s18+$0x1A900]  }
0x16c: {  	v1 =	vadd.f32 v4, v1  }
0x16d: {  	v4 =	vld [tilespmem:s18+$0x1AB00]  }
0x16e: {  	v1 =	vadd.f32 v2, v1;
	_ =	sdelay $0x1  }
0x16f: {  	v1 =	vadd.f32 v3, v1;
	_ =	sdelay $0x1  }
0x170: {  	v1 =	vadd.f32 v4, v1;
	_ =	sdelay $0x1  }
0x171: {  	[tilespmem:s1+$0xFFFFFFF0] =	vst v1  }
0x172: {  	v1 =	vld [tilespmem:s0+$0x10]  }
0x173: {  	v2 =	vld [tilespmem:s0+$0x210]  }
0x174: {  	v3 =	vld [tilespmem:s0+$0x410];
	_ =	sdelay $0x1  }
0x175: {  	v4 =	vld [tilespmem:s0+$0x610];
	_ =	sdelay $0x1  }
0x176: {  	v1 =	vadd.f32 v2, v1;
	v2 =	vld [tilespmem:s0+$0x810];
	_ =	sdelay $0x1  }
0x177: {  	v1 =	vadd.f32 v3, v1;
	v3 =	vld [tilespmem:s0+$0xA10];
	_ =	sdelay $0x1  }
0x178: {  	v1 =	vadd.f32 v4, v1;
	v4 =	vld [tilespmem:s0+$0xC10];
	_ =	sdelay $0x1  }
.Ltmp11:
0x179: {  	v1 =	vadd.f32 v2, v1;
	(pc) =	sbr.rel @p2 .LBB2_24-.Ltmp11, $3  }
0x17a: {  	_ = 	snop  }
0x17b: {  	v1 =	vadd.f32 v3, v1;
	_ =	sdelay $0x1  }
0x17c: {  	s5 =	sadd.s32 $0x20, s5;
	v1 =	vadd.f32 v4, v1  }
0x17d: {  	_ = 	snop  }
0x17e: {  	s0 =	simm.s32 $0x19F00;
	[tilespmem:s7+$0x0] =	vst v1  }
0x17f: {  	[tilespmem:s0], [sflag:$0x1] =	stream.linear.gather [spmem:s9], $0x200, $0x38;
	[tilespmem:$0x1CD00] =	vst v63  }
0x180: {  	_ = 	snop  }
0x181: {  	[tilespmem:s29], [sflag:$0x1] =	stream.linear.gather [spmem:s10], $0x200, $0x38;
	[tilespmem:$0x1CD00] =	vst v63  }
0x182: {  	_ = 	snop  }
0x183: {  	[tilespmem:s30], [sflag:$0x1] =	stream.linear.gather [spmem:s11], $0x200, $0x38;
	[tilespmem:$0x1CD00] =	vst v63  }
0x184: {  	_ = 	snop  }
0x185: {  	[tilespmem:s31], [sflag:$0x1] =	stream.linear.gather [spmem:s12], $0x200, $0x38;
	[tilespmem:$0x1CD00] =	vst v63  }
0x186: {  	_ = 	snop  }
0x187: {  	[tilespmem:s4], [sflag:$0x1] =	stream.linear.gather [spmem:s13], $0x200, $0x38;
	[tilespmem:$0x1CD00] =	vst v63  }
0x188: {  	_ = 	snop  }
0x189: {  	[tilespmem:s6], [sflag:$0x1] =	stream.linear.gather [spmem:s14], $0x200, $0x38;
	[tilespmem:$0x1CD00] =	vst v63  }
0x18a: {  	_ = 	snop  }
0x18b: {  	[tilespmem:s19], [sflag:$0x1] =	stream.linear.gather [spmem:s15], $0x200, $0x38;
	[tilespmem:$0x1CD00] =	vst v63  }
0x18c: {  	_ =	swait.ge [sflag:s24], $0x200  }
0x18d: {  	[sflag:s24] =	ssyncset.done $0x0  }
0x18e: {  	[sflag:s24] =	ssyncadd.s32 $0xFFFFFE00  }
0x18f: {  	_ =	swait.ge [sflag:s24], $0x200  }
0x190: {  	[sflag:s24] =	ssyncset.done $0x0  }
0x191: {  	[sflag:s24] =	ssyncadd.s32 $0xFFFFFE00  }
0x192: {  	_ =	swait.ge [sflag:s24], $0x200  }
0x193: {  	[sflag:s24] =	ssyncset.done $0x0  }
0x194: {  	[sflag:s24] =	ssyncadd.s32 $0xFFFFFE00  }
0x195: {  	_ =	swait.ge [sflag:s24], $0x200  }
0x196: {  	[sflag:s24] =	ssyncset.done $0x0  }
0x197: {  	[sflag:s24] =	ssyncadd.s32 $0xFFFFFE00  }
0x198: {  	_ =	swait.ge [sflag:s24], $0x200  }
0x199: {  	[sflag:s24] =	ssyncset.done $0x0  }
0x19a: {  	[sflag:s24] =	ssyncadd.s32 $0xFFFFFE00  }
0x19b: {  	_ =	swait.ge [sflag:s24], $0x200  }
0x19c: {  	[sflag:s24] =	ssyncset.done $0x0  }
0x19d: {  	[sflag:s24] =	ssyncadd.s32 $0xFFFFFE00  }
0x19e: {  	_ =	swait.ge [sflag:s24], $0x200  }
0x19f: {  	[sflag:s24] =	ssyncset.done $0x0  }
0x1a0: {  	[sflag:s24] =	ssyncadd.s32 $0xFFFFFE00  }
0x1a1: {  	v1 =	vld [tilespmem:s0+$0x0]  }
0x1a2: {  	s1 =	simm.s32 $0x0;
	v2 =	vld [tilespmem:s0+$0x200]  }
0x1a3: {  	s3 =	sand.u32 $0x1E0, s1  }
0x1a4: {  	v3 =	vld [tilespmem:s3+$0x1A300];
	_ =	sdelay $0x1  }
0x1a5: {  	v4 =	vld [tilespmem:s3+$0x1A500]  }
0x1a6: {  	v1 =	vadd.f32 v2, v1  }
0x1a7: {  	v2 =	vld [tilespmem:s3+$0x1A700]  }
0x1a8: {  	v1 =	vadd.f32 v3, v1  }
0x1a9: {  	v3 =	vld [tilespmem:s3+$0x1A900]  }
0x1aa: {  	v1 =	vadd.f32 v4, v1  }
0x1ab: {  	v61 =	vld [tilespmem:s3+$0x1AB00]  }
0x1ac: {  	v1 =	vadd.f32 v2, v1;
	_ =	sdelay $0x1  }
0x1ad: {  	v1 =	vadd.f32 v3, v1;
	_ =	sdelay $0x1  }
0x1ae: {  	v1 =	vadd.f32 v61, v1  }
0x1af: {  	s3 =	simm.s32 $0x1AF10  }
0x1b0: {  	[tilespmem:s3+$0xFFFFFFF0] =	vst v1  }
0x1b1: {  	v1 =	vld [tilespmem:s0+$0x10]  }
0x1b2: {  	v2 =	vld [tilespmem:s0+$0x210];
	_ =	sdelay $0x1  }
0x1b3: {  	v3 =	vld [tilespmem:s0+$0x410];
	_ =	sdelay $0x1  }
0x1b4: {  	v62 =	vld [tilespmem:s0+$0x610]  }
0x1b5: {  	v1 =	vadd.f32 v2, v1  }
0x1b6: {  	v2 =	vld [tilespmem:s0+$0x810]  }
0x1b7: {  	v1 =	vadd.f32 v3, v1  }
0x1b8: {  	v3 =	vld [tilespmem:s0+$0xA10]  }
0x1b9: {  	v1 =	vadd.f32 v62, v1  }
0x1ba: {  	v63 =	vld [tilespmem:s0+$0xC10]  }
0x1bb: {  	v1 =	vadd.f32 v2, v1;
	_ =	sdelay $0x1  }
0x1bc: {  	v1 =	vadd.f32 v3, v1;
	_ =	sdelay $0x1  }
0x1bd: {  	s5 =	simm.s32 $0x0;
	s7 =	simm.s32 $0x1AF30;
	v1 =	vadd.f32 v63, v1  }
.LBB2_26:
0x1be: {  	s5 =	sadd.s32 $0x2, s5;
	s0 =	sadd.s32 $0x20, s0;
	s1 =	sadd.s32 $0x20, s1  }
0x1bf: {  	p2 =	slt.u32 s5, $0x1E;
	[tilespmem:s3+$0x0] =	vst v1;
	s3 =	smov.u32 s7  }
0x1c0: {  	v1 =	vld [tilespmem:s0+$0x0]  }
0x1c1: {  	v2 =	vld [tilespmem:s0+$0x200]  }
0x1c2: {  	s18 =	sand.u32 $0x1E0, s1  }
0x1c3: {  	v3 =	vld [tilespmem:s18+$0x1A300];
	_ =	sdelay $0x1  }
0x1c4: {  	v4 =	vld [tilespmem:s18+$0x1A500]  }
0x1c5: {  	v1 =	vadd.f32 v2, v1  }
0x1c6: {  	v2 =	vld [tilespmem:s18+$0x1A700]  }
0x1c7: {  	v1 =	vadd.f32 v3, v1  }
0x1c8: {  	v3 =	vld [tilespmem:s18+$0x1A900]  }
0x1c9: {  	v1 =	vadd.f32 v4, v1  }
0x1ca: {  	v4 =	vld [tilespmem:s18+$0x1AB00]  }
0x1cb: {  	v1 =	vadd.f32 v2, v1;
	_ =	sdelay $0x1  }
0x1cc: {  	v1 =	vadd.f32 v3, v1;
	_ =	sdelay $0x1  }
0x1cd: {  	v1 =	vadd.f32 v4, v1;
	_ =	sdelay $0x1  }
0x1ce: {  	[tilespmem:s7+$0xFFFFFFF0] =	vst v1  }
0x1cf: {  	v1 =	vld [tilespmem:s0+$0x10]  }
0x1d0: {  	v2 =	vld [tilespmem:s0+$0x210]  }
0x1d1: {  	v3 =	vld [tilespmem:s0+$0x410];
	_ =	sdelay $0x1  }
0x1d2: {  	v4 =	vld [tilespmem:s0+$0x610];
	_ =	sdelay $0x1  }
0x1d3: {  	v1 =	vadd.f32 v2, v1;
	v2 =	vld [tilespmem:s0+$0x810];
	_ =	sdelay $0x1  }
0x1d4: {  	v1 =	vadd.f32 v3, v1;
	v3 =	vld [tilespmem:s0+$0xA10];
	_ =	sdelay $0x1  }
0x1d5: {  	v1 =	vadd.f32 v4, v1;
	v4 =	vld [tilespmem:s0+$0xC10];
	_ =	sdelay $0x1  }
.Ltmp12:
0x1d6: {  	v1 =	vadd.f32 v2, v1;
	(pc) =	sbr.rel @p2 .LBB2_26-.Ltmp12, $3  }
0x1d7: {  	_ = 	snop  }
0x1d8: {  	v1 =	vadd.f32 v3, v1;
	_ =	sdelay $0x1  }
0x1d9: {  	s7 =	sadd.s32 $0x20, s7;
	v1 =	vadd.f32 v4, v1  }
0x1da: {  	_ = 	snop  }
0x1db: {  	s0 =	rddreg [dreg:$0x19];
	s1 =	simm.s32 $0x1AD00;
	[tilespmem:s3+$0x0] =	vst v1  }
0x1dc: {  	[hbm4b:s0+s2] =	stream.linear.scatter [tilespmem:s1], [sflag:$0x5], $0x400, $0x38;
	[tilespmem:$0x1CD00] =	vst v63  }
0x1dd: {  	_ =	swait.ge [sflag:s26], $0x400  }
0x1de: {  	s25 =	sadd.s32 $0x1, s25;
	s18 =	rddreg [dreg:$0x1a]  }
0x1df: {  	p2 =	sne.s32 s25, s18  }
.Ltmp13:
0x1e0: {  	_ = 	snop;
	(pc) =	sbr.rel @p2 .LBB2_1-.Ltmp13, $3  }
0x1e1: {  	_ =	sdelay $0x1  }
0x1e2: {  	[sflag:s26] =	ssyncset.done $0x0  }
0x1e3: {  	[sflag:s26] =	ssyncadd.s32 $0xFFFFFC00;
	s18 =	simm.s32 $0x18700  }
0x1e4: {  	_ =	sfence.sel $0x180000  }
0x1e5: {  	[bflag:$0x0] =	sbarrier.arrive $0xFFFF  }
0x1e6: {  	_ =	strace $0x90000047  }
0x1e7: {  	s0 =	stileid.u32;
	[bflag:$0x2] =	sbarrier.arrive $0xFFFF  }
0x1e8: {  	p0 =	sne.s32 s0, $0x0;
	s0 =	rddreg [dreg:$0x4]  }
0x1e9: {  	s0 =	sadd.s32 @!p0 $0x100000, s0  }
0x1ea: {  	[sflag:s0] =	ssyncadd.tile.s32 @!p0 $0x1;
	_ =	shalt  }
.Lfunc_end2:
_tile_overlayer_lowered:
.L_overlay_start_2:
0x1eb: {  	(tag) =	ssettag $0x2  }
0x1ec: {  	s0 =	rddreg [dreg:$0x0];
	s2 =	stileid.u32  }
0x1ed: {  	s1 =	rddreg [dreg:$0x1];
	p0 =	sne.s32 s2, $0x0  }
0x1ee: {  	s3 =	rddreg [dreg:$0x2];
	[bflag:$0x3] =	sbarrier.arrive $0xFFFF;
	s2 =	simm.s32 @!p0 $0x1C05  }
0x1ef: {  	[timem:s3], [sflag:s2] =	dma.local @!p0 [hbm:s0], s1  }
0x1f0: {  	s0 =	simm.s32 @!p0 $0x5  }
0x1f1: {  	_ =	swait.ge @!p0 [sflag:s0], s1  }
0x1f2: {  	s1 =	ssub.s32 @!p0 $0x0, s1;
	[sflag:s0] =	ssyncset.done @!p0 $0x0  }
0x1f3: {  	[sflag:s0] =	ssyncadd.s32 @!p0 s1  }
0x1f4: {  	[bflag:$0x3] =	sbarrier.arrive $0xFFFF  }
0x1f5: {  	_ =	shalt  }

// kernel: sc_fields_1.3.cloned.1.call-start
scs
__scs_entry_jumppad:
0x0: {  	(pc) =	sbr.rel $0x88, $3  }
0x1: {  	(tag) =	ssettag $0x0;
	lr =	simm.s32 $0x1  }
0x2: {  	[smem:$0x3F9D] =	sst lr;
	_ =	strace $0xD0000000  }
0x3: {  	_ = 	snop  }
0x4: {  	_ = 	snop  }
0x5: {  	_ = 	snop  }
0x6: {  	_ = 	snop  }
0x7: {  	_ = 	snop  }
__scs_overlays_trampoline_lowered:
0x8: {  	[smem:$0x3FAC] =	sst s0  }
0x9: {  	[smem:$0x3FAD] =	sst s1  }
0xa: {  	[smem:$0x3FAE] =	sst s2  }
0xb: {  	[smem:$0x3FAF] =	sst s3  }
0xc: {  	[smem:$0x3FB0] =	sst s4  }
0xd: {  	[smem:$0x3FB1] =	sst s5  }
0xe: {  	[smem:$0x3FB2] =	sst s6  }
0xf: {  	[smem:$0x3FB3] =	sst s7  }
0x10: {  	[smem:$0x3FB4] =	sst s8  }
0x11: {  	[smem:$0x3FB5] =	sst s9;
	s0 =	simm.s32 @!p0 $0x0  }
0x12: {  	s1 =	sld [smem:$0x3F9B];
	s0 =	simm.s32 @p0 $0x1  }
0x13: {  	[smem:$0x3FB6] =	sst s0;
	s0 =	simm.s32 @!p1 $0x0  }
0x14: {  	s2 =	sld [smem:$0x3F9A];
	s0 =	simm.s32 @p1 $0x1  }
0x15: {  	[smem:$0x3FB7] =	sst s0;
	s0 =	simm.s32 @!p2 $0x0  }
0x16: {  	s3 =	sld [smem:$0x3FDB];
	s0 =	simm.s32 @p2 $0x1  }
0x17: {  	s4 =	simm.s32 $0x1BF5;
	[smem:$0x3FB9] =	sst s0  }
0x18: {  	s0 =	sld [smem:$0x3F9C];
	_ =	swait.ge [sflag:s4], $0x0  }
0x19: {  	s7 =	sld [smem:$0x3F9D]  }
0x1a: {  	s8 =	sadd.s32 $0xFFFFE003, lr  }
0x1b: {  	s9 =	sadd.s32 $0xFFFFFEF7, lr;
	s5 =	simm.s32 $0xFFFFFFFF;
	p2 =	slt.u32 s8, $0xFFFFF086  }
0x1c: {  	p1 =	slt.u32 s9, $0xF7A;
	s5 =	simm.s32 @!p2 $0x0  }
0x1d: {  	s5 =	simm.s32 @p1 $0x1;
	p0 =	seq.s32 s7, s2  }
0x1e: {  	s7 =	smul.u32 @!p0 $0xF7A, s2;
	p2 =	seq.s32 @!p0 s5, $0x0  }
0x1f: {  	s9 =	smul.u32 $0xF7A, s1;
	s8 =	simm.s32 @!p0 $0x1BF5;
	p2 =	por !p2, p0  }
0x20: {  	[sflag:s8] =	ssyncset.s32 @!p0 $0xFFFFF086;
	s6 =	sadd.s32 @!p0 s3, s7;
	s7 =	simm.s32 @!p0 $0x108  }
0x21: {  	s3 =	sadd.s32 s3, s9;
	s6 =	sadd.s32 @!p0 $0x88, s6;
	s7 =	simm.s32 @p2 $0x1082  }
0x22: {  	[simem:s7], [sflag:s8] =	dma.local @!p0 [hbm:s6], $0xF7A  }
0x23: {  	s9 =	sor.u32 $0xD0000000, s2;
	s6 =	simm.s32 $0x108;
	_ =	swait.ge @!p0 [sflag:s8], $0x0  }
0x24: {  	s3 =	sadd.s32 $0x88, s3;
	s6 =	simm.s32 @!p1 $0x1082;
	[sflag:s4] =	ssyncset.s32 $0xFFFFF086  }
0x25: {  	[simem:s6], [sflag:s4] =	dma.local [hbm:s3], $0xF7A  }
0x26: {  	[smem:$0x3F9D] =	sst s1;
	(tag) =	ssettag s2;
	_ =	strace s9  }
0x27: {  	s1 =	sld [smem:$0x3FAD]  }
0x28: {  	s2 =	sld [smem:$0x3FAE]  }
0x29: {  	s4 =	sld [smem:$0x3FB0]  }
0x2a: {  	p0 =	seq.s32 s5, $0x0;
	s5 =	sld [smem:$0x3FB1]  }
0x2b: {  	s6 =	sld [smem:$0x3FB2]  }
0x2c: {  	s7 =	sld [smem:$0x3FB3]  }
0x2d: {  	s3 =	simm.s32 $0x108;
	s8 =	sld [smem:$0x3FB4]  }
0x2e: {  	s3 =	simm.s32 @!p0 $0x1082;
	s9 =	sld [smem:$0x3FB5]  }
0x2f: {  	lr =	sadd.s32 s0, s3;
	s0 =	sld [smem:$0x3FAC]  }
0x30: {  	s3 =	sld [smem:$0x3FAF]  }
0x31: {  	[smem:$0x3FB8] =	sst s10  }
0x32: {  	s10 =	sld [smem:$0x3FB6];
	_ =	sdelay $0x3  }
0x33: {  	p0 =	seq.s32 s10, $0x1;
	s10 =	sld [smem:$0x3FB8];
	_ =	sdelay $0x3  }
0x34: {  	[smem:$0x3FB8] =	sst s10  }
0x35: {  	s10 =	sld [smem:$0x3FB7];
	_ =	sdelay $0x3  }
0x36: {  	p1 =	seq.s32 s10, $0x1;
	s10 =	sld [smem:$0x3FB8];
	_ =	sdelay $0x3  }
0x37: {  	[smem:$0x3FB8] =	sst s10  }
0x38: {  	s10 =	sld [smem:$0x3FB9]  }
0x39: {  	_ = 	snop;
	(pc) =	sbr.ind lr, $3  }
0x3a: {  	_ = 	snop  }
0x3b: {  	_ = 	snop  }
0x3c: {  	p2 =	seq.s32 s10, $0x1;
	s10 =	sld [smem:$0x3FB8]  }
0x3d: {  	_ =	shalt  }
0x3e: {  	_ =	shalt  }
0x3f: {  	_ =	shalt  }
0x40: {  	_ =	shalt  }
0x41: {  	_ =	shalt  }
0x42: {  	_ =	shalt  }
0x43: {  	_ =	shalt  }
0x44: {  	_ =	shalt  }
0x45: {  	_ =	shalt  }
0x46: {  	_ =	shalt  }
0x47: {  	_ =	shalt  }
0x48: {  	_ =	shalt  }
0x49: {  	_ =	shalt  }
0x4a: {  	_ =	shalt  }
0x4b: {  	_ =	shalt  }
0x4c: {  	_ =	shalt  }
0x4d: {  	_ =	shalt  }
0x4e: {  	_ =	shalt  }
0x4f: {  	_ =	shalt  }
0x50: {  	_ =	shalt  }
0x51: {  	_ =	shalt  }
0x52: {  	_ =	shalt  }
0x53: {  	_ =	shalt  }
0x54: {  	_ =	shalt  }
0x55: {  	_ =	shalt  }
0x56: {  	_ =	shalt  }
0x57: {  	_ =	shalt  }
0x58: {  	_ =	shalt  }
0x59: {  	_ =	shalt  }
0x5a: {  	_ =	shalt  }
0x5b: {  	_ =	shalt  }
0x5c: {  	_ =	shalt  }
0x5d: {  	_ =	shalt  }
0x5e: {  	_ =	shalt  }
0x5f: {  	_ =	shalt  }
0x60: {  	_ =	shalt  }
0x61: {  	_ =	shalt  }
0x62: {  	_ =	shalt  }
0x63: {  	_ =	shalt  }
0x64: {  	_ =	shalt  }
0x65: {  	_ =	shalt  }
0x66: {  	_ =	shalt  }
0x67: {  	_ =	shalt  }
0x68: {  	_ =	shalt  }
0x69: {  	_ =	shalt  }
0x6a: {  	_ =	shalt  }
0x6b: {  	_ =	shalt  }
0x6c: {  	_ =	shalt  }
0x6d: {  	_ =	shalt  }
0x6e: {  	_ =	shalt  }
0x6f: {  	_ =	shalt  }
0x70: {  	_ =	shalt  }
0x71: {  	_ =	shalt  }
0x72: {  	_ =	shalt  }
0x73: {  	_ =	shalt  }
0x74: {  	_ =	shalt  }
0x75: {  	_ =	shalt  }
0x76: {  	_ =	shalt  }
0x77: {  	_ =	shalt  }
0x78: {  	_ =	shalt  }
0x79: {  	_ =	shalt  }
0x7a: {  	_ =	shalt  }
0x7b: {  	_ =	shalt  }
0x7c: {  	_ =	shalt  }
0x7d: {  	_ =	shalt  }
0x7e: {  	_ =	shalt  }
0x7f: {  	_ =	shalt  }
0x80: {  	_ =	shalt  }
0x81: {  	_ =	shalt  }
0x82: {  	_ =	shalt  }
0x83: {  	_ =	shalt  }
0x84: {  	_ =	shalt  }
0x85: {  	_ =	shalt  }
0x86: {  	_ =	shalt  }
0x87: {  	_ =	shalt  }
.Lfunc_end0:
.L_simem_size_0:
called_computation.1_lowered:
.L_overlay_start_0:
0x88: {  	s2 =	sld [smem:$0x3FD9]  }
0x89: {  	s3 =	sld [smem:$0x3FFE];
	_ =	sdelay $0x1  }
0x8a: {  	s1 =	srdreg.scid  }
0x8b: {  	s0 =	sand.u32 $0x1, s1  }
0x8c: {  	s17 =	sshll.u32 s0, $0xA;
	s2 =	sadd.s32 s3, s2  }
0x8d: {  	s2 =	sadd.s32 s2, s17  }
0x8e: {  	[smem:$0x3FC4] =	sst s2  }
0x8f: {  	_ = 	snop  }
0x90: {  	s18 =	sld [smem:$0x3FC9]  }
0x91: {  	s4 =	sld [smem:$0x3FC7];
	(tm) =	ssettm $0x1  }
0x92: {  	s19 =	sld [smem:$0x3FFB];
	_ =	sdelay $0x3  }
0x93: {  	_ =	strace s19  }
0x94: {  	s2 =	sld [smem:$0x3FFC];
	_ =	sdelay $0x3  }
0x95: {  	_ =	strace s2  }
0x96: {  	s2 =	sld [smem:$0x3FFD];
	_ =	sdelay $0x3  }
0x97: {  	_ =	strace s2  }
0x98: {  	_ =	strace $0x8FFFFFFF  }
0x99: {  	s20 =	sld [smem:$0x3FDB];
	_ =	sdelay $0x1  }
0x9a: {  	s5 =	simm.s32 $_scs_section_size  }
0x9b: {  	s6 =	simm.s32 $_size__tile_overlayer_lowered;
	s7 =	simm.s32 $_tile_overlayer_lowered  }
0x9c: {  	s8 =	simm.s32 $0x1BFF;
	s21 =	sshll.u32 s7, $0x1;
	s5 =	sadd.s32 s5, s20  }
0x9d: {  	s22 =	simm.s32 $0x0;
	s6 =	sshll.u32 s6, $0x1;
	s7 =	sadd.s32 s21, s5  }
0x9e: {  	[timem:s22], [sflag:s8] =	dma.local [hbm:s7], s6  }
0x9f: {  	_ =	swait.ge [sflag:s8], s6  }
0xa0: {  	s6 =	ssub.s32 $0x0, s6;
	[sflag:s8] =	ssyncset.done $0x0  }
0xa1: {  	[sflag:s8] =	ssyncadd.s32 s6;
	_ =	sdelay $0x1  }
0xa2: {  	s23 =	simm.s32 $0x1B8B  }
0xa3: {  	_ =	swait.ge [sflag:s23], $0x1  }
0xa4: {  	[sflag:s23] =	ssyncset.done $0x0  }
0xa5: {  	[sflag:s23] =	ssyncadd.s32 $0xFFFFFFFF  }
0xa6: {  	s6 =	sld [smem:$0x0]  }
0xa7: {  	s7 =	sand.u32 $0xFFFFFFFE, s1  }
0xa8: {  	p0 =	sne.s32 s1, s7  }
0xa9: {  	s7 =	sshll.u32 @p0 s7, $0xE  }
0xaa: {  	s7 =	sadd.s32 @p0 $0x11B8D, s7;
	s8 =	sshll.u32 @p0 s6, $0x11  }
0xab: {  	s7 =	sor.u32 @p0 s8, s7  }
0xac: {  	[sflag:s7] =	ssyncadd.remote.s32 @p0 $0x1;
	_ =	sdelay $0x1  }
0xad: {  	s7 =	simm.s32 @p0 $0x1B8D  }
0xae: {  	_ =	swait.eq @p0 [sflag:s7], $0x1  }
0xaf: {  	[sflag:s7] =	ssyncadd.s32 @p0 $0xFFFFFFFF  }
0xb0: {  	s8 =	sshll.u32 @!p0 s1, $0xE  }
0xb1: {  	s8 =	sor.u32 @!p0 $0x4000, s8;
	s7 =	simm.s32 @!p0 $0x1B8D  }
0xb2: {  	s6 =	sshll.u32 @!p0 s6, $0x11;
	s8 =	sadd.s32 @!p0 $0x11B8D, s8;
	_ =	swait.eq @!p0 [sflag:s7], $0x1  }
0xb3: {  	s6 =	sor.u32 @!p0 s6, s8;
	[sflag:s7] =	ssyncadd.s32 @!p0 $0xFFFFFFFF  }
0xb4: {  	s25 =	simm.s32 $0x1B8E;
	s24 =	sld [smem:$0x3FFE];
	[sflag:s6] =	ssyncadd.remote.s32 @!p0 $0x1  }
0xb5: {  	s26 =	simm.s32 $execute0_lowered;
	[smem:$0x3FD2] =	sst s25  }
0xb6: {  	s7 =	sshll.u32 s26, $0x1;
	_ =	strace $0x80000049;
	[dreg:$0x1] =	wrdreg $0xFFFFFFFF  }
0xb7: {  	s28 =	simm.s32 $_size_execute0_lowered;
	s5 =	sadd.s32 s5, s7;
	[dreg:$0x0] =	wrdreg $0x0  }
0xb8: {  	s7 =	sshll.u32 s28, $0x1;
	[dreg:$0x2] =	wrdreg s5  }
0xb9: {  	[dreg:$0x3] =	wrdreg s7  }
0xba: {  	[dreg:$0x4] =	wrdreg $0xC0  }
0xbb: {  	_ =	task [dreg:s22], $0x5FFFF  }
0xbc: {  	[dreg:$0x1] =	wrdreg $0xFFFFFFFF  }
0xbd: {  	[dreg:$0x0] =	wrdreg $0x60  }
0xbe: {  	[dreg:$0x2] =	wrdreg s18  }
0xbf: {  	[dreg:$0x3] =	wrdreg s4  }
0xc0: {  	[dreg:$0x4] =	wrdreg s24  }
0xc1: {  	[dreg:$0x5] =	wrdreg $0x1B1000  }
0xc2: {  	[dreg:$0x6] =	wrdreg $0xA  }
0xc3: {  	_ =	task.clear_ibuf [dreg:s22], $0x7FFFF;
	_ =	strace $0x90000049  }
0xc4: {  	s29 =	simm.s32 $0xA;
	_ =	strace $0x8000004B  }
0xc5: {  	_ =	swait.ge [sflag:s29], $0x1  }
0xc6: {  	[sflag:s29] =	ssyncadd.s32 $0xFFFFFFFF  }
0xc7: {  	_ =	strace $0x9000004B  }
0xc8: {  	_ =	sfence  }
0xc9: {  	s30 =	sld [smem:$0x0];
	_ =	sdelay $0x2  }
0xca: {  	s31 =	sshll.u32 s1, $0xD;
	s1 =	sshrl.u32 s1, $0x2  }
0xcb: {  	s4 =	sand.u32 $0x4000, s31;
	s1 =	sadd.s32 s1, s30  }
0xcc: {  	s0 =	sor.u32 s4, s0;
	s1 =	sshll.u32 s1, $0x11  }
0xcd: {  	s0 =	sor.u32 s1, s0  }
0xce: {  	s0 =	sadd.s32 $0x8F2B, s0  }
0xcf: {  	[sflag:s0] =	ssyncadd.remote.s32 $0x1  }
0xd0: {  	_ =	sfence.sel $0xFFFF  }
0xd1: {  	[dreg:$0x0] =	wrdreg $0xFFFFFFFF;
	(pc) =	sbr.abs _section_cstart, $3  }
0xd2: {  	[dreg:$0x1] =	wrdreg $0xFFFFFFFF  }
0xd3: {  	_ =	task.clear_ibuf [dreg:s22], $0x2FFFF;
	_ =	strace $0x9FFFFFFF  }
0xd4: {  	(tm) =	ssettm $0x7FFFFFFF  }
0xd5: {  	_ =	shalt  }
tec
execute0_lowered:
.L_overlay_start_1:
0x0: {  	(tag) =	ssettag $0x1  }
0x1: {  	s0 =	rddreg [dreg:$0x0]  }
0x2: {  	s1 =	rddreg [dreg:$0x1]  }
0x3: {  	s3 =	rddreg [dreg:$0x2];
	s2 =	srdreg.scid  }
0x4: {  	s4 =	rddreg [dreg:$0x3];
	s13 =	stileid.u32;
	s28 =	simm.s32 $0x4  }
0x5: {  	s5 =	sand.u32 $0x1, s2;
	s2 =	simm.s32 $0x0;
	s7 =	sshll.u32 s13, $0xA  }
0x6: {  	s14 =	sshll.u32 s13, $0xE;
	p1 =	seq.s32 s13, $0x6;
	s25 =	sadd.s32 $0x18000, s4  }
0x7: {  	s6 =	smul.u32 $0x7, s5;
	[smem:$0x7FF] =	sst s2;
	s8 =	sshll.u32 s5, $0xE  }
0x8: {  	s26 =	ssub.s32 $0x2, s5;
	p0 =	seq.s32 s5, $0x1;
	_ =	strace $0x8000004A  }
0x9: {  	s8 =	sor.u32 s7, s8;
	s12 =	sshrl.u32 s26, $0x1;
	p0 =	por !p1, !p0  }
0xa: {  	[dreg:$0x11] =	wrdreg s25;
	s6 =	sadd.s32 s13, s6;
	s8 =	sshrl.u32 s8, $0x3  }
0xb: {  	s9 =	sadd.s32 $0xD, s6;
	s3 =	sadd.s32 s8, s3;
	s6 =	smul.u32 $0x30D4, s6  }
0xc: {  	s8 =	ssub.s32 s26, s12;
	s12 =	sxor.u32 $0x7, s5;
	s26 =	sadd.s32 $0x18800, s4  }
0xd: {  	s5 =	sadd.s32 $0x19800, s4;
	s10 =	sshll.u32 s9, $0xE;
	[dreg:$0x12] =	wrdreg s26  }
0xe: {  	[dreg:$0x14] =	wrdreg s5;
	p1 =	sge.u32 s13, s12;
	s12 =	sadd.s32 $0x1B000, s4  }
0xf: {  	s9 =	sshll.u32 s9, $0x7;
	s13 =	sadd.s32 $0x1B800, s4;
	[dreg:$0x17] =	wrdreg s12  }
0x10: {  	s11 =	sor.u32 s9, s10;
	s1 =	sadd.s32 s1, s6;
	[dreg:$0x18] =	wrdreg s13  }
0x11: {  	s15 =	sand.u32 $0x380, s9;
	s6 =	sadd.s32 $0x1A000, s4;
	[dreg:$0x5] =	wrdreg s1  }
0x12: {  	s9 =	sadd.s32 s14, s4;
	s14 =	sadd.s32 $0x1E00, s3;
	[dreg:$0x15] =	wrdreg s6  }
0x13: {  	s29 =	simm.s32 $0x1A100;
	s30 =	simm.s32 $0x1A300;
	[dreg:$0x19] =	wrdreg s14  }
0x14: {  	s31 =	simm.s32 $0x1A500;
	s18 =	sadd.s32 $0x800, s9;
	[dreg:$0x8] =	wrdreg s9  }
0x15: {  	p0 =	por !p0, !p0;
	s20 =	sadd.s32 $0x1000, s9;
	[dreg:$0xa] =	wrdreg s18  }
0x16: {  	s11 =	sand.u32 $0xE0380, s11;
	s23 =	sadd.s32 $0x1800, s9;
	[dreg:$0xc] =	wrdreg s20  }
0x17: {  	s22 =	sor.u32 s10, s15;
	s10 =	sadd.s32 $0x1A800, s4;
	[dreg:$0xe] =	wrdreg s23  }
0x18: {  	s15 =	smax.u32 s8, $0x1;
	s6 =	simm.s32 $0x1A900;
	[dreg:$0x16] =	wrdreg s10  }
0x19: {  	s11 =	sshrl.u32 s11, $0x3;
	[dreg:$0x1a] =	wrdreg s15;
	s18 =	sadd.s32 $0x2800, s9  }
0x1a: {  	s1 =	sshrl.u32 s22, $0x3;
	s20 =	sadd.s32 $0x3800, s9;
	[dreg:$0x1d] =	wrdreg s18  }
0x1b: {  	s22 =	sadd.s32 s7, s4;
	s11 =	sadd.s32 s0, s11;
	[dreg:$0x1f] =	wrdreg s20  }
0x1c: {  	s1 =	sor.u32 $0x3800, s1;
	s23 =	sadd.s32 $0x8000, s22;
	[dreg:$0x6] =	wrdreg s11  }
0x1d: {  	s25 =	sadd.s32 $0x10000, s22;
	s26 =	sadd.s32 $0x14000, s22;
	[smem:$0x7FA] =	sst s23  }
0x1e: {  	s8 =	sadd.s32 $0x18000, s22;
	s10 =	sadd.s32 $0x4200, s22;
	[smem:$0x7FC] =	sst s25  }
0x1f: {  	s12 =	sadd.s32 $0xC200, s22;
	s16 =	sadd.s32 $0x800, s11;
	[smem:$0x7FD] =	sst s26  }
0x20: {  	s13 =	sadd.s32 $0x10200, s22;
	s17 =	sadd.s32 $0x1000, s11;
	[dreg:$0x7] =	wrdreg s16  }
0x21: {  	s14 =	sadd.s32 $0x14200, s22;
	s19 =	sadd.s32 $0x1800, s11;
	[dreg:$0x9] =	wrdreg s17  }
0x22: {  	s15 =	sadd.s32 $0x18200, s22;
	s21 =	sadd.s32 $0x2000, s11;
	[dreg:$0xb] =	wrdreg s19  }
0x23: {  	s18 =	simm.s32 $0x18700;
	s24 =	sadd.s32 $0x2800, s11;
	[dreg:$0xd] =	wrdreg s21  }
0x24: {  	s20 =	simm.s32 $0x18F00;
	s0 =	sadd.s32 s0, s1;
	[dreg:$0xf] =	wrdreg s24  }
0x25: {  	s1 =	sadd.s32 $0x19000, s4;
	s23 =	simm.s32 $0x19700;
	[dreg:$0x10] =	wrdreg s0  }
0x26: {  	s26 =	simm.s32 $0x5;
	[dreg:$0x13] =	wrdreg s1;
	s16 =	sadd.s32 $0x2000, s9  }
0x27: {  	s4 =	simm.s32 $0x1A700;
	s17 =	sadd.s32 $0x3000, s11;
	[dreg:$0x1b] =	wrdreg s16  }
0x28: {  	s25 =	simm.s32 $0x0;
	s19 =	sadd.s32 $0x3000, s9;
	[dreg:$0x1c] =	wrdreg s17  }
0x29: {  	s21 =	sadd.s32 $0x4000, s22;
	s24 =	sadd.s32 $0xC000, s22;
	[dreg:$0x1e] =	wrdreg s19  }
0x2a: {  	s9 =	sadd.s32 $0x200, s22;
	s11 =	sadd.s32 $0x8200, s22;
	[smem:$0x7F9] =	sst s21  }
0x2b: {  	[smem:$0x7FB] =	sst s24;
	s16 =	simm.s32 $0x80;
	s17 =	simm.s32 $0x400  }
0x2c: {  	v0 =	vimm.f32 $0.0e+00;
	s21 =	simm.s32 $0x3;
	s19 =	simm.s32 $0x1AB00;
	s24 =	simm.s32 $0x1  }
.LBB2_1:
.Ltmp0:
0x2d: {  	(pc) =	sbr.rel @p1 .LBB2_19-.Ltmp0, $1  }
0x2e: {  	_ =	sdelay $0x3  }
0x2f: {  	s0 =	rddreg [dreg:$0x5]  }
0x30: {  	[tilespmem:s2], [sflag:$0x2] =	stream.linear.gather [hbm4b:s0+s2], $0x186A0, $0x38;
	[tilespmem:$0x1CD00] =	vst v63  }
0x31: {  	s3 =	rddreg [dreg:$0x6];
	s5 =	simm.s32 $0x2  }
0x32: {  	[tilespmem:s18], [sflag:$0x3] =	stream.strided.gather [hbm4b:s3+s16], $0x800, s17, s16, $0x38;
	[tilespmem:$0x1CD00] =	vst v63  }
0x33: {  	_ =	swait.ge [sflag:s5], $0x186A0  }
0x34: {  	[sflag:s5] =	ssyncset.done $0x0  }
0x35: {  	s7 =	rddreg [dreg:$0x7];
	[sflag:s5] =	ssyncadd.s32 $0xFFFE7960  }
0x36: {  	[tilespmem:s20], [sflag:$0x4] =	stream.strided.gather [hbm4b:s7+s16], $0x800, s17, s16, $0x38;
	[tilespmem:$0x1CD00] =	vst v63  }
0x37: {  	_ =	swait.ge [sflag:s21], $0x800  }
0x38: {  	s1 =	simm.s32 $0x19720;
	[sflag:s21] =	ssyncset.done $0x0  }
0x39: {  	s0 =	simm.s32 $0xFFFFFFFC;
	s3 =	simm.s32 $0x18720;
	[sflag:s21] =	ssyncadd.s32 $0xFFFFF800  }
.LBB2_3:
0x3a: {  	v1 =	vld [tilespmem:s3+$0xFFFFFFE0];
	_ =	sdelay $0x7  }
0x3b: {  	v1 =	vld.idx.msk [tilespmem:v1+s2+$0x0], $0xffff;
	_ =	sdelay $0x4  }
0x3c: {  	[tilespmem:s1+$0xFFFFFFE0] =	vst v1  }
0x3d: {  	v1 =	vld [tilespmem:s3+$0xFFFFFFF0];
	_ =	sdelay $0x7  }
0x3e: {  	v1 =	vld.idx.msk [tilespmem:v1+s2+$0x0], $0xffff;
	_ =	sdelay $0x4  }
0x3f: {  	[tilespmem:s1+$0xFFFFFFF0] =	vst v1  }
0x40: {  	v1 =	vld [tilespmem:s3+$0x0];
	_ =	sdelay $0x7  }
0x41: {  	v1 =	vld.idx.msk [tilespmem:v1+s2+$0x0], $0xffff;
	_ =	sdelay $0x4  }
0x42: {  	[tilespmem:s1+$0x0] =	vst v1  }
0x43: {  	v1 =	vld [tilespmem:s3+$0x10];
	_ =	sdelay $0x6  }
0x44: {  	s0 =	sadd.s32 $0x4, s0  }
0x45: {  	p2 =	slt.u32 s0, $0x7C;
	v1 =	vld.idx.msk [tilespmem:v1+s2+$0x0], $0xffff  }
.Ltmp1:
0x46: {  	_ = 	snop;
	(pc) =	sbr.rel @p2 .LBB2_3-.Ltmp1, $2  }
0x47: {  	_ =	sdelay $0x2  }
0x48: {  	s3 =	sadd.s32 $0x40, s3;
	[tilespmem:s1+$0x10] =	vst v1;
	s1 =	sadd.s32 $0x40, s1  }
0x49: {  	s0 =	rddreg [dreg:$0x8]  }
0x4a: {  	[spmem:s0] =	stream.linear.scatter [tilespmem:s23], [sflag:$0x5], $0x800, $0x38;
	[tilespmem:$0x1CD00] =	vst v63  }
0x4b: {  	_ =	swait.ge [sflag:s26], $0x800  }
0x4c: {  	[sflag:s26] =	ssyncset.done $0x0  }
0x4d: {  	s7 =	rddreg [dreg:$0x9];
	[sflag:s26] =	ssyncadd.s32 $0xFFFFF800  }
0x4e: {  	[tilespmem:s18], [sflag:$0x3] =	stream.strided.gather [hbm4b:s7+s16], $0x800, s17, s16, $0x38;
	[tilespmem:$0x1CD00] =	vst v63  }
0x4f: {  	_ =	swait.ge [sflag:s28], $0x800  }
0x50: {  	s1 =	simm.s32 $0x0;
	s3 =	simm.s32 $0x19720;
	[sflag:s28] =	ssyncset.done $0x0  }
0x51: {  	s5 =	simm.s32 $0x18F30;
	s0 =	simm.s32 $0xFFFFFFFC;
	[sflag:s28] =	ssyncadd.s32 $0xFFFFF800  }
.LBB2_5:
0x52: {  	s7 =	sand.u32 $0x7C0, s1  }
0x53: {  	v1 =	vld [tilespmem:s7+$0x18F00];
	_ =	sdelay $0x7  }
0x54: {  	v1 =	vld.idx.msk [tilespmem:v1+s2+$0x0], $0xffff;
	_ =	sdelay $0x4  }
0x55: {  	[tilespmem:s3+$0xFFFFFFE0] =	vst v1  }
0x56: {  	v1 =	vld [tilespmem:s5+$0xFFFFFFE0];
	_ =	sdelay $0x7  }
0x57: {  	v1 =	vld.idx.msk [tilespmem:v1+s2+$0x0], $0xffff;
	_ =	sdelay $0x4  }
0x58: {  	[tilespmem:s3+$0xFFFFFFF0] =	vst v1  }
0x59: {  	v1 =	vld [tilespmem:s5+$0xFFFFFFF0];
	_ =	sdelay $0x7  }
0x5a: {  	v1 =	vld.idx.msk [tilespmem:v1+s2+$0x0], $0xffff;
	_ =	sdelay $0x4  }
0x5b: {  	[tilespmem:s3+$0x0] =	vst v1  }
0x5c: {  	v1 =	vld [tilespmem:s5+$0x0];
	_ =	sdelay $0x6  }
0x5d: {  	s0 =	sadd.s32 $0x4, s0  }
0x5e: {  	p2 =	slt.u32 s0, $0x7C;
	v1 =	vld.idx.msk [tilespmem:v1+s2+$0x0], $0xffff  }
.Ltmp2:
0x5f: {  	_ = 	snop;
	(pc) =	sbr.rel @p2 .LBB2_5-.Ltmp2, $2  }
0x60: {  	_ =	sdelay $0x2  }
0x61: {  	s1 =	sadd.s32 $0x40, s1;
	s5 =	sadd.s32 $0x40, s5;
	[tilespmem:s3+$0x10] =	vst v1;
	s3 =	sadd.s32 $0x40, s3  }
0x62: {  	s0 =	rddreg [dreg:$0xa]  }
0x63: {  	[spmem:s0] =	stream.linear.scatter [tilespmem:s23], [sflag:$0x5], $0x800, $0x38;
	[tilespmem:$0x1CD00] =	vst v63  }
0x64: {  	_ =	swait.ge [sflag:s26], $0x800  }
0x65: {  	[sflag:s26] =	ssyncset.done $0x0  }
0x66: {  	s7 =	rddreg [dreg:$0xb];
	[sflag:s26] =	ssyncadd.s32 $0xFFFFF800  }
0x67: {  	[tilespmem:s20], [sflag:$0x4] =	stream.strided.gather [hbm4b:s7+s16], $0x800, s17, s16, $0x38;
	[tilespmem:$0x1CD00] =	vst v63  }
0x68: {  	_ =	swait.ge [sflag:s21], $0x800  }
0x69: {  	s1 =	simm.s32 $0x19720;
	[sflag:s21] =	ssyncset.done $0x0  }
0x6a: {  	s3 =	simm.s32 $0x18720;
	s0 =	simm.s32 $0xFFFFFFFC;
	[sflag:s21] =	ssyncadd.s32 $0xFFFFF800  }
.LBB2_7:
0x6b: {  	v1 =	vld [tilespmem:s3+$0xFFFFFFE0];
	_ =	sdelay $0x7  }
0x6c: {  	v1 =	vld.idx.msk [tilespmem:v1+s2+$0x0], $0xffff;
	_ =	sdelay $0x4  }
0x6d: {  	[tilespmem:s1+$0xFFFFFFE0] =	vst v1  }
0x6e: {  	v1 =	vld [tilespmem:s3+$0xFFFFFFF0];
	_ =	sdelay $0x7  }
0x6f: {  	v1 =	vld.idx.msk [tilespmem:v1+s2+$0x0], $0xffff;
	_ =	sdelay $0x4  }
0x70: {  	[tilespmem:s1+$0xFFFFFFF0] =	vst v1  }
0x71: {  	v1 =	vld [tilespmem:s3+$0x0];
	_ =	sdelay $0x7  }
0x72: {  	v1 =	vld.idx.msk [tilespmem:v1+s2+$0x0], $0xffff;
	_ =	sdelay $0x4  }
0x73: {  	[tilespmem:s1+$0x0] =	vst v1  }
0x74: {  	v1 =	vld [tilespmem:s3+$0x10];
	_ =	sdelay $0x6  }
0x75: {  	s0 =	sadd.s32 $0x4, s0  }
0x76: {  	p2 =	slt.u32 s0, $0x7C;
	v1 =	vld.idx.msk [tilespmem:v1+s2+$0x0], $0xffff  }
.Ltmp3:
0x77: {  	_ = 	snop;
	(pc) =	sbr.rel @p2 .LBB2_7-.Ltmp3, $2  }
0x78: {  	_ =	sdelay $0x2  }
0x79: {  	s3 =	sadd.s32 $0x40, s3;
	[tilespmem:s1+$0x10] =	vst v1;
	s1 =	sadd.s32 $0x40, s1  }
0x7a: {  	s0 =	rddreg [dreg:$0xc]  }
0x7b: {  	[spmem:s0] =	stream.linear.scatter [tilespmem:s23], [sflag:$0x5], $0x800, $0x38;
	[tilespmem:$0x1CD00] =	vst v63  }
0x7c: {  	_ =	swait.ge [sflag:s26], $0x800  }
0x7d: {  	[sflag:s26] =	ssyncset.done $0x0  }
0x7e: {  	s7 =	rddreg [dreg:$0xd];
	[sflag:s26] =	ssyncadd.s32 $0xFFFFF800  }
0x7f: {  	[tilespmem:s18], [sflag:$0x3] =	stream.strided.gather [hbm4b:s7+s16], $0x800, s17, s16, $0x38;
	[tilespmem:$0x1CD00] =	vst v63  }
0x80: {  	_ =	swait.ge [sflag:s28], $0x800  }
0x81: {  	s1 =	simm.s32 $0x0;
	s3 =	simm.s32 $0x19720;
	[sflag:s28] =	ssyncset.done $0x0  }
0x82: {  	s5 =	simm.s32 $0x18F30;
	s0 =	simm.s32 $0xFFFFFFFC;
	[sflag:s28] =	ssyncadd.s32 $0xFFFFF800  }
.LBB2_9:
0x83: {  	s7 =	sand.u32 $0x7C0, s1  }
0x84: {  	v1 =	vld [tilespmem:s7+$0x18F00];
	_ =	sdelay $0x7  }
0x85: {  	v1 =	vld.idx.msk [tilespmem:v1+s2+$0x0], $0xffff;
	_ =	sdelay $0x4  }
0x86: {  	[tilespmem:s3+$0xFFFFFFE0] =	vst v1  }
0x87: {  	v1 =	vld [tilespmem:s5+$0xFFFFFFE0];
	_ =	sdelay $0x7  }
0x88: {  	v1 =	vld.idx.msk [tilespmem:v1+s2+$0x0], $0xffff;
	_ =	sdelay $0x4  }
0x89: {  	[tilespmem:s3+$0xFFFFFFF0] =	vst v1  }
0x8a: {  	v1 =	vld [tilespmem:s5+$0xFFFFFFF0];
	_ =	sdelay $0x7  }
0x8b: {  	v1 =	vld.idx.msk [tilespmem:v1+s2+$0x0], $0xffff;
	_ =	sdelay $0x4  }
0x8c: {  	[tilespmem:s3+$0x0] =	vst v1  }
0x8d: {  	v1 =	vld [tilespmem:s5+$0x0];
	_ =	sdelay $0x6  }
0x8e: {  	s0 =	sadd.s32 $0x4, s0  }
0x8f: {  	p2 =	slt.u32 s0, $0x7C;
	v1 =	vld.idx.msk [tilespmem:v1+s2+$0x0], $0xffff  }
.Ltmp4:
0x90: {  	_ = 	snop;
	(pc) =	sbr.rel @p2 .LBB2_9-.Ltmp4, $2  }
0x91: {  	_ =	sdelay $0x2  }
0x92: {  	s1 =	sadd.s32 $0x40, s1;
	s5 =	sadd.s32 $0x40, s5;
	[tilespmem:s3+$0x10] =	vst v1;
	s3 =	sadd.s32 $0x40, s3  }
0x93: {  	s0 =	rddreg [dreg:$0xe]  }
0x94: {  	[spmem:s0] =	stream.linear.scatter [tilespmem:s23], [sflag:$0x5], $0x800, $0x38;
	[tilespmem:$0x1CD00] =	vst v63  }
0x95: {  	_ =	swait.ge [sflag:s26], $0x800  }
0x96: {  	[sflag:s26] =	ssyncset.done $0x0  }
0x97: {  	s7 =	rddreg [dreg:$0xf];
	[sflag:s26] =	ssyncadd.s32 $0xFFFFF800  }
0x98: {  	[tilespmem:s20], [sflag:$0x4] =	stream.strided.gather [hbm4b:s7+s16], $0x800, s17, s16, $0x38;
	[tilespmem:$0x1CD00] =	vst v63  }
0x99: {  	_ =	swait.ge [sflag:s21], $0x800  }
0x9a: {  	s1 =	simm.s32 $0x19720;
	[sflag:s21] =	ssyncset.done $0x0  }
0x9b: {  	s3 =	simm.s32 $0x18720;
	s0 =	simm.s32 $0xFFFFFFFC;
	[sflag:s21] =	ssyncadd.s32 $0xFFFFF800  }
.LBB2_11:
0x9c: {  	v1 =	vld [tilespmem:s3+$0xFFFFFFE0];
	_ =	sdelay $0x7  }
0x9d: {  	v1 =	vld.idx.msk [tilespmem:v1+s2+$0x0], $0xffff;
	_ =	sdelay $0x4  }
0x9e: {  	[tilespmem:s1+$0xFFFFFFE0] =	vst v1  }
0x9f: {  	v1 =	vld [tilespmem:s3+$0xFFFFFFF0];
	_ =	sdelay $0x7  }
0xa0: {  	v1 =	vld.idx.msk [tilespmem:v1+s2+$0x0], $0xffff;
	_ =	sdelay $0x4  }
0xa1: {  	[tilespmem:s1+$0xFFFFFFF0] =	vst v1  }
0xa2: {  	v1 =	vld [tilespmem:s3+$0x0];
	_ =	sdelay $0x7  }
0xa3: {  	v1 =	vld.idx.msk [tilespmem:v1+s2+$0x0], $0xffff;
	_ =	sdelay $0x4  }
0xa4: {  	[tilespmem:s1+$0x0] =	vst v1  }
0xa5: {  	v1 =	vld [tilespmem:s3+$0x10];
	_ =	sdelay $0x6  }
0xa6: {  	s0 =	sadd.s32 $0x4, s0  }
0xa7: {  	p2 =	slt.u32 s0, $0x7C;
	v1 =	vld.idx.msk [tilespmem:v1+s2+$0x0], $0xffff  }
.Ltmp5:
0xa8: {  	_ = 	snop;
	(pc) =	sbr.rel @p2 .LBB2_11-.Ltmp5, $2  }
0xa9: {  	_ =	sdelay $0x2  }
0xaa: {  	s3 =	sadd.s32 $0x40, s3;
	[tilespmem:s1+$0x10] =	vst v1;
	s1 =	sadd.s32 $0x40, s1  }
0xab: {  	s0 =	rddreg [dreg:$0x1b]  }
0xac: {  	[spmem:s0] =	stream.linear.scatter [tilespmem:s23], [sflag:$0x5], $0x800, $0x38;
	[tilespmem:$0x1CD00] =	vst v63  }
0xad: {  	_ =	swait.ge [sflag:s26], $0x800  }
0xae: {  	[sflag:s26] =	ssyncset.done $0x0  }
0xaf: {  	s7 =	rddreg [dreg:$0x1c];
	[sflag:s26] =	ssyncadd.s32 $0xFFFFF800  }
0xb0: {  	[tilespmem:s18], [sflag:$0x3] =	stream.strided.gather [hbm4b:s7+s16], $0x800, s17, s16, $0x38;
	[tilespmem:$0x1CD00] =	vst v63  }
0xb1: {  	_ =	swait.ge [sflag:s28], $0x800  }
0xb2: {  	s1 =	simm.s32 $0x0;
	s3 =	simm.s32 $0x19720;
	[sflag:s28] =	ssyncset.done $0x0  }
0xb3: {  	s5 =	simm.s32 $0x18F30;
	s0 =	simm.s32 $0xFFFFFFFC;
	[sflag:s28] =	ssyncadd.s32 $0xFFFFF800  }
.LBB2_13:
0xb4: {  	s7 =	sand.u32 $0x7C0, s1  }
0xb5: {  	v1 =	vld [tilespmem:s7+$0x18F00];
	_ =	sdelay $0x7  }
0xb6: {  	v1 =	vld.idx.msk [tilespmem:v1+s2+$0x0], $0xffff;
	_ =	sdelay $0x4  }
0xb7: {  	[tilespmem:s3+$0xFFFFFFE0] =	vst v1  }
0xb8: {  	v1 =	vld [tilespmem:s5+$0xFFFFFFE0];
	_ =	sdelay $0x7  }
0xb9: {  	v1 =	vld.idx.msk [tilespmem:v1+s2+$0x0], $0xffff;
	_ =	sdelay $0x4  }
0xba: {  	[tilespmem:s3+$0xFFFFFFF0] =	vst v1  }
0xbb: {  	v1 =	vld [tilespmem:s5+$0xFFFFFFF0];
	_ =	sdelay $0x7  }
0xbc: {  	v1 =	vld.idx.msk [tilespmem:v1+s2+$0x0], $0xffff;
	_ =	sdelay $0x4  }
0xbd: {  	[tilespmem:s3+$0x0] =	vst v1  }
0xbe: {  	v1 =	vld [tilespmem:s5+$0x0];
	_ =	sdelay $0x6  }
0xbf: {  	s0 =	sadd.s32 $0x4, s0  }
0xc0: {  	p2 =	slt.u32 s0, $0x7C;
	v1 =	vld.idx.msk [tilespmem:v1+s2+$0x0], $0xffff  }
.Ltmp6:
0xc1: {  	_ = 	snop;
	(pc) =	sbr.rel @p2 .LBB2_13-.Ltmp6, $2  }
0xc2: {  	_ =	sdelay $0x2  }
0xc3: {  	s1 =	sadd.s32 $0x40, s1;
	s5 =	sadd.s32 $0x40, s5;
	[tilespmem:s3+$0x10] =	vst v1;
	s3 =	sadd.s32 $0x40, s3  }
0xc4: {  	s0 =	rddreg [dreg:$0x1d]  }
0xc5: {  	[spmem:s0] =	stream.linear.scatter [tilespmem:s23], [sflag:$0x5], $0x800, $0x38;
	[tilespmem:$0x1CD00] =	vst v63  }
0xc6: {  	_ =	swait.ge [sflag:s26], $0x800  }
0xc7: {  	[sflag:s26] =	ssyncset.done $0x0  }
0xc8: {  	s18 =	rddreg [dreg:$0x10];
	[sflag:s26] =	ssyncadd.s32 $0xFFFFF800  }
0xc9: {  	[tilespmem:s20], [sflag:$0x4] =	stream.strided.gather [hbm4b:s18+s16], $0x800, s17, s16, $0x38;
	[tilespmem:$0x1CD00] =	vst v63  }
0xca: {  	_ =	swait.ge [sflag:s21], $0x800  }
0xcb: {  	s1 =	simm.s32 $0x19720;
	[sflag:s21] =	ssyncset.done $0x0  }
0xcc: {  	s3 =	simm.s32 $0x18720;
	s0 =	simm.s32 $0xFFFFFFFC;
	[sflag:s21] =	ssyncadd.s32 $0xFFFFF800  }
.LBB2_15:
0xcd: {  	v1 =	vld [tilespmem:s3+$0xFFFFFFE0];
	_ =	sdelay $0x7  }
0xce: {  	v1 =	vld.idx.msk [tilespmem:v1+s2+$0x0], $0xffff;
	_ =	sdelay $0x4  }
0xcf: {  	[tilespmem:s1+$0xFFFFFFE0] =	vst v1  }
0xd0: {  	v1 =	vld [tilespmem:s3+$0xFFFFFFF0];
	_ =	sdelay $0x7  }
0xd1: {  	v1 =	vld.idx.msk [tilespmem:v1+s2+$0x0], $0xffff;
	_ =	sdelay $0x4  }
0xd2: {  	[tilespmem:s1+$0xFFFFFFF0] =	vst v1  }
0xd3: {  	v1 =	vld [tilespmem:s3+$0x0];
	_ =	sdelay $0x7  }
0xd4: {  	v1 =	vld.idx.msk [tilespmem:v1+s2+$0x0], $0xffff;
	_ =	sdelay $0x4  }
0xd5: {  	[tilespmem:s1+$0x0] =	vst v1  }
0xd6: {  	v1 =	vld [tilespmem:s3+$0x10];
	_ =	sdelay $0x6  }
0xd7: {  	s0 =	sadd.s32 $0x4, s0  }
0xd8: {  	p2 =	slt.u32 s0, $0x7C;
	v1 =	vld.idx.msk [tilespmem:v1+s2+$0x0], $0xffff  }
.Ltmp7:
0xd9: {  	_ = 	snop;
	(pc) =	sbr.rel @p2 .LBB2_15-.Ltmp7, $2  }
0xda: {  	_ =	sdelay $0x2  }
0xdb: {  	s3 =	sadd.s32 $0x40, s3;
	[tilespmem:s1+$0x10] =	vst v1;
	s1 =	sadd.s32 $0x40, s1  }
0xdc: {  	s0 =	rddreg [dreg:$0x1e]  }
0xdd: {  	[spmem:s0] =	stream.linear.scatter [tilespmem:s23], [sflag:$0x5], $0x800, $0x38;
	[tilespmem:$0x1CD00] =	vst v63  }
0xde: {  	_ =	swait.ge [sflag:s26], $0x800  }
0xdf: {  	[sflag:s26] =	ssyncset.done $0x0  }
0xe0: {  	[sflag:s26] =	ssyncadd.s32 $0xFFFFF800  }
0xe1: {  	_ =	swait.ge [sflag:s28], $0x800  }
0xe2: {  	s1 =	simm.s32 $0x0;
	s3 =	simm.s32 $0x19720;
	[sflag:s28] =	ssyncset.done $0x0  }
0xe3: {  	s5 =	simm.s32 $0x18F30;
	s0 =	simm.s32 $0xFFFFFFFC;
	[sflag:s28] =	ssyncadd.s32 $0xFFFFF800  }
.LBB2_17:
0xe4: {  	s7 =	sand.u32 $0x7C0, s1  }
0xe5: {  	v1 =	vld [tilespmem:s7+$0x18F00];
	_ =	sdelay $0x7  }
0xe6: {  	v1 =	vld.idx.msk [tilespmem:v1+s2+$0x0], $0xffff;
	_ =	sdelay $0x4  }
0xe7: {  	[tilespmem:s3+$0xFFFFFFE0] =	vst v1  }
0xe8: {  	v1 =	vld [tilespmem:s5+$0xFFFFFFE0];
	_ =	sdelay $0x7  }
0xe9: {  	v1 =	vld.idx.msk [tilespmem:v1+s2+$0x0], $0xffff;
	_ =	sdelay $0x4  }
0xea: {  	[tilespmem:s3+$0xFFFFFFF0] =	vst v1  }
0xeb: {  	v1 =	vld [tilespmem:s5+$0xFFFFFFF0];
	_ =	sdelay $0x7  }
0xec: {  	v1 =	vld.idx.msk [tilespmem:v1+s2+$0x0], $0xffff;
	_ =	sdelay $0x4  }
0xed: {  	[tilespmem:s3+$0x0] =	vst v1  }
0xee: {  	v1 =	vld [tilespmem:s5+$0x0];
	_ =	sdelay $0x6  }
0xef: {  	s0 =	sadd.s32 $0x4, s0  }
0xf0: {  	p2 =	slt.u32 s0, $0x7C;
	v1 =	vld.idx.msk [tilespmem:v1+s2+$0x0], $0xffff  }
.Ltmp8:
0xf1: {  	_ = 	snop;
	(pc) =	sbr.rel @p2 .LBB2_17-.Ltmp8, $2  }
0xf2: {  	_ =	sdelay $0x2  }
0xf3: {  	s1 =	sadd.s32 $0x40, s1;
	s5 =	sadd.s32 $0x40, s5;
	[tilespmem:s3+$0x10] =	vst v1;
	s3 =	sadd.s32 $0x40, s3  }
0xf4: {  	s0 =	rddreg [dreg:$0x1f]  }
0xf5: {  	[spmem:s0] =	stream.linear.scatter [tilespmem:s23], [sflag:$0x5], $0x800, $0x38;
	[tilespmem:$0x1CD00] =	vst v63  }
0xf6: {  	_ =	swait.ge [sflag:s26], $0x800  }
0xf7: {  	[sflag:s26] =	ssyncset.done $0x0  }
0xf8: {  	[sflag:s26] =	ssyncadd.s32 $0xFFFFF800  }
.LBB2_19:
.Ltmp9:
0xf9: {  	(pc) =	sbr.rel @!p0 .LBB2_23-.Ltmp9, $2  }
0xfa: {  	_ =	sdelay $0x2  }
0xfb: {  	s1 =	simm.s32 $0x0  }
0xfc: {  	s0 =	simm.s32 $0x40;
	s3 =	simm.s32 $0x0  }
.LBB2_21:
0xfd: {  	p2 =	sne.s32 s0, $0x1FC0;
	[tilespmem:s3+$0x19700] =	vst v0;
	s3 =	smov.u32 s0;
	s0 =	sadd.s32 $0x40, s0  }
.Ltmp10:
0xfe: {  	(pc) =	sbr.rel @p2 .LBB2_21-.Ltmp10, $2  }
0xff: {  	_ =	sdelay $0x2  }
0x100: {  	s3 =	sshra.s32 s3, $0x2  }
0x101: {  	[tilespmem:s3+$0x19700] =	vst v0;
	s0 =	rddreg [dreg:$0x11]  }
0x102: {  	[spmem:s0] =	stream.linear.scatter [tilespmem:s23], [sflag:$0x5], $0x800, $0x38;
	[tilespmem:$0x1CD00] =	vst v63  }
0x103: {  	_ =	swait.ge [sflag:s26], $0x800  }
0x104: {  	[sflag:s26] =	ssyncset.done $0x0  }
0x105: {  	s5 =	rddreg [dreg:$0x12];
	[sflag:s26] =	ssyncadd.s32 $0xFFFFF800  }
0x106: {  	[spmem:s5] =	stream.linear.scatter [tilespmem:s23], [sflag:$0x5], $0x800, $0x38;
	[tilespmem:$0x1CD00] =	vst v63  }
0x107: {  	_ =	swait.ge [sflag:s26], $0x800  }
0x108: {  	[sflag:s26] =	ssyncset.done $0x0  }
0x109: {  	s7 =	rddreg [dreg:$0x13];
	[sflag:s26] =	ssyncadd.s32 $0xFFFFF800  }
0x10a: {  	[spmem:s7] =	stream.linear.scatter [tilespmem:s23], [sflag:$0x5], $0x800, $0x38;
	[tilespmem:$0x1CD00] =	vst v63  }
0x10b: {  	_ =	swait.ge [sflag:s26], $0x800  }
0x10c: {  	[sflag:s26] =	ssyncset.done $0x0  }
0x10d: {  	s18 =	rddreg [dreg:$0x14];
	[sflag:s26] =	ssyncadd.s32 $0xFFFFF800  }
0x10e: {  	[spmem:s18] =	stream.linear.scatter [tilespmem:s23], [sflag:$0x5], $0x800, $0x38;
	[tilespmem:$0x1CD00] =	vst v63  }
0x10f: {  	_ =	swait.ge [sflag:s26], $0x800  }
0x110: {  	[sflag:s26] =	ssyncset.done $0x0  }
0x111: {  	s3 =	rddreg [dreg:$0x15];
	[sflag:s26] =	ssyncadd.s32 $0xFFFFF800  }
0x112: {  	[spmem:s3] =	stream.linear.scatter [tilespmem:s23], [sflag:$0x5], $0x800, $0x38;
	[tilespmem:$0x1CD00] =	vst v63  }
0x113: {  	_ =	swait.ge [sflag:s26], $0x800  }
0x114: {  	[sflag:s26] =	ssyncset.done $0x0  }
0x115: {  	s5 =	rddreg [dreg:$0x16];
	[sflag:s26] =	ssyncadd.s32 $0xFFFFF800  }
0x116: {  	[spmem:s5] =	stream.linear.scatter [tilespmem:s23], [sflag:$0x5], $0x800, $0x38;
	[tilespmem:$0x1CD00] =	vst v63  }
0x117: {  	_ =	swait.ge [sflag:s26], $0x800  }
0x118: {  	[sflag:s26] =	ssyncset.done $0x0  }
0x119: {  	s7 =	rddreg [dreg:$0x17];
	[sflag:s26] =	ssyncadd.s32 $0xFFFFF800  }
0x11a: {  	[spmem:s7] =	stream.linear.scatter [tilespmem:s23], [sflag:$0x5], $0x800, $0x38;
	[tilespmem:$0x1CD00] =	vst v63  }
0x11b: {  	_ =	swait.ge [sflag:s26], $0x800  }
0x11c: {  	[sflag:s26] =	ssyncset.done $0x0  }
0x11d: {  	s18 =	rddreg [dreg:$0x18];
	[sflag:s26] =	ssyncadd.s32 $0xFFFFF800  }
0x11e: {  	[spmem:s18] =	stream.linear.scatter [tilespmem:s23], [sflag:$0x5], $0x800, $0x38;
	[tilespmem:$0x1CD00] =	vst v63  }
0x11f: {  	_ =	swait.ge [sflag:s26], $0x800  }
0x120: {  	[sflag:s26] =	ssyncset.done $0x0  }
0x121: {  	[sflag:s26] =	ssyncadd.s32 $0xFFFFF800  }
.LBB2_23:
0x122: {  	[bflag:$0x0] =	sbarrier.arrive $0xFFFF  }
0x123: {  	s0 =	simm.s32 $0x19F00;
	s3 =	sld [smem:$0x7F9]  }
0x124: {  	[tilespmem:s0], [sflag:$0x1] =	stream.linear.gather [spmem:s22], $0x200, $0x38;
	[tilespmem:$0x1CD00] =	vst v63  }
0x125: {  	s18 =	sld [smem:$0x7FA]  }
0x126: {  	[tilespmem:s29], [sflag:$0x1] =	stream.linear.gather [spmem:s3], $0x200, $0x38;
	[tilespmem:$0x1CD00] =	vst v63  }
0x127: {  	s5 =	sld [smem:$0x7FB]  }
0x128: {  	[tilespmem:s30], [sflag:$0x1] =	stream.linear.gather [spmem:s18], $0x200, $0x38;
	[tilespmem:$0x1CD00] =	vst v63  }
0x129: {  	s7 =	sld [smem:$0x7FC]  }
0x12a: {  	[tilespmem:s31], [sflag:$0x1] =	stream.linear.gather [spmem:s5], $0x200, $0x38;
	[tilespmem:$0x1CD00] =	vst v63  }
0x12b: {  	s18 =	sld [smem:$0x7FD]  }
0x12c: {  	[tilespmem:s4], [sflag:$0x1] =	stream.linear.gather [spmem:s7], $0x200, $0x38;
	[tilespmem:$0x1CD00] =	vst v63  }
0x12d: {  	_ = 	snop  }
0x12e: {  	[tilespmem:s6], [sflag:$0x1] =	stream.linear.gather [spmem:s18], $0x200, $0x38;
	[tilespmem:$0x1CD00] =	vst v63  }
0x12f: {  	_ = 	snop  }
0x130: {  	[tilespmem:s19], [sflag:$0x1] =	stream.linear.gather [spmem:s8], $0x200, $0x38;
	[tilespmem:$0x1CD00] =	vst v63  }
0x131: {  	_ =	swait.ge [sflag:s24], $0x200  }
0x132: {  	[sflag:s24] =	ssyncset.done $0x0  }
0x133: {  	[sflag:s24] =	ssyncadd.s32 $0xFFFFFE00  }
0x134: {  	_ =	swait.ge [sflag:s24], $0x200  }
0x135: {  	[sflag:s24] =	ssyncset.done $0x0  }
0x136: {  	[sflag:s24] =	ssyncadd.s32 $0xFFFFFE00  }
0x137: {  	_ =	swait.ge [sflag:s24], $0x200  }
0x138: {  	[sflag:s24] =	ssyncset.done $0x0  }
0x139: {  	[sflag:s24] =	ssyncadd.s32 $0xFFFFFE00  }
0x13a: {  	_ =	swait.ge [sflag:s24], $0x200  }
0x13b: {  	[sflag:s24] =	ssyncset.done $0x0  }
0x13c: {  	[sflag:s24] =	ssyncadd.s32 $0xFFFFFE00  }
0x13d: {  	_ =	swait.ge [sflag:s24], $0x200  }
0x13e: {  	[sflag:s24] =	ssyncset.done $0x0  }
0x13f: {  	[sflag:s24] =	ssyncadd.s32 $0xFFFFFE00  }
0x140: {  	_ =	swait.ge [sflag:s24], $0x200  }
0x141: {  	[sflag:s24] =	ssyncset.done $0x0  }
0x142: {  	[sflag:s24] =	ssyncadd.s32 $0xFFFFFE00  }
0x143: {  	_ =	swait.ge [sflag:s24], $0x200  }
0x144: {  	[sflag:s24] =	ssyncset.done $0x0  }
0x145: {  	[sflag:s24] =	ssyncadd.s32 $0xFFFFFE00  }
0x146: {  	s1 =	sand.u32 $0x1E0, s1;
	v1 =	vld [tilespmem:s0+$0x0]  }
0x147: {  	v2 =	vld [tilespmem:s1+$0x1A100];
	_ =	sdelay $0x1  }
0x148: {  	v3 =	vld [tilespmem:s1+$0x1A300];
	_ =	sdelay $0x1  }
0x149: {  	v4 =	vld [tilespmem:s1+$0x1A500]  }
0x14a: {  	v1 =	vadd.f32 v2, v1  }
0x14b: {  	v2 =	vld [tilespmem:s1+$0x1A700]  }
0x14c: {  	v1 =	vadd.f32 v3, v1  }
0x14d: {  	v3 =	vld [tilespmem:s1+$0x1A900]  }
0x14e: {  	v1 =	vadd.f32 v4, v1  }
0x14f: {  	v61 =	vld [tilespmem:s1+$0x1AB00]  }
0x150: {  	v1 =	vadd.f32 v2, v1;
	_ =	sdelay $0x1  }
0x151: {  	v1 =	vadd.f32 v3, v1;
	_ =	sdelay $0x1  }
0x152: {  	v1 =	vadd.f32 v61, v1  }
0x153: {  	s1 =	simm.s32 $0x1AD10  }
0x154: {  	[tilespmem:s1+$0xFFFFFFF0] =	vst v1  }
0x155: {  	v1 =	vld [tilespmem:s0+$0x10]  }
0x156: {  	v2 =	vld [tilespmem:s0+$0x210];
	_ =	sdelay $0x1  }
0x157: {  	v3 =	vld [tilespmem:s0+$0x410];
	_ =	sdelay $0x1  }
0x158: {  	v62 =	vld [tilespmem:s0+$0x610]  }
0x159: {  	v1 =	vadd.f32 v2, v1  }
0x15a: {  	v2 =	vld [tilespmem:s0+$0x810]  }
0x15b: {  	v1 =	vadd.f32 v3, v1  }
0x15c: {  	v3 =	vld [tilespmem:s0+$0xA10]  }
0x15d: {  	v1 =	vadd.f32 v62, v1  }
0x15e: {  	v63 =	vld [tilespmem:s0+$0xC10]  }
0x15f: {  	v1 =	vadd.f32 v2, v1;
	_ =	sdelay $0x1  }
0x160: {  	v1 =	vadd.f32 v3, v1;
	_ =	sdelay $0x1  }
0x161: {  	s3 =	simm.s32 $0x0;
	s5 =	simm.s32 $0x20;
	s7 =	simm.s32 $0x1AD10;
	v1 =	vadd.f32 v63, v1  }
.LBB2_24:
0x162: {  	s3 =	sadd.s32 $0x2, s3;
	s0 =	sadd.s32 $0x20, s0;
	s1 =	sadd.s32 $0x20, s1  }
0x163: {  	p2 =	slt.u32 s3, $0x1E;
	[tilespmem:s7+$0x0] =	vst v1;
	s7 =	smov.u32 s1  }
0x164: {  	s18 =	sand.u32 $0x1E0, s5;
	v1 =	vld [tilespmem:s0+$0x0]  }
0x165: {  	v2 =	vld [tilespmem:s18+$0x1A100];
	_ =	sdelay $0x1  }
0x166: {  	v3 =	vld [tilespmem:s18+$0x1A300];
	_ =	sdelay $0x1  }
0x167: {  	v4 =	vld [tilespmem:s18+$0x1A500]  }
0x168: {  	v1 =	vadd.f32 v2, v1  }
0x169: {  	v2 =	vld [tilespmem:s18+$0x1A700]  }
0x16a: {  	v1 =	vadd.f32 v3, v1  }
0x16b: {  	v3 =	vld [tilespmem:s18+$0x1A900]  }
0x16c: {  	v1 =	vadd.f32 v4, v1  }
0x16d: {  	v4 =	vld [tilespmem:s18+$0x1AB00]  }
0x16e: {  	v1 =	vadd.f32 v2, v1;
	_ =	sdelay $0x1  }
0x16f: {  	v1 =	vadd.f32 v3, v1;
	_ =	sdelay $0x1  }
0x170: {  	v1 =	vadd.f32 v4, v1;
	_ =	sdelay $0x1  }
0x171: {  	[tilespmem:s1+$0xFFFFFFF0] =	vst v1  }
0x172: {  	v1 =	vld [tilespmem:s0+$0x10]  }
0x173: {  	v2 =	vld [tilespmem:s0+$0x210]  }
0x174: {  	v3 =	vld [tilespmem:s0+$0x410];
	_ =	sdelay $0x1  }
0x175: {  	v4 =	vld [tilespmem:s0+$0x610];
	_ =	sdelay $0x1  }
0x176: {  	v1 =	vadd.f32 v2, v1;
	v2 =	vld [tilespmem:s0+$0x810];
	_ =	sdelay $0x1  }
0x177: {  	v1 =	vadd.f32 v3, v1;
	v3 =	vld [tilespmem:s0+$0xA10];
	_ =	sdelay $0x1  }
0x178: {  	v1 =	vadd.f32 v4, v1;
	v4 =	vld [tilespmem:s0+$0xC10];
	_ =	sdelay $0x1  }
.Ltmp11:
0x179: {  	v1 =	vadd.f32 v2, v1;
	(pc) =	sbr.rel @p2 .LBB2_24-.Ltmp11, $3  }
0x17a: {  	_ = 	snop  }
0x17b: {  	v1 =	vadd.f32 v3, v1;
	_ =	sdelay $0x1  }
0x17c: {  	s5 =	sadd.s32 $0x20, s5;
	v1 =	vadd.f32 v4, v1  }
0x17d: {  	_ = 	snop  }
0x17e: {  	s0 =	simm.s32 $0x19F00;
	[tilespmem:s7+$0x0] =	vst v1  }
0x17f: {  	[tilespmem:s0], [sflag:$0x1] =	stream.linear.gather [spmem:s9], $0x200, $0x38;
	[tilespmem:$0x1CD00] =	vst v63  }
0x180: {  	_ = 	snop  }
0x181: {  	[tilespmem:s29], [sflag:$0x1] =	stream.linear.gather [spmem:s10], $0x200, $0x38;
	[tilespmem:$0x1CD00] =	vst v63  }
0x182: {  	_ = 	snop  }
0x183: {  	[tilespmem:s30], [sflag:$0x1] =	stream.linear.gather [spmem:s11], $0x200, $0x38;
	[tilespmem:$0x1CD00] =	vst v63  }
0x184: {  	_ = 	snop  }
0x185: {  	[tilespmem:s31], [sflag:$0x1] =	stream.linear.gather [spmem:s12], $0x200, $0x38;
	[tilespmem:$0x1CD00] =	vst v63  }
0x186: {  	_ = 	snop  }
0x187: {  	[tilespmem:s4], [sflag:$0x1] =	stream.linear.gather [spmem:s13], $0x200, $0x38;
	[tilespmem:$0x1CD00] =	vst v63  }
0x188: {  	_ = 	snop  }
0x189: {  	[tilespmem:s6], [sflag:$0x1] =	stream.linear.gather [spmem:s14], $0x200, $0x38;
	[tilespmem:$0x1CD00] =	vst v63  }
0x18a: {  	_ = 	snop  }
0x18b: {  	[tilespmem:s19], [sflag:$0x1] =	stream.linear.gather [spmem:s15], $0x200, $0x38;
	[tilespmem:$0x1CD00] =	vst v63  }
0x18c: {  	_ =	swait.ge [sflag:s24], $0x200  }
0x18d: {  	[sflag:s24] =	ssyncset.done $0x0  }
0x18e: {  	[sflag:s24] =	ssyncadd.s32 $0xFFFFFE00  }
0x18f: {  	_ =	swait.ge [sflag:s24], $0x200  }
0x190: {  	[sflag:s24] =	ssyncset.done $0x0  }
0x191: {  	[sflag:s24] =	ssyncadd.s32 $0xFFFFFE00  }
0x192: {  	_ =	swait.ge [sflag:s24], $0x200  }
0x193: {  	[sflag:s24] =	ssyncset.done $0x0  }
0x194: {  	[sflag:s24] =	ssyncadd.s32 $0xFFFFFE00  }
0x195: {  	_ =	swait.ge [sflag:s24], $0x200  }
0x196: {  	[sflag:s24] =	ssyncset.done $0x0  }
0x197: {  	[sflag:s24] =	ssyncadd.s32 $0xFFFFFE00  }
0x198: {  	_ =	swait.ge [sflag:s24], $0x200  }
0x199: {  	[sflag:s24] =	ssyncset.done $0x0  }
0x19a: {  	[sflag:s24] =	ssyncadd.s32 $0xFFFFFE00  }
0x19b: {  	_ =	swait.ge [sflag:s24], $0x200  }
0x19c: {  	[sflag:s24] =	ssyncset.done $0x0  }
0x19d: {  	[sflag:s24] =	ssyncadd.s32 $0xFFFFFE00  }
0x19e: {  	_ =	swait.ge [sflag:s24], $0x200  }
0x19f: {  	[sflag:s24] =	ssyncset.done $0x0  }
0x1a0: {  	[sflag:s24] =	ssyncadd.s32 $0xFFFFFE00  }
0x1a1: {  	v1 =	vld [tilespmem:s0+$0x0]  }
0x1a2: {  	s1 =	simm.s32 $0x0;
	v2 =	vld [tilespmem:s0+$0x200]  }
0x1a3: {  	s3 =	sand.u32 $0x1E0, s1  }
0x1a4: {  	v3 =	vld [tilespmem:s3+$0x1A300];
	_ =	sdelay $0x1  }
0x1a5: {  	v4 =	vld [tilespmem:s3+$0x1A500]  }
0x1a6: {  	v1 =	vadd.f32 v2, v1  }
0x1a7: {  	v2 =	vld [tilespmem:s3+$0x1A700]  }
0x1a8: {  	v1 =	vadd.f32 v3, v1  }
0x1a9: {  	v3 =	vld [tilespmem:s3+$0x1A900]  }
0x1aa: {  	v1 =	vadd.f32 v4, v1  }
0x1ab: {  	v61 =	vld [tilespmem:s3+$0x1AB00]  }
0x1ac: {  	v1 =	vadd.f32 v2, v1;
	_ =	sdelay $0x1  }
0x1ad: {  	v1 =	vadd.f32 v3, v1;
	_ =	sdelay $0x1  }
0x1ae: {  	v1 =	vadd.f32 v61, v1  }
0x1af: {  	s3 =	simm.s32 $0x1AF10  }
0x1b0: {  	[tilespmem:s3+$0xFFFFFFF0] =	vst v1  }
0x1b1: {  	v1 =	vld [tilespmem:s0+$0x10]  }
0x1b2: {  	v2 =	vld [tilespmem:s0+$0x210];
	_ =	sdelay $0x1  }
0x1b3: {  	v3 =	vld [tilespmem:s0+$0x410];
	_ =	sdelay $0x1  }
0x1b4: {  	v62 =	vld [tilespmem:s0+$0x610]  }
0x1b5: {  	v1 =	vadd.f32 v2, v1  }
0x1b6: {  	v2 =	vld [tilespmem:s0+$0x810]  }
0x1b7: {  	v1 =	vadd.f32 v3, v1  }
0x1b8: {  	v3 =	vld [tilespmem:s0+$0xA10]  }
0x1b9: {  	v1 =	vadd.f32 v62, v1  }
0x1ba: {  	v63 =	vld [tilespmem:s0+$0xC10]  }
0x1bb: {  	v1 =	vadd.f32 v2, v1;
	_ =	sdelay $0x1  }
0x1bc: {  	v1 =	vadd.f32 v3, v1;
	_ =	sdelay $0x1  }
0x1bd: {  	s5 =	simm.s32 $0x0;
	s7 =	simm.s32 $0x1AF30;
	v1 =	vadd.f32 v63, v1  }
.LBB2_26:
0x1be: {  	s5 =	sadd.s32 $0x2, s5;
	s0 =	sadd.s32 $0x20, s0;
	s1 =	sadd.s32 $0x20, s1  }
0x1bf: {  	p2 =	slt.u32 s5, $0x1E;
	[tilespmem:s3+$0x0] =	vst v1;
	s3 =	smov.u32 s7  }
0x1c0: {  	v1 =	vld [tilespmem:s0+$0x0]  }
0x1c1: {  	v2 =	vld [tilespmem:s0+$0x200]  }
0x1c2: {  	s18 =	sand.u32 $0x1E0, s1  }
0x1c3: {  	v3 =	vld [tilespmem:s18+$0x1A300];
	_ =	sdelay $0x1  }
0x1c4: {  	v4 =	vld [tilespmem:s18+$0x1A500]  }
0x1c5: {  	v1 =	vadd.f32 v2, v1  }
0x1c6: {  	v2 =	vld [tilespmem:s18+$0x1A700]  }
0x1c7: {  	v1 =	vadd.f32 v3, v1  }
0x1c8: {  	v3 =	vld [tilespmem:s18+$0x1A900]  }
0x1c9: {  	v1 =	vadd.f32 v4, v1  }
0x1ca: {  	v4 =	vld [tilespmem:s18+$0x1AB00]  }
0x1cb: {  	v1 =	vadd.f32 v2, v1;
	_ =	sdelay $0x1  }
0x1cc: {  	v1 =	vadd.f32 v3, v1;
	_ =	sdelay $0x1  }
0x1cd: {  	v1 =	vadd.f32 v4, v1;
	_ =	sdelay $0x1  }
0x1ce: {  	[tilespmem:s7+$0xFFFFFFF0] =	vst v1  }
0x1cf: {  	v1 =	vld [tilespmem:s0+$0x10]  }
0x1d0: {  	v2 =	vld [tilespmem:s0+$0x210]  }
0x1d1: {  	v3 =	vld [tilespmem:s0+$0x410];
	_ =	sdelay $0x1  }
0x1d2: {  	v4 =	vld [tilespmem:s0+$0x610];
	_ =	sdelay $0x1  }
0x1d3: {  	v1 =	vadd.f32 v2, v1;
	v2 =	vld [tilespmem:s0+$0x810];
	_ =	sdelay $0x1  }
0x1d4: {  	v1 =	vadd.f32 v3, v1;
	v3 =	vld [tilespmem:s0+$0xA10];
	_ =	sdelay $0x1  }
0x1d5: {  	v1 =	vadd.f32 v4, v1;
	v4 =	vld [tilespmem:s0+$0xC10];
	_ =	sdelay $0x1  }
.Ltmp12:
0x1d6: {  	v1 =	vadd.f32 v2, v1;
	(pc) =	sbr.rel @p2 .LBB2_26-.Ltmp12, $3  }
0x1d7: {  	_ = 	snop  }
0x1d8: {  	v1 =	vadd.f32 v3, v1;
	_ =	sdelay $0x1  }
0x1d9: {  	s7 =	sadd.s32 $0x20, s7;
	v1 =	vadd.f32 v4, v1  }
0x1da: {  	_ = 	snop  }
0x1db: {  	s0 =	rddreg [dreg:$0x19];
	s1 =	simm.s32 $0x1AD00;
	[tilespmem:s3+$0x0] =	vst v1  }
0x1dc: {  	[hbm4b:s0+s2] =	stream.linear.scatter [tilespmem:s1], [sflag:$0x5], $0x400, $0x38;
	[tilespmem:$0x1CD00] =	vst v63  }
0x1dd: {  	_ =	swait.ge [sflag:s26], $0x400  }
0x1de: {  	s25 =	sadd.s32 $0x1, s25;
	s18 =	rddreg [dreg:$0x1a]  }
0x1df: {  	p2 =	sne.s32 s25, s18  }
.Ltmp13:
0x1e0: {  	_ = 	snop;
	(pc) =	sbr.rel @p2 .LBB2_1-.Ltmp13, $3  }
0x1e1: {  	_ =	sdelay $0x1  }
0x1e2: {  	[sflag:s26] =	ssyncset.done $0x0  }
0x1e3: {  	[sflag:s26] =	ssyncadd.s32 $0xFFFFFC00;
	s18 =	simm.s32 $0x18700  }
0x1e4: {  	_ =	sfence.sel $0x180000  }
0x1e5: {  	[bflag:$0x0] =	sbarrier.arrive $0xFFFF  }
0x1e6: {  	_ =	strace $0x9000004A  }
0x1e7: {  	s0 =	stileid.u32;
	[bflag:$0x2] =	sbarrier.arrive $0xFFFF  }
0x1e8: {  	p0 =	sne.s32 s0, $0x0;
	s0 =	rddreg [dreg:$0x4]  }
0x1e9: {  	s0 =	sadd.s32 @!p0 $0x100000, s0  }
0x1ea: {  	[sflag:s0] =	ssyncadd.tile.s32 @!p0 $0x1;
	_ =	shalt  }
.Lfunc_end2:
_tile_overlayer_lowered:
.L_overlay_start_2:
0x1eb: {  	(tag) =	ssettag $0x2  }
0x1ec: {  	s0 =	rddreg [dreg:$0x0];
	s2 =	stileid.u32  }
0x1ed: {  	s1 =	rddreg [dreg:$0x1];
	p0 =	sne.s32 s2, $0x0  }
0x1ee: {  	s3 =	rddreg [dreg:$0x2];
	[bflag:$0x3] =	sbarrier.arrive $0xFFFF;
	s2 =	simm.s32 @!p0 $0x1C05  }
0x1ef: {  	[timem:s3], [sflag:s2] =	dma.local @!p0 [hbm:s0], s1  }
0x1f0: {  	s0 =	simm.s32 @!p0 $0x5  }
0x1f1: {  	_ =	swait.ge @!p0 [sflag:s0], s1  }
0x1f2: {  	s1 =	ssub.s32 @!p0 $0x0, s1;
	[sflag:s0] =	ssyncset.done @!p0 $0x0  }
0x1f3: {  	[sflag:s0] =	ssyncadd.s32 @!p0 s1  }
0x1f4: {  	[bflag:$0x3] =	sbarrier.arrive $0xFFFF  }
0x1f5: {  	_ =	shalt  }

</sc_bundles>
